<compile_context>
chip_gen: v7x
topology: tpu7x:2x2x1
jax: 0.10.2.dev20260603
libtpu: 0.0.44.dev20260713+nightly
codegen_flags: <defaults>
</compile_context>

<pallas_src>
import functools

import jax
import jax.numpy as jnp
from jax import lax
from jax.experimental import pallas as pl
from jax.experimental.pallas import tpu as pltpu
from jax.experimental.pallas import tpu_sc as plsc

N = 10000
E = 320000
D = 128
K = 2

NC = 2
NS = 16
L = 16
NW = NC * NS

NPAD = 10240
EPW = E // NW
DEG_CH = 2000
RPT = NPAD // NS

CH = 64
G = 40
NSEG = 4
NB = 4
NGRP = G // NB
EPW2 = NSEG * G * CH
E2 = NW * EPW2
FB = CH

_mesh = plsc.VectorSubcoreMesh(core_axis_name="c", subcore_axis_name="s")
_sc_params = pltpu.CompilerParams(needs_layout_passes=False)


@functools.partial(
    pl.kernel,
    out_type=(
        jax.ShapeDtypeStruct((NW, EPW2), jnp.float32),
        jax.ShapeDtypeStruct((NPAD,), jnp.float32),
    ),
    mesh=_mesh,
    compiler_params=_sc_params,
    scratch_types=[
        pltpu.VMEM_SHARED((NS, NPAD), jnp.float32),
        pltpu.VMEM_SHARED((NPAD,), jnp.float32),
        pltpu.VMEM((NPAD,), jnp.float32),
        pltpu.VMEM((NS, RPT), jnp.float32),
        pltpu.VMEM((RPT,), jnp.float32),
        pltpu.VMEM((EPW2,), jnp.int32),
        pltpu.VMEM((NC, EPW2), jnp.int32),
        pltpu.VMEM((NC, EPW2), jnp.float32),
        pltpu.SemaphoreType.DMA,
    ],
)
def _prep_kernel(row_hbm, col_hbm, ea_hbm, nrm_out, dinv_out,
                 parts_sh, dinv_sh, dinv_v, red_v, slc_v, row_big,
                 col_big, ea_big, stsem):
    cid = lax.axis_index("c")
    sid = lax.axis_index("s")
    wid = sid * NC + cid
    zero = jnp.zeros((L,), jnp.float32)

    stg = [pltpu.async_copy(row_hbm.at[wid], row_big, stsem)]
    for w2 in range(NC):
        stg.append(pltpu.async_copy(col_hbm.at[sid * NC + w2],
                                    col_big.at[w2], stsem))
        stg.append(pltpu.async_copy(ea_hbm.at[sid * NC + w2],
                                    ea_big.at[w2], stsem))

    def zbody(i, c):
        dinv_v[pl.ds(i * L, L)] = zero
        return c

    lax.fori_loop(0, NPAD // L, zbody, 0)
    for d in stg:
        d.wait()

    for w2 in range(NC):

        def dgrp(g, cc, w2=w2):
            idx = col_big[w2, pl.ds(g * L, L)]
            vals = ea_big[w2, pl.ds(g * L, L)]
            plsc.addupdate_scatter(dinv_v, [idx], vals)
            return cc

        lax.fori_loop(0, EPW2 // L, dgrp, 0, unroll=4)

    pltpu.sync_copy(dinv_v, parts_sh.at[sid])
    plsc.subcore_barrier()

    r0 = sid * RPT
    rds = [
        pltpu.async_copy(parts_sh.at[i, pl.ds(r0, RPT)], red_v.at[i], stsem)
        for i in range(NS)
    ]
    for d in rds:
        d.wait()

    def rgrp(g, c):
        acc = red_v[0, pl.ds(g * L, L)]
        for i in range(1, NS):
            acc = acc + red_v[i, pl.ds(g * L, L)]
        deg = acc + 1.0
        xh = deg * 0.5
        y = plsc.bitcast(deg, jnp.int32)
        y = jnp.int32(0x5F3759DF) - lax.shift_right_logical(y, 1)
        f = plsc.bitcast(y, jnp.float32)
        for _ in range(3):
            f = f * (1.5 - xh * f * f)
        slc_v[pl.ds(g * L, L)] = f
        return c

    lax.fori_loop(0, RPT // L, rgrp, 0)
    pltpu.sync_copy(slc_v, dinv_sh.at[pl.ds(r0, RPT)])
    plsc.subcore_barrier()
    pltpu.sync_copy(dinv_sh, dinv_v)

    @pl.when(wid == 0)
    def _():
        pltpu.sync_copy(dinv_sh, dinv_out)

    def ng(g, c):
        r16 = row_big[pl.ds(g * L, L)]
        c16 = col_big[cid, pl.ds(g * L, L)]
        dr = plsc.load_gather(dinv_v, [r16])
        dc = plsc.load_gather(dinv_v, [c16])
        ea_big[cid, pl.ds(g * L, L)] = dr * dc * ea_big[cid, pl.ds(g * L, L)]
        return c

    lax.fori_loop(0, EPW2 // L, ng, 0, unroll=4)
    pltpu.sync_copy(ea_big.at[cid], nrm_out.at[wid])


@functools.partial(
    pl.kernel,
    out_type=jax.ShapeDtypeStruct((NC, NPAD, D), jnp.float32),
    mesh=_mesh,
    compiler_params=_sc_params,
    scratch_types=[
        pltpu.VMEM_SHARED((NPAD, D), jnp.float32),
        pltpu.VMEM((G, CH), jnp.int32),
        pltpu.VMEM((G, CH), jnp.int32),
        pltpu.VMEM((G, CH), jnp.float32),
        [pltpu.VMEM((CH, D), jnp.float32)] * NB,
        [pltpu.SemaphoreType.DMA] * NB,
        [pltpu.SemaphoreType.DMA] * NB,
        pltpu.SemaphoreType.DMA,
    ],
)
def _hop_kernel(h_hbm, row_hbm, col_hbm, nrm_hbm, out_hbm,
                acc_sh, row_v, col_v, nrm_v, bufs, gsems, ssems, stsem):
    cid = lax.axis_index("c")
    sid = lax.axis_index("s")
    wid = sid * NC + cid
    zero = jnp.zeros((L,), jnp.float32)
    fb_v = bufs[0]

    def zb(i, c):
        for j in range(D // L):
            fb_v[i, pl.ds(j * L, L)] = zero
        return c

    lax.fori_loop(0, FB, zb, 0)
    zd = [
        pltpu.async_copy(fb_v, acc_sh.at[pl.ds(sid * RPT + k * FB, FB)],
                         stsem)
        for k in range(RPT // FB)
    ]
    for d in zd:
        d.wait()

    plsc.subcore_barrier()

    def seg(s, c):
        sd0 = pltpu.async_copy(row_hbm.at[wid, s], row_v, stsem)
        sd1 = pltpu.async_copy(col_hbm.at[wid, s], col_v, stsem)
        sd2 = pltpu.async_copy(nrm_hbm.at[wid, s], nrm_v, stsem)
        sd0.wait()
        sd1.wait()
        sd2.wait()

        for b in range(2):
            pltpu.async_copy(h_hbm.at[row_v.at[b]], bufs[b], gsems[b])

        def group(grp, cc):
            for b in range(NB):
                j = grp * NB + b
                bn = (b + 2) % NB

                def wait_sc(slot=bn):
                    pltpu.make_async_copy(bufs[slot],
                                          acc_sh.at[col_v.at[0]],
                                          ssems[slot]).wait()

                def fire_g(slot=bn, j2=j + 2):
                    pltpu.async_copy(h_hbm.at[row_v.at[j2]], bufs[slot],
                                     gsems[slot])

                if b < 2:
                    @pl.when(grp >= 1)
                    def _():
                        wait_sc()

                    fire_g()
                else:
                    wait_sc()

                    @pl.when(grp < NGRP - 1)
                    def _():
                        fire_g()

                pltpu.make_async_copy(h_hbm.at[row_v.at[j]], bufs[b],
                                      gsems[b]).wait()
                buf = bufs[b]

                def sc(e, ccc, buf=buf, j=j):
                    nv = plsc.load_gather(nrm_v.at[j],
                                          [jnp.full((L,), e, jnp.int32)])
                    for jj in range(D // L):
                        buf[e, pl.ds(jj * L, L)] = (
                            buf[e, pl.ds(jj * L, L)] * nv)
                    return ccc

                lax.fori_loop(0, CH, sc, 0, unroll=2)
                pltpu.async_copy(buf, acc_sh.at[col_v.at[j]], ssems[b],
                                 add=True)
            return cc

        lax.fori_loop(0, NGRP, group, 0)
        for b in (NB - 2, NB - 1):
            pltpu.make_async_copy(bufs[b], acc_sh.at[col_v.at[0]],
                                  ssems[b]).wait()
        return c

    lax.fori_loop(0, NSEG, seg, 0)
    plsc.subcore_barrier()

    pltpu.sync_copy(acc_sh.at[pl.ds(sid * RPT, RPT)],
                    out_hbm.at[cid, pl.ds(sid * RPT, RPT)])


_RB = 1024


def _comb_body(p_ref, h_ref, d_ref, o_ref):
    d2 = d_ref[...] * d_ref[...]
    o_ref[...] = p_ref[0] + p_ref[1] + d2 * h_ref[...]


def _comb_tc(p, h, dcol):
    grid = NPAD // _RB
    return pl.pallas_call(
        _comb_body,
        grid=(grid,),
        in_specs=[
            pl.BlockSpec((NC, _RB, D), lambda i: (0, i, 0)),
            pl.BlockSpec((_RB, D), lambda i: (i, 0)),
            pl.BlockSpec((_RB, 1), lambda i: (i, 0)),
        ],
        out_specs=pl.BlockSpec((_RB, D), lambda i: (i, 0)),
        out_shape=jax.ShapeDtypeStruct((NPAD, D), jnp.float32),
    )(p, h, dcol)


def _fin_body(p_ref, h_ref, d_ref, wt_ref, b_ref, o_ref):
    d2 = d_ref[...] * d_ref[...]
    h2 = p_ref[0] + p_ref[1] + d2 * h_ref[...]
    y = lax.dot_general(h2, wt_ref[...], (((1,), (0,)), ((), ())),
                        preferred_element_type=jnp.float32)
    y = y + b_ref[...]
    o_ref[...] = jnp.where(y > 0, y, jnp.exp(jnp.minimum(y, 0.0)) - 1.0)


def _fin_tc(p, h, dcol, wt, b2):
    grid = NPAD // _RB
    return pl.pallas_call(
        _fin_body,
        grid=(grid,),
        in_specs=[
            pl.BlockSpec((NC, _RB, D), lambda i: (0, i, 0)),
            pl.BlockSpec((_RB, D), lambda i: (i, 0)),
            pl.BlockSpec((_RB, 1), lambda i: (i, 0)),
            pl.BlockSpec((D, D), lambda i: (0, 0)),
            pl.BlockSpec((1, D), lambda i: (0, 0)),
        ],
        out_specs=pl.BlockSpec((_RB, D), lambda i: (i, 0)),
        out_shape=jax.ShapeDtypeStruct((NPAD, D), jnp.float32),
    )(p, h, dcol, wt, b2)


def kernel(x, edge_index, edge_attr, W, b):
    row = edge_index[0]
    col = edge_index[1]
    xpad = jnp.pad(x, ((0, NPAD - N), (0, 0)))
    wt = W.T
    b2 = b.reshape(1, D)
    pad_i = jnp.arange(E2 - E, dtype=jnp.int32) % N
    pad_f = jnp.zeros((E2 - E,), jnp.float32)
    rowf = jnp.concatenate([row, pad_i])
    colf = jnp.concatenate([col, pad_i])
    eaf = jnp.concatenate([edge_attr, pad_f])
    row3 = rowf.reshape(NW, NSEG, G, CH)
    col3 = colf.reshape(NW, NSEG, G, CH)

    nrm2, dinv = _prep_kernel(rowf.reshape(NW, EPW2),
                              colf.reshape(NW, EPW2),
                              eaf.reshape(NW, EPW2))
    nrm3 = nrm2.reshape(NW, NSEG, G, CH)
    dcol = dinv.reshape(NPAD, 1)

    h = xpad
    p = _hop_kernel(h, row3, col3, nrm3)
    h1 = _comb_tc(p, h, dcol)
    p2 = _hop_kernel(h1, row3, col3, nrm3)
    out = _fin_tc(p2, h1, dcol, wt, b2)
    return out[:N]

# --- scband reference (transcript-rebuilt; emitter-appended) ---
"""Pipeline reference for scband-sgc-66915590472493 (READ-ONLY COPY).

The authoritative reference and input builder live on the scoring server;
editing this copy changes nothing except your own understanding.
"""

import jax, jax.numpy as jnp
import numpy as np

N = 10000
E = 320000
D_IN = 128
D_OUT = 128
K = 2

def setup_inputs(seed: int = 0) -> dict:
    key = jax.random.key(seed)
    k1, k2, k3, k4 = jax.random.split(key, 4)
    x = jax.random.normal(k1, (N, D_IN), dtype=jnp.float32)
    edge_index = jax.random.randint(k2, (2, E), 0, N, dtype=jnp.int32)
    edge_attr = jax.random.uniform(k3, (E,), dtype=jnp.float32)
    W = jax.random.normal(k4, (D_OUT, D_IN), dtype=jnp.float32) * 0.05
    b = jnp.zeros((D_OUT,), dtype=jnp.float32)
    return {"x": x, "edge_index": edge_index, "edge_attr": edge_attr, "W": W, "b": b}

def reference(x, edge_index, edge_attr, W, b):
    n = x.shape[0]
    loop = jnp.arange(n, dtype=edge_index.dtype)
    row = jnp.concatenate([edge_index[0], loop])
    col = jnp.concatenate([edge_index[1], loop])
    w = jnp.concatenate([edge_attr, jnp.ones((n,), dtype=x.dtype)])
    # gcn_norm with added self-loops (fill_value=1.0)
    deg = jnp.zeros((n,), dtype=x.dtype).at[col].add(w)
    deg_safe = jnp.where(deg > 0, deg, 1.0)
    dinv = jnp.where(deg > 0, 1.0 / jnp.sqrt(deg_safe), 0.0)
    norm = dinv[row] * w * dinv[col]
    h = x
    for _ in range(K):
        h = jnp.zeros_like(h).at[col].add(norm[:, None] * h[row])
    out = h @ W.T + b
    return jax.nn.elu(out)

if __name__ == "__main__":
    import jax
    _d = setup_inputs()
    print(jax.jit(kernel)(*tuple(_d.values())))

</pallas_src>

<mosaic_0001>
#map = affine_map<(d0, d1) -> (0, 0)>
#map1 = affine_map<(d0, d1) -> (0, 0, 0, 0)>
#map2 = affine_map<(d0, d1) -> (0, 0, 0)>
module attributes {stable_mosaic.version = 14 : i64} {
  func.func @_hop_kernel(%arg0: i32, %arg1: i32, %arg2: memref<10240x128xf32, #tpu.memory_space<hbm>>, %arg3: memref<32x4x40x64xi32, #tpu.memory_space<hbm>>, %arg4: memref<32x4x40x64xi32, #tpu.memory_space<hbm>>, %arg5: memref<32x4x40x64xf32, #tpu.memory_space<hbm>>, %arg6: memref<2x10240x128xf32, #tpu.memory_space<hbm>>, %arg7: memref<10240x128xf32, #tpu.memory_space<vmem_shared>>, %arg8: memref<40x64xi32, #tpu.memory_space<vmem>>, %arg9: memref<40x64xi32, #tpu.memory_space<vmem>>, %arg10: memref<40x64xf32, #tpu.memory_space<vmem>>, %arg11: memref<64x128xf32, #tpu.memory_space<vmem>>, %arg12: memref<64x128xf32, #tpu.memory_space<vmem>>, %arg13: memref<64x128xf32, #tpu.memory_space<vmem>>, %arg14: memref<64x128xf32, #tpu.memory_space<vmem>>, %arg15: memref<!tpu.dma_semaphore, #tpu.memory_space<semaphore_mem>>, %arg16: memref<!tpu.dma_semaphore, #tpu.memory_space<semaphore_mem>>, %arg17: memref<!tpu.dma_semaphore, #tpu.memory_space<semaphore_mem>>, %arg18: memref<!tpu.dma_semaphore, #tpu.memory_space<semaphore_mem>>, %arg19: memref<!tpu.dma_semaphore, #tpu.memory_space<semaphore_mem>>, %arg20: memref<!tpu.dma_semaphore, #tpu.memory_space<semaphore_mem>>, %arg21: memref<!tpu.dma_semaphore, #tpu.memory_space<semaphore_mem>>, %arg22: memref<!tpu.dma_semaphore, #tpu.memory_space<semaphore_mem>>, %arg23: memref<!tpu.dma_semaphore, #tpu.memory_space<semaphore_mem>>) attributes {dimension_semantics = [#tpu.dimension_semantics<core_parallel>, #tpu.dimension_semantics<subcore_parallel>], iteration_bounds = array<i64: 2, 16>, scalar_prefetch = 0 : i64, scratch_operands = 17 : i64, tpu.core_type = #tpu.core_type<sc_vector_subcore>, window_params = [{transform_indices = #map}, {transform_indices = #map1}, {transform_indices = #map1}, {transform_indices = #map1}, {transform_indices = #map2}]} {
    %mul3A = arith.constant 2 : i32
    %mul3A_0 = arith.muli %arg1, %mul3A : i32
    %add3A = arith.addi %mul3A_0, %arg0 : i32
    %broadcast_in_dim3A = arith.constant 0.000000e+00 : f32
    %broadcast_in_dim3A_1 = vector.broadcast %broadcast_in_dim3A : f32 to vector<16xf32>
    %scan3A = arith.constant 0 : i32
    %scan3A_2 = arith.constant 0 : i32
    %scan3A_3 = arith.constant 64 : i32
    %scan3A_4 = arith.addi %scan3A_2, %scan3A_3 : i32
    %scan3A_5 = arith.constant 1 : i32
    scf.for %scan3A_136 = %scan3A_2 to %scan3A_4 step %scan3A_5  : i32 {
      %swap3A = arith.index_cast %scan3A_136 : i32 to index
      %swap3A_137 = arith.constant 0 : index
      %swap3A_138 = tpu.vector_load %arg11[%swap3A, %swap3A_137] {strides = array<i32>} : memref<64x128xf32, #tpu.memory_space<vmem>>, vector<16xf32>,
      tpu.vector_store %arg11[%swap3A, %swap3A_137], %broadcast_in_dim3A_1 {strides = array<i32>} : memref<64x128xf32, #tpu.memory_space<vmem>>, vector<16xf32>,
      %swap3A_139 = arith.index_cast %scan3A_136 : i32 to index
      %swap3A_140 = arith.constant 16 : index
      %swap3A_141 = tpu.vector_load %arg11[%swap3A_139, %swap3A_140] {strides = array<i32>} : memref<64x128xf32, #tpu.memory_space<vmem>>, vector<16xf32>,
      tpu.vector_store %arg11[%swap3A_139, %swap3A_140], %broadcast_in_dim3A_1 {strides = array<i32>} : memref<64x128xf32, #tpu.memory_space<vmem>>, vector<16xf32>,
      %swap3A_142 = arith.index_cast %scan3A_136 : i32 to index
      %swap3A_143 = arith.constant 32 : index
      %swap3A_144 = tpu.vector_load %arg11[%swap3A_142, %swap3A_143] {strides = array<i32>} : memref<64x128xf32, #tpu.memory_space<vmem>>, vector<16xf32>,
      tpu.vector_store %arg11[%swap3A_142, %swap3A_143], %broadcast_in_dim3A_1 {strides = array<i32>} : memref<64x128xf32, #tpu.memory_space<vmem>>, vector<16xf32>,
      %swap3A_145 = arith.index_cast %scan3A_136 : i32 to index
      %swap3A_146 = arith.constant 48 : index
      %swap3A_147 = tpu.vector_load %arg11[%swap3A_145, %swap3A_146] {strides = array<i32>} : memref<64x128xf32, #tpu.memory_space<vmem>>, vector<16xf32>,
      tpu.vector_store %arg11[%swap3A_145, %swap3A_146], %broadcast_in_dim3A_1 {strides = array<i32>} : memref<64x128xf32, #tpu.memory_space<vmem>>, vector<16xf32>,
      %swap3A_148 = arith.index_cast %scan3A_136 : i32 to index
      %swap3A_149 = arith.constant 64 : index
      %swap3A_150 = tpu.vector_load %arg11[%swap3A_148, %swap3A_149] {strides = array<i32>} : memref<64x128xf32, #tpu.memory_space<vmem>>, vector<16xf32>,
      tpu.vector_store %arg11[%swap3A_148, %swap3A_149], %broadcast_in_dim3A_1 {strides = array<i32>} : memref<64x128xf32, #tpu.memory_space<vmem>>, vector<16xf32>,
      %swap3A_151 = arith.index_cast %scan3A_136 : i32 to index
      %swap3A_152 = arith.constant 80 : index
      %swap3A_153 = tpu.vector_load %arg11[%swap3A_151, %swap3A_152] {strides = array<i32>} : memref<64x128xf32, #tpu.memory_space<vmem>>, vector<16xf32>,
      tpu.vector_store %arg11[%swap3A_151, %swap3A_152], %broadcast_in_dim3A_1 {strides = array<i32>} : memref<64x128xf32, #tpu.memory_space<vmem>>, vector<16xf32>,
      %swap3A_154 = arith.index_cast %scan3A_136 : i32 to index
      %swap3A_155 = arith.constant 96 : index
      %swap3A_156 = tpu.vector_load %arg11[%swap3A_154, %swap3A_155] {strides = array<i32>} : memref<64x128xf32, #tpu.memory_space<vmem>>, vector<16xf32>,
      tpu.vector_store %arg11[%swap3A_154, %swap3A_155], %broadcast_in_dim3A_1 {strides = array<i32>} : memref<64x128xf32, #tpu.memory_space<vmem>>, vector<16xf32>,
      %swap3A_157 = arith.index_cast %scan3A_136 : i32 to index
      %swap3A_158 = arith.constant 112 : index
      %swap3A_159 = tpu.vector_load %arg11[%swap3A_157, %swap3A_158] {strides = array<i32>} : memref<64x128xf32, #tpu.memory_space<vmem>>, vector<16xf32>,
      tpu.vector_store %arg11[%swap3A_157, %swap3A_158], %broadcast_in_dim3A_1 {strides = array<i32>} : memref<64x128xf32, #tpu.memory_space<vmem>>, vector<16xf32>,
    }
    %scan3A_6 = arith.constant 64 : i32
    %mul3A_7 = arith.constant 640 : i32
    %mul3A_8 = arith.muli %arg1, %mul3A_7 : i32
    %add3A_9 = arith.constant 0 : i32
    %add3A_10 = arith.addi %mul3A_8, %add3A_9 : i32
    %dma_start3A = arith.constant 0 : i32
    %dma_start3A_11 = tpu.memref_slice %arg7[%add3A_10, %dma_start3A] : memref<10240x128xf32, #tpu.memory_space<vmem_shared>> -> memref<64x128xf32, #tpu.memory_space<vmem_shared>>
    %dma_start3A_12 = arith.constant 0 : i32
    %dma_start3A_13 = tpu.memref_slice %arg7[%add3A_10, %dma_start3A_12] : memref<10240x128xf32, #tpu.memory_space<vmem_shared>> -> memref<64x128xf32, #tpu.memory_space<vmem_shared>>
    tpu.enqueue_dma source(%arg11 : memref<64x128xf32, #tpu.memory_space<vmem>>) target(%dma_start3A_13 : memref<64x128xf32, #tpu.memory_space<vmem_shared>>) target_semaphore(%arg23 : memref<!tpu.dma_semaphore, #tpu.memory_space<semaphore_mem>>)
    %mul3A_14 = arith.constant 640 : i32
    %mul3A_15 = arith.muli %arg1, %mul3A_14 : i32
    %add3A_16 = arith.constant 64 : i32
    %add3A_17 = arith.addi %mul3A_15, %add3A_16 : i32
    %dma_start3A_18 = arith.constant 0 : i32
    %dma_start3A_19 = tpu.memref_slice %arg7[%add3A_17, %dma_start3A_18] : memref<10240x128xf32, #tpu.memory_space<vmem_shared>> -> memref<64x128xf32, #tpu.memory_space<vmem_shared>>
    %dma_start3A_20 = arith.constant 0 : i32
    %dma_start3A_21 = tpu.memref_slice %arg7[%add3A_17, %dma_start3A_20] : memref<10240x128xf32, #tpu.memory_space<vmem_shared>> -> memref<64x128xf32, #tpu.memory_space<vmem_shared>>
    tpu.enqueue_dma source(%arg11 : memref<64x128xf32, #tpu.memory_space<vmem>>) target(%dma_start3A_21 : memref<64x128xf32, #tpu.memory_space<vmem_shared>>) target_semaphore(%arg23 : memref<!tpu.dma_semaphore, #tpu.memory_space<semaphore_mem>>)
    %mul3A_22 = arith.constant 640 : i32
    %mul3A_23 = arith.muli %arg1, %mul3A_22 : i32
    %add3A_24 = arith.constant 128 : i32
    %add3A_25 = arith.addi %mul3A_23, %add3A_24 : i32
    %dma_start3A_26 = arith.constant 0 : i32
    %dma_start3A_27 = tpu.memref_slice %arg7[%add3A_25, %dma_start3A_26] : memref<10240x128xf32, #tpu.memory_space<vmem_shared>> -> memref<64x128xf32, #tpu.memory_space<vmem_shared>>
    %dma_start3A_28 = arith.constant 0 : i32
    %dma_start3A_29 = tpu.memref_slice %arg7[%add3A_25, %dma_start3A_28] : memref<10240x128xf32, #tpu.memory_space<vmem_shared>> -> memref<64x128xf32, #tpu.memory_space<vmem_shared>>
    tpu.enqueue_dma source(%arg11 : memref<64x128xf32, #tpu.memory_space<vmem>>) target(%dma_start3A_29 : memref<64x128xf32, #tpu.memory_space<vmem_shared>>) target_semaphore(%arg23 : memref<!tpu.dma_semaphore, #tpu.memory_space<semaphore_mem>>)
    %mul3A_30 = arith.constant 640 : i32
    %mul3A_31 = arith.muli %arg1, %mul3A_30 : i32
    %add3A_32 = arith.constant 192 : i32
    %add3A_33 = arith.addi %mul3A_31, %add3A_32 : i32
    %dma_start3A_34 = arith.constant 0 : i32
    %dma_start3A_35 = tpu.memref_slice %arg7[%add3A_33, %dma_start3A_34] : memref<10240x128xf32, #tpu.memory_space<vmem_shared>> -> memref<64x128xf32, #tpu.memory_space<vmem_shared>>
    %dma_start3A_36 = arith.constant 0 : i32
    %dma_start3A_37 = tpu.memref_slice %arg7[%add3A_33, %dma_start3A_36] : memref<10240x128xf32, #tpu.memory_space<vmem_shared>> -> memref<64x128xf32, #tpu.memory_space<vmem_shared>>
    tpu.enqueue_dma source(%arg11 : memref<64x128xf32, #tpu.memory_space<vmem>>) target(%dma_start3A_37 : memref<64x128xf32, #tpu.memory_space<vmem_shared>>) target_semaphore(%arg23 : memref<!tpu.dma_semaphore, #tpu.memory_space<semaphore_mem>>)
    %mul3A_38 = arith.constant 640 : i32
    %mul3A_39 = arith.muli %arg1, %mul3A_38 : i32
    %add3A_40 = arith.constant 256 : i32
    %add3A_41 = arith.addi %mul3A_39, %add3A_40 : i32
    %dma_start3A_42 = arith.constant 0 : i32
    %dma_start3A_43 = tpu.memref_slice %arg7[%add3A_41, %dma_start3A_42] : memref<10240x128xf32, #tpu.memory_space<vmem_shared>> -> memref<64x128xf32, #tpu.memory_space<vmem_shared>>
    %dma_start3A_44 = arith.constant 0 : i32
    %dma_start3A_45 = tpu.memref_slice %arg7[%add3A_41, %dma_start3A_44] : memref<10240x128xf32, #tpu.memory_space<vmem_shared>> -> memref<64x128xf32, #tpu.memory_space<vmem_shared>>
    tpu.enqueue_dma source(%arg11 : memref<64x128xf32, #tpu.memory_space<vmem>>) target(%dma_start3A_45 : memref<64x128xf32, #tpu.memory_space<vmem_shared>>) target_semaphore(%arg23 : memref<!tpu.dma_semaphore, #tpu.memory_space<semaphore_mem>>)
    %mul3A_46 = arith.constant 640 : i32
    %mul3A_47 = arith.muli %arg1, %mul3A_46 : i32
    %add3A_48 = arith.constant 320 : i32
    %add3A_49 = arith.addi %mul3A_47, %add3A_48 : i32
    %dma_start3A_50 = arith.constant 0 : i32
    %dma_start3A_51 = tpu.memref_slice %arg7[%add3A_49, %dma_start3A_50] : memref<10240x128xf32, #tpu.memory_space<vmem_shared>> -> memref<64x128xf32, #tpu.memory_space<vmem_shared>>
    %dma_start3A_52 = arith.constant 0 : i32
    %dma_start3A_53 = tpu.memref_slice %arg7[%add3A_49, %dma_start3A_52] : memref<10240x128xf32, #tpu.memory_space<vmem_shared>> -> memref<64x128xf32, #tpu.memory_space<vmem_shared>>
    tpu.enqueue_dma source(%arg11 : memref<64x128xf32, #tpu.memory_space<vmem>>) target(%dma_start3A_53 : memref<64x128xf32, #tpu.memory_space<vmem_shared>>) target_semaphore(%arg23 : memref<!tpu.dma_semaphore, #tpu.memory_space<semaphore_mem>>)
    %mul3A_54 = arith.constant 640 : i32
    %mul3A_55 = arith.muli %arg1, %mul3A_54 : i32
    %add3A_56 = arith.constant 384 : i32
    %add3A_57 = arith.addi %mul3A_55, %add3A_56 : i32
    %dma_start3A_58 = arith.constant 0 : i32
    %dma_start3A_59 = tpu.memref_slice %arg7[%add3A_57, %dma_start3A_58] : memref<10240x128xf32, #tpu.memory_space<vmem_shared>> -> memref<64x128xf32, #tpu.memory_space<vmem_shared>>
    %dma_start3A_60 = arith.constant 0 : i32
    %dma_start3A_61 = tpu.memref_slice %arg7[%add3A_57, %dma_start3A_60] : memref<10240x128xf32, #tpu.memory_space<vmem_shared>> -> memref<64x128xf32, #tpu.memory_space<vmem_shared>>
    tpu.enqueue_dma source(%arg11 : memref<64x128xf32, #tpu.memory_space<vmem>>) target(%dma_start3A_61 : memref<64x128xf32, #tpu.memory_space<vmem_shared>>) target_semaphore(%arg23 : memref<!tpu.dma_semaphore, #tpu.memory_space<semaphore_mem>>)
    %mul3A_62 = arith.constant 640 : i32
    %mul3A_63 = arith.muli %arg1, %mul3A_62 : i32
    %add3A_64 = arith.constant 448 : i32
    %add3A_65 = arith.addi %mul3A_63, %add3A_64 : i32
    %dma_start3A_66 = arith.constant 0 : i32
    %dma_start3A_67 = tpu.memref_slice %arg7[%add3A_65, %dma_start3A_66] : memref<10240x128xf32, #tpu.memory_space<vmem_shared>> -> memref<64x128xf32, #tpu.memory_space<vmem_shared>>
    %dma_start3A_68 = arith.constant 0 : i32
    %dma_start3A_69 = tpu.memref_slice %arg7[%add3A_65, %dma_start3A_68] : memref<10240x128xf32, #tpu.memory_space<vmem_shared>> -> memref<64x128xf32, #tpu.memory_space<vmem_shared>>
    tpu.enqueue_dma source(%arg11 : memref<64x128xf32, #tpu.memory_space<vmem>>) target(%dma_start3A_69 : memref<64x128xf32, #tpu.memory_space<vmem_shared>>) target_semaphore(%arg23 : memref<!tpu.dma_semaphore, #tpu.memory_space<semaphore_mem>>)
    %mul3A_70 = arith.constant 640 : i32
    %mul3A_71 = arith.muli %arg1, %mul3A_70 : i32
    %add3A_72 = arith.constant 512 : i32
    %add3A_73 = arith.addi %mul3A_71, %add3A_72 : i32
    %dma_start3A_74 = arith.constant 0 : i32
    %dma_start3A_75 = tpu.memref_slice %arg7[%add3A_73, %dma_start3A_74] : memref<10240x128xf32, #tpu.memory_space<vmem_shared>> -> memref<64x128xf32, #tpu.memory_space<vmem_shared>>
    %dma_start3A_76 = arith.constant 0 : i32
    %dma_start3A_77 = tpu.memref_slice %arg7[%add3A_73, %dma_start3A_76] : memref<10240x128xf32, #tpu.memory_space<vmem_shared>> -> memref<64x128xf32, #tpu.memory_space<vmem_shared>>
    tpu.enqueue_dma source(%arg11 : memref<64x128xf32, #tpu.memory_space<vmem>>) target(%dma_start3A_77 : memref<64x128xf32, #tpu.memory_space<vmem_shared>>) target_semaphore(%arg23 : memref<!tpu.dma_semaphore, #tpu.memory_space<semaphore_mem>>)
    %mul3A_78 = arith.constant 640 : i32
    %mul3A_79 = arith.muli %arg1, %mul3A_78 : i32
    %add3A_80 = arith.constant 576 : i32
    %add3A_81 = arith.addi %mul3A_79, %add3A_80 : i32
    %dma_start3A_82 = arith.constant 0 : i32
    %dma_start3A_83 = tpu.memref_slice %arg7[%add3A_81, %dma_start3A_82] : memref<10240x128xf32, #tpu.memory_space<vmem_shared>> -> memref<64x128xf32, #tpu.memory_space<vmem_shared>>
    %dma_start3A_84 = arith.constant 0 : i32
    %dma_start3A_85 = tpu.memref_slice %arg7[%add3A_81, %dma_start3A_84] : memref<10240x128xf32, #tpu.memory_space<vmem_shared>> -> memref<64x128xf32, #tpu.memory_space<vmem_shared>>
    tpu.enqueue_dma source(%arg11 : memref<64x128xf32, #tpu.memory_space<vmem>>) target(%dma_start3A_85 : memref<64x128xf32, #tpu.memory_space<vmem_shared>>) target_semaphore(%arg23 : memref<!tpu.dma_semaphore, #tpu.memory_space<semaphore_mem>>)
    %dma_wait3A = arith.constant 0 : i32
    %dma_wait3A_86 = tpu.memref_slice %arg7[%add3A_10, %dma_wait3A] : memref<10240x128xf32, #tpu.memory_space<vmem_shared>> -> memref<64x128xf32, #tpu.memory_space<vmem_shared>>
    %dma_wait3A_87 = arith.constant 0 : i32
    %dma_wait3A_88 = tpu.memref_slice %arg7[%add3A_10, %dma_wait3A_87] : memref<10240x128xf32, #tpu.memory_space<vmem_shared>> -> memref<64x128xf32, #tpu.memory_space<vmem_shared>>
    tpu.wait_dma2 semaphore(%arg23 : memref<!tpu.dma_semaphore, #tpu.memory_space<semaphore_mem>>) src(%arg11 : memref<64x128xf32, #tpu.memory_space<vmem>>) dst(%dma_wait3A_88 : memref<64x128xf32, #tpu.memory_space<vmem_shared>>)
    %dma_wait3A_89 = arith.constant 0 : i32
    %dma_wait3A_90 = tpu.memref_slice %arg7[%add3A_17, %dma_wait3A_89] : memref<10240x128xf32, #tpu.memory_space<vmem_shared>> -> memref<64x128xf32, #tpu.memory_space<vmem_shared>>
    %dma_wait3A_91 = arith.constant 0 : i32
    %dma_wait3A_92 = tpu.memref_slice %arg7[%add3A_17, %dma_wait3A_91] : memref<10240x128xf32, #tpu.memory_space<vmem_shared>> -> memref<64x128xf32, #tpu.memory_space<vmem_shared>>
    tpu.wait_dma2 semaphore(%arg23 : memref<!tpu.dma_semaphore, #tpu.memory_space<semaphore_mem>>) src(%arg11 : memref<64x128xf32, #tpu.memory_space<vmem>>) dst(%dma_wait3A_92 : memref<64x128xf32, #tpu.memory_space<vmem_shared>>)
    %dma_wait3A_93 = arith.constant 0 : i32
    %dma_wait3A_94 = tpu.memref_slice %arg7[%add3A_25, %dma_wait3A_93] : memref<10240x128xf32, #tpu.memory_space<vmem_shared>> -> memref<64x128xf32, #tpu.memory_space<vmem_shared>>
    %dma_wait3A_95 = arith.constant 0 : i32
    %dma_wait3A_96 = tpu.memref_slice %arg7[%add3A_25, %dma_wait3A_95] : memref<10240x128xf32, #tpu.memory_space<vmem_shared>> -> memref<64x128xf32, #tpu.memory_space<vmem_shared>>
    tpu.wait_dma2 semaphore(%arg23 : memref<!tpu.dma_semaphore, #tpu.memory_space<semaphore_mem>>) src(%arg11 : memref<64x128xf32, #tpu.memory_space<vmem>>) dst(%dma_wait3A_96 : memref<64x128xf32, #tpu.memory_space<vmem_shared>>)
    %dma_wait3A_97 = arith.constant 0 : i32
    %dma_wait3A_98 = tpu.memref_slice %arg7[%add3A_33, %dma_wait3A_97] : memref<10240x128xf32, #tpu.memory_space<vmem_shared>> -> memref<64x128xf32, #tpu.memory_space<vmem_shared>>
    %dma_wait3A_99 = arith.constant 0 : i32
    %dma_wait3A_100 = tpu.memref_slice %arg7[%add3A_33, %dma_wait3A_99] : memref<10240x128xf32, #tpu.memory_space<vmem_shared>> -> memref<64x128xf32, #tpu.memory_space<vmem_shared>>
    tpu.wait_dma2 semaphore(%arg23 : memref<!tpu.dma_semaphore, #tpu.memory_space<semaphore_mem>>) src(%arg11 : memref<64x128xf32, #tpu.memory_space<vmem>>) dst(%dma_wait3A_100 : memref<64x128xf32, #tpu.memory_space<vmem_shared>>)
    %dma_wait3A_101 = arith.constant 0 : i32
    %dma_wait3A_102 = tpu.memref_slice %arg7[%add3A_41, %dma_wait3A_101] : memref<10240x128xf32, #tpu.memory_space<vmem_shared>> -> memref<64x128xf32, #tpu.memory_space<vmem_shared>>
    %dma_wait3A_103 = arith.constant 0 : i32
    %dma_wait3A_104 = tpu.memref_slice %arg7[%add3A_41, %dma_wait3A_103] : memref<10240x128xf32, #tpu.memory_space<vmem_shared>> -> memref<64x128xf32, #tpu.memory_space<vmem_shared>>
    tpu.wait_dma2 semaphore(%arg23 : memref<!tpu.dma_semaphore, #tpu.memory_space<semaphore_mem>>) src(%arg11 : memref<64x128xf32, #tpu.memory_space<vmem>>) dst(%dma_wait3A_104 : memref<64x128xf32, #tpu.memory_space<vmem_shared>>)
    %dma_wait3A_105 = arith.constant 0 : i32
    %dma_wait3A_106 = tpu.memref_slice %arg7[%add3A_49, %dma_wait3A_105] : memref<10240x128xf32, #tpu.memory_space<vmem_shared>> -> memref<64x128xf32, #tpu.memory_space<vmem_shared>>
    %dma_wait3A_107 = arith.constant 0 : i32
    %dma_wait3A_108 = tpu.memref_slice %arg7[%add3A_49, %dma_wait3A_107] : memref<10240x128xf32, #tpu.memory_space<vmem_shared>> -> memref<64x128xf32, #tpu.memory_space<vmem_shared>>
    tpu.wait_dma2 semaphore(%arg23 : memref<!tpu.dma_semaphore, #tpu.memory_space<semaphore_mem>>) src(%arg11 : memref<64x128xf32, #tpu.memory_space<vmem>>) dst(%dma_wait3A_108 : memref<64x128xf32, #tpu.memory_space<vmem_shared>>)
    %dma_wait3A_109 = arith.constant 0 : i32
    %dma_wait3A_110 = tpu.memref_slice %arg7[%add3A_57, %dma_wait3A_109] : memref<10240x128xf32, #tpu.memory_space<vmem_shared>> -> memref<64x128xf32, #tpu.memory_space<vmem_shared>>
    %dma_wait3A_111 = arith.constant 0 : i32
    %dma_wait3A_112 = tpu.memref_slice %arg7[%add3A_57, %dma_wait3A_111] : memref<10240x128xf32, #tpu.memory_space<vmem_shared>> -> memref<64x128xf32, #tpu.memory_space<vmem_shared>>
    tpu.wait_dma2 semaphore(%arg23 : memref<!tpu.dma_semaphore, #tpu.memory_space<semaphore_mem>>) src(%arg11 : memref<64x128xf32, #tpu.memory_space<vmem>>) dst(%dma_wait3A_112 : memref<64x128xf32, #tpu.memory_space<vmem_shared>>)
    %dma_wait3A_113 = arith.constant 0 : i32
    %dma_wait3A_114 = tpu.memref_slice %arg7[%add3A_65, %dma_wait3A_113] : memref<10240x128xf32, #tpu.memory_space<vmem_shared>> -> memref<64x128xf32, #tpu.memory_space<vmem_shared>>
    %dma_wait3A_115 = arith.constant 0 : i32
    %dma_wait3A_116 = tpu.memref_slice %arg7[%add3A_65, %dma_wait3A_115] : memref<10240x128xf32, #tpu.memory_space<vmem_shared>> -> memref<64x128xf32, #tpu.memory_space<vmem_shared>>
    tpu.wait_dma2 semaphore(%arg23 : memref<!tpu.dma_semaphore, #tpu.memory_space<semaphore_mem>>) src(%arg11 : memref<64x128xf32, #tpu.memory_space<vmem>>) dst(%dma_wait3A_116 : memref<64x128xf32, #tpu.memory_space<vmem_shared>>)
    %dma_wait3A_117 = arith.constant 0 : i32
    %dma_wait3A_118 = tpu.memref_slice %arg7[%add3A_73, %dma_wait3A_117] : memref<10240x128xf32, #tpu.memory_space<vmem_shared>> -> memref<64x128xf32, #tpu.memory_space<vmem_shared>>
    %dma_wait3A_119 = arith.constant 0 : i32
    %dma_wait3A_120 = tpu.memref_slice %arg7[%add3A_73, %dma_wait3A_119] : memref<10240x128xf32, #tpu.memory_space<vmem_shared>> -> memref<64x128xf32, #tpu.memory_space<vmem_shared>>
    tpu.wait_dma2 semaphore(%arg23 : memref<!tpu.dma_semaphore, #tpu.memory_space<semaphore_mem>>) src(%arg11 : memref<64x128xf32, #tpu.memory_space<vmem>>) dst(%dma_wait3A_120 : memref<64x128xf32, #tpu.memory_space<vmem_shared>>)
    %dma_wait3A_121 = arith.constant 0 : i32
    %dma_wait3A_122 = tpu.memref_slice %arg7[%add3A_81, %dma_wait3A_121] : memref<10240x128xf32, #tpu.memory_space<vmem_shared>> -> memref<64x128xf32, #tpu.memory_space<vmem_shared>>
    %dma_wait3A_123 = arith.constant 0 : i32
    %dma_wait3A_124 = tpu.memref_slice %arg7[%add3A_81, %dma_wait3A_123] : memref<10240x128xf32, #tpu.memory_space<vmem_shared>> -> memref<64x128xf32, #tpu.memory_space<vmem_shared>>
    tpu.wait_dma2 semaphore(%arg23 : memref<!tpu.dma_semaphore, #tpu.memory_space<semaphore_mem>>) src(%arg11 : memref<64x128xf32, #tpu.memory_space<vmem>>) dst(%dma_wait3A_124 : memref<64x128xf32, #tpu.memory_space<vmem_shared>>)
    %barrier3A = arith.constant 0 : index
    tpu.barrier barrier_id(%barrier3A)
    %scan3A_125 = arith.constant 0 : i32
    %scan3A_126 = arith.constant 0 : i32
    %scan3A_127 = arith.constant 4 : i32
    %scan3A_128 = arith.addi %scan3A_126, %scan3A_127 : i32
    %scan3A_129 = arith.constant 1 : i32
    scf.for %scan3A_136 = %scan3A_126 to %scan3A_128 step %scan3A_129  : i32 {
      %dma_start3A_137 = arith.constant 0 : i32
      %dma_start3A_138 = arith.constant 0 : i32
      %dma_start3A_139 = tpu.memref_slice %arg3[%add3A, %scan3A_136, %dma_start3A_137, %dma_start3A_138] : memref<32x4x40x64xi32, #tpu.memory_space<hbm>> -> memref<1x1x40x64xi32, #tpu.memory_space<hbm>>
      %dma_start3A_140 = tpu.memref_squeeze %dma_start3A_139 : memref<1x1x40x64xi32, #tpu.memory_space<hbm>> -> memref<40x64xi32, #tpu.memory_space<hbm>>
      %dma_start3A_141 = arith.constant 0 : i32
      %dma_start3A_142 = arith.constant 0 : i32
      %dma_start3A_143 = tpu.memref_slice %arg3[%add3A, %scan3A_136, %dma_start3A_141, %dma_start3A_142] : memref<32x4x40x64xi32, #tpu.memory_space<hbm>> -> memref<1x1x40x64xi32, #tpu.memory_space<hbm>>
      %dma_start3A_144 = tpu.memref_squeeze %dma_start3A_143 : memref<1x1x40x64xi32, #tpu.memory_space<hbm>> -> memref<40x64xi32, #tpu.memory_space<hbm>>
      tpu.enqueue_dma source(%dma_start3A_144 : memref<40x64xi32, #tpu.memory_space<hbm>>) target(%arg8 : memref<40x64xi32, #tpu.memory_space<vmem>>) target_semaphore(%arg23 : memref<!tpu.dma_semaphore, #tpu.memory_space<semaphore_mem>>)
      %dma_start3A_145 = arith.constant 0 : i32
      %dma_start3A_146 = arith.constant 0 : i32
      %dma_start3A_147 = tpu.memref_slice %arg4[%add3A, %scan3A_136, %dma_start3A_145, %dma_start3A_146] : memref<32x4x40x64xi32, #tpu.memory_space<hbm>> -> memref<1x1x40x64xi32, #tpu.memory_space<hbm>>
      %dma_start3A_148 = tpu.memref_squeeze %dma_start3A_147 : memref<1x1x40x64xi32, #tpu.memory_space<hbm>> -> memref<40x64xi32, #tpu.memory_space<hbm>>
      %dma_start3A_149 = arith.constant 0 : i32
      %dma_start3A_150 = arith.constant 0 : i32
      %dma_start3A_151 = tpu.memref_slice %arg4[%add3A, %scan3A_136, %dma_start3A_149, %dma_start3A_150] : memref<32x4x40x64xi32, #tpu.memory_space<hbm>> -> memref<1x1x40x64xi32, #tpu.memory_space<hbm>>
      %dma_start3A_152 = tpu.memref_squeeze %dma_start3A_151 : memref<1x1x40x64xi32, #tpu.memory_space<hbm>> -> memref<40x64xi32, #tpu.memory_space<hbm>>
      tpu.enqueue_dma source(%dma_start3A_152 : memref<40x64xi32, #tpu.memory_space<hbm>>) target(%arg9 : memref<40x64xi32, #tpu.memory_space<vmem>>) target_semaphore(%arg23 : memref<!tpu.dma_semaphore, #tpu.memory_space<semaphore_mem>>)
      %dma_start3A_153 = arith.constant 0 : i32
      %dma_start3A_154 = arith.constant 0 : i32
      %dma_start3A_155 = tpu.memref_slice %arg5[%add3A, %scan3A_136, %dma_start3A_153, %dma_start3A_154] : memref<32x4x40x64xf32, #tpu.memory_space<hbm>> -> memref<1x1x40x64xf32, #tpu.memory_space<hbm>>
      %dma_start3A_156 = tpu.memref_squeeze %dma_start3A_155 : memref<1x1x40x64xf32, #tpu.memory_space<hbm>> -> memref<40x64xf32, #tpu.memory_space<hbm>>
      %dma_start3A_157 = arith.constant 0 : i32
      %dma_start3A_158 = arith.constant 0 : i32
      %dma_start3A_159 = tpu.memref_slice %arg5[%add3A, %scan3A_136, %dma_start3A_157, %dma_start3A_158] : memref<32x4x40x64xf32, #tpu.memory_space<hbm>> -> memref<1x1x40x64xf32, #tpu.memory_space<hbm>>
      %dma_start3A_160 = tpu.memref_squeeze %dma_start3A_159 : memref<1x1x40x64xf32, #tpu.memory_space<hbm>> -> memref<40x64xf32, #tpu.memory_space<hbm>>
      tpu.enqueue_dma source(%dma_start3A_160 : memref<40x64xf32, #tpu.memory_space<hbm>>) target(%arg10 : memref<40x64xf32, #tpu.memory_space<vmem>>) target_semaphore(%arg23 : memref<!tpu.dma_semaphore, #tpu.memory_space<semaphore_mem>>)
      %dma_wait3A_161 = arith.constant 0 : i32
      %dma_wait3A_162 = arith.constant 0 : i32
      %dma_wait3A_163 = tpu.memref_slice %arg3[%add3A, %scan3A_136, %dma_wait3A_161, %dma_wait3A_162] : memref<32x4x40x64xi32, #tpu.memory_space<hbm>> -> memref<1x1x40x64xi32, #tpu.memory_space<hbm>>
      %dma_wait3A_164 = tpu.memref_squeeze %dma_wait3A_163 : memref<1x1x40x64xi32, #tpu.memory_space<hbm>> -> memref<40x64xi32, #tpu.memory_space<hbm>>
      %dma_wait3A_165 = arith.constant 0 : i32
      %dma_wait3A_166 = arith.constant 0 : i32
      %dma_wait3A_167 = tpu.memref_slice %arg3[%add3A, %scan3A_136, %dma_wait3A_165, %dma_wait3A_166] : memref<32x4x40x64xi32, #tpu.memory_space<hbm>> -> memref<1x1x40x64xi32, #tpu.memory_space<hbm>>
      %dma_wait3A_168 = tpu.memref_squeeze %dma_wait3A_167 : memref<1x1x40x64xi32, #tpu.memory_space<hbm>> -> memref<40x64xi32, #tpu.memory_space<hbm>>
      tpu.wait_dma2 semaphore(%arg23 : memref<!tpu.dma_semaphore, #tpu.memory_space<semaphore_mem>>) src(%dma_wait3A_168 : memref<40x64xi32, #tpu.memory_space<hbm>>) dst(%arg8 : memref<40x64xi32, #tpu.memory_space<vmem>>)
      %dma_wait3A_169 = arith.constant 0 : i32
      %dma_wait3A_170 = arith.constant 0 : i32
      %dma_wait3A_171 = tpu.memref_slice %arg4[%add3A, %scan3A_136, %dma_wait3A_169, %dma_wait3A_170] : memref<32x4x40x64xi32, #tpu.memory_space<hbm>> -> memref<1x1x40x64xi32, #tpu.memory_space<hbm>>
      %dma_wait3A_172 = tpu.memref_squeeze %dma_wait3A_171 : memref<1x1x40x64xi32, #tpu.memory_space<hbm>> -> memref<40x64xi32, #tpu.memory_space<hbm>>
      %dma_wait3A_173 = arith.constant 0 : i32
      %dma_wait3A_174 = arith.constant 0 : i32
      %dma_wait3A_175 = tpu.memref_slice %arg4[%add3A, %scan3A_136, %dma_wait3A_173, %dma_wait3A_174] : memref<32x4x40x64xi32, #tpu.memory_space<hbm>> -> memref<1x1x40x64xi32, #tpu.memory_space<hbm>>
      %dma_wait3A_176 = tpu.memref_squeeze %dma_wait3A_175 : memref<1x1x40x64xi32, #tpu.memory_space<hbm>> -> memref<40x64xi32, #tpu.memory_space<hbm>>
      tpu.wait_dma2 semaphore(%arg23 : memref<!tpu.dma_semaphore, #tpu.memory_space<semaphore_mem>>) src(%dma_wait3A_176 : memref<40x64xi32, #tpu.memory_space<hbm>>) dst(%arg9 : memref<40x64xi32, #tpu.memory_space<vmem>>)
      %dma_wait3A_177 = arith.constant 0 : i32
      %dma_wait3A_178 = arith.constant 0 : i32
      %dma_wait3A_179 = tpu.memref_slice %arg5[%add3A, %scan3A_136, %dma_wait3A_177, %dma_wait3A_178] : memref<32x4x40x64xf32, #tpu.memory_space<hbm>> -> memref<1x1x40x64xf32, #tpu.memory_space<hbm>>
      %dma_wait3A_180 = tpu.memref_squeeze %dma_wait3A_179 : memref<1x1x40x64xf32, #tpu.memory_space<hbm>> -> memref<40x64xf32, #tpu.memory_space<hbm>>
      %dma_wait3A_181 = arith.constant 0 : i32
      %dma_wait3A_182 = arith.constant 0 : i32
      %dma_wait3A_183 = tpu.memref_slice %arg5[%add3A, %scan3A_136, %dma_wait3A_181, %dma_wait3A_182] : memref<32x4x40x64xf32, #tpu.memory_space<hbm>> -> memref<1x1x40x64xf32, #tpu.memory_space<hbm>>
      %dma_wait3A_184 = tpu.memref_squeeze %dma_wait3A_183 : memref<1x1x40x64xf32, #tpu.memory_space<hbm>> -> memref<40x64xf32, #tpu.memory_space<hbm>>
      tpu.wait_dma2 semaphore(%arg23 : memref<!tpu.dma_semaphore, #tpu.memory_space<semaphore_mem>>) src(%dma_wait3A_184 : memref<40x64xf32, #tpu.memory_space<hbm>>) dst(%arg10 : memref<40x64xf32, #tpu.memory_space<vmem>>)
      %dma_start3A_185 = arith.constant 0 : i32
      %dma_start3A_186 = arith.constant 0 : i32
      %dma_start3A_187 = tpu.memref_slice %arg8[%dma_start3A_185, %dma_start3A_186] : memref<40x64xi32, #tpu.memory_space<vmem>> -> memref<1x64xi32, #tpu.memory_space<vmem>>
      %dma_start3A_188 = tpu.memref_squeeze %dma_start3A_187 : memref<1x64xi32, #tpu.memory_space<vmem>> -> memref<64xi32, #tpu.memory_space<vmem>>
      %dma_start3A_189 = arith.constant 0 : i32
      %dma_start3A_190 = arith.constant 0 : i32
      %dma_start3A_191 = tpu.memref_slice %arg2[%dma_start3A_189, %dma_start3A_190] : memref<10240x128xf32, #tpu.memory_space<hbm>> -> memref<10240x128xf32, #tpu.memory_space<hbm>>
      tpu.enqueue_indirect_dma source(%dma_start3A_191 : memref<10240x128xf32, #tpu.memory_space<hbm>>) target(%arg11 : memref<64x128xf32, #tpu.memory_space<vmem>>) offsets(%dma_start3A_188 : memref<64xi32, #tpu.memory_space<vmem>>) semaphore(%arg15 : memref<!tpu.dma_semaphore, #tpu.memory_space<semaphore_mem>>)
      %dma_start3A_192 = arith.constant 1 : i32
      %dma_start3A_193 = arith.constant 0 : i32
      %dma_start3A_194 = tpu.memref_slice %arg8[%dma_start3A_192, %dma_start3A_193] : memref<40x64xi32, #tpu.memory_space<vmem>> -> memref<1x64xi32, #tpu.memory_space<vmem>>
      %dma_start3A_195 = tpu.memref_squeeze %dma_start3A_194 : memref<1x64xi32, #tpu.memory_space<vmem>> -> memref<64xi32, #tpu.memory_space<vmem>>
      %dma_start3A_196 = arith.constant 0 : i32
      %dma_start3A_197 = arith.constant 0 : i32
      %dma_start3A_198 = tpu.memref_slice %arg2[%dma_start3A_196, %dma_start3A_197] : memref<10240x128xf32, #tpu.memory_space<hbm>> -> memref<10240x128xf32, #tpu.memory_space<hbm>>
      tpu.enqueue_indirect_dma source(%dma_start3A_198 : memref<10240x128xf32, #tpu.memory_space<hbm>>) target(%arg12 : memref<64x128xf32, #tpu.memory_space<vmem>>) offsets(%dma_start3A_195 : memref<64xi32, #tpu.memory_space<vmem>>) semaphore(%arg16 : memref<!tpu.dma_semaphore, #tpu.memory_space<semaphore_mem>>)
      %scan3A_199 = arith.constant 0 : i32
      %scan3A_200 = arith.constant 0 : i32
      %scan3A_201 = arith.constant 10 : i32
      %scan3A_202 = arith.addi %scan3A_200, %scan3A_201 : i32
      %scan3A_203 = arith.constant 1 : i32
      scf.for %scan3A_219 = %scan3A_200 to %scan3A_202 step %scan3A_203  : i32 {
        %mul3A_220 = arith.constant 4 : i32
        %mul3A_221 = arith.muli %scan3A_219, %mul3A_220 : i32
        %add3A_222 = arith.constant 0 : i32
        %add3A_223 = arith.addi %mul3A_221, %add3A_222 : i32
        %add3A_224 = arith.constant 2 : i32
        %add3A_225 = arith.addi %add3A_223, %add3A_224 : i32
        %ge3A = arith.constant 1 : i32
        %ge3A_226 = arith.cmpi sge, %scan3A_219, %ge3A : i32
        %convert_element_type3A = arith.extui %ge3A_226 : i1 to i32
        %cond3A = arith.constant 0 : i32
        %cond3A_227 = arith.cmpi ne, %convert_element_type3A, %cond3A : i32
        scf.if %cond3A_227 {
          %dma_wait3A_358 = arith.constant 0 : i32
          %dma_wait3A_359 = arith.constant 0 : i32
          %dma_wait3A_360 = tpu.memref_slice %arg9[%dma_wait3A_358, %dma_wait3A_359] : memref<40x64xi32, #tpu.memory_space<vmem>> -> memref<1x64xi32, #tpu.memory_space<vmem>>
          %dma_wait3A_361 = tpu.memref_squeeze %dma_wait3A_360 : memref<1x64xi32, #tpu.memory_space<vmem>> -> memref<64xi32, #tpu.memory_space<vmem>>
          %dma_wait3A_362 = arith.constant 0 : i32
          %dma_wait3A_363 = arith.constant 0 : i32
          %dma_wait3A_364 = tpu.memref_slice %arg7[%dma_wait3A_362, %dma_wait3A_363] : memref<10240x128xf32, #tpu.memory_space<vmem_shared>> -> memref<10240x128xf32, #tpu.memory_space<vmem_shared>>
          tpu.wait_indirect_dma semaphore(%arg21 : memref<!tpu.dma_semaphore, #tpu.memory_space<semaphore_mem>>) src(%arg13 : memref<64x128xf32, #tpu.memory_space<vmem>>) dst(%dma_wait3A_364 : memref<10240x128xf32, #tpu.memory_space<vmem_shared>>)
        } else {
        }
        %dma_start3A_228 = arith.constant 0 : i32
        %dma_start3A_229 = tpu.memref_slice %arg8[%add3A_225, %dma_start3A_228] : memref<40x64xi32, #tpu.memory_space<vmem>> -> memref<1x64xi32, #tpu.memory_space<vmem>>
        %dma_start3A_230 = tpu.memref_squeeze %dma_start3A_229 : memref<1x64xi32, #tpu.memory_space<vmem>> -> memref<64xi32, #tpu.memory_space<vmem>>
        %dma_start3A_231 = arith.constant 0 : i32
        %dma_start3A_232 = arith.constant 0 : i32
        %dma_start3A_233 = tpu.memref_slice %arg2[%dma_start3A_231, %dma_start3A_232] : memref<10240x128xf32, #tpu.memory_space<hbm>> -> memref<10240x128xf32, #tpu.memory_space<hbm>>
        tpu.enqueue_indirect_dma source(%dma_start3A_233 : memref<10240x128xf32, #tpu.memory_space<hbm>>) target(%arg13 : memref<64x128xf32, #tpu.memory_space<vmem>>) offsets(%dma_start3A_230 : memref<64xi32, #tpu.memory_space<vmem>>) semaphore(%arg17 : memref<!tpu.dma_semaphore, #tpu.memory_space<semaphore_mem>>)
        %dma_wait3A_234 = arith.constant 0 : i32
        %dma_wait3A_235 = tpu.memref_slice %arg8[%add3A_223, %dma_wait3A_234] : memref<40x64xi32, #tpu.memory_space<vmem>> -> memref<1x64xi32, #tpu.memory_space<vmem>>
        %dma_wait3A_236 = tpu.memref_squeeze %dma_wait3A_235 : memref<1x64xi32, #tpu.memory_space<vmem>> -> memref<64xi32, #tpu.memory_space<vmem>>
        %dma_wait3A_237 = arith.constant 0 : i32
        %dma_wait3A_238 = arith.constant 0 : i32
        %dma_wait3A_239 = tpu.memref_slice %arg2[%dma_wait3A_237, %dma_wait3A_238] : memref<10240x128xf32, #tpu.memory_space<hbm>> -> memref<10240x128xf32, #tpu.memory_space<hbm>>
        tpu.wait_indirect_dma semaphore(%arg15 : memref<!tpu.dma_semaphore, #tpu.memory_space<semaphore_mem>>) src(%dma_wait3A_239 : memref<10240x128xf32, #tpu.memory_space<hbm>>) dst(%arg11 : memref<64x128xf32, #tpu.memory_space<vmem>>)
        %scan3A_240 = arith.constant 0 : i32
        %scan3A_241 = arith.constant 0 : i32
        %scan3A_242 = arith.constant 64 : i32
        %scan3A_243 = arith.addi %scan3A_241, %scan3A_242 : i32
        %scan3A_244 = arith.constant 2 : i32
        scf.for %scan3A_358 = %scan3A_241 to %scan3A_243 step %scan3A_244  : i32 {
          %broadcast_in_dim3A_359 = vector.broadcast %scan3A_358 : i32 to vector<16xi32>
          %gather3A = arith.constant 0 : i32
          %gather3A_360 = tpu.memref_slice %arg10[%add3A_223, %gather3A] : memref<40x64xf32, #tpu.memory_space<vmem>> -> memref<1x64xf32, #tpu.memory_space<vmem>>
          %gather3A_361 = tpu.memref_squeeze %gather3A_360 : memref<1x64xf32, #tpu.memory_space<vmem>> -> memref<64xf32, #tpu.memory_space<vmem>>
          %gather3A_362 = tpu.vector_load_idx %gather3A_361[%broadcast_in_dim3A_359] : memref<64xf32, #tpu.memory_space<vmem>>[vector<16xi32>], vector<16xf32>,
          %get3A = arith.index_cast %scan3A_358 : i32 to index
          %get3A_363 = arith.constant 0 : index
          %get3A_364 = tpu.vector_load %arg11[%get3A, %get3A_363] {strides = array<i32>} : memref<64x128xf32, #tpu.memory_space<vmem>>, vector<16xf32>,
          %mul3A_365 = arith.mulf %get3A_364, %gather3A_362 : vector<16xf32>
          %swap3A = arith.index_cast %scan3A_358 : i32 to index
          %swap3A_366 = arith.constant 0 : index
          %swap3A_367 = tpu.vector_load %arg11[%swap3A, %swap3A_366] {strides = array<i32>} : memref<64x128xf32, #tpu.memory_space<vmem>>, vector<16xf32>,
          tpu.vector_store %arg11[%swap3A, %swap3A_366], %mul3A_365 {strides = array<i32>} : memref<64x128xf32, #tpu.memory_space<vmem>>, vector<16xf32>,
          %get3A_368 = arith.index_cast %scan3A_358 : i32 to index
          %get3A_369 = arith.constant 16 : index
          %get3A_370 = tpu.vector_load %arg11[%get3A_368, %get3A_369] {strides = array<i32>} : memref<64x128xf32, #tpu.memory_space<vmem>>, vector<16xf32>,
          %mul3A_371 = arith.mulf %get3A_370, %gather3A_362 : vector<16xf32>
          %swap3A_372 = arith.index_cast %scan3A_358 : i32 to index
          %swap3A_373 = arith.constant 16 : index
          %swap3A_374 = tpu.vector_load %arg11[%swap3A_372, %swap3A_373] {strides = array<i32>} : memref<64x128xf32, #tpu.memory_space<vmem>>, vector<16xf32>,
          tpu.vector_store %arg11[%swap3A_372, %swap3A_373], %mul3A_371 {strides = array<i32>} : memref<64x128xf32, #tpu.memory_space<vmem>>, vector<16xf32>,
          %get3A_375 = arith.index_cast %scan3A_358 : i32 to index
          %get3A_376 = arith.constant 32 : index
          %get3A_377 = tpu.vector_load %arg11[%get3A_375, %get3A_376] {strides = array<i32>} : memref<64x128xf32, #tpu.memory_space<vmem>>, vector<16xf32>,
          %mul3A_378 = arith.mulf %get3A_377, %gather3A_362 : vector<16xf32>
          %swap3A_379 = arith.index_cast %scan3A_358 : i32 to index
          %swap3A_380 = arith.constant 32 : index
          %swap3A_381 = tpu.vector_load %arg11[%swap3A_379, %swap3A_380] {strides = array<i32>} : memref<64x128xf32, #tpu.memory_space<vmem>>, vector<16xf32>,
          tpu.vector_store %arg11[%swap3A_379, %swap3A_380], %mul3A_378 {strides = array<i32>} : memref<64x128xf32, #tpu.memory_space<vmem>>, vector<16xf32>,
          %get3A_382 = arith.index_cast %scan3A_358 : i32 to index
          %get3A_383 = arith.constant 48 : index
          %get3A_384 = tpu.vector_load %arg11[%get3A_382, %get3A_383] {strides = array<i32>} : memref<64x128xf32, #tpu.memory_space<vmem>>, vector<16xf32>,
          %mul3A_385 = arith.mulf %get3A_384, %gather3A_362 : vector<16xf32>
          %swap3A_386 = arith.index_cast %scan3A_358 : i32 to index
          %swap3A_387 = arith.constant 48 : index
          %swap3A_388 = tpu.vector_load %arg11[%swap3A_386, %swap3A_387] {strides = array<i32>} : memref<64x128xf32, #tpu.memory_space<vmem>>, vector<16xf32>,
          tpu.vector_store %arg11[%swap3A_386, %swap3A_387], %mul3A_385 {strides = array<i32>} : memref<64x128xf32, #tpu.memory_space<vmem>>, vector<16xf32>,
          %get3A_389 = arith.index_cast %scan3A_358 : i32 to index
          %get3A_390 = arith.constant 64 : index
          %get3A_391 = tpu.vector_load %arg11[%get3A_389, %get3A_390] {strides = array<i32>} : memref<64x128xf32, #tpu.memory_space<vmem>>, vector<16xf32>,
          %mul3A_392 = arith.mulf %get3A_391, %gather3A_362 : vector<16xf32>
          %swap3A_393 = arith.index_cast %scan3A_358 : i32 to index
          %swap3A_394 = arith.constant 64 : index
          %swap3A_395 = tpu.vector_load %arg11[%swap3A_393, %swap3A_394] {strides = array<i32>} : memref<64x128xf32, #tpu.memory_space<vmem>>, vector<16xf32>,
          tpu.vector_store %arg11[%swap3A_393, %swap3A_394], %mul3A_392 {strides = array<i32>} : memref<64x128xf32, #tpu.memory_space<vmem>>, vector<16xf32>,
          %get3A_396 = arith.index_cast %scan3A_358 : i32 to index
          %get3A_397 = arith.constant 80 : index
          %get3A_398 = tpu.vector_load %arg11[%get3A_396, %get3A_397] {strides = array<i32>} : memref<64x128xf32, #tpu.memory_space<vmem>>, vector<16xf32>,
          %mul3A_399 = arith.mulf %get3A_398, %gather3A_362 : vector<16xf32>
          %swap3A_400 = arith.index_cast %scan3A_358 : i32 to index
          %swap3A_401 = arith.constant 80 : index
          %swap3A_402 = tpu.vector_load %arg11[%swap3A_400, %swap3A_401] {strides = array<i32>} : memref<64x128xf32, #tpu.memory_space<vmem>>, vector<16xf32>,
          tpu.vector_store %arg11[%swap3A_400, %swap3A_401], %mul3A_399 {strides = array<i32>} : memref<64x128xf32, #tpu.memory_space<vmem>>, vector<16xf32>,
          %get3A_403 = arith.index_cast %scan3A_358 : i32 to index
          %get3A_404 = arith.constant 96 : index
          %get3A_405 = tpu.vector_load %arg11[%get3A_403, %get3A_404] {strides = array<i32>} : memref<64x128xf32, #tpu.memory_space<vmem>>, vector<16xf32>,
          %mul3A_406 = arith.mulf %get3A_405, %gather3A_362 : vector<16xf32>
          %swap3A_407 = arith.index_cast %scan3A_358 : i32 to index
          %swap3A_408 = arith.constant 96 : index
          %swap3A_409 = tpu.vector_load %arg11[%swap3A_407, %swap3A_408] {strides = array<i32>} : memref<64x128xf32, #tpu.memory_space<vmem>>, vector<16xf32>,
          tpu.vector_store %arg11[%swap3A_407, %swap3A_408], %mul3A_406 {strides = array<i32>} : memref<64x128xf32, #tpu.memory_space<vmem>>, vector<16xf32>,
          %get3A_410 = arith.index_cast %scan3A_358 : i32 to index
          %get3A_411 = arith.constant 112 : index
          %get3A_412 = tpu.vector_load %arg11[%get3A_410, %get3A_411] {strides = array<i32>} : memref<64x128xf32, #tpu.memory_space<vmem>>, vector<16xf32>,
          %mul3A_413 = arith.mulf %get3A_412, %gather3A_362 : vector<16xf32>
          %swap3A_414 = arith.index_cast %scan3A_358 : i32 to index
          %swap3A_415 = arith.constant 112 : index
          %swap3A_416 = tpu.vector_load %arg11[%swap3A_414, %swap3A_415] {strides = array<i32>} : memref<64x128xf32, #tpu.memory_space<vmem>>, vector<16xf32>,
          tpu.vector_store %arg11[%swap3A_414, %swap3A_415], %mul3A_413 {strides = array<i32>} : memref<64x128xf32, #tpu.memory_space<vmem>>, vector<16xf32>,
          %scan3A_417 = arith.constant 1 : i32
          %scan3A_418 = arith.addi %scan3A_358, %scan3A_417 : i32
          %broadcast_in_dim3A_419 = vector.broadcast %scan3A_418 : i32 to vector<16xi32>
          %gather3A_420 = arith.constant 0 : i32
          %gather3A_421 = tpu.memref_slice %arg10[%add3A_223, %gather3A_420] : memref<40x64xf32, #tpu.memory_space<vmem>> -> memref<1x64xf32, #tpu.memory_space<vmem>>
          %gather3A_422 = tpu.memref_squeeze %gather3A_421 : memref<1x64xf32, #tpu.memory_space<vmem>> -> memref<64xf32, #tpu.memory_space<vmem>>
          %gather3A_423 = tpu.vector_load_idx %gather3A_422[%broadcast_in_dim3A_419] : memref<64xf32, #tpu.memory_space<vmem>>[vector<16xi32>], vector<16xf32>,
          %get3A_424 = arith.index_cast %scan3A_418 : i32 to index
          %get3A_425 = arith.constant 0 : index
          %get3A_426 = tpu.vector_load %arg11[%get3A_424, %get3A_425] {strides = array<i32>} : memref<64x128xf32, #tpu.memory_space<vmem>>, vector<16xf32>,
          %mul3A_427 = arith.mulf %get3A_426, %gather3A_423 : vector<16xf32>
          %swap3A_428 = arith.index_cast %scan3A_418 : i32 to index
          %swap3A_429 = arith.constant 0 : index
          %swap3A_430 = tpu.vector_load %arg11[%swap3A_428, %swap3A_429] {strides = array<i32>} : memref<64x128xf32, #tpu.memory_space<vmem>>, vector<16xf32>,
          tpu.vector_store %arg11[%swap3A_428, %swap3A_429], %mul3A_427 {strides = array<i32>} : memref<64x128xf32, #tpu.memory_space<vmem>>, vector<16xf32>,
          %get3A_431 = arith.index_cast %scan3A_418 : i32 to index
          %get3A_432 = arith.constant 16 : index
          %get3A_433 = tpu.vector_load %arg11[%get3A_431, %get3A_432] {strides = array<i32>} : memref<64x128xf32, #tpu.memory_space<vmem>>, vector<16xf32>,
          %mul3A_434 = arith.mulf %get3A_433, %gather3A_423 : vector<16xf32>
          %swap3A_435 = arith.index_cast %scan3A_418 : i32 to index
          %swap3A_436 = arith.constant 16 : index
          %swap3A_437 = tpu.vector_load %arg11[%swap3A_435, %swap3A_436] {strides = array<i32>} : memref<64x128xf32, #tpu.memory_space<vmem>>, vector<16xf32>,
          tpu.vector_store %arg11[%swap3A_435, %swap3A_436], %mul3A_434 {strides = array<i32>} : memref<64x128xf32, #tpu.memory_space<vmem>>, vector<16xf32>,
          %get3A_438 = arith.index_cast %scan3A_418 : i32 to index
          %get3A_439 = arith.constant 32 : index
          %get3A_440 = tpu.vector_load %arg11[%get3A_438, %get3A_439] {strides = array<i32>} : memref<64x128xf32, #tpu.memory_space<vmem>>, vector<16xf32>,
          %mul3A_441 = arith.mulf %get3A_440, %gather3A_423 : vector<16xf32>
          %swap3A_442 = arith.index_cast %scan3A_418 : i32 to index
          %swap3A_443 = arith.constant 32 : index
          %swap3A_444 = tpu.vector_load %arg11[%swap3A_442, %swap3A_443] {strides = array<i32>} : memref<64x128xf32, #tpu.memory_space<vmem>>, vector<16xf32>,
          tpu.vector_store %arg11[%swap3A_442, %swap3A_443], %mul3A_441 {strides = array<i32>} : memref<64x128xf32, #tpu.memory_space<vmem>>, vector<16xf32>,
          %get3A_445 = arith.index_cast %scan3A_418 : i32 to index
          %get3A_446 = arith.constant 48 : index
          %get3A_447 = tpu.vector_load %arg11[%get3A_445, %get3A_446] {strides = array<i32>} : memref<64x128xf32, #tpu.memory_space<vmem>>, vector<16xf32>,
          %mul3A_448 = arith.mulf %get3A_447, %gather3A_423 : vector<16xf32>
          %swap3A_449 = arith.index_cast %scan3A_418 : i32 to index
          %swap3A_450 = arith.constant 48 : index
          %swap3A_451 = tpu.vector_load %arg11[%swap3A_449, %swap3A_450] {strides = array<i32>} : memref<64x128xf32, #tpu.memory_space<vmem>>, vector<16xf32>,
          tpu.vector_store %arg11[%swap3A_449, %swap3A_450], %mul3A_448 {strides = array<i32>} : memref<64x128xf32, #tpu.memory_space<vmem>>, vector<16xf32>,
          %get3A_452 = arith.index_cast %scan3A_418 : i32 to index
          %get3A_453 = arith.constant 64 : index
          %get3A_454 = tpu.vector_load %arg11[%get3A_452, %get3A_453] {strides = array<i32>} : memref<64x128xf32, #tpu.memory_space<vmem>>, vector<16xf32>,
          %mul3A_455 = arith.mulf %get3A_454, %gather3A_423 : vector<16xf32>
          %swap3A_456 = arith.index_cast %scan3A_418 : i32 to index
          %swap3A_457 = arith.constant 64 : index
          %swap3A_458 = tpu.vector_load %arg11[%swap3A_456, %swap3A_457] {strides = array<i32>} : memref<64x128xf32, #tpu.memory_space<vmem>>, vector<16xf32>,
          tpu.vector_store %arg11[%swap3A_456, %swap3A_457], %mul3A_455 {strides = array<i32>} : memref<64x128xf32, #tpu.memory_space<vmem>>, vector<16xf32>,
          %get3A_459 = arith.index_cast %scan3A_418 : i32 to index
          %get3A_460 = arith.constant 80 : index
          %get3A_461 = tpu.vector_load %arg11[%get3A_459, %get3A_460] {strides = array<i32>} : memref<64x128xf32, #tpu.memory_space<vmem>>, vector<16xf32>,
          %mul3A_462 = arith.mulf %get3A_461, %gather3A_423 : vector<16xf32>
          %swap3A_463 = arith.index_cast %scan3A_418 : i32 to index
          %swap3A_464 = arith.constant 80 : index
          %swap3A_465 = tpu.vector_load %arg11[%swap3A_463, %swap3A_464] {strides = array<i32>} : memref<64x128xf32, #tpu.memory_space<vmem>>, vector<16xf32>,
          tpu.vector_store %arg11[%swap3A_463, %swap3A_464], %mul3A_462 {strides = array<i32>} : memref<64x128xf32, #tpu.memory_space<vmem>>, vector<16xf32>,
          %get3A_466 = arith.index_cast %scan3A_418 : i32 to index
          %get3A_467 = arith.constant 96 : index
          %get3A_468 = tpu.vector_load %arg11[%get3A_466, %get3A_467] {strides = array<i32>} : memref<64x128xf32, #tpu.memory_space<vmem>>, vector<16xf32>,
          %mul3A_469 = arith.mulf %get3A_468, %gather3A_423 : vector<16xf32>
          %swap3A_470 = arith.index_cast %scan3A_418 : i32 to index
          %swap3A_471 = arith.constant 96 : index
          %swap3A_472 = tpu.vector_load %arg11[%swap3A_470, %swap3A_471] {strides = array<i32>} : memref<64x128xf32, #tpu.memory_space<vmem>>, vector<16xf32>,
          tpu.vector_store %arg11[%swap3A_470, %swap3A_471], %mul3A_469 {strides = array<i32>} : memref<64x128xf32, #tpu.memory_space<vmem>>, vector<16xf32>,
          %get3A_473 = arith.index_cast %scan3A_418 : i32 to index
          %get3A_474 = arith.constant 112 : index
          %get3A_475 = tpu.vector_load %arg11[%get3A_473, %get3A_474] {strides = array<i32>} : memref<64x128xf32, #tpu.memory_space<vmem>>, vector<16xf32>,
          %mul3A_476 = arith.mulf %get3A_475, %gather3A_423 : vector<16xf32>
          %swap3A_477 = arith.index_cast %scan3A_418 : i32 to index
          %swap3A_478 = arith.constant 112 : index
          %swap3A_479 = tpu.vector_load %arg11[%swap3A_477, %swap3A_478] {strides = array<i32>} : memref<64x128xf32, #tpu.memory_space<vmem>>, vector<16xf32>,
          tpu.vector_store %arg11[%swap3A_477, %swap3A_478], %mul3A_476 {strides = array<i32>} : memref<64x128xf32, #tpu.memory_space<vmem>>, vector<16xf32>,
        }
        %scan3A_245 = arith.constant 64 : i32
        %dma_start3A_246 = arith.constant 0 : i32
        %dma_start3A_247 = tpu.memref_slice %arg9[%add3A_223, %dma_start3A_246] : memref<40x64xi32, #tpu.memory_space<vmem>> -> memref<1x64xi32, #tpu.memory_space<vmem>>
        %dma_start3A_248 = tpu.memref_squeeze %dma_start3A_247 : memref<1x64xi32, #tpu.memory_space<vmem>> -> memref<64xi32, #tpu.memory_space<vmem>>
        %dma_start3A_249 = arith.constant 0 : i32
        %dma_start3A_250 = arith.constant 0 : i32
        %dma_start3A_251 = tpu.memref_slice %arg7[%dma_start3A_249, %dma_start3A_250] : memref<10240x128xf32, #tpu.memory_space<vmem_shared>> -> memref<10240x128xf32, #tpu.memory_space<vmem_shared>>
        tpu.enqueue_indirect_dma source(%arg11 : memref<64x128xf32, #tpu.memory_space<vmem>>) target(%dma_start3A_251 : memref<10240x128xf32, #tpu.memory_space<vmem_shared>>) offsets(%dma_start3A_248 : memref<64xi32, #tpu.memory_space<vmem>>) semaphore(%arg19 : memref<!tpu.dma_semaphore, #tpu.memory_space<semaphore_mem>>) {add = true}
        %mul3A_252 = arith.constant 4 : i32
        %mul3A_253 = arith.muli %scan3A_219, %mul3A_252 : i32
        %add3A_254 = arith.constant 1 : i32
        %add3A_255 = arith.addi %mul3A_253, %add3A_254 : i32
        %add3A_256 = arith.constant 2 : i32
        %add3A_257 = arith.addi %add3A_255, %add3A_256 : i32
        %ge3A_258 = arith.constant 1 : i32
        %ge3A_259 = arith.cmpi sge, %scan3A_219, %ge3A_258 : i32
        %convert_element_type3A_260 = arith.extui %ge3A_259 : i1 to i32
        %cond3A_261 = arith.constant 0 : i32
        %cond3A_262 = arith.cmpi ne, %convert_element_type3A_260, %cond3A_261 : i32
        scf.if %cond3A_262 {
          %dma_wait3A_358 = arith.constant 0 : i32
          %dma_wait3A_359 = arith.constant 0 : i32
          %dma_wait3A_360 = tpu.memref_slice %arg9[%dma_wait3A_358, %dma_wait3A_359] : memref<40x64xi32, #tpu.memory_space<vmem>> -> memref<1x64xi32, #tpu.memory_space<vmem>>
          %dma_wait3A_361 = tpu.memref_squeeze %dma_wait3A_360 : memref<1x64xi32, #tpu.memory_space<vmem>> -> memref<64xi32, #tpu.memory_space<vmem>>
          %dma_wait3A_362 = arith.constant 0 : i32
          %dma_wait3A_363 = arith.constant 0 : i32
          %dma_wait3A_364 = tpu.memref_slice %arg7[%dma_wait3A_362, %dma_wait3A_363] : memref<10240x128xf32, #tpu.memory_space<vmem_shared>> -> memref<10240x128xf32, #tpu.memory_space<vmem_shared>>
          tpu.wait_indirect_dma semaphore(%arg22 : memref<!tpu.dma_semaphore, #tpu.memory_space<semaphore_mem>>) src(%arg14 : memref<64x128xf32, #tpu.memory_space<vmem>>) dst(%dma_wait3A_364 : memref<10240x128xf32, #tpu.memory_space<vmem_shared>>)
        } else {
        }
        %dma_start3A_263 = arith.constant 0 : i32
        %dma_start3A_264 = tpu.memref_slice %arg8[%add3A_257, %dma_start3A_263] : memref<40x64xi32, #tpu.memory_space<vmem>> -> memref<1x64xi32, #tpu.memory_space<vmem>>
        %dma_start3A_265 = tpu.memref_squeeze %dma_start3A_264 : memref<1x64xi32, #tpu.memory_space<vmem>> -> memref<64xi32, #tpu.memory_space<vmem>>
        %dma_start3A_266 = arith.constant 0 : i32
        %dma_start3A_267 = arith.constant 0 : i32
        %dma_start3A_268 = tpu.memref_slice %arg2[%dma_start3A_266, %dma_start3A_267] : memref<10240x128xf32, #tpu.memory_space<hbm>> -> memref<10240x128xf32, #tpu.memory_space<hbm>>
        tpu.enqueue_indirect_dma source(%dma_start3A_268 : memref<10240x128xf32, #tpu.memory_space<hbm>>) target(%arg14 : memref<64x128xf32, #tpu.memory_space<vmem>>) offsets(%dma_start3A_265 : memref<64xi32, #tpu.memory_space<vmem>>) semaphore(%arg18 : memref<!tpu.dma_semaphore, #tpu.memory_space<semaphore_mem>>)
        %dma_wait3A_269 = arith.constant 0 : i32
        %dma_wait3A_270 = tpu.memref_slice %arg8[%add3A_255, %dma_wait3A_269] : memref<40x64xi32, #tpu.memory_space<vmem>> -> memref<1x64xi32, #tpu.memory_space<vmem>>
        %dma_wait3A_271 = tpu.memref_squeeze %dma_wait3A_270 : memref<1x64xi32, #tpu.memory_space<vmem>> -> memref<64xi32, #tpu.memory_space<vmem>>
        %dma_wait3A_272 = arith.constant 0 : i32
        %dma_wait3A_273 = arith.constant 0 : i32
        %dma_wait3A_274 = tpu.memref_slice %arg2[%dma_wait3A_272, %dma_wait3A_273] : memref<10240x128xf32, #tpu.memory_space<hbm>> -> memref<10240x128xf32, #tpu.memory_space<hbm>>
        tpu.wait_indirect_dma semaphore(%arg16 : memref<!tpu.dma_semaphore, #tpu.memory_space<semaphore_mem>>) src(%dma_wait3A_274 : memref<10240x128xf32, #tpu.memory_space<hbm>>) dst(%arg12 : memref<64x128xf32, #tpu.memory_space<vmem>>)
        %scan3A_275 = arith.constant 0 : i32
        %scan3A_276 = arith.constant 0 : i32
        %scan3A_277 = arith.constant 64 : i32
        %scan3A_278 = arith.addi %scan3A_276, %scan3A_277 : i32
        %scan3A_279 = arith.constant 2 : i32
        scf.for %scan3A_358 = %scan3A_276 to %scan3A_278 step %scan3A_279  : i32 {
          %broadcast_in_dim3A_359 = vector.broadcast %scan3A_358 : i32 to vector<16xi32>
          %gather3A = arith.constant 0 : i32
          %gather3A_360 = tpu.memref_slice %arg10[%add3A_255, %gather3A] : memref<40x64xf32, #tpu.memory_space<vmem>> -> memref<1x64xf32, #tpu.memory_space<vmem>>
          %gather3A_361 = tpu.memref_squeeze %gather3A_360 : memref<1x64xf32, #tpu.memory_space<vmem>> -> memref<64xf32, #tpu.memory_space<vmem>>
          %gather3A_362 = tpu.vector_load_idx %gather3A_361[%broadcast_in_dim3A_359] : memref<64xf32, #tpu.memory_space<vmem>>[vector<16xi32>], vector<16xf32>,
          %get3A = arith.index_cast %scan3A_358 : i32 to index
          %get3A_363 = arith.constant 0 : index
          %get3A_364 = tpu.vector_load %arg12[%get3A, %get3A_363] {strides = array<i32>} : memref<64x128xf32, #tpu.memory_space<vmem>>, vector<16xf32>,
          %mul3A_365 = arith.mulf %get3A_364, %gather3A_362 : vector<16xf32>
          %swap3A = arith.index_cast %scan3A_358 : i32 to index
          %swap3A_366 = arith.constant 0 : index
          %swap3A_367 = tpu.vector_load %arg12[%swap3A, %swap3A_366] {strides = array<i32>} : memref<64x128xf32, #tpu.memory_space<vmem>>, vector<16xf32>,
          tpu.vector_store %arg12[%swap3A, %swap3A_366], %mul3A_365 {strides = array<i32>} : memref<64x128xf32, #tpu.memory_space<vmem>>, vector<16xf32>,
          %get3A_368 = arith.index_cast %scan3A_358 : i32 to index
          %get3A_369 = arith.constant 16 : index
          %get3A_370 = tpu.vector_load %arg12[%get3A_368, %get3A_369] {strides = array<i32>} : memref<64x128xf32, #tpu.memory_space<vmem>>, vector<16xf32>,
          %mul3A_371 = arith.mulf %get3A_370, %gather3A_362 : vector<16xf32>
          %swap3A_372 = arith.index_cast %scan3A_358 : i32 to index
          %swap3A_373 = arith.constant 16 : index
          %swap3A_374 = tpu.vector_load %arg12[%swap3A_372, %swap3A_373] {strides = array<i32>} : memref<64x128xf32, #tpu.memory_space<vmem>>, vector<16xf32>,
          tpu.vector_store %arg12[%swap3A_372, %swap3A_373], %mul3A_371 {strides = array<i32>} : memref<64x128xf32, #tpu.memory_space<vmem>>, vector<16xf32>,
          %get3A_375 = arith.index_cast %scan3A_358 : i32 to index
          %get3A_376 = arith.constant 32 : index
          %get3A_377 = tpu.vector_load %arg12[%get3A_375, %get3A_376] {strides = array<i32>} : memref<64x128xf32, #tpu.memory_space<vmem>>, vector<16xf32>,
          %mul3A_378 = arith.mulf %get3A_377, %gather3A_362 : vector<16xf32>
          %swap3A_379 = arith.index_cast %scan3A_358 : i32 to index
          %swap3A_380 = arith.constant 32 : index
          %swap3A_381 = tpu.vector_load %arg12[%swap3A_379, %swap3A_380] {strides = array<i32>} : memref<64x128xf32, #tpu.memory_space<vmem>>, vector<16xf32>,
          tpu.vector_store %arg12[%swap3A_379, %swap3A_380], %mul3A_378 {strides = array<i32>} : memref<64x128xf32, #tpu.memory_space<vmem>>, vector<16xf32>,
          %get3A_382 = arith.index_cast %scan3A_358 : i32 to index
          %get3A_383 = arith.constant 48 : index
          %get3A_384 = tpu.vector_load %arg12[%get3A_382, %get3A_383] {strides = array<i32>} : memref<64x128xf32, #tpu.memory_space<vmem>>, vector<16xf32>,
          %mul3A_385 = arith.mulf %get3A_384, %gather3A_362 : vector<16xf32>
          %swap3A_386 = arith.index_cast %scan3A_358 : i32 to index
          %swap3A_387 = arith.constant 48 : index
          %swap3A_388 = tpu.vector_load %arg12[%swap3A_386, %swap3A_387] {strides = array<i32>} : memref<64x128xf32, #tpu.memory_space<vmem>>, vector<16xf32>,
          tpu.vector_store %arg12[%swap3A_386, %swap3A_387], %mul3A_385 {strides = array<i32>} : memref<64x128xf32, #tpu.memory_space<vmem>>, vector<16xf32>,
          %get3A_389 = arith.index_cast %scan3A_358 : i32 to index
          %get3A_390 = arith.constant 64 : index
          %get3A_391 = tpu.vector_load %arg12[%get3A_389, %get3A_390] {strides = array<i32>} : memref<64x128xf32, #tpu.memory_space<vmem>>, vector<16xf32>,
          %mul3A_392 = arith.mulf %get3A_391, %gather3A_362 : vector<16xf32>
          %swap3A_393 = arith.index_cast %scan3A_358 : i32 to index
          %swap3A_394 = arith.constant 64 : index
          %swap3A_395 = tpu.vector_load %arg12[%swap3A_393, %swap3A_394] {strides = array<i32>} : memref<64x128xf32, #tpu.memory_space<vmem>>, vector<16xf32>,
          tpu.vector_store %arg12[%swap3A_393, %swap3A_394], %mul3A_392 {strides = array<i32>} : memref<64x128xf32, #tpu.memory_space<vmem>>, vector<16xf32>,
          %get3A_396 = arith.index_cast %scan3A_358 : i32 to index
          %get3A_397 = arith.constant 80 : index
          %get3A_398 = tpu.vector_load %arg12[%get3A_396, %get3A_397] {strides = array<i32>} : memref<64x128xf32, #tpu.memory_space<vmem>>, vector<16xf32>,
          %mul3A_399 = arith.mulf %get3A_398, %gather3A_362 : vector<16xf32>
          %swap3A_400 = arith.index_cast %scan3A_358 : i32 to index
          %swap3A_401 = arith.constant 80 : index
          %swap3A_402 = tpu.vector_load %arg12[%swap3A_400, %swap3A_401] {strides = array<i32>} : memref<64x128xf32, #tpu.memory_space<vmem>>, vector<16xf32>,
          tpu.vector_store %arg12[%swap3A_400, %swap3A_401], %mul3A_399 {strides = array<i32>} : memref<64x128xf32, #tpu.memory_space<vmem>>, vector<16xf32>,
          %get3A_403 = arith.index_cast %scan3A_358 : i32 to index
          %get3A_404 = arith.constant 96 : index
          %get3A_405 = tpu.vector_load %arg12[%get3A_403, %get3A_404] {strides = array<i32>} : memref<64x128xf32, #tpu.memory_space<vmem>>, vector<16xf32>,
          %mul3A_406 = arith.mulf %get3A_405, %gather3A_362 : vector<16xf32>
          %swap3A_407 = arith.index_cast %scan3A_358 : i32 to index
          %swap3A_408 = arith.constant 96 : index
          %swap3A_409 = tpu.vector_load %arg12[%swap3A_407, %swap3A_408] {strides = array<i32>} : memref<64x128xf32, #tpu.memory_space<vmem>>, vector<16xf32>,
          tpu.vector_store %arg12[%swap3A_407, %swap3A_408], %mul3A_406 {strides = array<i32>} : memref<64x128xf32, #tpu.memory_space<vmem>>, vector<16xf32>,
          %get3A_410 = arith.index_cast %scan3A_358 : i32 to index
          %get3A_411 = arith.constant 112 : index
          %get3A_412 = tpu.vector_load %arg12[%get3A_410, %get3A_411] {strides = array<i32>} : memref<64x128xf32, #tpu.memory_space<vmem>>, vector<16xf32>,
          %mul3A_413 = arith.mulf %get3A_412, %gather3A_362 : vector<16xf32>
          %swap3A_414 = arith.index_cast %scan3A_358 : i32 to index
          %swap3A_415 = arith.constant 112 : index
          %swap3A_416 = tpu.vector_load %arg12[%swap3A_414, %swap3A_415] {strides = array<i32>} : memref<64x128xf32, #tpu.memory_space<vmem>>, vector<16xf32>,
          tpu.vector_store %arg12[%swap3A_414, %swap3A_415], %mul3A_413 {strides = array<i32>} : memref<64x128xf32, #tpu.memory_space<vmem>>, vector<16xf32>,
          %scan3A_417 = arith.constant 1 : i32
          %scan3A_418 = arith.addi %scan3A_358, %scan3A_417 : i32
          %broadcast_in_dim3A_419 = vector.broadcast %scan3A_418 : i32 to vector<16xi32>
          %gather3A_420 = arith.constant 0 : i32
          %gather3A_421 = tpu.memref_slice %arg10[%add3A_255, %gather3A_420] : memref<40x64xf32, #tpu.memory_space<vmem>> -> memref<1x64xf32, #tpu.memory_space<vmem>>
          %gather3A_422 = tpu.memref_squeeze %gather3A_421 : memref<1x64xf32, #tpu.memory_space<vmem>> -> memref<64xf32, #tpu.memory_space<vmem>>
          %gather3A_423 = tpu.vector_load_idx %gather3A_422[%broadcast_in_dim3A_419] : memref<64xf32, #tpu.memory_space<vmem>>[vector<16xi32>], vector<16xf32>,
          %get3A_424 = arith.index_cast %scan3A_418 : i32 to index
          %get3A_425 = arith.constant 0 : index
          %get3A_426 = tpu.vector_load %arg12[%get3A_424, %get3A_425] {strides = array<i32>} : memref<64x128xf32, #tpu.memory_space<vmem>>, vector<16xf32>,
          %mul3A_427 = arith.mulf %get3A_426, %gather3A_423 : vector<16xf32>
          %swap3A_428 = arith.index_cast %scan3A_418 : i32 to index
          %swap3A_429 = arith.constant 0 : index
          %swap3A_430 = tpu.vector_load %arg12[%swap3A_428, %swap3A_429] {strides = array<i32>} : memref<64x128xf32, #tpu.memory_space<vmem>>, vector<16xf32>,
          tpu.vector_store %arg12[%swap3A_428, %swap3A_429], %mul3A_427 {strides = array<i32>} : memref<64x128xf32, #tpu.memory_space<vmem>>, vector<16xf32>,
          %get3A_431 = arith.index_cast %scan3A_418 : i32 to index
          %get3A_432 = arith.constant 16 : index
          %get3A_433 = tpu.vector_load %arg12[%get3A_431, %get3A_432] {strides = array<i32>} : memref<64x128xf32, #tpu.memory_space<vmem>>, vector<16xf32>,
          %mul3A_434 = arith.mulf %get3A_433, %gather3A_423 : vector<16xf32>
          %swap3A_435 = arith.index_cast %scan3A_418 : i32 to index
          %swap3A_436 = arith.constant 16 : index
          %swap3A_437 = tpu.vector_load %arg12[%swap3A_435, %swap3A_436] {strides = array<i32>} : memref<64x128xf32, #tpu.memory_space<vmem>>, vector<16xf32>,
          tpu.vector_store %arg12[%swap3A_435, %swap3A_436], %mul3A_434 {strides = array<i32>} : memref<64x128xf32, #tpu.memory_space<vmem>>, vector<16xf32>,
          %get3A_438 = arith.index_cast %scan3A_418 : i32 to index
          %get3A_439 = arith.constant 32 : index
          %get3A_440 = tpu.vector_load %arg12[%get3A_438, %get3A_439] {strides = array<i32>} : memref<64x128xf32, #tpu.memory_space<vmem>>, vector<16xf32>,
          %mul3A_441 = arith.mulf %get3A_440, %gather3A_423 : vector<16xf32>
          %swap3A_442 = arith.index_cast %scan3A_418 : i32 to index
          %swap3A_443 = arith.constant 32 : index
          %swap3A_444 = tpu.vector_load %arg12[%swap3A_442, %swap3A_443] {strides = array<i32>} : memref<64x128xf32, #tpu.memory_space<vmem>>, vector<16xf32>,
          tpu.vector_store %arg12[%swap3A_442, %swap3A_443], %mul3A_441 {strides = array<i32>} : memref<64x128xf32, #tpu.memory_space<vmem>>, vector<16xf32>,
          %get3A_445 = arith.index_cast %scan3A_418 : i32 to index
          %get3A_446 = arith.constant 48 : index
          %get3A_447 = tpu.vector_load %arg12[%get3A_445, %get3A_446] {strides = array<i32>} : memref<64x128xf32, #tpu.memory_space<vmem>>, vector<16xf32>,
          %mul3A_448 = arith.mulf %get3A_447, %gather3A_423 : vector<16xf32>
          %swap3A_449 = arith.index_cast %scan3A_418 : i32 to index
          %swap3A_450 = arith.constant 48 : index
          %swap3A_451 = tpu.vector_load %arg12[%swap3A_449, %swap3A_450] {strides = array<i32>} : memref<64x128xf32, #tpu.memory_space<vmem>>, vector<16xf32>,
          tpu.vector_store %arg12[%swap3A_449, %swap3A_450], %mul3A_448 {strides = array<i32>} : memref<64x128xf32, #tpu.memory_space<vmem>>, vector<16xf32>,
          %get3A_452 = arith.index_cast %scan3A_418 : i32 to index
          %get3A_453 = arith.constant 64 : index
          %get3A_454 = tpu.vector_load %arg12[%get3A_452, %get3A_453] {strides = array<i32>} : memref<64x128xf32, #tpu.memory_space<vmem>>, vector<16xf32>,
          %mul3A_455 = arith.mulf %get3A_454, %gather3A_423 : vector<16xf32>
          %swap3A_456 = arith.index_cast %scan3A_418 : i32 to index
          %swap3A_457 = arith.constant 64 : index
          %swap3A_458 = tpu.vector_load %arg12[%swap3A_456, %swap3A_457] {strides = array<i32>} : memref<64x128xf32, #tpu.memory_space<vmem>>, vector<16xf32>,
          tpu.vector_store %arg12[%swap3A_456, %swap3A_457], %mul3A_455 {strides = array<i32>} : memref<64x128xf32, #tpu.memory_space<vmem>>, vector<16xf32>,
          %get3A_459 = arith.index_cast %scan3A_418 : i32 to index
          %get3A_460 = arith.constant 80 : index
          %get3A_461 = tpu.vector_load %arg12[%get3A_459, %get3A_460] {strides = array<i32>} : memref<64x128xf32, #tpu.memory_space<vmem>>, vector<16xf32>,
          %mul3A_462 = arith.mulf %get3A_461, %gather3A_423 : vector<16xf32>
          %swap3A_463 = arith.index_cast %scan3A_418 : i32 to index
          %swap3A_464 = arith.constant 80 : index
          %swap3A_465 = tpu.vector_load %arg12[%swap3A_463, %swap3A_464] {strides = array<i32>} : memref<64x128xf32, #tpu.memory_space<vmem>>, vector<16xf32>,
          tpu.vector_store %arg12[%swap3A_463, %swap3A_464], %mul3A_462 {strides = array<i32>} : memref<64x128xf32, #tpu.memory_space<vmem>>, vector<16xf32>,
          %get3A_466 = arith.index_cast %scan3A_418 : i32 to index
          %get3A_467 = arith.constant 96 : index
          %get3A_468 = tpu.vector_load %arg12[%get3A_466, %get3A_467] {strides = array<i32>} : memref<64x128xf32, #tpu.memory_space<vmem>>, vector<16xf32>,
          %mul3A_469 = arith.mulf %get3A_468, %gather3A_423 : vector<16xf32>
          %swap3A_470 = arith.index_cast %scan3A_418 : i32 to index
          %swap3A_471 = arith.constant 96 : index
          %swap3A_472 = tpu.vector_load %arg12[%swap3A_470, %swap3A_471] {strides = array<i32>} : memref<64x128xf32, #tpu.memory_space<vmem>>, vector<16xf32>,
          tpu.vector_store %arg12[%swap3A_470, %swap3A_471], %mul3A_469 {strides = array<i32>} : memref<64x128xf32, #tpu.memory_space<vmem>>, vector<16xf32>,
          %get3A_473 = arith.index_cast %scan3A_418 : i32 to index
          %get3A_474 = arith.constant 112 : index
          %get3A_475 = tpu.vector_load %arg12[%get3A_473, %get3A_474] {strides = array<i32>} : memref<64x128xf32, #tpu.memory_space<vmem>>, vector<16xf32>,
          %mul3A_476 = arith.mulf %get3A_475, %gather3A_423 : vector<16xf32>
          %swap3A_477 = arith.index_cast %scan3A_418 : i32 to index
          %swap3A_478 = arith.constant 112 : index
          %swap3A_479 = tpu.vector_load %arg12[%swap3A_477, %swap3A_478] {strides = array<i32>} : memref<64x128xf32, #tpu.memory_space<vmem>>, vector<16xf32>,
          tpu.vector_store %arg12[%swap3A_477, %swap3A_478], %mul3A_476 {strides = array<i32>} : memref<64x128xf32, #tpu.memory_space<vmem>>, vector<16xf32>,
        }
        %scan3A_280 = arith.constant 64 : i32
        %dma_start3A_281 = arith.constant 0 : i32
        %dma_start3A_282 = tpu.memref_slice %arg9[%add3A_255, %dma_start3A_281] : memref<40x64xi32, #tpu.memory_space<vmem>> -> memref<1x64xi32, #tpu.memory_space<vmem>>
        %dma_start3A_283 = tpu.memref_squeeze %dma_start3A_282 : memref<1x64xi32, #tpu.memory_space<vmem>> -> memref<64xi32, #tpu.memory_space<vmem>>
        %dma_start3A_284 = arith.constant 0 : i32
        %dma_start3A_285 = arith.constant 0 : i32
        %dma_start3A_286 = tpu.memref_slice %arg7[%dma_start3A_284, %dma_start3A_285] : memref<10240x128xf32, #tpu.memory_space<vmem_shared>> -> memref<10240x128xf32, #tpu.memory_space<vmem_shared>>
        tpu.enqueue_indirect_dma source(%arg12 : memref<64x128xf32, #tpu.memory_space<vmem>>) target(%dma_start3A_286 : memref<10240x128xf32, #tpu.memory_space<vmem_shared>>) offsets(%dma_start3A_283 : memref<64xi32, #tpu.memory_space<vmem>>) semaphore(%arg20 : memref<!tpu.dma_semaphore, #tpu.memory_space<semaphore_mem>>) {add = true}
        %mul3A_287 = arith.constant 4 : i32
        %mul3A_288 = arith.muli %scan3A_219, %mul3A_287 : i32
        %add3A_289 = arith.constant 2 : i32
        %add3A_290 = arith.addi %mul3A_288, %add3A_289 : i32
        %add3A_291 = arith.constant 2 : i32
        %add3A_292 = arith.addi %add3A_290, %add3A_291 : i32
        %dma_wait3A_293 = arith.constant 0 : i32
        %dma_wait3A_294 = arith.constant 0 : i32
        %dma_wait3A_295 = tpu.memref_slice %arg9[%dma_wait3A_293, %dma_wait3A_294] : memref<40x64xi32, #tpu.memory_space<vmem>> -> memref<1x64xi32, #tpu.memory_space<vmem>>
        %dma_wait3A_296 = tpu.memref_squeeze %dma_wait3A_295 : memref<1x64xi32, #tpu.memory_space<vmem>> -> memref<64xi32, #tpu.memory_space<vmem>>
        %dma_wait3A_297 = arith.constant 0 : i32
        %dma_wait3A_298 = arith.constant 0 : i32
        %dma_wait3A_299 = tpu.memref_slice %arg7[%dma_wait3A_297, %dma_wait3A_298] : memref<10240x128xf32, #tpu.memory_space<vmem_shared>> -> memref<10240x128xf32, #tpu.memory_space<vmem_shared>>
        tpu.wait_indirect_dma semaphore(%arg19 : memref<!tpu.dma_semaphore, #tpu.memory_space<semaphore_mem>>) src(%arg11 : memref<64x128xf32, #tpu.memory_space<vmem>>) dst(%dma_wait3A_299 : memref<10240x128xf32, #tpu.memory_space<vmem_shared>>)
        %lt3A = arith.constant 9 : i32
        %lt3A_300 = arith.cmpi slt, %scan3A_219, %lt3A : i32
        %convert_element_type3A_301 = arith.extui %lt3A_300 : i1 to i32
        %cond3A_302 = arith.constant 0 : i32
        %cond3A_303 = arith.cmpi ne, %convert_element_type3A_301, %cond3A_302 : i32
        scf.if %cond3A_303 {
          %dma_start3A_358 = arith.constant 0 : i32
          %dma_start3A_359 = tpu.memref_slice %arg8[%add3A_292, %dma_start3A_358] : memref<40x64xi32, #tpu.memory_space<vmem>> -> memref<1x64xi32, #tpu.memory_space<vmem>>
          %dma_start3A_360 = tpu.memref_squeeze %dma_start3A_359 : memref<1x64xi32, #tpu.memory_space<vmem>> -> memref<64xi32, #tpu.memory_space<vmem>>
          %dma_start3A_361 = arith.constant 0 : i32
          %dma_start3A_362 = arith.constant 0 : i32
          %dma_start3A_363 = tpu.memref_slice %arg2[%dma_start3A_361, %dma_start3A_362] : memref<10240x128xf32, #tpu.memory_space<hbm>> -> memref<10240x128xf32, #tpu.memory_space<hbm>>
          tpu.enqueue_indirect_dma source(%dma_start3A_363 : memref<10240x128xf32, #tpu.memory_space<hbm>>) target(%arg11 : memref<64x128xf32, #tpu.memory_space<vmem>>) offsets(%dma_start3A_360 : memref<64xi32, #tpu.memory_space<vmem>>) semaphore(%arg15 : memref<!tpu.dma_semaphore, #tpu.memory_space<semaphore_mem>>)
        } else {
        }
        %dma_wait3A_304 = arith.constant 0 : i32
        %dma_wait3A_305 = tpu.memref_slice %arg8[%add3A_290, %dma_wait3A_304] : memref<40x64xi32, #tpu.memory_space<vmem>> -> memref<1x64xi32, #tpu.memory_space<vmem>>
        %dma_wait3A_306 = tpu.memref_squeeze %dma_wait3A_305 : memref<1x64xi32, #tpu.memory_space<vmem>> -> memref<64xi32, #tpu.memory_space<vmem>>
        %dma_wait3A_307 = arith.constant 0 : i32
        %dma_wait3A_308 = arith.constant 0 : i32
        %dma_wait3A_309 = tpu.memref_slice %arg2[%dma_wait3A_307, %dma_wait3A_308] : memref<10240x128xf32, #tpu.memory_space<hbm>> -> memref<10240x128xf32, #tpu.memory_space<hbm>>
        tpu.wait_indirect_dma semaphore(%arg17 : memref<!tpu.dma_semaphore, #tpu.memory_space<semaphore_mem>>) src(%dma_wait3A_309 : memref<10240x128xf32, #tpu.memory_space<hbm>>) dst(%arg13 : memref<64x128xf32, #tpu.memory_space<vmem>>)
        %scan3A_310 = arith.constant 0 : i32
        %scan3A_311 = arith.constant 0 : i32
        %scan3A_312 = arith.constant 64 : i32
        %scan3A_313 = arith.addi %scan3A_311, %scan3A_312 : i32
        %scan3A_314 = arith.constant 2 : i32
        scf.for %scan3A_358 = %scan3A_311 to %scan3A_313 step %scan3A_314  : i32 {
          %broadcast_in_dim3A_359 = vector.broadcast %scan3A_358 : i32 to vector<16xi32>
          %gather3A = arith.constant 0 : i32
          %gather3A_360 = tpu.memref_slice %arg10[%add3A_290, %gather3A] : memref<40x64xf32, #tpu.memory_space<vmem>> -> memref<1x64xf32, #tpu.memory_space<vmem>>
          %gather3A_361 = tpu.memref_squeeze %gather3A_360 : memref<1x64xf32, #tpu.memory_space<vmem>> -> memref<64xf32, #tpu.memory_space<vmem>>
          %gather3A_362 = tpu.vector_load_idx %gather3A_361[%broadcast_in_dim3A_359] : memref<64xf32, #tpu.memory_space<vmem>>[vector<16xi32>], vector<16xf32>,
          %get3A = arith.index_cast %scan3A_358 : i32 to index
          %get3A_363 = arith.constant 0 : index
          %get3A_364 = tpu.vector_load %arg13[%get3A, %get3A_363] {strides = array<i32>} : memref<64x128xf32, #tpu.memory_space<vmem>>, vector<16xf32>,
          %mul3A_365 = arith.mulf %get3A_364, %gather3A_362 : vector<16xf32>
          %swap3A = arith.index_cast %scan3A_358 : i32 to index
          %swap3A_366 = arith.constant 0 : index
          %swap3A_367 = tpu.vector_load %arg13[%swap3A, %swap3A_366] {strides = array<i32>} : memref<64x128xf32, #tpu.memory_space<vmem>>, vector<16xf32>,
          tpu.vector_store %arg13[%swap3A, %swap3A_366], %mul3A_365 {strides = array<i32>} : memref<64x128xf32, #tpu.memory_space<vmem>>, vector<16xf32>,
          %get3A_368 = arith.index_cast %scan3A_358 : i32 to index
          %get3A_369 = arith.constant 16 : index
          %get3A_370 = tpu.vector_load %arg13[%get3A_368, %get3A_369] {strides = array<i32>} : memref<64x128xf32, #tpu.memory_space<vmem>>, vector<16xf32>,
          %mul3A_371 = arith.mulf %get3A_370, %gather3A_362 : vector<16xf32>
          %swap3A_372 = arith.index_cast %scan3A_358 : i32 to index
          %swap3A_373 = arith.constant 16 : index
          %swap3A_374 = tpu.vector_load %arg13[%swap3A_372, %swap3A_373] {strides = array<i32>} : memref<64x128xf32, #tpu.memory_space<vmem>>, vector<16xf32>,
          tpu.vector_store %arg13[%swap3A_372, %swap3A_373], %mul3A_371 {strides = array<i32>} : memref<64x128xf32, #tpu.memory_space<vmem>>, vector<16xf32>,
          %get3A_375 = arith.index_cast %scan3A_358 : i32 to index
          %get3A_376 = arith.constant 32 : index
          %get3A_377 = tpu.vector_load %arg13[%get3A_375, %get3A_376] {strides = array<i32>} : memref<64x128xf32, #tpu.memory_space<vmem>>, vector<16xf32>,
          %mul3A_378 = arith.mulf %get3A_377, %gather3A_362 : vector<16xf32>
          %swap3A_379 = arith.index_cast %scan3A_358 : i32 to index
          %swap3A_380 = arith.constant 32 : index
          %swap3A_381 = tpu.vector_load %arg13[%swap3A_379, %swap3A_380] {strides = array<i32>} : memref<64x128xf32, #tpu.memory_space<vmem>>, vector<16xf32>,
          tpu.vector_store %arg13[%swap3A_379, %swap3A_380], %mul3A_378 {strides = array<i32>} : memref<64x128xf32, #tpu.memory_space<vmem>>, vector<16xf32>,
          %get3A_382 = arith.index_cast %scan3A_358 : i32 to index
          %get3A_383 = arith.constant 48 : index
          %get3A_384 = tpu.vector_load %arg13[%get3A_382, %get3A_383] {strides = array<i32>} : memref<64x128xf32, #tpu.memory_space<vmem>>, vector<16xf32>,
          %mul3A_385 = arith.mulf %get3A_384, %gather3A_362 : vector<16xf32>
          %swap3A_386 = arith.index_cast %scan3A_358 : i32 to index
          %swap3A_387 = arith.constant 48 : index
          %swap3A_388 = tpu.vector_load %arg13[%swap3A_386, %swap3A_387] {strides = array<i32>} : memref<64x128xf32, #tpu.memory_space<vmem>>, vector<16xf32>,
          tpu.vector_store %arg13[%swap3A_386, %swap3A_387], %mul3A_385 {strides = array<i32>} : memref<64x128xf32, #tpu.memory_space<vmem>>, vector<16xf32>,
          %get3A_389 = arith.index_cast %scan3A_358 : i32 to index
          %get3A_390 = arith.constant 64 : index
          %get3A_391 = tpu.vector_load %arg13[%get3A_389, %get3A_390] {strides = array<i32>} : memref<64x128xf32, #tpu.memory_space<vmem>>, vector<16xf32>,
          %mul3A_392 = arith.mulf %get3A_391, %gather3A_362 : vector<16xf32>
          %swap3A_393 = arith.index_cast %scan3A_358 : i32 to index
          %swap3A_394 = arith.constant 64 : index
          %swap3A_395 = tpu.vector_load %arg13[%swap3A_393, %swap3A_394] {strides = array<i32>} : memref<64x128xf32, #tpu.memory_space<vmem>>, vector<16xf32>,
          tpu.vector_store %arg13[%swap3A_393, %swap3A_394], %mul3A_392 {strides = array<i32>} : memref<64x128xf32, #tpu.memory_space<vmem>>, vector<16xf32>,
          %get3A_396 = arith.index_cast %scan3A_358 : i32 to index
          %get3A_397 = arith.constant 80 : index
          %get3A_398 = tpu.vector_load %arg13[%get3A_396, %get3A_397] {strides = array<i32>} : memref<64x128xf32, #tpu.memory_space<vmem>>, vector<16xf32>,
          %mul3A_399 = arith.mulf %get3A_398, %gather3A_362 : vector<16xf32>
          %swap3A_400 = arith.index_cast %scan3A_358 : i32 to index
          %swap3A_401 = arith.constant 80 : index
          %swap3A_402 = tpu.vector_load %arg13[%swap3A_400, %swap3A_401] {strides = array<i32>} : memref<64x128xf32, #tpu.memory_space<vmem>>, vector<16xf32>,
          tpu.vector_store %arg13[%swap3A_400, %swap3A_401], %mul3A_399 {strides = array<i32>} : memref<64x128xf32, #tpu.memory_space<vmem>>, vector<16xf32>,
          %get3A_403 = arith.index_cast %scan3A_358 : i32 to index
          %get3A_404 = arith.constant 96 : index
          %get3A_405 = tpu.vector_load %arg13[%get3A_403, %get3A_404] {strides = array<i32>} : memref<64x128xf32, #tpu.memory_space<vmem>>, vector<16xf32>,
          %mul3A_406 = arith.mulf %get3A_405, %gather3A_362 : vector<16xf32>
          %swap3A_407 = arith.index_cast %scan3A_358 : i32 to index
          %swap3A_408 = arith.constant 96 : index
          %swap3A_409 = tpu.vector_load %arg13[%swap3A_407, %swap3A_408] {strides = array<i32>} : memref<64x128xf32, #tpu.memory_space<vmem>>, vector<16xf32>,
          tpu.vector_store %arg13[%swap3A_407, %swap3A_408], %mul3A_406 {strides = array<i32>} : memref<64x128xf32, #tpu.memory_space<vmem>>, vector<16xf32>,
          %get3A_410 = arith.index_cast %scan3A_358 : i32 to index
          %get3A_411 = arith.constant 112 : index
          %get3A_412 = tpu.vector_load %arg13[%get3A_410, %get3A_411] {strides = array<i32>} : memref<64x128xf32, #tpu.memory_space<vmem>>, vector<16xf32>,
          %mul3A_413 = arith.mulf %get3A_412, %gather3A_362 : vector<16xf32>
          %swap3A_414 = arith.index_cast %scan3A_358 : i32 to index
          %swap3A_415 = arith.constant 112 : index
          %swap3A_416 = tpu.vector_load %arg13[%swap3A_414, %swap3A_415] {strides = array<i32>} : memref<64x128xf32, #tpu.memory_space<vmem>>, vector<16xf32>,
          tpu.vector_store %arg13[%swap3A_414, %swap3A_415], %mul3A_413 {strides = array<i32>} : memref<64x128xf32, #tpu.memory_space<vmem>>, vector<16xf32>,
          %scan3A_417 = arith.constant 1 : i32
          %scan3A_418 = arith.addi %scan3A_358, %scan3A_417 : i32
          %broadcast_in_dim3A_419 = vector.broadcast %scan3A_418 : i32 to vector<16xi32>
          %gather3A_420 = arith.constant 0 : i32
          %gather3A_421 = tpu.memref_slice %arg10[%add3A_290, %gather3A_420] : memref<40x64xf32, #tpu.memory_space<vmem>> -> memref<1x64xf32, #tpu.memory_space<vmem>>
          %gather3A_422 = tpu.memref_squeeze %gather3A_421 : memref<1x64xf32, #tpu.memory_space<vmem>> -> memref<64xf32, #tpu.memory_space<vmem>>
          %gather3A_423 = tpu.vector_load_idx %gather3A_422[%broadcast_in_dim3A_419] : memref<64xf32, #tpu.memory_space<vmem>>[vector<16xi32>], vector<16xf32>,
          %get3A_424 = arith.index_cast %scan3A_418 : i32 to index
          %get3A_425 = arith.constant 0 : index
          %get3A_426 = tpu.vector_load %arg13[%get3A_424, %get3A_425] {strides = array<i32>} : memref<64x128xf32, #tpu.memory_space<vmem>>, vector<16xf32>,
          %mul3A_427 = arith.mulf %get3A_426, %gather3A_423 : vector<16xf32>
          %swap3A_428 = arith.index_cast %scan3A_418 : i32 to index
          %swap3A_429 = arith.constant 0 : index
          %swap3A_430 = tpu.vector_load %arg13[%swap3A_428, %swap3A_429] {strides = array<i32>} : memref<64x128xf32, #tpu.memory_space<vmem>>, vector<16xf32>,
          tpu.vector_store %arg13[%swap3A_428, %swap3A_429], %mul3A_427 {strides = array<i32>} : memref<64x128xf32, #tpu.memory_space<vmem>>, vector<16xf32>,
          %get3A_431 = arith.index_cast %scan3A_418 : i32 to index
          %get3A_432 = arith.constant 16 : index
          %get3A_433 = tpu.vector_load %arg13[%get3A_431, %get3A_432] {strides = array<i32>} : memref<64x128xf32, #tpu.memory_space<vmem>>, vector<16xf32>,
          %mul3A_434 = arith.mulf %get3A_433, %gather3A_423 : vector<16xf32>
          %swap3A_435 = arith.index_cast %scan3A_418 : i32 to index
          %swap3A_436 = arith.constant 16 : index
          %swap3A_437 = tpu.vector_load %arg13[%swap3A_435, %swap3A_436] {strides = array<i32>} : memref<64x128xf32, #tpu.memory_space<vmem>>, vector<16xf32>,
          tpu.vector_store %arg13[%swap3A_435, %swap3A_436], %mul3A_434 {strides = array<i32>} : memref<64x128xf32, #tpu.memory_space<vmem>>, vector<16xf32>,
          %get3A_438 = arith.index_cast %scan3A_418 : i32 to index
          %get3A_439 = arith.constant 32 : index
          %get3A_440 = tpu.vector_load %arg13[%get3A_438, %get3A_439] {strides = array<i32>} : memref<64x128xf32, #tpu.memory_space<vmem>>, vector<16xf32>,
          %mul3A_441 = arith.mulf %get3A_440, %gather3A_423 : vector<16xf32>
          %swap3A_442 = arith.index_cast %scan3A_418 : i32 to index
          %swap3A_443 = arith.constant 32 : index
          %swap3A_444 = tpu.vector_load %arg13[%swap3A_442, %swap3A_443] {strides = array<i32>} : memref<64x128xf32, #tpu.memory_space<vmem>>, vector<16xf32>,
          tpu.vector_store %arg13[%swap3A_442, %swap3A_443], %mul3A_441 {strides = array<i32>} : memref<64x128xf32, #tpu.memory_space<vmem>>, vector<16xf32>,
          %get3A_445 = arith.index_cast %scan3A_418 : i32 to index
          %get3A_446 = arith.constant 48 : index
          %get3A_447 = tpu.vector_load %arg13[%get3A_445, %get3A_446] {strides = array<i32>} : memref<64x128xf32, #tpu.memory_space<vmem>>, vector<16xf32>,
          %mul3A_448 = arith.mulf %get3A_447, %gather3A_423 : vector<16xf32>
          %swap3A_449 = arith.index_cast %scan3A_418 : i32 to index
          %swap3A_450 = arith.constant 48 : index
          %swap3A_451 = tpu.vector_load %arg13[%swap3A_449, %swap3A_450] {strides = array<i32>} : memref<64x128xf32, #tpu.memory_space<vmem>>, vector<16xf32>,
          tpu.vector_store %arg13[%swap3A_449, %swap3A_450], %mul3A_448 {strides = array<i32>} : memref<64x128xf32, #tpu.memory_space<vmem>>, vector<16xf32>,
          %get3A_452 = arith.index_cast %scan3A_418 : i32 to index
          %get3A_453 = arith.constant 64 : index
          %get3A_454 = tpu.vector_load %arg13[%get3A_452, %get3A_453] {strides = array<i32>} : memref<64x128xf32, #tpu.memory_space<vmem>>, vector<16xf32>,
          %mul3A_455 = arith.mulf %get3A_454, %gather3A_423 : vector<16xf32>
          %swap3A_456 = arith.index_cast %scan3A_418 : i32 to index
          %swap3A_457 = arith.constant 64 : index
          %swap3A_458 = tpu.vector_load %arg13[%swap3A_456, %swap3A_457] {strides = array<i32>} : memref<64x128xf32, #tpu.memory_space<vmem>>, vector<16xf32>,
          tpu.vector_store %arg13[%swap3A_456, %swap3A_457], %mul3A_455 {strides = array<i32>} : memref<64x128xf32, #tpu.memory_space<vmem>>, vector<16xf32>,
          %get3A_459 = arith.index_cast %scan3A_418 : i32 to index
          %get3A_460 = arith.constant 80 : index
          %get3A_461 = tpu.vector_load %arg13[%get3A_459, %get3A_460] {strides = array<i32>} : memref<64x128xf32, #tpu.memory_space<vmem>>, vector<16xf32>,
          %mul3A_462 = arith.mulf %get3A_461, %gather3A_423 : vector<16xf32>
          %swap3A_463 = arith.index_cast %scan3A_418 : i32 to index
          %swap3A_464 = arith.constant 80 : index
          %swap3A_465 = tpu.vector_load %arg13[%swap3A_463, %swap3A_464] {strides = array<i32>} : memref<64x128xf32, #tpu.memory_space<vmem>>, vector<16xf32>,
          tpu.vector_store %arg13[%swap3A_463, %swap3A_464], %mul3A_462 {strides = array<i32>} : memref<64x128xf32, #tpu.memory_space<vmem>>, vector<16xf32>,
          %get3A_466 = arith.index_cast %scan3A_418 : i32 to index
          %get3A_467 = arith.constant 96 : index
          %get3A_468 = tpu.vector_load %arg13[%get3A_466, %get3A_467] {strides = array<i32>} : memref<64x128xf32, #tpu.memory_space<vmem>>, vector<16xf32>,
          %mul3A_469 = arith.mulf %get3A_468, %gather3A_423 : vector<16xf32>
          %swap3A_470 = arith.index_cast %scan3A_418 : i32 to index
          %swap3A_471 = arith.constant 96 : index
          %swap3A_472 = tpu.vector_load %arg13[%swap3A_470, %swap3A_471] {strides = array<i32>} : memref<64x128xf32, #tpu.memory_space<vmem>>, vector<16xf32>,
          tpu.vector_store %arg13[%swap3A_470, %swap3A_471], %mul3A_469 {strides = array<i32>} : memref<64x128xf32, #tpu.memory_space<vmem>>, vector<16xf32>,
          %get3A_473 = arith.index_cast %scan3A_418 : i32 to index
          %get3A_474 = arith.constant 112 : index
          %get3A_475 = tpu.vector_load %arg13[%get3A_473, %get3A_474] {strides = array<i32>} : memref<64x128xf32, #tpu.memory_space<vmem>>, vector<16xf32>,
          %mul3A_476 = arith.mulf %get3A_475, %gather3A_423 : vector<16xf32>
          %swap3A_477 = arith.index_cast %scan3A_418 : i32 to index
          %swap3A_478 = arith.constant 112 : index
          %swap3A_479 = tpu.vector_load %arg13[%swap3A_477, %swap3A_478] {strides = array<i32>} : memref<64x128xf32, #tpu.memory_space<vmem>>, vector<16xf32>,
          tpu.vector_store %arg13[%swap3A_477, %swap3A_478], %mul3A_476 {strides = array<i32>} : memref<64x128xf32, #tpu.memory_space<vmem>>, vector<16xf32>,
        }
        %scan3A_315 = arith.constant 64 : i32
        %dma_start3A_316 = arith.constant 0 : i32
        %dma_start3A_317 = tpu.memref_slice %arg9[%add3A_290, %dma_start3A_316] : memref<40x64xi32, #tpu.memory_space<vmem>> -> memref<1x64xi32, #tpu.memory_space<vmem>>
        %dma_start3A_318 = tpu.memref_squeeze %dma_start3A_317 : memref<1x64xi32, #tpu.memory_space<vmem>> -> memref<64xi32, #tpu.memory_space<vmem>>
        %dma_start3A_319 = arith.constant 0 : i32
        %dma_start3A_320 = arith.constant 0 : i32
        %dma_start3A_321 = tpu.memref_slice %arg7[%dma_start3A_319, %dma_start3A_320] : memref<10240x128xf32, #tpu.memory_space<vmem_shared>> -> memref<10240x128xf32, #tpu.memory_space<vmem_shared>>
        tpu.enqueue_indirect_dma source(%arg13 : memref<64x128xf32, #tpu.memory_space<vmem>>) target(%dma_start3A_321 : memref<10240x128xf32, #tpu.memory_space<vmem_shared>>) offsets(%dma_start3A_318 : memref<64xi32, #tpu.memory_space<vmem>>) semaphore(%arg21 : memref<!tpu.dma_semaphore, #tpu.memory_space<semaphore_mem>>) {add = true}
        %mul3A_322 = arith.constant 4 : i32
        %mul3A_323 = arith.muli %scan3A_219, %mul3A_322 : i32
        %add3A_324 = arith.constant 3 : i32
        %add3A_325 = arith.addi %mul3A_323, %add3A_324 : i32
        %add3A_326 = arith.constant 2 : i32
        %add3A_327 = arith.addi %add3A_325, %add3A_326 : i32
        %dma_wait3A_328 = arith.constant 0 : i32
        %dma_wait3A_329 = arith.constant 0 : i32
        %dma_wait3A_330 = tpu.memref_slice %arg9[%dma_wait3A_328, %dma_wait3A_329] : memref<40x64xi32, #tpu.memory_space<vmem>> -> memref<1x64xi32, #tpu.memory_space<vmem>>
        %dma_wait3A_331 = tpu.memref_squeeze %dma_wait3A_330 : memref<1x64xi32, #tpu.memory_space<vmem>> -> memref<64xi32, #tpu.memory_space<vmem>>
        %dma_wait3A_332 = arith.constant 0 : i32
        %dma_wait3A_333 = arith.constant 0 : i32
        %dma_wait3A_334 = tpu.memref_slice %arg7[%dma_wait3A_332, %dma_wait3A_333] : memref<10240x128xf32, #tpu.memory_space<vmem_shared>> -> memref<10240x128xf32, #tpu.memory_space<vmem_shared>>
        tpu.wait_indirect_dma semaphore(%arg20 : memref<!tpu.dma_semaphore, #tpu.memory_space<semaphore_mem>>) src(%arg12 : memref<64x128xf32, #tpu.memory_space<vmem>>) dst(%dma_wait3A_334 : memref<10240x128xf32, #tpu.memory_space<vmem_shared>>)
        %lt3A_335 = arith.constant 9 : i32
        %lt3A_336 = arith.cmpi slt, %scan3A_219, %lt3A_335 : i32
        %convert_element_type3A_337 = arith.extui %lt3A_336 : i1 to i32
        %cond3A_338 = arith.constant 0 : i32
        %cond3A_339 = arith.cmpi ne, %convert_element_type3A_337, %cond3A_338 : i32
        scf.if %cond3A_339 {
          %dma_start3A_358 = arith.constant 0 : i32
          %dma_start3A_359 = tpu.memref_slice %arg8[%add3A_327, %dma_start3A_358] : memref<40x64xi32, #tpu.memory_space<vmem>> -> memref<1x64xi32, #tpu.memory_space<vmem>>
          %dma_start3A_360 = tpu.memref_squeeze %dma_start3A_359 : memref<1x64xi32, #tpu.memory_space<vmem>> -> memref<64xi32, #tpu.memory_space<vmem>>
          %dma_start3A_361 = arith.constant 0 : i32
          %dma_start3A_362 = arith.constant 0 : i32
          %dma_start3A_363 = tpu.memref_slice %arg2[%dma_start3A_361, %dma_start3A_362] : memref<10240x128xf32, #tpu.memory_space<hbm>> -> memref<10240x128xf32, #tpu.memory_space<hbm>>
          tpu.enqueue_indirect_dma source(%dma_start3A_363 : memref<10240x128xf32, #tpu.memory_space<hbm>>) target(%arg12 : memref<64x128xf32, #tpu.memory_space<vmem>>) offsets(%dma_start3A_360 : memref<64xi32, #tpu.memory_space<vmem>>) semaphore(%arg16 : memref<!tpu.dma_semaphore, #tpu.memory_space<semaphore_mem>>)
        } else {
        }
        %dma_wait3A_340 = arith.constant 0 : i32
        %dma_wait3A_341 = tpu.memref_slice %arg8[%add3A_325, %dma_wait3A_340] : memref<40x64xi32, #tpu.memory_space<vmem>> -> memref<1x64xi32, #tpu.memory_space<vmem>>
        %dma_wait3A_342 = tpu.memref_squeeze %dma_wait3A_341 : memref<1x64xi32, #tpu.memory_space<vmem>> -> memref<64xi32, #tpu.memory_space<vmem>>
        %dma_wait3A_343 = arith.constant 0 : i32
        %dma_wait3A_344 = arith.constant 0 : i32
        %dma_wait3A_345 = tpu.memref_slice %arg2[%dma_wait3A_343, %dma_wait3A_344] : memref<10240x128xf32, #tpu.memory_space<hbm>> -> memref<10240x128xf32, #tpu.memory_space<hbm>>
        tpu.wait_indirect_dma semaphore(%arg18 : memref<!tpu.dma_semaphore, #tpu.memory_space<semaphore_mem>>) src(%dma_wait3A_345 : memref<10240x128xf32, #tpu.memory_space<hbm>>) dst(%arg14 : memref<64x128xf32, #tpu.memory_space<vmem>>)
        %scan3A_346 = arith.constant 0 : i32
        %scan3A_347 = arith.constant 0 : i32
        %scan3A_348 = arith.constant 64 : i32
        %scan3A_349 = arith.addi %scan3A_347, %scan3A_348 : i32
        %scan3A_350 = arith.constant 2 : i32
        scf.for %scan3A_358 = %scan3A_347 to %scan3A_349 step %scan3A_350  : i32 {
          %broadcast_in_dim3A_359 = vector.broadcast %scan3A_358 : i32 to vector<16xi32>
          %gather3A = arith.constant 0 : i32
          %gather3A_360 = tpu.memref_slice %arg10[%add3A_325, %gather3A] : memref<40x64xf32, #tpu.memory_space<vmem>> -> memref<1x64xf32, #tpu.memory_space<vmem>>
          %gather3A_361 = tpu.memref_squeeze %gather3A_360 : memref<1x64xf32, #tpu.memory_space<vmem>> -> memref<64xf32, #tpu.memory_space<vmem>>
          %gather3A_362 = tpu.vector_load_idx %gather3A_361[%broadcast_in_dim3A_359] : memref<64xf32, #tpu.memory_space<vmem>>[vector<16xi32>], vector<16xf32>,
          %get3A = arith.index_cast %scan3A_358 : i32 to index
          %get3A_363 = arith.constant 0 : index
          %get3A_364 = tpu.vector_load %arg14[%get3A, %get3A_363] {strides = array<i32>} : memref<64x128xf32, #tpu.memory_space<vmem>>, vector<16xf32>,
          %mul3A_365 = arith.mulf %get3A_364, %gather3A_362 : vector<16xf32>
          %swap3A = arith.index_cast %scan3A_358 : i32 to index
          %swap3A_366 = arith.constant 0 : index
          %swap3A_367 = tpu.vector_load %arg14[%swap3A, %swap3A_366] {strides = array<i32>} : memref<64x128xf32, #tpu.memory_space<vmem>>, vector<16xf32>,
          tpu.vector_store %arg14[%swap3A, %swap3A_366], %mul3A_365 {strides = array<i32>} : memref<64x128xf32, #tpu.memory_space<vmem>>, vector<16xf32>,
          %get3A_368 = arith.index_cast %scan3A_358 : i32 to index
          %get3A_369 = arith.constant 16 : index
          %get3A_370 = tpu.vector_load %arg14[%get3A_368, %get3A_369] {strides = array<i32>} : memref<64x128xf32, #tpu.memory_space<vmem>>, vector<16xf32>,
          %mul3A_371 = arith.mulf %get3A_370, %gather3A_362 : vector<16xf32>
          %swap3A_372 = arith.index_cast %scan3A_358 : i32 to index
          %swap3A_373 = arith.constant 16 : index
          %swap3A_374 = tpu.vector_load %arg14[%swap3A_372, %swap3A_373] {strides = array<i32>} : memref<64x128xf32, #tpu.memory_space<vmem>>, vector<16xf32>,
          tpu.vector_store %arg14[%swap3A_372, %swap3A_373], %mul3A_371 {strides = array<i32>} : memref<64x128xf32, #tpu.memory_space<vmem>>, vector<16xf32>,
          %get3A_375 = arith.index_cast %scan3A_358 : i32 to index
          %get3A_376 = arith.constant 32 : index
          %get3A_377 = tpu.vector_load %arg14[%get3A_375, %get3A_376] {strides = array<i32>} : memref<64x128xf32, #tpu.memory_space<vmem>>, vector<16xf32>,
          %mul3A_378 = arith.mulf %get3A_377, %gather3A_362 : vector<16xf32>
          %swap3A_379 = arith.index_cast %scan3A_358 : i32 to index
          %swap3A_380 = arith.constant 32 : index
          %swap3A_381 = tpu.vector_load %arg14[%swap3A_379, %swap3A_380] {strides = array<i32>} : memref<64x128xf32, #tpu.memory_space<vmem>>, vector<16xf32>,
          tpu.vector_store %arg14[%swap3A_379, %swap3A_380], %mul3A_378 {strides = array<i32>} : memref<64x128xf32, #tpu.memory_space<vmem>>, vector<16xf32>,
          %get3A_382 = arith.index_cast %scan3A_358 : i32 to index
          %get3A_383 = arith.constant 48 : index
          %get3A_384 = tpu.vector_load %arg14[%get3A_382, %get3A_383] {strides = array<i32>} : memref<64x128xf32, #tpu.memory_space<vmem>>, vector<16xf32>,
          %mul3A_385 = arith.mulf %get3A_384, %gather3A_362 : vector<16xf32>
          %swap3A_386 = arith.index_cast %scan3A_358 : i32 to index
          %swap3A_387 = arith.constant 48 : index
          %swap3A_388 = tpu.vector_load %arg14[%swap3A_386, %swap3A_387] {strides = array<i32>} : memref<64x128xf32, #tpu.memory_space<vmem>>, vector<16xf32>,
          tpu.vector_store %arg14[%swap3A_386, %swap3A_387], %mul3A_385 {strides = array<i32>} : memref<64x128xf32, #tpu.memory_space<vmem>>, vector<16xf32>,
          %get3A_389 = arith.index_cast %scan3A_358 : i32 to index
          %get3A_390 = arith.constant 64 : index
          %get3A_391 = tpu.vector_load %arg14[%get3A_389, %get3A_390] {strides = array<i32>} : memref<64x128xf32, #tpu.memory_space<vmem>>, vector<16xf32>,
          %mul3A_392 = arith.mulf %get3A_391, %gather3A_362 : vector<16xf32>
          %swap3A_393 = arith.index_cast %scan3A_358 : i32 to index
          %swap3A_394 = arith.constant 64 : index
          %swap3A_395 = tpu.vector_load %arg14[%swap3A_393, %swap3A_394] {strides = array<i32>} : memref<64x128xf32, #tpu.memory_space<vmem>>, vector<16xf32>,
          tpu.vector_store %arg14[%swap3A_393, %swap3A_394], %mul3A_392 {strides = array<i32>} : memref<64x128xf32, #tpu.memory_space<vmem>>, vector<16xf32>,
          %get3A_396 = arith.index_cast %scan3A_358 : i32 to index
          %get3A_397 = arith.constant 80 : index
          %get3A_398 = tpu.vector_load %arg14[%get3A_396, %get3A_397] {strides = array<i32>} : memref<64x128xf32, #tpu.memory_space<vmem>>, vector<16xf32>,
          %mul3A_399 = arith.mulf %get3A_398, %gather3A_362 : vector<16xf32>
          %swap3A_400 = arith.index_cast %scan3A_358 : i32 to index
          %swap3A_401 = arith.constant 80 : index
          %swap3A_402 = tpu.vector_load %arg14[%swap3A_400, %swap3A_401] {strides = array<i32>} : memref<64x128xf32, #tpu.memory_space<vmem>>, vector<16xf32>,
          tpu.vector_store %arg14[%swap3A_400, %swap3A_401], %mul3A_399 {strides = array<i32>} : memref<64x128xf32, #tpu.memory_space<vmem>>, vector<16xf32>,
          %get3A_403 = arith.index_cast %scan3A_358 : i32 to index
          %get3A_404 = arith.constant 96 : index
          %get3A_405 = tpu.vector_load %arg14[%get3A_403, %get3A_404] {strides = array<i32>} : memref<64x128xf32, #tpu.memory_space<vmem>>, vector<16xf32>,
          %mul3A_406 = arith.mulf %get3A_405, %gather3A_362 : vector<16xf32>
          %swap3A_407 = arith.index_cast %scan3A_358 : i32 to index
          %swap3A_408 = arith.constant 96 : index
          %swap3A_409 = tpu.vector_load %arg14[%swap3A_407, %swap3A_408] {strides = array<i32>} : memref<64x128xf32, #tpu.memory_space<vmem>>, vector<16xf32>,
          tpu.vector_store %arg14[%swap3A_407, %swap3A_408], %mul3A_406 {strides = array<i32>} : memref<64x128xf32, #tpu.memory_space<vmem>>, vector<16xf32>,
          %get3A_410 = arith.index_cast %scan3A_358 : i32 to index
          %get3A_411 = arith.constant 112 : index
          %get3A_412 = tpu.vector_load %arg14[%get3A_410, %get3A_411] {strides = array<i32>} : memref<64x128xf32, #tpu.memory_space<vmem>>, vector<16xf32>,
          %mul3A_413 = arith.mulf %get3A_412, %gather3A_362 : vector<16xf32>
          %swap3A_414 = arith.index_cast %scan3A_358 : i32 to index
          %swap3A_415 = arith.constant 112 : index
          %swap3A_416 = tpu.vector_load %arg14[%swap3A_414, %swap3A_415] {strides = array<i32>} : memref<64x128xf32, #tpu.memory_space<vmem>>, vector<16xf32>,
          tpu.vector_store %arg14[%swap3A_414, %swap3A_415], %mul3A_413 {strides = array<i32>} : memref<64x128xf32, #tpu.memory_space<vmem>>, vector<16xf32>,
          %scan3A_417 = arith.constant 1 : i32
          %scan3A_418 = arith.addi %scan3A_358, %scan3A_417 : i32
          %broadcast_in_dim3A_419 = vector.broadcast %scan3A_418 : i32 to vector<16xi32>
          %gather3A_420 = arith.constant 0 : i32
          %gather3A_421 = tpu.memref_slice %arg10[%add3A_325, %gather3A_420] : memref<40x64xf32, #tpu.memory_space<vmem>> -> memref<1x64xf32, #tpu.memory_space<vmem>>
          %gather3A_422 = tpu.memref_squeeze %gather3A_421 : memref<1x64xf32, #tpu.memory_space<vmem>> -> memref<64xf32, #tpu.memory_space<vmem>>
          %gather3A_423 = tpu.vector_load_idx %gather3A_422[%broadcast_in_dim3A_419] : memref<64xf32, #tpu.memory_space<vmem>>[vector<16xi32>], vector<16xf32>,
          %get3A_424 = arith.index_cast %scan3A_418 : i32 to index
          %get3A_425 = arith.constant 0 : index
          %get3A_426 = tpu.vector_load %arg14[%get3A_424, %get3A_425] {strides = array<i32>} : memref<64x128xf32, #tpu.memory_space<vmem>>, vector<16xf32>,
          %mul3A_427 = arith.mulf %get3A_426, %gather3A_423 : vector<16xf32>
          %swap3A_428 = arith.index_cast %scan3A_418 : i32 to index
          %swap3A_429 = arith.constant 0 : index
          %swap3A_430 = tpu.vector_load %arg14[%swap3A_428, %swap3A_429] {strides = array<i32>} : memref<64x128xf32, #tpu.memory_space<vmem>>, vector<16xf32>,
          tpu.vector_store %arg14[%swap3A_428, %swap3A_429], %mul3A_427 {strides = array<i32>} : memref<64x128xf32, #tpu.memory_space<vmem>>, vector<16xf32>,
          %get3A_431 = arith.index_cast %scan3A_418 : i32 to index
          %get3A_432 = arith.constant 16 : index
          %get3A_433 = tpu.vector_load %arg14[%get3A_431, %get3A_432] {strides = array<i32>} : memref<64x128xf32, #tpu.memory_space<vmem>>, vector<16xf32>,
          %mul3A_434 = arith.mulf %get3A_433, %gather3A_423 : vector<16xf32>
          %swap3A_435 = arith.index_cast %scan3A_418 : i32 to index
          %swap3A_436 = arith.constant 16 : index
          %swap3A_437 = tpu.vector_load %arg14[%swap3A_435, %swap3A_436] {strides = array<i32>} : memref<64x128xf32, #tpu.memory_space<vmem>>, vector<16xf32>,
          tpu.vector_store %arg14[%swap3A_435, %swap3A_436], %mul3A_434 {strides = array<i32>} : memref<64x128xf32, #tpu.memory_space<vmem>>, vector<16xf32>,
          %get3A_438 = arith.index_cast %scan3A_418 : i32 to index
          %get3A_439 = arith.constant 32 : index
          %get3A_440 = tpu.vector_load %arg14[%get3A_438, %get3A_439] {strides = array<i32>} : memref<64x128xf32, #tpu.memory_space<vmem>>, vector<16xf32>,
          %mul3A_441 = arith.mulf %get3A_440, %gather3A_423 : vector<16xf32>
          %swap3A_442 = arith.index_cast %scan3A_418 : i32 to index
          %swap3A_443 = arith.constant 32 : index
          %swap3A_444 = tpu.vector_load %arg14[%swap3A_442, %swap3A_443] {strides = array<i32>} : memref<64x128xf32, #tpu.memory_space<vmem>>, vector<16xf32>,
          tpu.vector_store %arg14[%swap3A_442, %swap3A_443], %mul3A_441 {strides = array<i32>} : memref<64x128xf32, #tpu.memory_space<vmem>>, vector<16xf32>,
          %get3A_445 = arith.index_cast %scan3A_418 : i32 to index
          %get3A_446 = arith.constant 48 : index
          %get3A_447 = tpu.vector_load %arg14[%get3A_445, %get3A_446] {strides = array<i32>} : memref<64x128xf32, #tpu.memory_space<vmem>>, vector<16xf32>,
          %mul3A_448 = arith.mulf %get3A_447, %gather3A_423 : vector<16xf32>
          %swap3A_449 = arith.index_cast %scan3A_418 : i32 to index
          %swap3A_450 = arith.constant 48 : index
          %swap3A_451 = tpu.vector_load %arg14[%swap3A_449, %swap3A_450] {strides = array<i32>} : memref<64x128xf32, #tpu.memory_space<vmem>>, vector<16xf32>,
          tpu.vector_store %arg14[%swap3A_449, %swap3A_450], %mul3A_448 {strides = array<i32>} : memref<64x128xf32, #tpu.memory_space<vmem>>, vector<16xf32>,
          %get3A_452 = arith.index_cast %scan3A_418 : i32 to index
          %get3A_453 = arith.constant 64 : index
          %get3A_454 = tpu.vector_load %arg14[%get3A_452, %get3A_453] {strides = array<i32>} : memref<64x128xf32, #tpu.memory_space<vmem>>, vector<16xf32>,
          %mul3A_455 = arith.mulf %get3A_454, %gather3A_423 : vector<16xf32>
          %swap3A_456 = arith.index_cast %scan3A_418 : i32 to index
          %swap3A_457 = arith.constant 64 : index
          %swap3A_458 = tpu.vector_load %arg14[%swap3A_456, %swap3A_457] {strides = array<i32>} : memref<64x128xf32, #tpu.memory_space<vmem>>, vector<16xf32>,
          tpu.vector_store %arg14[%swap3A_456, %swap3A_457], %mul3A_455 {strides = array<i32>} : memref<64x128xf32, #tpu.memory_space<vmem>>, vector<16xf32>,
          %get3A_459 = arith.index_cast %scan3A_418 : i32 to index
          %get3A_460 = arith.constant 80 : index
          %get3A_461 = tpu.vector_load %arg14[%get3A_459, %get3A_460] {strides = array<i32>} : memref<64x128xf32, #tpu.memory_space<vmem>>, vector<16xf32>,
          %mul3A_462 = arith.mulf %get3A_461, %gather3A_423 : vector<16xf32>
          %swap3A_463 = arith.index_cast %scan3A_418 : i32 to index
          %swap3A_464 = arith.constant 80 : index
          %swap3A_465 = tpu.vector_load %arg14[%swap3A_463, %swap3A_464] {strides = array<i32>} : memref<64x128xf32, #tpu.memory_space<vmem>>, vector<16xf32>,
          tpu.vector_store %arg14[%swap3A_463, %swap3A_464], %mul3A_462 {strides = array<i32>} : memref<64x128xf32, #tpu.memory_space<vmem>>, vector<16xf32>,
          %get3A_466 = arith.index_cast %scan3A_418 : i32 to index
          %get3A_467 = arith.constant 96 : index
          %get3A_468 = tpu.vector_load %arg14[%get3A_466, %get3A_467] {strides = array<i32>} : memref<64x128xf32, #tpu.memory_space<vmem>>, vector<16xf32>,
          %mul3A_469 = arith.mulf %get3A_468, %gather3A_423 : vector<16xf32>
          %swap3A_470 = arith.index_cast %scan3A_418 : i32 to index
          %swap3A_471 = arith.constant 96 : index
          %swap3A_472 = tpu.vector_load %arg14[%swap3A_470, %swap3A_471] {strides = array<i32>} : memref<64x128xf32, #tpu.memory_space<vmem>>, vector<16xf32>,
          tpu.vector_store %arg14[%swap3A_470, %swap3A_471], %mul3A_469 {strides = array<i32>} : memref<64x128xf32, #tpu.memory_space<vmem>>, vector<16xf32>,
          %get3A_473 = arith.index_cast %scan3A_418 : i32 to index
          %get3A_474 = arith.constant 112 : index
          %get3A_475 = tpu.vector_load %arg14[%get3A_473, %get3A_474] {strides = array<i32>} : memref<64x128xf32, #tpu.memory_space<vmem>>, vector<16xf32>,
          %mul3A_476 = arith.mulf %get3A_475, %gather3A_423 : vector<16xf32>
          %swap3A_477 = arith.index_cast %scan3A_418 : i32 to index
          %swap3A_478 = arith.constant 112 : index
          %swap3A_479 = tpu.vector_load %arg14[%swap3A_477, %swap3A_478] {strides = array<i32>} : memref<64x128xf32, #tpu.memory_space<vmem>>, vector<16xf32>,
          tpu.vector_store %arg14[%swap3A_477, %swap3A_478], %mul3A_476 {strides = array<i32>} : memref<64x128xf32, #tpu.memory_space<vmem>>, vector<16xf32>,
        }
        %scan3A_351 = arith.constant 64 : i32
        %dma_start3A_352 = arith.constant 0 : i32
        %dma_start3A_353 = tpu.memref_slice %arg9[%add3A_325, %dma_start3A_352] : memref<40x64xi32, #tpu.memory_space<vmem>> -> memref<1x64xi32, #tpu.memory_space<vmem>>
        %dma_start3A_354 = tpu.memref_squeeze %dma_start3A_353 : memref<1x64xi32, #tpu.memory_space<vmem>> -> memref<64xi32, #tpu.memory_space<vmem>>
        %dma_start3A_355 = arith.constant 0 : i32
        %dma_start3A_356 = arith.constant 0 : i32
        %dma_start3A_357 = tpu.memref_slice %arg7[%dma_start3A_355, %dma_start3A_356] : memref<10240x128xf32, #tpu.memory_space<vmem_shared>> -> memref<10240x128xf32, #tpu.memory_space<vmem_shared>>
        tpu.enqueue_indirect_dma source(%arg14 : memref<64x128xf32, #tpu.memory_space<vmem>>) target(%dma_start3A_357 : memref<10240x128xf32, #tpu.memory_space<vmem_shared>>) offsets(%dma_start3A_354 : memref<64xi32, #tpu.memory_space<vmem>>) semaphore(%arg22 : memref<!tpu.dma_semaphore, #tpu.memory_space<semaphore_mem>>) {add = true}
      }
      %scan3A_204 = arith.constant 10 : i32
      %dma_wait3A_205 = arith.constant 0 : i32
      %dma_wait3A_206 = arith.constant 0 : i32
      %dma_wait3A_207 = tpu.memref_slice %arg9[%dma_wait3A_205, %dma_wait3A_206] : memref<40x64xi32, #tpu.memory_space<vmem>> -> memref<1x64xi32, #tpu.memory_space<vmem>>
      %dma_wait3A_208 = tpu.memref_squeeze %dma_wait3A_207 : memref<1x64xi32, #tpu.memory_space<vmem>> -> memref<64xi32, #tpu.memory_space<vmem>>
      %dma_wait3A_209 = arith.constant 0 : i32
      %dma_wait3A_210 = arith.constant 0 : i32
      %dma_wait3A_211 = tpu.memref_slice %arg7[%dma_wait3A_209, %dma_wait3A_210] : memref<10240x128xf32, #tpu.memory_space<vmem_shared>> -> memref<10240x128xf32, #tpu.memory_space<vmem_shared>>
      tpu.wait_indirect_dma semaphore(%arg21 : memref<!tpu.dma_semaphore, #tpu.memory_space<semaphore_mem>>) src(%arg13 : memref<64x128xf32, #tpu.memory_space<vmem>>) dst(%dma_wait3A_211 : memref<10240x128xf32, #tpu.memory_space<vmem_shared>>)
      %dma_wait3A_212 = arith.constant 0 : i32
      %dma_wait3A_213 = arith.constant 0 : i32
      %dma_wait3A_214 = tpu.memref_slice %arg9[%dma_wait3A_212, %dma_wait3A_213] : memref<40x64xi32, #tpu.memory_space<vmem>> -> memref<1x64xi32, #tpu.memory_space<vmem>>
      %dma_wait3A_215 = tpu.memref_squeeze %dma_wait3A_214 : memref<1x64xi32, #tpu.memory_space<vmem>> -> memref<64xi32, #tpu.memory_space<vmem>>
      %dma_wait3A_216 = arith.constant 0 : i32
      %dma_wait3A_217 = arith.constant 0 : i32
      %dma_wait3A_218 = tpu.memref_slice %arg7[%dma_wait3A_216, %dma_wait3A_217] : memref<10240x128xf32, #tpu.memory_space<vmem_shared>> -> memref<10240x128xf32, #tpu.memory_space<vmem_shared>>
      tpu.wait_indirect_dma semaphore(%arg22 : memref<!tpu.dma_semaphore, #tpu.memory_space<semaphore_mem>>) src(%arg14 : memref<64x128xf32, #tpu.memory_space<vmem>>) dst(%dma_wait3A_218 : memref<10240x128xf32, #tpu.memory_space<vmem_shared>>)
    }
    %scan3A_130 = arith.constant 4 : i32
    %barrier3A_131 = arith.constant 0 : index
    tpu.barrier barrier_id(%barrier3A_131)
    %mul3A_132 = arith.constant 640 : i32
    %mul3A_133 = arith.muli %arg1, %mul3A_132 : i32
    %mul3A_134 = arith.constant 640 : i32
    %mul3A_135 = arith.muli %arg1, %mul3A_134 : i32
    "tpu.region"() ({
      %run_scoped3A = tpu.sem_alloc : memref<!tpu.dma_semaphore, #tpu.memory_space<semaphore_mem>>
      %dma_start3A_136 = arith.constant 0 : i32
      %dma_start3A_137 = tpu.memref_slice %arg6[%arg0, %mul3A_135, %dma_start3A_136] : memref<2x10240x128xf32, #tpu.memory_space<hbm>> -> memref<1x640x128xf32, #tpu.memory_space<hbm>>
      %dma_start3A_138 = tpu.memref_squeeze %dma_start3A_137 : memref<1x640x128xf32, #tpu.memory_space<hbm>> -> memref<640x128xf32, #tpu.memory_space<hbm>>
      %dma_start3A_139 = arith.constant 0 : i32
      %dma_start3A_140 = tpu.memref_slice %arg7[%mul3A_133, %dma_start3A_139] : memref<10240x128xf32, #tpu.memory_space<vmem_shared>> -> memref<640x128xf32, #tpu.memory_space<vmem_shared>>
      tpu.enqueue_dma source(%dma_start3A_140 : memref<640x128xf32, #tpu.memory_space<vmem_shared>>) target(%dma_start3A_138 : memref<640x128xf32, #tpu.memory_space<hbm>>) target_semaphore(%run_scoped3A : memref<!tpu.dma_semaphore, #tpu.memory_space<semaphore_mem>>)
      %dma_wait3A_141 = arith.constant 0 : i32
      %dma_wait3A_142 = tpu.memref_slice %arg6[%arg0, %mul3A_135, %dma_wait3A_141] : memref<2x10240x128xf32, #tpu.memory_space<hbm>> -> memref<1x640x128xf32, #tpu.memory_space<hbm>>
      %dma_wait3A_143 = tpu.memref_squeeze %dma_wait3A_142 : memref<1x640x128xf32, #tpu.memory_space<hbm>> -> memref<640x128xf32, #tpu.memory_space<hbm>>
      %dma_wait3A_144 = arith.constant 0 : i32
      %dma_wait3A_145 = tpu.memref_slice %arg7[%mul3A_133, %dma_wait3A_144] : memref<10240x128xf32, #tpu.memory_space<vmem_shared>> -> memref<640x128xf32, #tpu.memory_space<vmem_shared>>
      tpu.wait_dma2 semaphore(%run_scoped3A : memref<!tpu.dma_semaphore, #tpu.memory_space<semaphore_mem>>) src(%dma_wait3A_145 : memref<640x128xf32, #tpu.memory_space<vmem_shared>>) dst(%dma_wait3A_143 : memref<640x128xf32, #tpu.memory_space<hbm>>)
      tpu.yield
    }) : () -> ()
    return
  }
}

#map = affine_map<(d0, d1) -> (0, 0)>
#map1 = affine_map<(d0, d1) -> (0)>
module attributes {stable_mosaic.version = 14 : i64} {
  func.func @_prep_kernel(%arg0: i32, %arg1: i32, %arg2: memref<32x10240xi32, #tpu.memory_space<hbm>>, %arg3: memref<32x10240xi32, #tpu.memory_space<hbm>>, %arg4: memref<32x10240xf32, #tpu.memory_space<hbm>>, %arg5: memref<32x10240xf32, #tpu.memory_space<hbm>>, %arg6: memref<10240xf32, #tpu.memory_space<hbm>>, %arg7: memref<16x10240xf32, #tpu.memory_space<vmem_shared>>, %arg8: memref<10240xf32, #tpu.memory_space<vmem_shared>>, %arg9: memref<10240xf32, #tpu.memory_space<vmem>>, %arg10: memref<16x640xf32, #tpu.memory_space<vmem>>, %arg11: memref<640xf32, #tpu.memory_space<vmem>>, %arg12: memref<10240xi32, #tpu.memory_space<vmem>>, %arg13: memref<2x10240xi32, #tpu.memory_space<vmem>>, %arg14: memref<2x10240xf32, #tpu.memory_space<vmem>>, %arg15: memref<!tpu.dma_semaphore, #tpu.memory_space<semaphore_mem>>) attributes {dimension_semantics = [#tpu.dimension_semantics<core_parallel>, #tpu.dimension_semantics<subcore_parallel>], iteration_bounds = array<i64: 2, 16>, scalar_prefetch = 0 : i64, scratch_operands = 9 : i64, tpu.core_type = #tpu.core_type<sc_vector_subcore>, window_params = [{transform_indices = #map}, {transform_indices = #map}, {transform_indices = #map}, {transform_indices = #map}, {transform_indices = #map1}]} {
    %mul3A = arith.constant 2 : i32
    %mul3A_0 = arith.muli %arg1, %mul3A : i32
    %add3A = arith.addi %mul3A_0, %arg0 : i32
    %broadcast_in_dim3A = arith.constant 0.000000e+00 : f32
    %broadcast_in_dim3A_1 = vector.broadcast %broadcast_in_dim3A : f32 to vector<16xf32>
    %dma_start3A = arith.constant 0 : i32
    %dma_start3A_2 = tpu.memref_slice %arg2[%add3A, %dma_start3A] : memref<32x10240xi32, #tpu.memory_space<hbm>> -> memref<1x10240xi32, #tpu.memory_space<hbm>>
    %dma_start3A_3 = tpu.memref_squeeze %dma_start3A_2 : memref<1x10240xi32, #tpu.memory_space<hbm>> -> memref<10240xi32, #tpu.memory_space<hbm>>
    %dma_start3A_4 = arith.constant 0 : i32
    %dma_start3A_5 = tpu.memref_slice %arg2[%add3A, %dma_start3A_4] : memref<32x10240xi32, #tpu.memory_space<hbm>> -> memref<1x10240xi32, #tpu.memory_space<hbm>>
    %dma_start3A_6 = tpu.memref_squeeze %dma_start3A_5 : memref<1x10240xi32, #tpu.memory_space<hbm>> -> memref<10240xi32, #tpu.memory_space<hbm>>
    tpu.enqueue_dma source(%dma_start3A_6 : memref<10240xi32, #tpu.memory_space<hbm>>) target(%arg12 : memref<10240xi32, #tpu.memory_space<vmem>>) target_semaphore(%arg15 : memref<!tpu.dma_semaphore, #tpu.memory_space<semaphore_mem>>)
    %mul3A_7 = arith.constant 2 : i32
    %mul3A_8 = arith.muli %arg1, %mul3A_7 : i32
    %add3A_9 = arith.constant 0 : i32
    %add3A_10 = arith.addi %mul3A_8, %add3A_9 : i32
    %dma_start3A_11 = arith.constant 0 : i32
    %dma_start3A_12 = arith.constant 0 : i32
    %dma_start3A_13 = tpu.memref_slice %arg13[%dma_start3A_11, %dma_start3A_12] : memref<2x10240xi32, #tpu.memory_space<vmem>> -> memref<1x10240xi32, #tpu.memory_space<vmem>>
    %dma_start3A_14 = tpu.memref_squeeze %dma_start3A_13 : memref<1x10240xi32, #tpu.memory_space<vmem>> -> memref<10240xi32, #tpu.memory_space<vmem>>
    %dma_start3A_15 = arith.constant 0 : i32
    %dma_start3A_16 = tpu.memref_slice %arg3[%add3A_10, %dma_start3A_15] : memref<32x10240xi32, #tpu.memory_space<hbm>> -> memref<1x10240xi32, #tpu.memory_space<hbm>>
    %dma_start3A_17 = tpu.memref_squeeze %dma_start3A_16 : memref<1x10240xi32, #tpu.memory_space<hbm>> -> memref<10240xi32, #tpu.memory_space<hbm>>
    %dma_start3A_18 = arith.constant 0 : i32
    %dma_start3A_19 = tpu.memref_slice %arg13[%dma_start3A_11, %dma_start3A_18] : memref<2x10240xi32, #tpu.memory_space<vmem>> -> memref<1x10240xi32, #tpu.memory_space<vmem>>
    %dma_start3A_20 = tpu.memref_squeeze %dma_start3A_19 : memref<1x10240xi32, #tpu.memory_space<vmem>> -> memref<10240xi32, #tpu.memory_space<vmem>>
    %dma_start3A_21 = arith.constant 0 : i32
    %dma_start3A_22 = tpu.memref_slice %arg3[%add3A_10, %dma_start3A_21] : memref<32x10240xi32, #tpu.memory_space<hbm>> -> memref<1x10240xi32, #tpu.memory_space<hbm>>
    %dma_start3A_23 = tpu.memref_squeeze %dma_start3A_22 : memref<1x10240xi32, #tpu.memory_space<hbm>> -> memref<10240xi32, #tpu.memory_space<hbm>>
    tpu.enqueue_dma source(%dma_start3A_23 : memref<10240xi32, #tpu.memory_space<hbm>>) target(%dma_start3A_20 : memref<10240xi32, #tpu.memory_space<vmem>>) target_semaphore(%arg15 : memref<!tpu.dma_semaphore, #tpu.memory_space<semaphore_mem>>)
    %mul3A_24 = arith.constant 2 : i32
    %mul3A_25 = arith.muli %arg1, %mul3A_24 : i32
    %add3A_26 = arith.constant 0 : i32
    %add3A_27 = arith.addi %mul3A_25, %add3A_26 : i32
    %dma_start3A_28 = arith.constant 0 : i32
    %dma_start3A_29 = arith.constant 0 : i32
    %dma_start3A_30 = tpu.memref_slice %arg14[%dma_start3A_28, %dma_start3A_29] : memref<2x10240xf32, #tpu.memory_space<vmem>> -> memref<1x10240xf32, #tpu.memory_space<vmem>>
    %dma_start3A_31 = tpu.memref_squeeze %dma_start3A_30 : memref<1x10240xf32, #tpu.memory_space<vmem>> -> memref<10240xf32, #tpu.memory_space<vmem>>
    %dma_start3A_32 = arith.constant 0 : i32
    %dma_start3A_33 = tpu.memref_slice %arg4[%add3A_27, %dma_start3A_32] : memref<32x10240xf32, #tpu.memory_space<hbm>> -> memref<1x10240xf32, #tpu.memory_space<hbm>>
    %dma_start3A_34 = tpu.memref_squeeze %dma_start3A_33 : memref<1x10240xf32, #tpu.memory_space<hbm>> -> memref<10240xf32, #tpu.memory_space<hbm>>
    %dma_start3A_35 = arith.constant 0 : i32
    %dma_start3A_36 = tpu.memref_slice %arg14[%dma_start3A_28, %dma_start3A_35] : memref<2x10240xf32, #tpu.memory_space<vmem>> -> memref<1x10240xf32, #tpu.memory_space<vmem>>
    %dma_start3A_37 = tpu.memref_squeeze %dma_start3A_36 : memref<1x10240xf32, #tpu.memory_space<vmem>> -> memref<10240xf32, #tpu.memory_space<vmem>>
    %dma_start3A_38 = arith.constant 0 : i32
    %dma_start3A_39 = tpu.memref_slice %arg4[%add3A_27, %dma_start3A_38] : memref<32x10240xf32, #tpu.memory_space<hbm>> -> memref<1x10240xf32, #tpu.memory_space<hbm>>
    %dma_start3A_40 = tpu.memref_squeeze %dma_start3A_39 : memref<1x10240xf32, #tpu.memory_space<hbm>> -> memref<10240xf32, #tpu.memory_space<hbm>>
    tpu.enqueue_dma source(%dma_start3A_40 : memref<10240xf32, #tpu.memory_space<hbm>>) target(%dma_start3A_37 : memref<10240xf32, #tpu.memory_space<vmem>>) target_semaphore(%arg15 : memref<!tpu.dma_semaphore, #tpu.memory_space<semaphore_mem>>)
    %mul3A_41 = arith.constant 2 : i32
    %mul3A_42 = arith.muli %arg1, %mul3A_41 : i32
    %add3A_43 = arith.constant 1 : i32
    %add3A_44 = arith.addi %mul3A_42, %add3A_43 : i32
    %dma_start3A_45 = arith.constant 1 : i32
    %dma_start3A_46 = arith.constant 0 : i32
    %dma_start3A_47 = tpu.memref_slice %arg13[%dma_start3A_45, %dma_start3A_46] : memref<2x10240xi32, #tpu.memory_space<vmem>> -> memref<1x10240xi32, #tpu.memory_space<vmem>>
    %dma_start3A_48 = tpu.memref_squeeze %dma_start3A_47 : memref<1x10240xi32, #tpu.memory_space<vmem>> -> memref<10240xi32, #tpu.memory_space<vmem>>
    %dma_start3A_49 = arith.constant 0 : i32
    %dma_start3A_50 = tpu.memref_slice %arg3[%add3A_44, %dma_start3A_49] : memref<32x10240xi32, #tpu.memory_space<hbm>> -> memref<1x10240xi32, #tpu.memory_space<hbm>>
    %dma_start3A_51 = tpu.memref_squeeze %dma_start3A_50 : memref<1x10240xi32, #tpu.memory_space<hbm>> -> memref<10240xi32, #tpu.memory_space<hbm>>
    %dma_start3A_52 = arith.constant 0 : i32
    %dma_start3A_53 = tpu.memref_slice %arg13[%dma_start3A_45, %dma_start3A_52] : memref<2x10240xi32, #tpu.memory_space<vmem>> -> memref<1x10240xi32, #tpu.memory_space<vmem>>
    %dma_start3A_54 = tpu.memref_squeeze %dma_start3A_53 : memref<1x10240xi32, #tpu.memory_space<vmem>> -> memref<10240xi32, #tpu.memory_space<vmem>>
    %dma_start3A_55 = arith.constant 0 : i32
    %dma_start3A_56 = tpu.memref_slice %arg3[%add3A_44, %dma_start3A_55] : memref<32x10240xi32, #tpu.memory_space<hbm>> -> memref<1x10240xi32, #tpu.memory_space<hbm>>
    %dma_start3A_57 = tpu.memref_squeeze %dma_start3A_56 : memref<1x10240xi32, #tpu.memory_space<hbm>> -> memref<10240xi32, #tpu.memory_space<hbm>>
    tpu.enqueue_dma source(%dma_start3A_57 : memref<10240xi32, #tpu.memory_space<hbm>>) target(%dma_start3A_54 : memref<10240xi32, #tpu.memory_space<vmem>>) target_semaphore(%arg15 : memref<!tpu.dma_semaphore, #tpu.memory_space<semaphore_mem>>)
    %mul3A_58 = arith.constant 2 : i32
    %mul3A_59 = arith.muli %arg1, %mul3A_58 : i32
    %add3A_60 = arith.constant 1 : i32
    %add3A_61 = arith.addi %mul3A_59, %add3A_60 : i32
    %dma_start3A_62 = arith.constant 1 : i32
    %dma_start3A_63 = arith.constant 0 : i32
    %dma_start3A_64 = tpu.memref_slice %arg14[%dma_start3A_62, %dma_start3A_63] : memref<2x10240xf32, #tpu.memory_space<vmem>> -> memref<1x10240xf32, #tpu.memory_space<vmem>>
    %dma_start3A_65 = tpu.memref_squeeze %dma_start3A_64 : memref<1x10240xf32, #tpu.memory_space<vmem>> -> memref<10240xf32, #tpu.memory_space<vmem>>
    %dma_start3A_66 = arith.constant 0 : i32
    %dma_start3A_67 = tpu.memref_slice %arg4[%add3A_61, %dma_start3A_66] : memref<32x10240xf32, #tpu.memory_space<hbm>> -> memref<1x10240xf32, #tpu.memory_space<hbm>>
    %dma_start3A_68 = tpu.memref_squeeze %dma_start3A_67 : memref<1x10240xf32, #tpu.memory_space<hbm>> -> memref<10240xf32, #tpu.memory_space<hbm>>
    %dma_start3A_69 = arith.constant 0 : i32
    %dma_start3A_70 = tpu.memref_slice %arg14[%dma_start3A_62, %dma_start3A_69] : memref<2x10240xf32, #tpu.memory_space<vmem>> -> memref<1x10240xf32, #tpu.memory_space<vmem>>
    %dma_start3A_71 = tpu.memref_squeeze %dma_start3A_70 : memref<1x10240xf32, #tpu.memory_space<vmem>> -> memref<10240xf32, #tpu.memory_space<vmem>>
    %dma_start3A_72 = arith.constant 0 : i32
    %dma_start3A_73 = tpu.memref_slice %arg4[%add3A_61, %dma_start3A_72] : memref<32x10240xf32, #tpu.memory_space<hbm>> -> memref<1x10240xf32, #tpu.memory_space<hbm>>
    %dma_start3A_74 = tpu.memref_squeeze %dma_start3A_73 : memref<1x10240xf32, #tpu.memory_space<hbm>> -> memref<10240xf32, #tpu.memory_space<hbm>>
    tpu.enqueue_dma source(%dma_start3A_74 : memref<10240xf32, #tpu.memory_space<hbm>>) target(%dma_start3A_71 : memref<10240xf32, #tpu.memory_space<vmem>>) target_semaphore(%arg15 : memref<!tpu.dma_semaphore, #tpu.memory_space<semaphore_mem>>)
    %scan3A = arith.constant 0 : i32
    %scan3A_75 = arith.constant 0 : i32
    %scan3A_76 = arith.constant 640 : i32
    %scan3A_77 = arith.addi %scan3A_75, %scan3A_76 : i32
    %scan3A_78 = arith.constant 1 : i32
    scf.for %scan3A_550 = %scan3A_75 to %scan3A_77 step %scan3A_78  : i32 {
      %mul3A_551 = arith.constant 16 : i32
      %mul3A_552 = arith.muli %scan3A_550, %mul3A_551 : i32
      %swap3A = arith.index_cast %mul3A_552 : i32 to index
      %swap3A_553 = tpu.vector_load %arg9[%swap3A] {strides = array<i32>} : memref<10240xf32, #tpu.memory_space<vmem>>, vector<16xf32>,
      tpu.vector_store %arg9[%swap3A], %broadcast_in_dim3A_1 {strides = array<i32>} : memref<10240xf32, #tpu.memory_space<vmem>>, vector<16xf32>,
    }
    %scan3A_79 = arith.constant 640 : i32
    %dma_wait3A = arith.constant 0 : i32
    %dma_wait3A_80 = tpu.memref_slice %arg2[%add3A, %dma_wait3A] : memref<32x10240xi32, #tpu.memory_space<hbm>> -> memref<1x10240xi32, #tpu.memory_space<hbm>>
    %dma_wait3A_81 = tpu.memref_squeeze %dma_wait3A_80 : memref<1x10240xi32, #tpu.memory_space<hbm>> -> memref<10240xi32, #tpu.memory_space<hbm>>
    %dma_wait3A_82 = arith.constant 0 : i32
    %dma_wait3A_83 = tpu.memref_slice %arg2[%add3A, %dma_wait3A_82] : memref<32x10240xi32, #tpu.memory_space<hbm>> -> memref<1x10240xi32, #tpu.memory_space<hbm>>
    %dma_wait3A_84 = tpu.memref_squeeze %dma_wait3A_83 : memref<1x10240xi32, #tpu.memory_space<hbm>> -> memref<10240xi32, #tpu.memory_space<hbm>>
    tpu.wait_dma2 semaphore(%arg15 : memref<!tpu.dma_semaphore, #tpu.memory_space<semaphore_mem>>) src(%dma_wait3A_84 : memref<10240xi32, #tpu.memory_space<hbm>>) dst(%arg12 : memref<10240xi32, #tpu.memory_space<vmem>>)
    %dma_wait3A_85 = arith.constant 0 : i32
    %dma_wait3A_86 = arith.constant 0 : i32
    %dma_wait3A_87 = tpu.memref_slice %arg13[%dma_wait3A_85, %dma_wait3A_86] : memref<2x10240xi32, #tpu.memory_space<vmem>> -> memref<1x10240xi32, #tpu.memory_space<vmem>>
    %dma_wait3A_88 = tpu.memref_squeeze %dma_wait3A_87 : memref<1x10240xi32, #tpu.memory_space<vmem>> -> memref<10240xi32, #tpu.memory_space<vmem>>
    %dma_wait3A_89 = arith.constant 0 : i32
    %dma_wait3A_90 = tpu.memref_slice %arg3[%add3A_10, %dma_wait3A_89] : memref<32x10240xi32, #tpu.memory_space<hbm>> -> memref<1x10240xi32, #tpu.memory_space<hbm>>
    %dma_wait3A_91 = tpu.memref_squeeze %dma_wait3A_90 : memref<1x10240xi32, #tpu.memory_space<hbm>> -> memref<10240xi32, #tpu.memory_space<hbm>>
    %dma_wait3A_92 = arith.constant 0 : i32
    %dma_wait3A_93 = tpu.memref_slice %arg13[%dma_wait3A_85, %dma_wait3A_92] : memref<2x10240xi32, #tpu.memory_space<vmem>> -> memref<1x10240xi32, #tpu.memory_space<vmem>>
    %dma_wait3A_94 = tpu.memref_squeeze %dma_wait3A_93 : memref<1x10240xi32, #tpu.memory_space<vmem>> -> memref<10240xi32, #tpu.memory_space<vmem>>
    %dma_wait3A_95 = arith.constant 0 : i32
    %dma_wait3A_96 = tpu.memref_slice %arg3[%add3A_10, %dma_wait3A_95] : memref<32x10240xi32, #tpu.memory_space<hbm>> -> memref<1x10240xi32, #tpu.memory_space<hbm>>
    %dma_wait3A_97 = tpu.memref_squeeze %dma_wait3A_96 : memref<1x10240xi32, #tpu.memory_space<hbm>> -> memref<10240xi32, #tpu.memory_space<hbm>>
    tpu.wait_dma2 semaphore(%arg15 : memref<!tpu.dma_semaphore, #tpu.memory_space<semaphore_mem>>) src(%dma_wait3A_97 : memref<10240xi32, #tpu.memory_space<hbm>>) dst(%dma_wait3A_94 : memref<10240xi32, #tpu.memory_space<vmem>>)
    %dma_wait3A_98 = arith.constant 0 : i32
    %dma_wait3A_99 = arith.constant 0 : i32
    %dma_wait3A_100 = tpu.memref_slice %arg14[%dma_wait3A_98, %dma_wait3A_99] : memref<2x10240xf32, #tpu.memory_space<vmem>> -> memref<1x10240xf32, #tpu.memory_space<vmem>>
    %dma_wait3A_101 = tpu.memref_squeeze %dma_wait3A_100 : memref<1x10240xf32, #tpu.memory_space<vmem>> -> memref<10240xf32, #tpu.memory_space<vmem>>
    %dma_wait3A_102 = arith.constant 0 : i32
    %dma_wait3A_103 = tpu.memref_slice %arg4[%add3A_27, %dma_wait3A_102] : memref<32x10240xf32, #tpu.memory_space<hbm>> -> memref<1x10240xf32, #tpu.memory_space<hbm>>
    %dma_wait3A_104 = tpu.memref_squeeze %dma_wait3A_103 : memref<1x10240xf32, #tpu.memory_space<hbm>> -> memref<10240xf32, #tpu.memory_space<hbm>>
    %dma_wait3A_105 = arith.constant 0 : i32
    %dma_wait3A_106 = tpu.memref_slice %arg14[%dma_wait3A_98, %dma_wait3A_105] : memref<2x10240xf32, #tpu.memory_space<vmem>> -> memref<1x10240xf32, #tpu.memory_space<vmem>>
    %dma_wait3A_107 = tpu.memref_squeeze %dma_wait3A_106 : memref<1x10240xf32, #tpu.memory_space<vmem>> -> memref<10240xf32, #tpu.memory_space<vmem>>
    %dma_wait3A_108 = arith.constant 0 : i32
    %dma_wait3A_109 = tpu.memref_slice %arg4[%add3A_27, %dma_wait3A_108] : memref<32x10240xf32, #tpu.memory_space<hbm>> -> memref<1x10240xf32, #tpu.memory_space<hbm>>
    %dma_wait3A_110 = tpu.memref_squeeze %dma_wait3A_109 : memref<1x10240xf32, #tpu.memory_space<hbm>> -> memref<10240xf32, #tpu.memory_space<hbm>>
    tpu.wait_dma2 semaphore(%arg15 : memref<!tpu.dma_semaphore, #tpu.memory_space<semaphore_mem>>) src(%dma_wait3A_110 : memref<10240xf32, #tpu.memory_space<hbm>>) dst(%dma_wait3A_107 : memref<10240xf32, #tpu.memory_space<vmem>>)
    %dma_wait3A_111 = arith.constant 1 : i32
    %dma_wait3A_112 = arith.constant 0 : i32
    %dma_wait3A_113 = tpu.memref_slice %arg13[%dma_wait3A_111, %dma_wait3A_112] : memref<2x10240xi32, #tpu.memory_space<vmem>> -> memref<1x10240xi32, #tpu.memory_space<vmem>>
    %dma_wait3A_114 = tpu.memref_squeeze %dma_wait3A_113 : memref<1x10240xi32, #tpu.memory_space<vmem>> -> memref<10240xi32, #tpu.memory_space<vmem>>
    %dma_wait3A_115 = arith.constant 0 : i32
    %dma_wait3A_116 = tpu.memref_slice %arg3[%add3A_44, %dma_wait3A_115] : memref<32x10240xi32, #tpu.memory_space<hbm>> -> memref<1x10240xi32, #tpu.memory_space<hbm>>
    %dma_wait3A_117 = tpu.memref_squeeze %dma_wait3A_116 : memref<1x10240xi32, #tpu.memory_space<hbm>> -> memref<10240xi32, #tpu.memory_space<hbm>>
    %dma_wait3A_118 = arith.constant 0 : i32
    %dma_wait3A_119 = tpu.memref_slice %arg13[%dma_wait3A_111, %dma_wait3A_118] : memref<2x10240xi32, #tpu.memory_space<vmem>> -> memref<1x10240xi32, #tpu.memory_space<vmem>>
    %dma_wait3A_120 = tpu.memref_squeeze %dma_wait3A_119 : memref<1x10240xi32, #tpu.memory_space<vmem>> -> memref<10240xi32, #tpu.memory_space<vmem>>
    %dma_wait3A_121 = arith.constant 0 : i32
    %dma_wait3A_122 = tpu.memref_slice %arg3[%add3A_44, %dma_wait3A_121] : memref<32x10240xi32, #tpu.memory_space<hbm>> -> memref<1x10240xi32, #tpu.memory_space<hbm>>
    %dma_wait3A_123 = tpu.memref_squeeze %dma_wait3A_122 : memref<1x10240xi32, #tpu.memory_space<hbm>> -> memref<10240xi32, #tpu.memory_space<hbm>>
    tpu.wait_dma2 semaphore(%arg15 : memref<!tpu.dma_semaphore, #tpu.memory_space<semaphore_mem>>) src(%dma_wait3A_123 : memref<10240xi32, #tpu.memory_space<hbm>>) dst(%dma_wait3A_120 : memref<10240xi32, #tpu.memory_space<vmem>>)
    %dma_wait3A_124 = arith.constant 1 : i32
    %dma_wait3A_125 = arith.constant 0 : i32
    %dma_wait3A_126 = tpu.memref_slice %arg14[%dma_wait3A_124, %dma_wait3A_125] : memref<2x10240xf32, #tpu.memory_space<vmem>> -> memref<1x10240xf32, #tpu.memory_space<vmem>>
    %dma_wait3A_127 = tpu.memref_squeeze %dma_wait3A_126 : memref<1x10240xf32, #tpu.memory_space<vmem>> -> memref<10240xf32, #tpu.memory_space<vmem>>
    %dma_wait3A_128 = arith.constant 0 : i32
    %dma_wait3A_129 = tpu.memref_slice %arg4[%add3A_61, %dma_wait3A_128] : memref<32x10240xf32, #tpu.memory_space<hbm>> -> memref<1x10240xf32, #tpu.memory_space<hbm>>
    %dma_wait3A_130 = tpu.memref_squeeze %dma_wait3A_129 : memref<1x10240xf32, #tpu.memory_space<hbm>> -> memref<10240xf32, #tpu.memory_space<hbm>>
    %dma_wait3A_131 = arith.constant 0 : i32
    %dma_wait3A_132 = tpu.memref_slice %arg14[%dma_wait3A_124, %dma_wait3A_131] : memref<2x10240xf32, #tpu.memory_space<vmem>> -> memref<1x10240xf32, #tpu.memory_space<vmem>>
    %dma_wait3A_133 = tpu.memref_squeeze %dma_wait3A_132 : memref<1x10240xf32, #tpu.memory_space<vmem>> -> memref<10240xf32, #tpu.memory_space<vmem>>
    %dma_wait3A_134 = arith.constant 0 : i32
    %dma_wait3A_135 = tpu.memref_slice %arg4[%add3A_61, %dma_wait3A_134] : memref<32x10240xf32, #tpu.memory_space<hbm>> -> memref<1x10240xf32, #tpu.memory_space<hbm>>
    %dma_wait3A_136 = tpu.memref_squeeze %dma_wait3A_135 : memref<1x10240xf32, #tpu.memory_space<hbm>> -> memref<10240xf32, #tpu.memory_space<hbm>>
    tpu.wait_dma2 semaphore(%arg15 : memref<!tpu.dma_semaphore, #tpu.memory_space<semaphore_mem>>) src(%dma_wait3A_136 : memref<10240xf32, #tpu.memory_space<hbm>>) dst(%dma_wait3A_133 : memref<10240xf32, #tpu.memory_space<vmem>>)
    %scan3A_137 = arith.constant 0 : i32
    %scan3A_138 = arith.constant 0 : i32
    %scan3A_139 = arith.constant 640 : i32
    %scan3A_140 = arith.addi %scan3A_138, %scan3A_139 : i32
    %scan3A_141 = arith.constant 4 : i32
    scf.for %scan3A_550 = %scan3A_138 to %scan3A_140 step %scan3A_141  : i32 {
      %mul3A_551 = arith.constant 16 : i32
      %mul3A_552 = arith.muli %scan3A_550, %mul3A_551 : i32
      %get3A = arith.constant 0 : i32
      %get3A_553 = arith.index_cast %get3A : i32 to index
      %get3A_554 = arith.index_cast %mul3A_552 : i32 to index
      %get3A_555 = tpu.vector_load %arg13[%get3A_553, %get3A_554] {strides = array<i32>} : memref<2x10240xi32, #tpu.memory_space<vmem>>, vector<16xi32>,
      %mul3A_556 = arith.constant 16 : i32
      %mul3A_557 = arith.muli %scan3A_550, %mul3A_556 : i32
      %get3A_558 = arith.constant 0 : i32
      %get3A_559 = arith.index_cast %get3A_558 : i32 to index
      %get3A_560 = arith.index_cast %mul3A_557 : i32 to index
      %get3A_561 = tpu.vector_load %arg14[%get3A_559, %get3A_560] {strides = array<i32>} : memref<2x10240xf32, #tpu.memory_space<vmem>>, vector<16xf32>,
      tpu.vector_store_idx %arg9[%get3A_555], %get3A_561 {add = true} : memref<10240xf32, #tpu.memory_space<vmem>>[vector<16xi32>], vector<16xf32>,
      %scan3A_562 = arith.constant 1 : i32
      %scan3A_563 = arith.addi %scan3A_550, %scan3A_562 : i32
      %mul3A_564 = arith.constant 16 : i32
      %mul3A_565 = arith.muli %scan3A_563, %mul3A_564 : i32
      %get3A_566 = arith.constant 0 : i32
      %get3A_567 = arith.index_cast %get3A_566 : i32 to index
      %get3A_568 = arith.index_cast %mul3A_565 : i32 to index
      %get3A_569 = tpu.vector_load %arg13[%get3A_567, %get3A_568] {strides = array<i32>} : memref<2x10240xi32, #tpu.memory_space<vmem>>, vector<16xi32>,
      %mul3A_570 = arith.constant 16 : i32
      %mul3A_571 = arith.muli %scan3A_563, %mul3A_570 : i32
      %get3A_572 = arith.constant 0 : i32
      %get3A_573 = arith.index_cast %get3A_572 : i32 to index
      %get3A_574 = arith.index_cast %mul3A_571 : i32 to index
      %get3A_575 = tpu.vector_load %arg14[%get3A_573, %get3A_574] {strides = array<i32>} : memref<2x10240xf32, #tpu.memory_space<vmem>>, vector<16xf32>,
      tpu.vector_store_idx %arg9[%get3A_569], %get3A_575 {add = true} : memref<10240xf32, #tpu.memory_space<vmem>>[vector<16xi32>], vector<16xf32>,
      %scan3A_576 = arith.constant 2 : i32
      %scan3A_577 = arith.addi %scan3A_550, %scan3A_576 : i32
      %mul3A_578 = arith.constant 16 : i32
      %mul3A_579 = arith.muli %scan3A_577, %mul3A_578 : i32
      %get3A_580 = arith.constant 0 : i32
      %get3A_581 = arith.index_cast %get3A_580 : i32 to index
      %get3A_582 = arith.index_cast %mul3A_579 : i32 to index
      %get3A_583 = tpu.vector_load %arg13[%get3A_581, %get3A_582] {strides = array<i32>} : memref<2x10240xi32, #tpu.memory_space<vmem>>, vector<16xi32>,
      %mul3A_584 = arith.constant 16 : i32
      %mul3A_585 = arith.muli %scan3A_577, %mul3A_584 : i32
      %get3A_586 = arith.constant 0 : i32
      %get3A_587 = arith.index_cast %get3A_586 : i32 to index
      %get3A_588 = arith.index_cast %mul3A_585 : i32 to index
      %get3A_589 = tpu.vector_load %arg14[%get3A_587, %get3A_588] {strides = array<i32>} : memref<2x10240xf32, #tpu.memory_space<vmem>>, vector<16xf32>,
      tpu.vector_store_idx %arg9[%get3A_583], %get3A_589 {add = true} : memref<10240xf32, #tpu.memory_space<vmem>>[vector<16xi32>], vector<16xf32>,
      %scan3A_590 = arith.constant 3 : i32
      %scan3A_591 = arith.addi %scan3A_550, %scan3A_590 : i32
      %mul3A_592 = arith.constant 16 : i32
      %mul3A_593 = arith.muli %scan3A_591, %mul3A_592 : i32
      %get3A_594 = arith.constant 0 : i32
      %get3A_595 = arith.index_cast %get3A_594 : i32 to index
      %get3A_596 = arith.index_cast %mul3A_593 : i32 to index
      %get3A_597 = tpu.vector_load %arg13[%get3A_595, %get3A_596] {strides = array<i32>} : memref<2x10240xi32, #tpu.memory_space<vmem>>, vector<16xi32>,
      %mul3A_598 = arith.constant 16 : i32
      %mul3A_599 = arith.muli %scan3A_591, %mul3A_598 : i32
      %get3A_600 = arith.constant 0 : i32
      %get3A_601 = arith.index_cast %get3A_600 : i32 to index
      %get3A_602 = arith.index_cast %mul3A_599 : i32 to index
      %get3A_603 = tpu.vector_load %arg14[%get3A_601, %get3A_602] {strides = array<i32>} : memref<2x10240xf32, #tpu.memory_space<vmem>>, vector<16xf32>,
      tpu.vector_store_idx %arg9[%get3A_597], %get3A_603 {add = true} : memref<10240xf32, #tpu.memory_space<vmem>>[vector<16xi32>], vector<16xf32>,
    }
    %scan3A_142 = arith.constant 640 : i32
    %scan3A_143 = arith.constant 0 : i32
    %scan3A_144 = arith.constant 0 : i32
    %scan3A_145 = arith.constant 640 : i32
    %scan3A_146 = arith.addi %scan3A_144, %scan3A_145 : i32
    %scan3A_147 = arith.constant 4 : i32
    scf.for %scan3A_550 = %scan3A_144 to %scan3A_146 step %scan3A_147  : i32 {
      %mul3A_551 = arith.constant 16 : i32
      %mul3A_552 = arith.muli %scan3A_550, %mul3A_551 : i32
      %get3A = arith.constant 1 : i32
      %get3A_553 = arith.index_cast %get3A : i32 to index
      %get3A_554 = arith.index_cast %mul3A_552 : i32 to index
      %get3A_555 = tpu.vector_load %arg13[%get3A_553, %get3A_554] {strides = array<i32>} : memref<2x10240xi32, #tpu.memory_space<vmem>>, vector<16xi32>,
      %mul3A_556 = arith.constant 16 : i32
      %mul3A_557 = arith.muli %scan3A_550, %mul3A_556 : i32
      %get3A_558 = arith.constant 1 : i32
      %get3A_559 = arith.index_cast %get3A_558 : i32 to index
      %get3A_560 = arith.index_cast %mul3A_557 : i32 to index
      %get3A_561 = tpu.vector_load %arg14[%get3A_559, %get3A_560] {strides = array<i32>} : memref<2x10240xf32, #tpu.memory_space<vmem>>, vector<16xf32>,
      tpu.vector_store_idx %arg9[%get3A_555], %get3A_561 {add = true} : memref<10240xf32, #tpu.memory_space<vmem>>[vector<16xi32>], vector<16xf32>,
      %scan3A_562 = arith.constant 1 : i32
      %scan3A_563 = arith.addi %scan3A_550, %scan3A_562 : i32
      %mul3A_564 = arith.constant 16 : i32
      %mul3A_565 = arith.muli %scan3A_563, %mul3A_564 : i32
      %get3A_566 = arith.constant 1 : i32
      %get3A_567 = arith.index_cast %get3A_566 : i32 to index
      %get3A_568 = arith.index_cast %mul3A_565 : i32 to index
      %get3A_569 = tpu.vector_load %arg13[%get3A_567, %get3A_568] {strides = array<i32>} : memref<2x10240xi32, #tpu.memory_space<vmem>>, vector<16xi32>,
      %mul3A_570 = arith.constant 16 : i32
      %mul3A_571 = arith.muli %scan3A_563, %mul3A_570 : i32
      %get3A_572 = arith.constant 1 : i32
      %get3A_573 = arith.index_cast %get3A_572 : i32 to index
      %get3A_574 = arith.index_cast %mul3A_571 : i32 to index
      %get3A_575 = tpu.vector_load %arg14[%get3A_573, %get3A_574] {strides = array<i32>} : memref<2x10240xf32, #tpu.memory_space<vmem>>, vector<16xf32>,
      tpu.vector_store_idx %arg9[%get3A_569], %get3A_575 {add = true} : memref<10240xf32, #tpu.memory_space<vmem>>[vector<16xi32>], vector<16xf32>,
      %scan3A_576 = arith.constant 2 : i32
      %scan3A_577 = arith.addi %scan3A_550, %scan3A_576 : i32
      %mul3A_578 = arith.constant 16 : i32
      %mul3A_579 = arith.muli %scan3A_577, %mul3A_578 : i32
      %get3A_580 = arith.constant 1 : i32
      %get3A_581 = arith.index_cast %get3A_580 : i32 to index
      %get3A_582 = arith.index_cast %mul3A_579 : i32 to index
      %get3A_583 = tpu.vector_load %arg13[%get3A_581, %get3A_582] {strides = array<i32>} : memref<2x10240xi32, #tpu.memory_space<vmem>>, vector<16xi32>,
      %mul3A_584 = arith.constant 16 : i32
      %mul3A_585 = arith.muli %scan3A_577, %mul3A_584 : i32
      %get3A_586 = arith.constant 1 : i32
      %get3A_587 = arith.index_cast %get3A_586 : i32 to index
      %get3A_588 = arith.index_cast %mul3A_585 : i32 to index
      %get3A_589 = tpu.vector_load %arg14[%get3A_587, %get3A_588] {strides = array<i32>} : memref<2x10240xf32, #tpu.memory_space<vmem>>, vector<16xf32>,
      tpu.vector_store_idx %arg9[%get3A_583], %get3A_589 {add = true} : memref<10240xf32, #tpu.memory_space<vmem>>[vector<16xi32>], vector<16xf32>,
      %scan3A_590 = arith.constant 3 : i32
      %scan3A_591 = arith.addi %scan3A_550, %scan3A_590 : i32
      %mul3A_592 = arith.constant 16 : i32
      %mul3A_593 = arith.muli %scan3A_591, %mul3A_592 : i32
      %get3A_594 = arith.constant 1 : i32
      %get3A_595 = arith.index_cast %get3A_594 : i32 to index
      %get3A_596 = arith.index_cast %mul3A_593 : i32 to index
      %get3A_597 = tpu.vector_load %arg13[%get3A_595, %get3A_596] {strides = array<i32>} : memref<2x10240xi32, #tpu.memory_space<vmem>>, vector<16xi32>,
      %mul3A_598 = arith.constant 16 : i32
      %mul3A_599 = arith.muli %scan3A_591, %mul3A_598 : i32
      %get3A_600 = arith.constant 1 : i32
      %get3A_601 = arith.index_cast %get3A_600 : i32 to index
      %get3A_602 = arith.index_cast %mul3A_599 : i32 to index
      %get3A_603 = tpu.vector_load %arg14[%get3A_601, %get3A_602] {strides = array<i32>} : memref<2x10240xf32, #tpu.memory_space<vmem>>, vector<16xf32>,
      tpu.vector_store_idx %arg9[%get3A_597], %get3A_603 {add = true} : memref<10240xf32, #tpu.memory_space<vmem>>[vector<16xi32>], vector<16xf32>,
    }
    %scan3A_148 = arith.constant 640 : i32
    "tpu.region"() ({
      %run_scoped3A = tpu.sem_alloc : memref<!tpu.dma_semaphore, #tpu.memory_space<semaphore_mem>>
      %dma_start3A_550 = arith.constant 0 : i32
      %dma_start3A_551 = tpu.memref_slice %arg7[%arg1, %dma_start3A_550] : memref<16x10240xf32, #tpu.memory_space<vmem_shared>> -> memref<1x10240xf32, #tpu.memory_space<vmem_shared>>
      %dma_start3A_552 = tpu.memref_squeeze %dma_start3A_551 : memref<1x10240xf32, #tpu.memory_space<vmem_shared>> -> memref<10240xf32, #tpu.memory_space<vmem_shared>>
      %dma_start3A_553 = arith.constant 0 : i32
      %dma_start3A_554 = tpu.memref_slice %arg7[%arg1, %dma_start3A_553] : memref<16x10240xf32, #tpu.memory_space<vmem_shared>> -> memref<1x10240xf32, #tpu.memory_space<vmem_shared>>
      %dma_start3A_555 = tpu.memref_squeeze %dma_start3A_554 : memref<1x10240xf32, #tpu.memory_space<vmem_shared>> -> memref<10240xf32, #tpu.memory_space<vmem_shared>>
      tpu.enqueue_dma source(%arg9 : memref<10240xf32, #tpu.memory_space<vmem>>) target(%dma_start3A_555 : memref<10240xf32, #tpu.memory_space<vmem_shared>>) target_semaphore(%run_scoped3A : memref<!tpu.dma_semaphore, #tpu.memory_space<semaphore_mem>>)
      %dma_wait3A_556 = arith.constant 0 : i32
      %dma_wait3A_557 = tpu.memref_slice %arg7[%arg1, %dma_wait3A_556] : memref<16x10240xf32, #tpu.memory_space<vmem_shared>> -> memref<1x10240xf32, #tpu.memory_space<vmem_shared>>
      %dma_wait3A_558 = tpu.memref_squeeze %dma_wait3A_557 : memref<1x10240xf32, #tpu.memory_space<vmem_shared>> -> memref<10240xf32, #tpu.memory_space<vmem_shared>>
      %dma_wait3A_559 = arith.constant 0 : i32
      %dma_wait3A_560 = tpu.memref_slice %arg7[%arg1, %dma_wait3A_559] : memref<16x10240xf32, #tpu.memory_space<vmem_shared>> -> memref<1x10240xf32, #tpu.memory_space<vmem_shared>>
      %dma_wait3A_561 = tpu.memref_squeeze %dma_wait3A_560 : memref<1x10240xf32, #tpu.memory_space<vmem_shared>> -> memref<10240xf32, #tpu.memory_space<vmem_shared>>
      tpu.wait_dma2 semaphore(%run_scoped3A : memref<!tpu.dma_semaphore, #tpu.memory_space<semaphore_mem>>) src(%arg9 : memref<10240xf32, #tpu.memory_space<vmem>>) dst(%dma_wait3A_561 : memref<10240xf32, #tpu.memory_space<vmem_shared>>)
      tpu.yield
    }) : () -> ()
    %barrier3A = arith.constant 0 : index
    tpu.barrier barrier_id(%barrier3A)
    %mul3A_149 = arith.constant 640 : i32
    %mul3A_150 = arith.muli %arg1, %mul3A_149 : i32
    %dma_start3A_151 = arith.constant 0 : i32
    %dma_start3A_152 = arith.constant 0 : i32
    %dma_start3A_153 = arith.constant 0 : i32
    %dma_start3A_154 = tpu.memref_slice %arg10[%dma_start3A_152, %dma_start3A_153] : memref<16x640xf32, #tpu.memory_space<vmem>> -> memref<1x640xf32, #tpu.memory_space<vmem>>
    %dma_start3A_155 = tpu.memref_squeeze %dma_start3A_154 : memref<1x640xf32, #tpu.memory_space<vmem>> -> memref<640xf32, #tpu.memory_space<vmem>>
    %dma_start3A_156 = tpu.memref_slice %arg7[%dma_start3A_151, %mul3A_150] : memref<16x10240xf32, #tpu.memory_space<vmem_shared>> -> memref<1x640xf32, #tpu.memory_space<vmem_shared>>
    %dma_start3A_157 = tpu.memref_squeeze %dma_start3A_156 : memref<1x640xf32, #tpu.memory_space<vmem_shared>> -> memref<640xf32, #tpu.memory_space<vmem_shared>>
    %dma_start3A_158 = arith.constant 0 : i32
    %dma_start3A_159 = tpu.memref_slice %arg10[%dma_start3A_152, %dma_start3A_158] : memref<16x640xf32, #tpu.memory_space<vmem>> -> memref<1x640xf32, #tpu.memory_space<vmem>>
    %dma_start3A_160 = tpu.memref_squeeze %dma_start3A_159 : memref<1x640xf32, #tpu.memory_space<vmem>> -> memref<640xf32, #tpu.memory_space<vmem>>
    %dma_start3A_161 = tpu.memref_slice %arg7[%dma_start3A_151, %mul3A_150] : memref<16x10240xf32, #tpu.memory_space<vmem_shared>> -> memref<1x640xf32, #tpu.memory_space<vmem_shared>>
    %dma_start3A_162 = tpu.memref_squeeze %dma_start3A_161 : memref<1x640xf32, #tpu.memory_space<vmem_shared>> -> memref<640xf32, #tpu.memory_space<vmem_shared>>
    tpu.enqueue_dma source(%dma_start3A_162 : memref<640xf32, #tpu.memory_space<vmem_shared>>) target(%dma_start3A_160 : memref<640xf32, #tpu.memory_space<vmem>>) target_semaphore(%arg15 : memref<!tpu.dma_semaphore, #tpu.memory_space<semaphore_mem>>)
    %dma_start3A_163 = arith.constant 1 : i32
    %dma_start3A_164 = arith.constant 1 : i32
    %dma_start3A_165 = arith.constant 0 : i32
    %dma_start3A_166 = tpu.memref_slice %arg10[%dma_start3A_164, %dma_start3A_165] : memref<16x640xf32, #tpu.memory_space<vmem>> -> memref<1x640xf32, #tpu.memory_space<vmem>>
    %dma_start3A_167 = tpu.memref_squeeze %dma_start3A_166 : memref<1x640xf32, #tpu.memory_space<vmem>> -> memref<640xf32, #tpu.memory_space<vmem>>
    %dma_start3A_168 = tpu.memref_slice %arg7[%dma_start3A_163, %mul3A_150] : memref<16x10240xf32, #tpu.memory_space<vmem_shared>> -> memref<1x640xf32, #tpu.memory_space<vmem_shared>>
    %dma_start3A_169 = tpu.memref_squeeze %dma_start3A_168 : memref<1x640xf32, #tpu.memory_space<vmem_shared>> -> memref<640xf32, #tpu.memory_space<vmem_shared>>
    %dma_start3A_170 = arith.constant 0 : i32
    %dma_start3A_171 = tpu.memref_slice %arg10[%dma_start3A_164, %dma_start3A_170] : memref<16x640xf32, #tpu.memory_space<vmem>> -> memref<1x640xf32, #tpu.memory_space<vmem>>
    %dma_start3A_172 = tpu.memref_squeeze %dma_start3A_171 : memref<1x640xf32, #tpu.memory_space<vmem>> -> memref<640xf32, #tpu.memory_space<vmem>>
    %dma_start3A_173 = tpu.memref_slice %arg7[%dma_start3A_163, %mul3A_150] : memref<16x10240xf32, #tpu.memory_space<vmem_shared>> -> memref<1x640xf32, #tpu.memory_space<vmem_shared>>
    %dma_start3A_174 = tpu.memref_squeeze %dma_start3A_173 : memref<1x640xf32, #tpu.memory_space<vmem_shared>> -> memref<640xf32, #tpu.memory_space<vmem_shared>>
    tpu.enqueue_dma source(%dma_start3A_174 : memref<640xf32, #tpu.memory_space<vmem_shared>>) target(%dma_start3A_172 : memref<640xf32, #tpu.memory_space<vmem>>) target_semaphore(%arg15 : memref<!tpu.dma_semaphore, #tpu.memory_space<semaphore_mem>>)
    %dma_start3A_175 = arith.constant 2 : i32
    %dma_start3A_176 = arith.constant 2 : i32
    %dma_start3A_177 = arith.constant 0 : i32
    %dma_start3A_178 = tpu.memref_slice %arg10[%dma_start3A_176, %dma_start3A_177] : memref<16x640xf32, #tpu.memory_space<vmem>> -> memref<1x640xf32, #tpu.memory_space<vmem>>
    %dma_start3A_179 = tpu.memref_squeeze %dma_start3A_178 : memref<1x640xf32, #tpu.memory_space<vmem>> -> memref<640xf32, #tpu.memory_space<vmem>>
    %dma_start3A_180 = tpu.memref_slice %arg7[%dma_start3A_175, %mul3A_150] : memref<16x10240xf32, #tpu.memory_space<vmem_shared>> -> memref<1x640xf32, #tpu.memory_space<vmem_shared>>
    %dma_start3A_181 = tpu.memref_squeeze %dma_start3A_180 : memref<1x640xf32, #tpu.memory_space<vmem_shared>> -> memref<640xf32, #tpu.memory_space<vmem_shared>>
    %dma_start3A_182 = arith.constant 0 : i32
    %dma_start3A_183 = tpu.memref_slice %arg10[%dma_start3A_176, %dma_start3A_182] : memref<16x640xf32, #tpu.memory_space<vmem>> -> memref<1x640xf32, #tpu.memory_space<vmem>>
    %dma_start3A_184 = tpu.memref_squeeze %dma_start3A_183 : memref<1x640xf32, #tpu.memory_space<vmem>> -> memref<640xf32, #tpu.memory_space<vmem>>
    %dma_start3A_185 = tpu.memref_slice %arg7[%dma_start3A_175, %mul3A_150] : memref<16x10240xf32, #tpu.memory_space<vmem_shared>> -> memref<1x640xf32, #tpu.memory_space<vmem_shared>>
    %dma_start3A_186 = tpu.memref_squeeze %dma_start3A_185 : memref<1x640xf32, #tpu.memory_space<vmem_shared>> -> memref<640xf32, #tpu.memory_space<vmem_shared>>
    tpu.enqueue_dma source(%dma_start3A_186 : memref<640xf32, #tpu.memory_space<vmem_shared>>) target(%dma_start3A_184 : memref<640xf32, #tpu.memory_space<vmem>>) target_semaphore(%arg15 : memref<!tpu.dma_semaphore, #tpu.memory_space<semaphore_mem>>)
    %dma_start3A_187 = arith.constant 3 : i32
    %dma_start3A_188 = arith.constant 3 : i32
    %dma_start3A_189 = arith.constant 0 : i32
    %dma_start3A_190 = tpu.memref_slice %arg10[%dma_start3A_188, %dma_start3A_189] : memref<16x640xf32, #tpu.memory_space<vmem>> -> memref<1x640xf32, #tpu.memory_space<vmem>>
    %dma_start3A_191 = tpu.memref_squeeze %dma_start3A_190 : memref<1x640xf32, #tpu.memory_space<vmem>> -> memref<640xf32, #tpu.memory_space<vmem>>
    %dma_start3A_192 = tpu.memref_slice %arg7[%dma_start3A_187, %mul3A_150] : memref<16x10240xf32, #tpu.memory_space<vmem_shared>> -> memref<1x640xf32, #tpu.memory_space<vmem_shared>>
    %dma_start3A_193 = tpu.memref_squeeze %dma_start3A_192 : memref<1x640xf32, #tpu.memory_space<vmem_shared>> -> memref<640xf32, #tpu.memory_space<vmem_shared>>
    %dma_start3A_194 = arith.constant 0 : i32
    %dma_start3A_195 = tpu.memref_slice %arg10[%dma_start3A_188, %dma_start3A_194] : memref<16x640xf32, #tpu.memory_space<vmem>> -> memref<1x640xf32, #tpu.memory_space<vmem>>
    %dma_start3A_196 = tpu.memref_squeeze %dma_start3A_195 : memref<1x640xf32, #tpu.memory_space<vmem>> -> memref<640xf32, #tpu.memory_space<vmem>>
    %dma_start3A_197 = tpu.memref_slice %arg7[%dma_start3A_187, %mul3A_150] : memref<16x10240xf32, #tpu.memory_space<vmem_shared>> -> memref<1x640xf32, #tpu.memory_space<vmem_shared>>
    %dma_start3A_198 = tpu.memref_squeeze %dma_start3A_197 : memref<1x640xf32, #tpu.memory_space<vmem_shared>> -> memref<640xf32, #tpu.memory_space<vmem_shared>>
    tpu.enqueue_dma source(%dma_start3A_198 : memref<640xf32, #tpu.memory_space<vmem_shared>>) target(%dma_start3A_196 : memref<640xf32, #tpu.memory_space<vmem>>) target_semaphore(%arg15 : memref<!tpu.dma_semaphore, #tpu.memory_space<semaphore_mem>>)
    %dma_start3A_199 = arith.constant 4 : i32
    %dma_start3A_200 = arith.constant 4 : i32
    %dma_start3A_201 = arith.constant 0 : i32
    %dma_start3A_202 = tpu.memref_slice %arg10[%dma_start3A_200, %dma_start3A_201] : memref<16x640xf32, #tpu.memory_space<vmem>> -> memref<1x640xf32, #tpu.memory_space<vmem>>
    %dma_start3A_203 = tpu.memref_squeeze %dma_start3A_202 : memref<1x640xf32, #tpu.memory_space<vmem>> -> memref<640xf32, #tpu.memory_space<vmem>>
    %dma_start3A_204 = tpu.memref_slice %arg7[%dma_start3A_199, %mul3A_150] : memref<16x10240xf32, #tpu.memory_space<vmem_shared>> -> memref<1x640xf32, #tpu.memory_space<vmem_shared>>
    %dma_start3A_205 = tpu.memref_squeeze %dma_start3A_204 : memref<1x640xf32, #tpu.memory_space<vmem_shared>> -> memref<640xf32, #tpu.memory_space<vmem_shared>>
    %dma_start3A_206 = arith.constant 0 : i32
    %dma_start3A_207 = tpu.memref_slice %arg10[%dma_start3A_200, %dma_start3A_206] : memref<16x640xf32, #tpu.memory_space<vmem>> -> memref<1x640xf32, #tpu.memory_space<vmem>>
    %dma_start3A_208 = tpu.memref_squeeze %dma_start3A_207 : memref<1x640xf32, #tpu.memory_space<vmem>> -> memref<640xf32, #tpu.memory_space<vmem>>
    %dma_start3A_209 = tpu.memref_slice %arg7[%dma_start3A_199, %mul3A_150] : memref<16x10240xf32, #tpu.memory_space<vmem_shared>> -> memref<1x640xf32, #tpu.memory_space<vmem_shared>>
    %dma_start3A_210 = tpu.memref_squeeze %dma_start3A_209 : memref<1x640xf32, #tpu.memory_space<vmem_shared>> -> memref<640xf32, #tpu.memory_space<vmem_shared>>
    tpu.enqueue_dma source(%dma_start3A_210 : memref<640xf32, #tpu.memory_space<vmem_shared>>) target(%dma_start3A_208 : memref<640xf32, #tpu.memory_space<vmem>>) target_semaphore(%arg15 : memref<!tpu.dma_semaphore, #tpu.memory_space<semaphore_mem>>)
    %dma_start3A_211 = arith.constant 5 : i32
    %dma_start3A_212 = arith.constant 5 : i32
    %dma_start3A_213 = arith.constant 0 : i32
    %dma_start3A_214 = tpu.memref_slice %arg10[%dma_start3A_212, %dma_start3A_213] : memref<16x640xf32, #tpu.memory_space<vmem>> -> memref<1x640xf32, #tpu.memory_space<vmem>>
    %dma_start3A_215 = tpu.memref_squeeze %dma_start3A_214 : memref<1x640xf32, #tpu.memory_space<vmem>> -> memref<640xf32, #tpu.memory_space<vmem>>
    %dma_start3A_216 = tpu.memref_slice %arg7[%dma_start3A_211, %mul3A_150] : memref<16x10240xf32, #tpu.memory_space<vmem_shared>> -> memref<1x640xf32, #tpu.memory_space<vmem_shared>>
    %dma_start3A_217 = tpu.memref_squeeze %dma_start3A_216 : memref<1x640xf32, #tpu.memory_space<vmem_shared>> -> memref<640xf32, #tpu.memory_space<vmem_shared>>
    %dma_start3A_218 = arith.constant 0 : i32
    %dma_start3A_219 = tpu.memref_slice %arg10[%dma_start3A_212, %dma_start3A_218] : memref<16x640xf32, #tpu.memory_space<vmem>> -> memref<1x640xf32, #tpu.memory_space<vmem>>
    %dma_start3A_220 = tpu.memref_squeeze %dma_start3A_219 : memref<1x640xf32, #tpu.memory_space<vmem>> -> memref<640xf32, #tpu.memory_space<vmem>>
    %dma_start3A_221 = tpu.memref_slice %arg7[%dma_start3A_211, %mul3A_150] : memref<16x10240xf32, #tpu.memory_space<vmem_shared>> -> memref<1x640xf32, #tpu.memory_space<vmem_shared>>
    %dma_start3A_222 = tpu.memref_squeeze %dma_start3A_221 : memref<1x640xf32, #tpu.memory_space<vmem_shared>> -> memref<640xf32, #tpu.memory_space<vmem_shared>>
    tpu.enqueue_dma source(%dma_start3A_222 : memref<640xf32, #tpu.memory_space<vmem_shared>>) target(%dma_start3A_220 : memref<640xf32, #tpu.memory_space<vmem>>) target_semaphore(%arg15 : memref<!tpu.dma_semaphore, #tpu.memory_space<semaphore_mem>>)
    %dma_start3A_223 = arith.constant 6 : i32
    %dma_start3A_224 = arith.constant 6 : i32
    %dma_start3A_225 = arith.constant 0 : i32
    %dma_start3A_226 = tpu.memref_slice %arg10[%dma_start3A_224, %dma_start3A_225] : memref<16x640xf32, #tpu.memory_space<vmem>> -> memref<1x640xf32, #tpu.memory_space<vmem>>
    %dma_start3A_227 = tpu.memref_squeeze %dma_start3A_226 : memref<1x640xf32, #tpu.memory_space<vmem>> -> memref<640xf32, #tpu.memory_space<vmem>>
    %dma_start3A_228 = tpu.memref_slice %arg7[%dma_start3A_223, %mul3A_150] : memref<16x10240xf32, #tpu.memory_space<vmem_shared>> -> memref<1x640xf32, #tpu.memory_space<vmem_shared>>
    %dma_start3A_229 = tpu.memref_squeeze %dma_start3A_228 : memref<1x640xf32, #tpu.memory_space<vmem_shared>> -> memref<640xf32, #tpu.memory_space<vmem_shared>>
    %dma_start3A_230 = arith.constant 0 : i32
    %dma_start3A_231 = tpu.memref_slice %arg10[%dma_start3A_224, %dma_start3A_230] : memref<16x640xf32, #tpu.memory_space<vmem>> -> memref<1x640xf32, #tpu.memory_space<vmem>>
    %dma_start3A_232 = tpu.memref_squeeze %dma_start3A_231 : memref<1x640xf32, #tpu.memory_space<vmem>> -> memref<640xf32, #tpu.memory_space<vmem>>
    %dma_start3A_233 = tpu.memref_slice %arg7[%dma_start3A_223, %mul3A_150] : memref<16x10240xf32, #tpu.memory_space<vmem_shared>> -> memref<1x640xf32, #tpu.memory_space<vmem_shared>>
    %dma_start3A_234 = tpu.memref_squeeze %dma_start3A_233 : memref<1x640xf32, #tpu.memory_space<vmem_shared>> -> memref<640xf32, #tpu.memory_space<vmem_shared>>
    tpu.enqueue_dma source(%dma_start3A_234 : memref<640xf32, #tpu.memory_space<vmem_shared>>) target(%dma_start3A_232 : memref<640xf32, #tpu.memory_space<vmem>>) target_semaphore(%arg15 : memref<!tpu.dma_semaphore, #tpu.memory_space<semaphore_mem>>)
    %dma_start3A_235 = arith.constant 7 : i32
    %dma_start3A_236 = arith.constant 7 : i32
    %dma_start3A_237 = arith.constant 0 : i32
    %dma_start3A_238 = tpu.memref_slice %arg10[%dma_start3A_236, %dma_start3A_237] : memref<16x640xf32, #tpu.memory_space<vmem>> -> memref<1x640xf32, #tpu.memory_space<vmem>>
    %dma_start3A_239 = tpu.memref_squeeze %dma_start3A_238 : memref<1x640xf32, #tpu.memory_space<vmem>> -> memref<640xf32, #tpu.memory_space<vmem>>
    %dma_start3A_240 = tpu.memref_slice %arg7[%dma_start3A_235, %mul3A_150] : memref<16x10240xf32, #tpu.memory_space<vmem_shared>> -> memref<1x640xf32, #tpu.memory_space<vmem_shared>>
    %dma_start3A_241 = tpu.memref_squeeze %dma_start3A_240 : memref<1x640xf32, #tpu.memory_space<vmem_shared>> -> memref<640xf32, #tpu.memory_space<vmem_shared>>
    %dma_start3A_242 = arith.constant 0 : i32
    %dma_start3A_243 = tpu.memref_slice %arg10[%dma_start3A_236, %dma_start3A_242] : memref<16x640xf32, #tpu.memory_space<vmem>> -> memref<1x640xf32, #tpu.memory_space<vmem>>
    %dma_start3A_244 = tpu.memref_squeeze %dma_start3A_243 : memref<1x640xf32, #tpu.memory_space<vmem>> -> memref<640xf32, #tpu.memory_space<vmem>>
    %dma_start3A_245 = tpu.memref_slice %arg7[%dma_start3A_235, %mul3A_150] : memref<16x10240xf32, #tpu.memory_space<vmem_shared>> -> memref<1x640xf32, #tpu.memory_space<vmem_shared>>
    %dma_start3A_246 = tpu.memref_squeeze %dma_start3A_245 : memref<1x640xf32, #tpu.memory_space<vmem_shared>> -> memref<640xf32, #tpu.memory_space<vmem_shared>>
    tpu.enqueue_dma source(%dma_start3A_246 : memref<640xf32, #tpu.memory_space<vmem_shared>>) target(%dma_start3A_244 : memref<640xf32, #tpu.memory_space<vmem>>) target_semaphore(%arg15 : memref<!tpu.dma_semaphore, #tpu.memory_space<semaphore_mem>>)
    %dma_start3A_247 = arith.constant 8 : i32
    %dma_start3A_248 = arith.constant 8 : i32
    %dma_start3A_249 = arith.constant 0 : i32
    %dma_start3A_250 = tpu.memref_slice %arg10[%dma_start3A_248, %dma_start3A_249] : memref<16x640xf32, #tpu.memory_space<vmem>> -> memref<1x640xf32, #tpu.memory_space<vmem>>
    %dma_start3A_251 = tpu.memref_squeeze %dma_start3A_250 : memref<1x640xf32, #tpu.memory_space<vmem>> -> memref<640xf32, #tpu.memory_space<vmem>>
    %dma_start3A_252 = tpu.memref_slice %arg7[%dma_start3A_247, %mul3A_150] : memref<16x10240xf32, #tpu.memory_space<vmem_shared>> -> memref<1x640xf32, #tpu.memory_space<vmem_shared>>
    %dma_start3A_253 = tpu.memref_squeeze %dma_start3A_252 : memref<1x640xf32, #tpu.memory_space<vmem_shared>> -> memref<640xf32, #tpu.memory_space<vmem_shared>>
    %dma_start3A_254 = arith.constant 0 : i32
    %dma_start3A_255 = tpu.memref_slice %arg10[%dma_start3A_248, %dma_start3A_254] : memref<16x640xf32, #tpu.memory_space<vmem>> -> memref<1x640xf32, #tpu.memory_space<vmem>>
    %dma_start3A_256 = tpu.memref_squeeze %dma_start3A_255 : memref<1x640xf32, #tpu.memory_space<vmem>> -> memref<640xf32, #tpu.memory_space<vmem>>
    %dma_start3A_257 = tpu.memref_slice %arg7[%dma_start3A_247, %mul3A_150] : memref<16x10240xf32, #tpu.memory_space<vmem_shared>> -> memref<1x640xf32, #tpu.memory_space<vmem_shared>>
    %dma_start3A_258 = tpu.memref_squeeze %dma_start3A_257 : memref<1x640xf32, #tpu.memory_space<vmem_shared>> -> memref<640xf32, #tpu.memory_space<vmem_shared>>
    tpu.enqueue_dma source(%dma_start3A_258 : memref<640xf32, #tpu.memory_space<vmem_shared>>) target(%dma_start3A_256 : memref<640xf32, #tpu.memory_space<vmem>>) target_semaphore(%arg15 : memref<!tpu.dma_semaphore, #tpu.memory_space<semaphore_mem>>)
    %dma_start3A_259 = arith.constant 9 : i32
    %dma_start3A_260 = arith.constant 9 : i32
    %dma_start3A_261 = arith.constant 0 : i32
    %dma_start3A_262 = tpu.memref_slice %arg10[%dma_start3A_260, %dma_start3A_261] : memref<16x640xf32, #tpu.memory_space<vmem>> -> memref<1x640xf32, #tpu.memory_space<vmem>>
    %dma_start3A_263 = tpu.memref_squeeze %dma_start3A_262 : memref<1x640xf32, #tpu.memory_space<vmem>> -> memref<640xf32, #tpu.memory_space<vmem>>
    %dma_start3A_264 = tpu.memref_slice %arg7[%dma_start3A_259, %mul3A_150] : memref<16x10240xf32, #tpu.memory_space<vmem_shared>> -> memref<1x640xf32, #tpu.memory_space<vmem_shared>>
    %dma_start3A_265 = tpu.memref_squeeze %dma_start3A_264 : memref<1x640xf32, #tpu.memory_space<vmem_shared>> -> memref<640xf32, #tpu.memory_space<vmem_shared>>
    %dma_start3A_266 = arith.constant 0 : i32
    %dma_start3A_267 = tpu.memref_slice %arg10[%dma_start3A_260, %dma_start3A_266] : memref<16x640xf32, #tpu.memory_space<vmem>> -> memref<1x640xf32, #tpu.memory_space<vmem>>
    %dma_start3A_268 = tpu.memref_squeeze %dma_start3A_267 : memref<1x640xf32, #tpu.memory_space<vmem>> -> memref<640xf32, #tpu.memory_space<vmem>>
    %dma_start3A_269 = tpu.memref_slice %arg7[%dma_start3A_259, %mul3A_150] : memref<16x10240xf32, #tpu.memory_space<vmem_shared>> -> memref<1x640xf32, #tpu.memory_space<vmem_shared>>
    %dma_start3A_270 = tpu.memref_squeeze %dma_start3A_269 : memref<1x640xf32, #tpu.memory_space<vmem_shared>> -> memref<640xf32, #tpu.memory_space<vmem_shared>>
    tpu.enqueue_dma source(%dma_start3A_270 : memref<640xf32, #tpu.memory_space<vmem_shared>>) target(%dma_start3A_268 : memref<640xf32, #tpu.memory_space<vmem>>) target_semaphore(%arg15 : memref<!tpu.dma_semaphore, #tpu.memory_space<semaphore_mem>>)
    %dma_start3A_271 = arith.constant 10 : i32
    %dma_start3A_272 = arith.constant 10 : i32
    %dma_start3A_273 = arith.constant 0 : i32
    %dma_start3A_274 = tpu.memref_slice %arg10[%dma_start3A_272, %dma_start3A_273] : memref<16x640xf32, #tpu.memory_space<vmem>> -> memref<1x640xf32, #tpu.memory_space<vmem>>
    %dma_start3A_275 = tpu.memref_squeeze %dma_start3A_274 : memref<1x640xf32, #tpu.memory_space<vmem>> -> memref<640xf32, #tpu.memory_space<vmem>>
    %dma_start3A_276 = tpu.memref_slice %arg7[%dma_start3A_271, %mul3A_150] : memref<16x10240xf32, #tpu.memory_space<vmem_shared>> -> memref<1x640xf32, #tpu.memory_space<vmem_shared>>
    %dma_start3A_277 = tpu.memref_squeeze %dma_start3A_276 : memref<1x640xf32, #tpu.memory_space<vmem_shared>> -> memref<640xf32, #tpu.memory_space<vmem_shared>>
    %dma_start3A_278 = arith.constant 0 : i32
    %dma_start3A_279 = tpu.memref_slice %arg10[%dma_start3A_272, %dma_start3A_278] : memref<16x640xf32, #tpu.memory_space<vmem>> -> memref<1x640xf32, #tpu.memory_space<vmem>>
    %dma_start3A_280 = tpu.memref_squeeze %dma_start3A_279 : memref<1x640xf32, #tpu.memory_space<vmem>> -> memref<640xf32, #tpu.memory_space<vmem>>
    %dma_start3A_281 = tpu.memref_slice %arg7[%dma_start3A_271, %mul3A_150] : memref<16x10240xf32, #tpu.memory_space<vmem_shared>> -> memref<1x640xf32, #tpu.memory_space<vmem_shared>>
    %dma_start3A_282 = tpu.memref_squeeze %dma_start3A_281 : memref<1x640xf32, #tpu.memory_space<vmem_shared>> -> memref<640xf32, #tpu.memory_space<vmem_shared>>
    tpu.enqueue_dma source(%dma_start3A_282 : memref<640xf32, #tpu.memory_space<vmem_shared>>) target(%dma_start3A_280 : memref<640xf32, #tpu.memory_space<vmem>>) target_semaphore(%arg15 : memref<!tpu.dma_semaphore, #tpu.memory_space<semaphore_mem>>)
    %dma_start3A_283 = arith.constant 11 : i32
    %dma_start3A_284 = arith.constant 11 : i32
    %dma_start3A_285 = arith.constant 0 : i32
    %dma_start3A_286 = tpu.memref_slice %arg10[%dma_start3A_284, %dma_start3A_285] : memref<16x640xf32, #tpu.memory_space<vmem>> -> memref<1x640xf32, #tpu.memory_space<vmem>>
    %dma_start3A_287 = tpu.memref_squeeze %dma_start3A_286 : memref<1x640xf32, #tpu.memory_space<vmem>> -> memref<640xf32, #tpu.memory_space<vmem>>
    %dma_start3A_288 = tpu.memref_slice %arg7[%dma_start3A_283, %mul3A_150] : memref<16x10240xf32, #tpu.memory_space<vmem_shared>> -> memref<1x640xf32, #tpu.memory_space<vmem_shared>>
    %dma_start3A_289 = tpu.memref_squeeze %dma_start3A_288 : memref<1x640xf32, #tpu.memory_space<vmem_shared>> -> memref<640xf32, #tpu.memory_space<vmem_shared>>
    %dma_start3A_290 = arith.constant 0 : i32
    %dma_start3A_291 = tpu.memref_slice %arg10[%dma_start3A_284, %dma_start3A_290] : memref<16x640xf32, #tpu.memory_space<vmem>> -> memref<1x640xf32, #tpu.memory_space<vmem>>
    %dma_start3A_292 = tpu.memref_squeeze %dma_start3A_291 : memref<1x640xf32, #tpu.memory_space<vmem>> -> memref<640xf32, #tpu.memory_space<vmem>>
    %dma_start3A_293 = tpu.memref_slice %arg7[%dma_start3A_283, %mul3A_150] : memref<16x10240xf32, #tpu.memory_space<vmem_shared>> -> memref<1x640xf32, #tpu.memory_space<vmem_shared>>
    %dma_start3A_294 = tpu.memref_squeeze %dma_start3A_293 : memref<1x640xf32, #tpu.memory_space<vmem_shared>> -> memref<640xf32, #tpu.memory_space<vmem_shared>>
    tpu.enqueue_dma source(%dma_start3A_294 : memref<640xf32, #tpu.memory_space<vmem_shared>>) target(%dma_start3A_292 : memref<640xf32, #tpu.memory_space<vmem>>) target_semaphore(%arg15 : memref<!tpu.dma_semaphore, #tpu.memory_space<semaphore_mem>>)
    %dma_start3A_295 = arith.constant 12 : i32
    %dma_start3A_296 = arith.constant 12 : i32
    %dma_start3A_297 = arith.constant 0 : i32
    %dma_start3A_298 = tpu.memref_slice %arg10[%dma_start3A_296, %dma_start3A_297] : memref<16x640xf32, #tpu.memory_space<vmem>> -> memref<1x640xf32, #tpu.memory_space<vmem>>
    %dma_start3A_299 = tpu.memref_squeeze %dma_start3A_298 : memref<1x640xf32, #tpu.memory_space<vmem>> -> memref<640xf32, #tpu.memory_space<vmem>>
    %dma_start3A_300 = tpu.memref_slice %arg7[%dma_start3A_295, %mul3A_150] : memref<16x10240xf32, #tpu.memory_space<vmem_shared>> -> memref<1x640xf32, #tpu.memory_space<vmem_shared>>
    %dma_start3A_301 = tpu.memref_squeeze %dma_start3A_300 : memref<1x640xf32, #tpu.memory_space<vmem_shared>> -> memref<640xf32, #tpu.memory_space<vmem_shared>>
    %dma_start3A_302 = arith.constant 0 : i32
    %dma_start3A_303 = tpu.memref_slice %arg10[%dma_start3A_296, %dma_start3A_302] : memref<16x640xf32, #tpu.memory_space<vmem>> -> memref<1x640xf32, #tpu.memory_space<vmem>>
    %dma_start3A_304 = tpu.memref_squeeze %dma_start3A_303 : memref<1x640xf32, #tpu.memory_space<vmem>> -> memref<640xf32, #tpu.memory_space<vmem>>
    %dma_start3A_305 = tpu.memref_slice %arg7[%dma_start3A_295, %mul3A_150] : memref<16x10240xf32, #tpu.memory_space<vmem_shared>> -> memref<1x640xf32, #tpu.memory_space<vmem_shared>>
    %dma_start3A_306 = tpu.memref_squeeze %dma_start3A_305 : memref<1x640xf32, #tpu.memory_space<vmem_shared>> -> memref<640xf32, #tpu.memory_space<vmem_shared>>
    tpu.enqueue_dma source(%dma_start3A_306 : memref<640xf32, #tpu.memory_space<vmem_shared>>) target(%dma_start3A_304 : memref<640xf32, #tpu.memory_space<vmem>>) target_semaphore(%arg15 : memref<!tpu.dma_semaphore, #tpu.memory_space<semaphore_mem>>)
    %dma_start3A_307 = arith.constant 13 : i32
    %dma_start3A_308 = arith.constant 13 : i32
    %dma_start3A_309 = arith.constant 0 : i32
    %dma_start3A_310 = tpu.memref_slice %arg10[%dma_start3A_308, %dma_start3A_309] : memref<16x640xf32, #tpu.memory_space<vmem>> -> memref<1x640xf32, #tpu.memory_space<vmem>>
    %dma_start3A_311 = tpu.memref_squeeze %dma_start3A_310 : memref<1x640xf32, #tpu.memory_space<vmem>> -> memref<640xf32, #tpu.memory_space<vmem>>
    %dma_start3A_312 = tpu.memref_slice %arg7[%dma_start3A_307, %mul3A_150] : memref<16x10240xf32, #tpu.memory_space<vmem_shared>> -> memref<1x640xf32, #tpu.memory_space<vmem_shared>>
    %dma_start3A_313 = tpu.memref_squeeze %dma_start3A_312 : memref<1x640xf32, #tpu.memory_space<vmem_shared>> -> memref<640xf32, #tpu.memory_space<vmem_shared>>
    %dma_start3A_314 = arith.constant 0 : i32
    %dma_start3A_315 = tpu.memref_slice %arg10[%dma_start3A_308, %dma_start3A_314] : memref<16x640xf32, #tpu.memory_space<vmem>> -> memref<1x640xf32, #tpu.memory_space<vmem>>
    %dma_start3A_316 = tpu.memref_squeeze %dma_start3A_315 : memref<1x640xf32, #tpu.memory_space<vmem>> -> memref<640xf32, #tpu.memory_space<vmem>>
    %dma_start3A_317 = tpu.memref_slice %arg7[%dma_start3A_307, %mul3A_150] : memref<16x10240xf32, #tpu.memory_space<vmem_shared>> -> memref<1x640xf32, #tpu.memory_space<vmem_shared>>
    %dma_start3A_318 = tpu.memref_squeeze %dma_start3A_317 : memref<1x640xf32, #tpu.memory_space<vmem_shared>> -> memref<640xf32, #tpu.memory_space<vmem_shared>>
    tpu.enqueue_dma source(%dma_start3A_318 : memref<640xf32, #tpu.memory_space<vmem_shared>>) target(%dma_start3A_316 : memref<640xf32, #tpu.memory_space<vmem>>) target_semaphore(%arg15 : memref<!tpu.dma_semaphore, #tpu.memory_space<semaphore_mem>>)
    %dma_start3A_319 = arith.constant 14 : i32
    %dma_start3A_320 = arith.constant 14 : i32
    %dma_start3A_321 = arith.constant 0 : i32
    %dma_start3A_322 = tpu.memref_slice %arg10[%dma_start3A_320, %dma_start3A_321] : memref<16x640xf32, #tpu.memory_space<vmem>> -> memref<1x640xf32, #tpu.memory_space<vmem>>
    %dma_start3A_323 = tpu.memref_squeeze %dma_start3A_322 : memref<1x640xf32, #tpu.memory_space<vmem>> -> memref<640xf32, #tpu.memory_space<vmem>>
    %dma_start3A_324 = tpu.memref_slice %arg7[%dma_start3A_319, %mul3A_150] : memref<16x10240xf32, #tpu.memory_space<vmem_shared>> -> memref<1x640xf32, #tpu.memory_space<vmem_shared>>
    %dma_start3A_325 = tpu.memref_squeeze %dma_start3A_324 : memref<1x640xf32, #tpu.memory_space<vmem_shared>> -> memref<640xf32, #tpu.memory_space<vmem_shared>>
    %dma_start3A_326 = arith.constant 0 : i32
    %dma_start3A_327 = tpu.memref_slice %arg10[%dma_start3A_320, %dma_start3A_326] : memref<16x640xf32, #tpu.memory_space<vmem>> -> memref<1x640xf32, #tpu.memory_space<vmem>>
    %dma_start3A_328 = tpu.memref_squeeze %dma_start3A_327 : memref<1x640xf32, #tpu.memory_space<vmem>> -> memref<640xf32, #tpu.memory_space<vmem>>
    %dma_start3A_329 = tpu.memref_slice %arg7[%dma_start3A_319, %mul3A_150] : memref<16x10240xf32, #tpu.memory_space<vmem_shared>> -> memref<1x640xf32, #tpu.memory_space<vmem_shared>>
    %dma_start3A_330 = tpu.memref_squeeze %dma_start3A_329 : memref<1x640xf32, #tpu.memory_space<vmem_shared>> -> memref<640xf32, #tpu.memory_space<vmem_shared>>
    tpu.enqueue_dma source(%dma_start3A_330 : memref<640xf32, #tpu.memory_space<vmem_shared>>) target(%dma_start3A_328 : memref<640xf32, #tpu.memory_space<vmem>>) target_semaphore(%arg15 : memref<!tpu.dma_semaphore, #tpu.memory_space<semaphore_mem>>)
    %dma_start3A_331 = arith.constant 15 : i32
    %dma_start3A_332 = arith.constant 15 : i32
    %dma_start3A_333 = arith.constant 0 : i32
    %dma_start3A_334 = tpu.memref_slice %arg10[%dma_start3A_332, %dma_start3A_333] : memref<16x640xf32, #tpu.memory_space<vmem>> -> memref<1x640xf32, #tpu.memory_space<vmem>>
    %dma_start3A_335 = tpu.memref_squeeze %dma_start3A_334 : memref<1x640xf32, #tpu.memory_space<vmem>> -> memref<640xf32, #tpu.memory_space<vmem>>
    %dma_start3A_336 = tpu.memref_slice %arg7[%dma_start3A_331, %mul3A_150] : memref<16x10240xf32, #tpu.memory_space<vmem_shared>> -> memref<1x640xf32, #tpu.memory_space<vmem_shared>>
    %dma_start3A_337 = tpu.memref_squeeze %dma_start3A_336 : memref<1x640xf32, #tpu.memory_space<vmem_shared>> -> memref<640xf32, #tpu.memory_space<vmem_shared>>
    %dma_start3A_338 = arith.constant 0 : i32
    %dma_start3A_339 = tpu.memref_slice %arg10[%dma_start3A_332, %dma_start3A_338] : memref<16x640xf32, #tpu.memory_space<vmem>> -> memref<1x640xf32, #tpu.memory_space<vmem>>
    %dma_start3A_340 = tpu.memref_squeeze %dma_start3A_339 : memref<1x640xf32, #tpu.memory_space<vmem>> -> memref<640xf32, #tpu.memory_space<vmem>>
    %dma_start3A_341 = tpu.memref_slice %arg7[%dma_start3A_331, %mul3A_150] : memref<16x10240xf32, #tpu.memory_space<vmem_shared>> -> memref<1x640xf32, #tpu.memory_space<vmem_shared>>
    %dma_start3A_342 = tpu.memref_squeeze %dma_start3A_341 : memref<1x640xf32, #tpu.memory_space<vmem_shared>> -> memref<640xf32, #tpu.memory_space<vmem_shared>>
    tpu.enqueue_dma source(%dma_start3A_342 : memref<640xf32, #tpu.memory_space<vmem_shared>>) target(%dma_start3A_340 : memref<640xf32, #tpu.memory_space<vmem>>) target_semaphore(%arg15 : memref<!tpu.dma_semaphore, #tpu.memory_space<semaphore_mem>>)
    %dma_wait3A_343 = arith.constant 0 : i32
    %dma_wait3A_344 = arith.constant 0 : i32
    %dma_wait3A_345 = arith.constant 0 : i32
    %dma_wait3A_346 = tpu.memref_slice %arg10[%dma_wait3A_344, %dma_wait3A_345] : memref<16x640xf32, #tpu.memory_space<vmem>> -> memref<1x640xf32, #tpu.memory_space<vmem>>
    %dma_wait3A_347 = tpu.memref_squeeze %dma_wait3A_346 : memref<1x640xf32, #tpu.memory_space<vmem>> -> memref<640xf32, #tpu.memory_space<vmem>>
    %dma_wait3A_348 = tpu.memref_slice %arg7[%dma_wait3A_343, %mul3A_150] : memref<16x10240xf32, #tpu.memory_space<vmem_shared>> -> memref<1x640xf32, #tpu.memory_space<vmem_shared>>
    %dma_wait3A_349 = tpu.memref_squeeze %dma_wait3A_348 : memref<1x640xf32, #tpu.memory_space<vmem_shared>> -> memref<640xf32, #tpu.memory_space<vmem_shared>>
    %dma_wait3A_350 = arith.constant 0 : i32
    %dma_wait3A_351 = tpu.memref_slice %arg10[%dma_wait3A_344, %dma_wait3A_350] : memref<16x640xf32, #tpu.memory_space<vmem>> -> memref<1x640xf32, #tpu.memory_space<vmem>>
    %dma_wait3A_352 = tpu.memref_squeeze %dma_wait3A_351 : memref<1x640xf32, #tpu.memory_space<vmem>> -> memref<640xf32, #tpu.memory_space<vmem>>
    %dma_wait3A_353 = tpu.memref_slice %arg7[%dma_wait3A_343, %mul3A_150] : memref<16x10240xf32, #tpu.memory_space<vmem_shared>> -> memref<1x640xf32, #tpu.memory_space<vmem_shared>>
    %dma_wait3A_354 = tpu.memref_squeeze %dma_wait3A_353 : memref<1x640xf32, #tpu.memory_space<vmem_shared>> -> memref<640xf32, #tpu.memory_space<vmem_shared>>
    tpu.wait_dma2 semaphore(%arg15 : memref<!tpu.dma_semaphore, #tpu.memory_space<semaphore_mem>>) src(%dma_wait3A_354 : memref<640xf32, #tpu.memory_space<vmem_shared>>) dst(%dma_wait3A_352 : memref<640xf32, #tpu.memory_space<vmem>>)
    %dma_wait3A_355 = arith.constant 1 : i32
    %dma_wait3A_356 = arith.constant 1 : i32
    %dma_wait3A_357 = arith.constant 0 : i32
    %dma_wait3A_358 = tpu.memref_slice %arg10[%dma_wait3A_356, %dma_wait3A_357] : memref<16x640xf32, #tpu.memory_space<vmem>> -> memref<1x640xf32, #tpu.memory_space<vmem>>
    %dma_wait3A_359 = tpu.memref_squeeze %dma_wait3A_358 : memref<1x640xf32, #tpu.memory_space<vmem>> -> memref<640xf32, #tpu.memory_space<vmem>>
    %dma_wait3A_360 = tpu.memref_slice %arg7[%dma_wait3A_355, %mul3A_150] : memref<16x10240xf32, #tpu.memory_space<vmem_shared>> -> memref<1x640xf32, #tpu.memory_space<vmem_shared>>
    %dma_wait3A_361 = tpu.memref_squeeze %dma_wait3A_360 : memref<1x640xf32, #tpu.memory_space<vmem_shared>> -> memref<640xf32, #tpu.memory_space<vmem_shared>>
    %dma_wait3A_362 = arith.constant 0 : i32
    %dma_wait3A_363 = tpu.memref_slice %arg10[%dma_wait3A_356, %dma_wait3A_362] : memref<16x640xf32, #tpu.memory_space<vmem>> -> memref<1x640xf32, #tpu.memory_space<vmem>>
    %dma_wait3A_364 = tpu.memref_squeeze %dma_wait3A_363 : memref<1x640xf32, #tpu.memory_space<vmem>> -> memref<640xf32, #tpu.memory_space<vmem>>
    %dma_wait3A_365 = tpu.memref_slice %arg7[%dma_wait3A_355, %mul3A_150] : memref<16x10240xf32, #tpu.memory_space<vmem_shared>> -> memref<1x640xf32, #tpu.memory_space<vmem_shared>>
    %dma_wait3A_366 = tpu.memref_squeeze %dma_wait3A_365 : memref<1x640xf32, #tpu.memory_space<vmem_shared>> -> memref<640xf32, #tpu.memory_space<vmem_shared>>
    tpu.wait_dma2 semaphore(%arg15 : memref<!tpu.dma_semaphore, #tpu.memory_space<semaphore_mem>>) src(%dma_wait3A_366 : memref<640xf32, #tpu.memory_space<vmem_shared>>) dst(%dma_wait3A_364 : memref<640xf32, #tpu.memory_space<vmem>>)
    %dma_wait3A_367 = arith.constant 2 : i32
    %dma_wait3A_368 = arith.constant 2 : i32
    %dma_wait3A_369 = arith.constant 0 : i32
    %dma_wait3A_370 = tpu.memref_slice %arg10[%dma_wait3A_368, %dma_wait3A_369] : memref<16x640xf32, #tpu.memory_space<vmem>> -> memref<1x640xf32, #tpu.memory_space<vmem>>
    %dma_wait3A_371 = tpu.memref_squeeze %dma_wait3A_370 : memref<1x640xf32, #tpu.memory_space<vmem>> -> memref<640xf32, #tpu.memory_space<vmem>>
    %dma_wait3A_372 = tpu.memref_slice %arg7[%dma_wait3A_367, %mul3A_150] : memref<16x10240xf32, #tpu.memory_space<vmem_shared>> -> memref<1x640xf32, #tpu.memory_space<vmem_shared>>
    %dma_wait3A_373 = tpu.memref_squeeze %dma_wait3A_372 : memref<1x640xf32, #tpu.memory_space<vmem_shared>> -> memref<640xf32, #tpu.memory_space<vmem_shared>>
    %dma_wait3A_374 = arith.constant 0 : i32
    %dma_wait3A_375 = tpu.memref_slice %arg10[%dma_wait3A_368, %dma_wait3A_374] : memref<16x640xf32, #tpu.memory_space<vmem>> -> memref<1x640xf32, #tpu.memory_space<vmem>>
    %dma_wait3A_376 = tpu.memref_squeeze %dma_wait3A_375 : memref<1x640xf32, #tpu.memory_space<vmem>> -> memref<640xf32, #tpu.memory_space<vmem>>
    %dma_wait3A_377 = tpu.memref_slice %arg7[%dma_wait3A_367, %mul3A_150] : memref<16x10240xf32, #tpu.memory_space<vmem_shared>> -> memref<1x640xf32, #tpu.memory_space<vmem_shared>>
    %dma_wait3A_378 = tpu.memref_squeeze %dma_wait3A_377 : memref<1x640xf32, #tpu.memory_space<vmem_shared>> -> memref<640xf32, #tpu.memory_space<vmem_shared>>
    tpu.wait_dma2 semaphore(%arg15 : memref<!tpu.dma_semaphore, #tpu.memory_space<semaphore_mem>>) src(%dma_wait3A_378 : memref<640xf32, #tpu.memory_space<vmem_shared>>) dst(%dma_wait3A_376 : memref<640xf32, #tpu.memory_space<vmem>>)
    %dma_wait3A_379 = arith.constant 3 : i32
    %dma_wait3A_380 = arith.constant 3 : i32
    %dma_wait3A_381 = arith.constant 0 : i32
    %dma_wait3A_382 = tpu.memref_slice %arg10[%dma_wait3A_380, %dma_wait3A_381] : memref<16x640xf32, #tpu.memory_space<vmem>> -> memref<1x640xf32, #tpu.memory_space<vmem>>
    %dma_wait3A_383 = tpu.memref_squeeze %dma_wait3A_382 : memref<1x640xf32, #tpu.memory_space<vmem>> -> memref<640xf32, #tpu.memory_space<vmem>>
    %dma_wait3A_384 = tpu.memref_slice %arg7[%dma_wait3A_379, %mul3A_150] : memref<16x10240xf32, #tpu.memory_space<vmem_shared>> -> memref<1x640xf32, #tpu.memory_space<vmem_shared>>
    %dma_wait3A_385 = tpu.memref_squeeze %dma_wait3A_384 : memref<1x640xf32, #tpu.memory_space<vmem_shared>> -> memref<640xf32, #tpu.memory_space<vmem_shared>>
    %dma_wait3A_386 = arith.constant 0 : i32
    %dma_wait3A_387 = tpu.memref_slice %arg10[%dma_wait3A_380, %dma_wait3A_386] : memref<16x640xf32, #tpu.memory_space<vmem>> -> memref<1x640xf32, #tpu.memory_space<vmem>>
    %dma_wait3A_388 = tpu.memref_squeeze %dma_wait3A_387 : memref<1x640xf32, #tpu.memory_space<vmem>> -> memref<640xf32, #tpu.memory_space<vmem>>
    %dma_wait3A_389 = tpu.memref_slice %arg7[%dma_wait3A_379, %mul3A_150] : memref<16x10240xf32, #tpu.memory_space<vmem_shared>> -> memref<1x640xf32, #tpu.memory_space<vmem_shared>>
    %dma_wait3A_390 = tpu.memref_squeeze %dma_wait3A_389 : memref<1x640xf32, #tpu.memory_space<vmem_shared>> -> memref<640xf32, #tpu.memory_space<vmem_shared>>
    tpu.wait_dma2 semaphore(%arg15 : memref<!tpu.dma_semaphore, #tpu.memory_space<semaphore_mem>>) src(%dma_wait3A_390 : memref<640xf32, #tpu.memory_space<vmem_shared>>) dst(%dma_wait3A_388 : memref<640xf32, #tpu.memory_space<vmem>>)
    %dma_wait3A_391 = arith.constant 4 : i32
    %dma_wait3A_392 = arith.constant 4 : i32
    %dma_wait3A_393 = arith.constant 0 : i32
    %dma_wait3A_394 = tpu.memref_slice %arg10[%dma_wait3A_392, %dma_wait3A_393] : memref<16x640xf32, #tpu.memory_space<vmem>> -> memref<1x640xf32, #tpu.memory_space<vmem>>
    %dma_wait3A_395 = tpu.memref_squeeze %dma_wait3A_394 : memref<1x640xf32, #tpu.memory_space<vmem>> -> memref<640xf32, #tpu.memory_space<vmem>>
    %dma_wait3A_396 = tpu.memref_slice %arg7[%dma_wait3A_391, %mul3A_150] : memref<16x10240xf32, #tpu.memory_space<vmem_shared>> -> memref<1x640xf32, #tpu.memory_space<vmem_shared>>
    %dma_wait3A_397 = tpu.memref_squeeze %dma_wait3A_396 : memref<1x640xf32, #tpu.memory_space<vmem_shared>> -> memref<640xf32, #tpu.memory_space<vmem_shared>>
    %dma_wait3A_398 = arith.constant 0 : i32
    %dma_wait3A_399 = tpu.memref_slice %arg10[%dma_wait3A_392, %dma_wait3A_398] : memref<16x640xf32, #tpu.memory_space<vmem>> -> memref<1x640xf32, #tpu.memory_space<vmem>>
    %dma_wait3A_400 = tpu.memref_squeeze %dma_wait3A_399 : memref<1x640xf32, #tpu.memory_space<vmem>> -> memref<640xf32, #tpu.memory_space<vmem>>
    %dma_wait3A_401 = tpu.memref_slice %arg7[%dma_wait3A_391, %mul3A_150] : memref<16x10240xf32, #tpu.memory_space<vmem_shared>> -> memref<1x640xf32, #tpu.memory_space<vmem_shared>>
    %dma_wait3A_402 = tpu.memref_squeeze %dma_wait3A_401 : memref<1x640xf32, #tpu.memory_space<vmem_shared>> -> memref<640xf32, #tpu.memory_space<vmem_shared>>
    tpu.wait_dma2 semaphore(%arg15 : memref<!tpu.dma_semaphore, #tpu.memory_space<semaphore_mem>>) src(%dma_wait3A_402 : memref<640xf32, #tpu.memory_space<vmem_shared>>) dst(%dma_wait3A_400 : memref<640xf32, #tpu.memory_space<vmem>>)
    %dma_wait3A_403 = arith.constant 5 : i32
    %dma_wait3A_404 = arith.constant 5 : i32
    %dma_wait3A_405 = arith.constant 0 : i32
    %dma_wait3A_406 = tpu.memref_slice %arg10[%dma_wait3A_404, %dma_wait3A_405] : memref<16x640xf32, #tpu.memory_space<vmem>> -> memref<1x640xf32, #tpu.memory_space<vmem>>
    %dma_wait3A_407 = tpu.memref_squeeze %dma_wait3A_406 : memref<1x640xf32, #tpu.memory_space<vmem>> -> memref<640xf32, #tpu.memory_space<vmem>>
    %dma_wait3A_408 = tpu.memref_slice %arg7[%dma_wait3A_403, %mul3A_150] : memref<16x10240xf32, #tpu.memory_space<vmem_shared>> -> memref<1x640xf32, #tpu.memory_space<vmem_shared>>
    %dma_wait3A_409 = tpu.memref_squeeze %dma_wait3A_408 : memref<1x640xf32, #tpu.memory_space<vmem_shared>> -> memref<640xf32, #tpu.memory_space<vmem_shared>>
    %dma_wait3A_410 = arith.constant 0 : i32
    %dma_wait3A_411 = tpu.memref_slice %arg10[%dma_wait3A_404, %dma_wait3A_410] : memref<16x640xf32, #tpu.memory_space<vmem>> -> memref<1x640xf32, #tpu.memory_space<vmem>>
    %dma_wait3A_412 = tpu.memref_squeeze %dma_wait3A_411 : memref<1x640xf32, #tpu.memory_space<vmem>> -> memref<640xf32, #tpu.memory_space<vmem>>
    %dma_wait3A_413 = tpu.memref_slice %arg7[%dma_wait3A_403, %mul3A_150] : memref<16x10240xf32, #tpu.memory_space<vmem_shared>> -> memref<1x640xf32, #tpu.memory_space<vmem_shared>>
    %dma_wait3A_414 = tpu.memref_squeeze %dma_wait3A_413 : memref<1x640xf32, #tpu.memory_space<vmem_shared>> -> memref<640xf32, #tpu.memory_space<vmem_shared>>
    tpu.wait_dma2 semaphore(%arg15 : memref<!tpu.dma_semaphore, #tpu.memory_space<semaphore_mem>>) src(%dma_wait3A_414 : memref<640xf32, #tpu.memory_space<vmem_shared>>) dst(%dma_wait3A_412 : memref<640xf32, #tpu.memory_space<vmem>>)
    %dma_wait3A_415 = arith.constant 6 : i32
    %dma_wait3A_416 = arith.constant 6 : i32
    %dma_wait3A_417 = arith.constant 0 : i32
    %dma_wait3A_418 = tpu.memref_slice %arg10[%dma_wait3A_416, %dma_wait3A_417] : memref<16x640xf32, #tpu.memory_space<vmem>> -> memref<1x640xf32, #tpu.memory_space<vmem>>
    %dma_wait3A_419 = tpu.memref_squeeze %dma_wait3A_418 : memref<1x640xf32, #tpu.memory_space<vmem>> -> memref<640xf32, #tpu.memory_space<vmem>>
    %dma_wait3A_420 = tpu.memref_slice %arg7[%dma_wait3A_415, %mul3A_150] : memref<16x10240xf32, #tpu.memory_space<vmem_shared>> -> memref<1x640xf32, #tpu.memory_space<vmem_shared>>
    %dma_wait3A_421 = tpu.memref_squeeze %dma_wait3A_420 : memref<1x640xf32, #tpu.memory_space<vmem_shared>> -> memref<640xf32, #tpu.memory_space<vmem_shared>>
    %dma_wait3A_422 = arith.constant 0 : i32
    %dma_wait3A_423 = tpu.memref_slice %arg10[%dma_wait3A_416, %dma_wait3A_422] : memref<16x640xf32, #tpu.memory_space<vmem>> -> memref<1x640xf32, #tpu.memory_space<vmem>>
    %dma_wait3A_424 = tpu.memref_squeeze %dma_wait3A_423 : memref<1x640xf32, #tpu.memory_space<vmem>> -> memref<640xf32, #tpu.memory_space<vmem>>
    %dma_wait3A_425 = tpu.memref_slice %arg7[%dma_wait3A_415, %mul3A_150] : memref<16x10240xf32, #tpu.memory_space<vmem_shared>> -> memref<1x640xf32, #tpu.memory_space<vmem_shared>>
    %dma_wait3A_426 = tpu.memref_squeeze %dma_wait3A_425 : memref<1x640xf32, #tpu.memory_space<vmem_shared>> -> memref<640xf32, #tpu.memory_space<vmem_shared>>
    tpu.wait_dma2 semaphore(%arg15 : memref<!tpu.dma_semaphore, #tpu.memory_space<semaphore_mem>>) src(%dma_wait3A_426 : memref<640xf32, #tpu.memory_space<vmem_shared>>) dst(%dma_wait3A_424 : memref<640xf32, #tpu.memory_space<vmem>>)
    %dma_wait3A_427 = arith.constant 7 : i32
    %dma_wait3A_428 = arith.constant 7 : i32
    %dma_wait3A_429 = arith.constant 0 : i32
    %dma_wait3A_430 = tpu.memref_slice %arg10[%dma_wait3A_428, %dma_wait3A_429] : memref<16x640xf32, #tpu.memory_space<vmem>> -> memref<1x640xf32, #tpu.memory_space<vmem>>
    %dma_wait3A_431 = tpu.memref_squeeze %dma_wait3A_430 : memref<1x640xf32, #tpu.memory_space<vmem>> -> memref<640xf32, #tpu.memory_space<vmem>>
    %dma_wait3A_432 = tpu.memref_slice %arg7[%dma_wait3A_427, %mul3A_150] : memref<16x10240xf32, #tpu.memory_space<vmem_shared>> -> memref<1x640xf32, #tpu.memory_space<vmem_shared>>
    %dma_wait3A_433 = tpu.memref_squeeze %dma_wait3A_432 : memref<1x640xf32, #tpu.memory_space<vmem_shared>> -> memref<640xf32, #tpu.memory_space<vmem_shared>>
    %dma_wait3A_434 = arith.constant 0 : i32
    %dma_wait3A_435 = tpu.memref_slice %arg10[%dma_wait3A_428, %dma_wait3A_434] : memref<16x640xf32, #tpu.memory_space<vmem>> -> memref<1x640xf32, #tpu.memory_space<vmem>>
    %dma_wait3A_436 = tpu.memref_squeeze %dma_wait3A_435 : memref<1x640xf32, #tpu.memory_space<vmem>> -> memref<640xf32, #tpu.memory_space<vmem>>
    %dma_wait3A_437 = tpu.memref_slice %arg7[%dma_wait3A_427, %mul3A_150] : memref<16x10240xf32, #tpu.memory_space<vmem_shared>> -> memref<1x640xf32, #tpu.memory_space<vmem_shared>>
    %dma_wait3A_438 = tpu.memref_squeeze %dma_wait3A_437 : memref<1x640xf32, #tpu.memory_space<vmem_shared>> -> memref<640xf32, #tpu.memory_space<vmem_shared>>
    tpu.wait_dma2 semaphore(%arg15 : memref<!tpu.dma_semaphore, #tpu.memory_space<semaphore_mem>>) src(%dma_wait3A_438 : memref<640xf32, #tpu.memory_space<vmem_shared>>) dst(%dma_wait3A_436 : memref<640xf32, #tpu.memory_space<vmem>>)
    %dma_wait3A_439 = arith.constant 8 : i32
    %dma_wait3A_440 = arith.constant 8 : i32
    %dma_wait3A_441 = arith.constant 0 : i32
    %dma_wait3A_442 = tpu.memref_slice %arg10[%dma_wait3A_440, %dma_wait3A_441] : memref<16x640xf32, #tpu.memory_space<vmem>> -> memref<1x640xf32, #tpu.memory_space<vmem>>
    %dma_wait3A_443 = tpu.memref_squeeze %dma_wait3A_442 : memref<1x640xf32, #tpu.memory_space<vmem>> -> memref<640xf32, #tpu.memory_space<vmem>>
    %dma_wait3A_444 = tpu.memref_slice %arg7[%dma_wait3A_439, %mul3A_150] : memref<16x10240xf32, #tpu.memory_space<vmem_shared>> -> memref<1x640xf32, #tpu.memory_space<vmem_shared>>
    %dma_wait3A_445 = tpu.memref_squeeze %dma_wait3A_444 : memref<1x640xf32, #tpu.memory_space<vmem_shared>> -> memref<640xf32, #tpu.memory_space<vmem_shared>>
    %dma_wait3A_446 = arith.constant 0 : i32
    %dma_wait3A_447 = tpu.memref_slice %arg10[%dma_wait3A_440, %dma_wait3A_446] : memref<16x640xf32, #tpu.memory_space<vmem>> -> memref<1x640xf32, #tpu.memory_space<vmem>>
    %dma_wait3A_448 = tpu.memref_squeeze %dma_wait3A_447 : memref<1x640xf32, #tpu.memory_space<vmem>> -> memref<640xf32, #tpu.memory_space<vmem>>
    %dma_wait3A_449 = tpu.memref_slice %arg7[%dma_wait3A_439, %mul3A_150] : memref<16x10240xf32, #tpu.memory_space<vmem_shared>> -> memref<1x640xf32, #tpu.memory_space<vmem_shared>>
    %dma_wait3A_450 = tpu.memref_squeeze %dma_wait3A_449 : memref<1x640xf32, #tpu.memory_space<vmem_shared>> -> memref<640xf32, #tpu.memory_space<vmem_shared>>
    tpu.wait_dma2 semaphore(%arg15 : memref<!tpu.dma_semaphore, #tpu.memory_space<semaphore_mem>>) src(%dma_wait3A_450 : memref<640xf32, #tpu.memory_space<vmem_shared>>) dst(%dma_wait3A_448 : memref<640xf32, #tpu.memory_space<vmem>>)
    %dma_wait3A_451 = arith.constant 9 : i32
    %dma_wait3A_452 = arith.constant 9 : i32
    %dma_wait3A_453 = arith.constant 0 : i32
    %dma_wait3A_454 = tpu.memref_slice %arg10[%dma_wait3A_452, %dma_wait3A_453] : memref<16x640xf32, #tpu.memory_space<vmem>> -> memref<1x640xf32, #tpu.memory_space<vmem>>
    %dma_wait3A_455 = tpu.memref_squeeze %dma_wait3A_454 : memref<1x640xf32, #tpu.memory_space<vmem>> -> memref<640xf32, #tpu.memory_space<vmem>>
    %dma_wait3A_456 = tpu.memref_slice %arg7[%dma_wait3A_451, %mul3A_150] : memref<16x10240xf32, #tpu.memory_space<vmem_shared>> -> memref<1x640xf32, #tpu.memory_space<vmem_shared>>
    %dma_wait3A_457 = tpu.memref_squeeze %dma_wait3A_456 : memref<1x640xf32, #tpu.memory_space<vmem_shared>> -> memref<640xf32, #tpu.memory_space<vmem_shared>>
    %dma_wait3A_458 = arith.constant 0 : i32
    %dma_wait3A_459 = tpu.memref_slice %arg10[%dma_wait3A_452, %dma_wait3A_458] : memref<16x640xf32, #tpu.memory_space<vmem>> -> memref<1x640xf32, #tpu.memory_space<vmem>>
    %dma_wait3A_460 = tpu.memref_squeeze %dma_wait3A_459 : memref<1x640xf32, #tpu.memory_space<vmem>> -> memref<640xf32, #tpu.memory_space<vmem>>
    %dma_wait3A_461 = tpu.memref_slice %arg7[%dma_wait3A_451, %mul3A_150] : memref<16x10240xf32, #tpu.memory_space<vmem_shared>> -> memref<1x640xf32, #tpu.memory_space<vmem_shared>>
    %dma_wait3A_462 = tpu.memref_squeeze %dma_wait3A_461 : memref<1x640xf32, #tpu.memory_space<vmem_shared>> -> memref<640xf32, #tpu.memory_space<vmem_shared>>
    tpu.wait_dma2 semaphore(%arg15 : memref<!tpu.dma_semaphore, #tpu.memory_space<semaphore_mem>>) src(%dma_wait3A_462 : memref<640xf32, #tpu.memory_space<vmem_shared>>) dst(%dma_wait3A_460 : memref<640xf32, #tpu.memory_space<vmem>>)
    %dma_wait3A_463 = arith.constant 10 : i32
    %dma_wait3A_464 = arith.constant 10 : i32
    %dma_wait3A_465 = arith.constant 0 : i32
    %dma_wait3A_466 = tpu.memref_slice %arg10[%dma_wait3A_464, %dma_wait3A_465] : memref<16x640xf32, #tpu.memory_space<vmem>> -> memref<1x640xf32, #tpu.memory_space<vmem>>
    %dma_wait3A_467 = tpu.memref_squeeze %dma_wait3A_466 : memref<1x640xf32, #tpu.memory_space<vmem>> -> memref<640xf32, #tpu.memory_space<vmem>>
    %dma_wait3A_468 = tpu.memref_slice %arg7[%dma_wait3A_463, %mul3A_150] : memref<16x10240xf32, #tpu.memory_space<vmem_shared>> -> memref<1x640xf32, #tpu.memory_space<vmem_shared>>
    %dma_wait3A_469 = tpu.memref_squeeze %dma_wait3A_468 : memref<1x640xf32, #tpu.memory_space<vmem_shared>> -> memref<640xf32, #tpu.memory_space<vmem_shared>>
    %dma_wait3A_470 = arith.constant 0 : i32
    %dma_wait3A_471 = tpu.memref_slice %arg10[%dma_wait3A_464, %dma_wait3A_470] : memref<16x640xf32, #tpu.memory_space<vmem>> -> memref<1x640xf32, #tpu.memory_space<vmem>>
    %dma_wait3A_472 = tpu.memref_squeeze %dma_wait3A_471 : memref<1x640xf32, #tpu.memory_space<vmem>> -> memref<640xf32, #tpu.memory_space<vmem>>
    %dma_wait3A_473 = tpu.memref_slice %arg7[%dma_wait3A_463, %mul3A_150] : memref<16x10240xf32, #tpu.memory_space<vmem_shared>> -> memref<1x640xf32, #tpu.memory_space<vmem_shared>>
    %dma_wait3A_474 = tpu.memref_squeeze %dma_wait3A_473 : memref<1x640xf32, #tpu.memory_space<vmem_shared>> -> memref<640xf32, #tpu.memory_space<vmem_shared>>
    tpu.wait_dma2 semaphore(%arg15 : memref<!tpu.dma_semaphore, #tpu.memory_space<semaphore_mem>>) src(%dma_wait3A_474 : memref<640xf32, #tpu.memory_space<vmem_shared>>) dst(%dma_wait3A_472 : memref<640xf32, #tpu.memory_space<vmem>>)
    %dma_wait3A_475 = arith.constant 11 : i32
    %dma_wait3A_476 = arith.constant 11 : i32
    %dma_wait3A_477 = arith.constant 0 : i32
    %dma_wait3A_478 = tpu.memref_slice %arg10[%dma_wait3A_476, %dma_wait3A_477] : memref<16x640xf32, #tpu.memory_space<vmem>> -> memref<1x640xf32, #tpu.memory_space<vmem>>
    %dma_wait3A_479 = tpu.memref_squeeze %dma_wait3A_478 : memref<1x640xf32, #tpu.memory_space<vmem>> -> memref<640xf32, #tpu.memory_space<vmem>>
    %dma_wait3A_480 = tpu.memref_slice %arg7[%dma_wait3A_475, %mul3A_150] : memref<16x10240xf32, #tpu.memory_space<vmem_shared>> -> memref<1x640xf32, #tpu.memory_space<vmem_shared>>
    %dma_wait3A_481 = tpu.memref_squeeze %dma_wait3A_480 : memref<1x640xf32, #tpu.memory_space<vmem_shared>> -> memref<640xf32, #tpu.memory_space<vmem_shared>>
    %dma_wait3A_482 = arith.constant 0 : i32
    %dma_wait3A_483 = tpu.memref_slice %arg10[%dma_wait3A_476, %dma_wait3A_482] : memref<16x640xf32, #tpu.memory_space<vmem>> -> memref<1x640xf32, #tpu.memory_space<vmem>>
    %dma_wait3A_484 = tpu.memref_squeeze %dma_wait3A_483 : memref<1x640xf32, #tpu.memory_space<vmem>> -> memref<640xf32, #tpu.memory_space<vmem>>
    %dma_wait3A_485 = tpu.memref_slice %arg7[%dma_wait3A_475, %mul3A_150] : memref<16x10240xf32, #tpu.memory_space<vmem_shared>> -> memref<1x640xf32, #tpu.memory_space<vmem_shared>>
    %dma_wait3A_486 = tpu.memref_squeeze %dma_wait3A_485 : memref<1x640xf32, #tpu.memory_space<vmem_shared>> -> memref<640xf32, #tpu.memory_space<vmem_shared>>
    tpu.wait_dma2 semaphore(%arg15 : memref<!tpu.dma_semaphore, #tpu.memory_space<semaphore_mem>>) src(%dma_wait3A_486 : memref<640xf32, #tpu.memory_space<vmem_shared>>) dst(%dma_wait3A_484 : memref<640xf32, #tpu.memory_space<vmem>>)
    %dma_wait3A_487 = arith.constant 12 : i32
    %dma_wait3A_488 = arith.constant 12 : i32
    %dma_wait3A_489 = arith.constant 0 : i32
    %dma_wait3A_490 = tpu.memref_slice %arg10[%dma_wait3A_488, %dma_wait3A_489] : memref<16x640xf32, #tpu.memory_space<vmem>> -> memref<1x640xf32, #tpu.memory_space<vmem>>
    %dma_wait3A_491 = tpu.memref_squeeze %dma_wait3A_490 : memref<1x640xf32, #tpu.memory_space<vmem>> -> memref<640xf32, #tpu.memory_space<vmem>>
    %dma_wait3A_492 = tpu.memref_slice %arg7[%dma_wait3A_487, %mul3A_150] : memref<16x10240xf32, #tpu.memory_space<vmem_shared>> -> memref<1x640xf32, #tpu.memory_space<vmem_shared>>
    %dma_wait3A_493 = tpu.memref_squeeze %dma_wait3A_492 : memref<1x640xf32, #tpu.memory_space<vmem_shared>> -> memref<640xf32, #tpu.memory_space<vmem_shared>>
    %dma_wait3A_494 = arith.constant 0 : i32
    %dma_wait3A_495 = tpu.memref_slice %arg10[%dma_wait3A_488, %dma_wait3A_494] : memref<16x640xf32, #tpu.memory_space<vmem>> -> memref<1x640xf32, #tpu.memory_space<vmem>>
    %dma_wait3A_496 = tpu.memref_squeeze %dma_wait3A_495 : memref<1x640xf32, #tpu.memory_space<vmem>> -> memref<640xf32, #tpu.memory_space<vmem>>
    %dma_wait3A_497 = tpu.memref_slice %arg7[%dma_wait3A_487, %mul3A_150] : memref<16x10240xf32, #tpu.memory_space<vmem_shared>> -> memref<1x640xf32, #tpu.memory_space<vmem_shared>>
    %dma_wait3A_498 = tpu.memref_squeeze %dma_wait3A_497 : memref<1x640xf32, #tpu.memory_space<vmem_shared>> -> memref<640xf32, #tpu.memory_space<vmem_shared>>
    tpu.wait_dma2 semaphore(%arg15 : memref<!tpu.dma_semaphore, #tpu.memory_space<semaphore_mem>>) src(%dma_wait3A_498 : memref<640xf32, #tpu.memory_space<vmem_shared>>) dst(%dma_wait3A_496 : memref<640xf32, #tpu.memory_space<vmem>>)
    %dma_wait3A_499 = arith.constant 13 : i32
    %dma_wait3A_500 = arith.constant 13 : i32
    %dma_wait3A_501 = arith.constant 0 : i32
    %dma_wait3A_502 = tpu.memref_slice %arg10[%dma_wait3A_500, %dma_wait3A_501] : memref<16x640xf32, #tpu.memory_space<vmem>> -> memref<1x640xf32, #tpu.memory_space<vmem>>
    %dma_wait3A_503 = tpu.memref_squeeze %dma_wait3A_502 : memref<1x640xf32, #tpu.memory_space<vmem>> -> memref<640xf32, #tpu.memory_space<vmem>>
    %dma_wait3A_504 = tpu.memref_slice %arg7[%dma_wait3A_499, %mul3A_150] : memref<16x10240xf32, #tpu.memory_space<vmem_shared>> -> memref<1x640xf32, #tpu.memory_space<vmem_shared>>
    %dma_wait3A_505 = tpu.memref_squeeze %dma_wait3A_504 : memref<1x640xf32, #tpu.memory_space<vmem_shared>> -> memref<640xf32, #tpu.memory_space<vmem_shared>>
    %dma_wait3A_506 = arith.constant 0 : i32
    %dma_wait3A_507 = tpu.memref_slice %arg10[%dma_wait3A_500, %dma_wait3A_506] : memref<16x640xf32, #tpu.memory_space<vmem>> -> memref<1x640xf32, #tpu.memory_space<vmem>>
    %dma_wait3A_508 = tpu.memref_squeeze %dma_wait3A_507 : memref<1x640xf32, #tpu.memory_space<vmem>> -> memref<640xf32, #tpu.memory_space<vmem>>
    %dma_wait3A_509 = tpu.memref_slice %arg7[%dma_wait3A_499, %mul3A_150] : memref<16x10240xf32, #tpu.memory_space<vmem_shared>> -> memref<1x640xf32, #tpu.memory_space<vmem_shared>>
    %dma_wait3A_510 = tpu.memref_squeeze %dma_wait3A_509 : memref<1x640xf32, #tpu.memory_space<vmem_shared>> -> memref<640xf32, #tpu.memory_space<vmem_shared>>
    tpu.wait_dma2 semaphore(%arg15 : memref<!tpu.dma_semaphore, #tpu.memory_space<semaphore_mem>>) src(%dma_wait3A_510 : memref<640xf32, #tpu.memory_space<vmem_shared>>) dst(%dma_wait3A_508 : memref<640xf32, #tpu.memory_space<vmem>>)
    %dma_wait3A_511 = arith.constant 14 : i32
    %dma_wait3A_512 = arith.constant 14 : i32
    %dma_wait3A_513 = arith.constant 0 : i32
    %dma_wait3A_514 = tpu.memref_slice %arg10[%dma_wait3A_512, %dma_wait3A_513] : memref<16x640xf32, #tpu.memory_space<vmem>> -> memref<1x640xf32, #tpu.memory_space<vmem>>
    %dma_wait3A_515 = tpu.memref_squeeze %dma_wait3A_514 : memref<1x640xf32, #tpu.memory_space<vmem>> -> memref<640xf32, #tpu.memory_space<vmem>>
    %dma_wait3A_516 = tpu.memref_slice %arg7[%dma_wait3A_511, %mul3A_150] : memref<16x10240xf32, #tpu.memory_space<vmem_shared>> -> memref<1x640xf32, #tpu.memory_space<vmem_shared>>
    %dma_wait3A_517 = tpu.memref_squeeze %dma_wait3A_516 : memref<1x640xf32, #tpu.memory_space<vmem_shared>> -> memref<640xf32, #tpu.memory_space<vmem_shared>>
    %dma_wait3A_518 = arith.constant 0 : i32
    %dma_wait3A_519 = tpu.memref_slice %arg10[%dma_wait3A_512, %dma_wait3A_518] : memref<16x640xf32, #tpu.memory_space<vmem>> -> memref<1x640xf32, #tpu.memory_space<vmem>>
    %dma_wait3A_520 = tpu.memref_squeeze %dma_wait3A_519 : memref<1x640xf32, #tpu.memory_space<vmem>> -> memref<640xf32, #tpu.memory_space<vmem>>
    %dma_wait3A_521 = tpu.memref_slice %arg7[%dma_wait3A_511, %mul3A_150] : memref<16x10240xf32, #tpu.memory_space<vmem_shared>> -> memref<1x640xf32, #tpu.memory_space<vmem_shared>>
    %dma_wait3A_522 = tpu.memref_squeeze %dma_wait3A_521 : memref<1x640xf32, #tpu.memory_space<vmem_shared>> -> memref<640xf32, #tpu.memory_space<vmem_shared>>
    tpu.wait_dma2 semaphore(%arg15 : memref<!tpu.dma_semaphore, #tpu.memory_space<semaphore_mem>>) src(%dma_wait3A_522 : memref<640xf32, #tpu.memory_space<vmem_shared>>) dst(%dma_wait3A_520 : memref<640xf32, #tpu.memory_space<vmem>>)
    %dma_wait3A_523 = arith.constant 15 : i32
    %dma_wait3A_524 = arith.constant 15 : i32
    %dma_wait3A_525 = arith.constant 0 : i32
    %dma_wait3A_526 = tpu.memref_slice %arg10[%dma_wait3A_524, %dma_wait3A_525] : memref<16x640xf32, #tpu.memory_space<vmem>> -> memref<1x640xf32, #tpu.memory_space<vmem>>
    %dma_wait3A_527 = tpu.memref_squeeze %dma_wait3A_526 : memref<1x640xf32, #tpu.memory_space<vmem>> -> memref<640xf32, #tpu.memory_space<vmem>>
    %dma_wait3A_528 = tpu.memref_slice %arg7[%dma_wait3A_523, %mul3A_150] : memref<16x10240xf32, #tpu.memory_space<vmem_shared>> -> memref<1x640xf32, #tpu.memory_space<vmem_shared>>
    %dma_wait3A_529 = tpu.memref_squeeze %dma_wait3A_528 : memref<1x640xf32, #tpu.memory_space<vmem_shared>> -> memref<640xf32, #tpu.memory_space<vmem_shared>>
    %dma_wait3A_530 = arith.constant 0 : i32
    %dma_wait3A_531 = tpu.memref_slice %arg10[%dma_wait3A_524, %dma_wait3A_530] : memref<16x640xf32, #tpu.memory_space<vmem>> -> memref<1x640xf32, #tpu.memory_space<vmem>>
    %dma_wait3A_532 = tpu.memref_squeeze %dma_wait3A_531 : memref<1x640xf32, #tpu.memory_space<vmem>> -> memref<640xf32, #tpu.memory_space<vmem>>
    %dma_wait3A_533 = tpu.memref_slice %arg7[%dma_wait3A_523, %mul3A_150] : memref<16x10240xf32, #tpu.memory_space<vmem_shared>> -> memref<1x640xf32, #tpu.memory_space<vmem_shared>>
    %dma_wait3A_534 = tpu.memref_squeeze %dma_wait3A_533 : memref<1x640xf32, #tpu.memory_space<vmem_shared>> -> memref<640xf32, #tpu.memory_space<vmem_shared>>
    tpu.wait_dma2 semaphore(%arg15 : memref<!tpu.dma_semaphore, #tpu.memory_space<semaphore_mem>>) src(%dma_wait3A_534 : memref<640xf32, #tpu.memory_space<vmem_shared>>) dst(%dma_wait3A_532 : memref<640xf32, #tpu.memory_space<vmem>>)
    %scan3A_535 = arith.constant 0 : i32
    %scan3A_536 = arith.constant 0 : i32
    %scan3A_537 = arith.constant 40 : i32
    %scan3A_538 = arith.addi %scan3A_536, %scan3A_537 : i32
    %scan3A_539 = arith.constant 1 : i32
    scf.for %scan3A_550 = %scan3A_536 to %scan3A_538 step %scan3A_539  : i32 {
      %mul3A_551 = arith.constant 16 : i32
      %mul3A_552 = arith.muli %scan3A_550, %mul3A_551 : i32
      %get3A = arith.constant 0 : i32
      %get3A_553 = arith.index_cast %get3A : i32 to index
      %get3A_554 = arith.index_cast %mul3A_552 : i32 to index
      %get3A_555 = tpu.vector_load %arg10[%get3A_553, %get3A_554] {strides = array<i32>} : memref<16x640xf32, #tpu.memory_space<vmem>>, vector<16xf32>,
      %mul3A_556 = arith.constant 16 : i32
      %mul3A_557 = arith.muli %scan3A_550, %mul3A_556 : i32
      %get3A_558 = arith.constant 1 : i32
      %get3A_559 = arith.index_cast %get3A_558 : i32 to index
      %get3A_560 = arith.index_cast %mul3A_557 : i32 to index
      %get3A_561 = tpu.vector_load %arg10[%get3A_559, %get3A_560] {strides = array<i32>} : memref<16x640xf32, #tpu.memory_space<vmem>>, vector<16xf32>,
      %add3A_562 = arith.addf %get3A_555, %get3A_561 : vector<16xf32>
      %mul3A_563 = arith.constant 16 : i32
      %mul3A_564 = arith.muli %scan3A_550, %mul3A_563 : i32
      %get3A_565 = arith.constant 2 : i32
      %get3A_566 = arith.index_cast %get3A_565 : i32 to index
      %get3A_567 = arith.index_cast %mul3A_564 : i32 to index
      %get3A_568 = tpu.vector_load %arg10[%get3A_566, %get3A_567] {strides = array<i32>} : memref<16x640xf32, #tpu.memory_space<vmem>>, vector<16xf32>,
      %add3A_569 = arith.addf %add3A_562, %get3A_568 : vector<16xf32>
      %mul3A_570 = arith.constant 16 : i32
      %mul3A_571 = arith.muli %scan3A_550, %mul3A_570 : i32
      %get3A_572 = arith.constant 3 : i32
      %get3A_573 = arith.index_cast %get3A_572 : i32 to index
      %get3A_574 = arith.index_cast %mul3A_571 : i32 to index
      %get3A_575 = tpu.vector_load %arg10[%get3A_573, %get3A_574] {strides = array<i32>} : memref<16x640xf32, #tpu.memory_space<vmem>>, vector<16xf32>,
      %add3A_576 = arith.addf %add3A_569, %get3A_575 : vector<16xf32>
      %mul3A_577 = arith.constant 16 : i32
      %mul3A_578 = arith.muli %scan3A_550, %mul3A_577 : i32
      %get3A_579 = arith.constant 4 : i32
      %get3A_580 = arith.index_cast %get3A_579 : i32 to index
      %get3A_581 = arith.index_cast %mul3A_578 : i32 to index
      %get3A_582 = tpu.vector_load %arg10[%get3A_580, %get3A_581] {strides = array<i32>} : memref<16x640xf32, #tpu.memory_space<vmem>>, vector<16xf32>,
      %add3A_583 = arith.addf %add3A_576, %get3A_582 : vector<16xf32>
      %mul3A_584 = arith.constant 16 : i32
      %mul3A_585 = arith.muli %scan3A_550, %mul3A_584 : i32
      %get3A_586 = arith.constant 5 : i32
      %get3A_587 = arith.index_cast %get3A_586 : i32 to index
      %get3A_588 = arith.index_cast %mul3A_585 : i32 to index
      %get3A_589 = tpu.vector_load %arg10[%get3A_587, %get3A_588] {strides = array<i32>} : memref<16x640xf32, #tpu.memory_space<vmem>>, vector<16xf32>,
      %add3A_590 = arith.addf %add3A_583, %get3A_589 : vector<16xf32>
      %mul3A_591 = arith.constant 16 : i32
      %mul3A_592 = arith.muli %scan3A_550, %mul3A_591 : i32
      %get3A_593 = arith.constant 6 : i32
      %get3A_594 = arith.index_cast %get3A_593 : i32 to index
      %get3A_595 = arith.index_cast %mul3A_592 : i32 to index
      %get3A_596 = tpu.vector_load %arg10[%get3A_594, %get3A_595] {strides = array<i32>} : memref<16x640xf32, #tpu.memory_space<vmem>>, vector<16xf32>,
      %add3A_597 = arith.addf %add3A_590, %get3A_596 : vector<16xf32>
      %mul3A_598 = arith.constant 16 : i32
      %mul3A_599 = arith.muli %scan3A_550, %mul3A_598 : i32
      %get3A_600 = arith.constant 7 : i32
      %get3A_601 = arith.index_cast %get3A_600 : i32 to index
      %get3A_602 = arith.index_cast %mul3A_599 : i32 to index
      %get3A_603 = tpu.vector_load %arg10[%get3A_601, %get3A_602] {strides = array<i32>} : memref<16x640xf32, #tpu.memory_space<vmem>>, vector<16xf32>,
      %add3A_604 = arith.addf %add3A_597, %get3A_603 : vector<16xf32>
      %mul3A_605 = arith.constant 16 : i32
      %mul3A_606 = arith.muli %scan3A_550, %mul3A_605 : i32
      %get3A_607 = arith.constant 8 : i32
      %get3A_608 = arith.index_cast %get3A_607 : i32 to index
      %get3A_609 = arith.index_cast %mul3A_606 : i32 to index
      %get3A_610 = tpu.vector_load %arg10[%get3A_608, %get3A_609] {strides = array<i32>} : memref<16x640xf32, #tpu.memory_space<vmem>>, vector<16xf32>,
      %add3A_611 = arith.addf %add3A_604, %get3A_610 : vector<16xf32>
      %mul3A_612 = arith.constant 16 : i32
      %mul3A_613 = arith.muli %scan3A_550, %mul3A_612 : i32
      %get3A_614 = arith.constant 9 : i32
      %get3A_615 = arith.index_cast %get3A_614 : i32 to index
      %get3A_616 = arith.index_cast %mul3A_613 : i32 to index
      %get3A_617 = tpu.vector_load %arg10[%get3A_615, %get3A_616] {strides = array<i32>} : memref<16x640xf32, #tpu.memory_space<vmem>>, vector<16xf32>,
      %add3A_618 = arith.addf %add3A_611, %get3A_617 : vector<16xf32>
      %mul3A_619 = arith.constant 16 : i32
      %mul3A_620 = arith.muli %scan3A_550, %mul3A_619 : i32
      %get3A_621 = arith.constant 10 : i32
      %get3A_622 = arith.index_cast %get3A_621 : i32 to index
      %get3A_623 = arith.index_cast %mul3A_620 : i32 to index
      %get3A_624 = tpu.vector_load %arg10[%get3A_622, %get3A_623] {strides = array<i32>} : memref<16x640xf32, #tpu.memory_space<vmem>>, vector<16xf32>,
      %add3A_625 = arith.addf %add3A_618, %get3A_624 : vector<16xf32>
      %mul3A_626 = arith.constant 16 : i32
      %mul3A_627 = arith.muli %scan3A_550, %mul3A_626 : i32
      %get3A_628 = arith.constant 11 : i32
      %get3A_629 = arith.index_cast %get3A_628 : i32 to index
      %get3A_630 = arith.index_cast %mul3A_627 : i32 to index
      %get3A_631 = tpu.vector_load %arg10[%get3A_629, %get3A_630] {strides = array<i32>} : memref<16x640xf32, #tpu.memory_space<vmem>>, vector<16xf32>,
      %add3A_632 = arith.addf %add3A_625, %get3A_631 : vector<16xf32>
      %mul3A_633 = arith.constant 16 : i32
      %mul3A_634 = arith.muli %scan3A_550, %mul3A_633 : i32
      %get3A_635 = arith.constant 12 : i32
      %get3A_636 = arith.index_cast %get3A_635 : i32 to index
      %get3A_637 = arith.index_cast %mul3A_634 : i32 to index
      %get3A_638 = tpu.vector_load %arg10[%get3A_636, %get3A_637] {strides = array<i32>} : memref<16x640xf32, #tpu.memory_space<vmem>>, vector<16xf32>,
      %add3A_639 = arith.addf %add3A_632, %get3A_638 : vector<16xf32>
      %mul3A_640 = arith.constant 16 : i32
      %mul3A_641 = arith.muli %scan3A_550, %mul3A_640 : i32
      %get3A_642 = arith.constant 13 : i32
      %get3A_643 = arith.index_cast %get3A_642 : i32 to index
      %get3A_644 = arith.index_cast %mul3A_641 : i32 to index
      %get3A_645 = tpu.vector_load %arg10[%get3A_643, %get3A_644] {strides = array<i32>} : memref<16x640xf32, #tpu.memory_space<vmem>>, vector<16xf32>,
      %add3A_646 = arith.addf %add3A_639, %get3A_645 : vector<16xf32>
      %mul3A_647 = arith.constant 16 : i32
      %mul3A_648 = arith.muli %scan3A_550, %mul3A_647 : i32
      %get3A_649 = arith.constant 14 : i32
      %get3A_650 = arith.index_cast %get3A_649 : i32 to index
      %get3A_651 = arith.index_cast %mul3A_648 : i32 to index
      %get3A_652 = tpu.vector_load %arg10[%get3A_650, %get3A_651] {strides = array<i32>} : memref<16x640xf32, #tpu.memory_space<vmem>>, vector<16xf32>,
      %add3A_653 = arith.addf %add3A_646, %get3A_652 : vector<16xf32>
      %mul3A_654 = arith.constant 16 : i32
      %mul3A_655 = arith.muli %scan3A_550, %mul3A_654 : i32
      %get3A_656 = arith.constant 15 : i32
      %get3A_657 = arith.index_cast %get3A_656 : i32 to index
      %get3A_658 = arith.index_cast %mul3A_655 : i32 to index
      %get3A_659 = tpu.vector_load %arg10[%get3A_657, %get3A_658] {strides = array<i32>} : memref<16x640xf32, #tpu.memory_space<vmem>>, vector<16xf32>,
      %add3A_660 = arith.addf %add3A_653, %get3A_659 : vector<16xf32>
      %add3A_661 = arith.constant 1.000000e+00 : f32
      %add3A_662 = vector.broadcast %add3A_661 : f32 to vector<16xf32>
      %add3A_663 = arith.addf %add3A_660, %add3A_662 : vector<16xf32>
      %mul3A_664 = arith.constant 5.000000e-01 : f32
      %mul3A_665 = vector.broadcast %mul3A_664 : f32 to vector<16xf32>
      %mul3A_666 = arith.mulf %add3A_663, %mul3A_665 : vector<16xf32>
      %bitcast3A = vector.bitcast %add3A_663 : vector<16xf32> to vector<16xi32>
      %shift_right_logical3A = arith.constant 1 : i32
      %shift_right_logical3A_667 = vector.broadcast %shift_right_logical3A : i32 to vector<16xi32>
      %shift_right_logical3A_668 = arith.shrui %bitcast3A, %shift_right_logical3A_667 : vector<16xi32>
      %sub3A = arith.constant 1597463007 : i32
      %sub3A_669 = vector.broadcast %sub3A : i32 to vector<16xi32>
      %sub3A_670 = arith.subi %sub3A_669, %shift_right_logical3A_668 : vector<16xi32>
      %bitcast3A_671 = vector.bitcast %sub3A_670 : vector<16xi32> to vector<16xf32>
      %mul3A_672 = arith.mulf %mul3A_666, %bitcast3A_671 : vector<16xf32>
      %mul3A_673 = arith.mulf %mul3A_672, %bitcast3A_671 : vector<16xf32>
      %sub3A_674 = arith.constant 1.500000e+00 : f32
      %sub3A_675 = vector.broadcast %sub3A_674 : f32 to vector<16xf32>
      %sub3A_676 = arith.subf %sub3A_675, %mul3A_673 : vector<16xf32>
      %mul3A_677 = arith.mulf %bitcast3A_671, %sub3A_676 : vector<16xf32>
      %mul3A_678 = arith.mulf %mul3A_666, %mul3A_677 : vector<16xf32>
      %mul3A_679 = arith.mulf %mul3A_678, %mul3A_677 : vector<16xf32>
      %sub3A_680 = arith.constant 1.500000e+00 : f32
      %sub3A_681 = vector.broadcast %sub3A_680 : f32 to vector<16xf32>
      %sub3A_682 = arith.subf %sub3A_681, %mul3A_679 : vector<16xf32>
      %mul3A_683 = arith.mulf %mul3A_677, %sub3A_682 : vector<16xf32>
      %mul3A_684 = arith.mulf %mul3A_666, %mul3A_683 : vector<16xf32>
      %mul3A_685 = arith.mulf %mul3A_684, %mul3A_683 : vector<16xf32>
      %sub3A_686 = arith.constant 1.500000e+00 : f32
      %sub3A_687 = vector.broadcast %sub3A_686 : f32 to vector<16xf32>
      %sub3A_688 = arith.subf %sub3A_687, %mul3A_685 : vector<16xf32>
      %mul3A_689 = arith.mulf %mul3A_683, %sub3A_688 : vector<16xf32>
      %mul3A_690 = arith.constant 16 : i32
      %mul3A_691 = arith.muli %scan3A_550, %mul3A_690 : i32
      %swap3A = arith.index_cast %mul3A_691 : i32 to index
      %swap3A_692 = tpu.vector_load %arg11[%swap3A] {strides = array<i32>} : memref<640xf32, #tpu.memory_space<vmem>>, vector<16xf32>,
      tpu.vector_store %arg11[%swap3A], %mul3A_689 {strides = array<i32>} : memref<640xf32, #tpu.memory_space<vmem>>, vector<16xf32>,
    }
    %scan3A_540 = arith.constant 40 : i32
    "tpu.region"() ({
      %run_scoped3A = tpu.sem_alloc : memref<!tpu.dma_semaphore, #tpu.memory_space<semaphore_mem>>
      %dma_start3A_550 = tpu.memref_slice %arg8[%mul3A_150] : memref<10240xf32, #tpu.memory_space<vmem_shared>> -> memref<640xf32, #tpu.memory_space<vmem_shared>>
      %dma_start3A_551 = tpu.memref_slice %arg8[%mul3A_150] : memref<10240xf32, #tpu.memory_space<vmem_shared>> -> memref<640xf32, #tpu.memory_space<vmem_shared>>
      tpu.enqueue_dma source(%arg11 : memref<640xf32, #tpu.memory_space<vmem>>) target(%dma_start3A_551 : memref<640xf32, #tpu.memory_space<vmem_shared>>) target_semaphore(%run_scoped3A : memref<!tpu.dma_semaphore, #tpu.memory_space<semaphore_mem>>)
      %dma_wait3A_552 = tpu.memref_slice %arg8[%mul3A_150] : memref<10240xf32, #tpu.memory_space<vmem_shared>> -> memref<640xf32, #tpu.memory_space<vmem_shared>>
      %dma_wait3A_553 = tpu.memref_slice %arg8[%mul3A_150] : memref<10240xf32, #tpu.memory_space<vmem_shared>> -> memref<640xf32, #tpu.memory_space<vmem_shared>>
      tpu.wait_dma2 semaphore(%run_scoped3A : memref<!tpu.dma_semaphore, #tpu.memory_space<semaphore_mem>>) src(%arg11 : memref<640xf32, #tpu.memory_space<vmem>>) dst(%dma_wait3A_553 : memref<640xf32, #tpu.memory_space<vmem_shared>>)
      tpu.yield
    }) : () -> ()
    %barrier3A_541 = arith.constant 0 : index
    tpu.barrier barrier_id(%barrier3A_541)
    "tpu.region"() ({
      %run_scoped3A = tpu.sem_alloc : memref<!tpu.dma_semaphore, #tpu.memory_space<semaphore_mem>>
      tpu.enqueue_dma source(%arg8 : memref<10240xf32, #tpu.memory_space<vmem_shared>>) target(%arg9 : memref<10240xf32, #tpu.memory_space<vmem>>) target_semaphore(%run_scoped3A : memref<!tpu.dma_semaphore, #tpu.memory_space<semaphore_mem>>)
      tpu.wait_dma2 semaphore(%run_scoped3A : memref<!tpu.dma_semaphore, #tpu.memory_space<semaphore_mem>>) src(%arg8 : memref<10240xf32, #tpu.memory_space<vmem_shared>>) dst(%arg9 : memref<10240xf32, #tpu.memory_space<vmem>>)
      tpu.yield
    }) : () -> ()
    %eq3A = arith.constant 0 : i32
    %eq3A_542 = arith.cmpi eq, %add3A, %eq3A : i32
    %convert_element_type3A = arith.extui %eq3A_542 : i1 to i32
    %cond3A = arith.constant 0 : i32
    %cond3A_543 = arith.cmpi ne, %convert_element_type3A, %cond3A : i32
    scf.if %cond3A_543 {
      "tpu.region"() ({
        %run_scoped3A = tpu.sem_alloc : memref<!tpu.dma_semaphore, #tpu.memory_space<semaphore_mem>>
        tpu.enqueue_dma source(%arg8 : memref<10240xf32, #tpu.memory_space<vmem_shared>>) target(%arg6 : memref<10240xf32, #tpu.memory_space<hbm>>) target_semaphore(%run_scoped3A : memref<!tpu.dma_semaphore, #tpu.memory_space<semaphore_mem>>)
        tpu.wait_dma2 semaphore(%run_scoped3A : memref<!tpu.dma_semaphore, #tpu.memory_space<semaphore_mem>>) src(%arg8 : memref<10240xf32, #tpu.memory_space<vmem_shared>>) dst(%arg6 : memref<10240xf32, #tpu.memory_space<hbm>>)
        tpu.yield
      }) : () -> ()
    } else {
    }
    %scan3A_544 = arith.constant 0 : i32
    %scan3A_545 = arith.constant 0 : i32
    %scan3A_546 = arith.constant 640 : i32
    %scan3A_547 = arith.addi %scan3A_545, %scan3A_546 : i32
    %scan3A_548 = arith.constant 4 : i32
    scf.for %scan3A_550 = %scan3A_545 to %scan3A_547 step %scan3A_548  : i32 {
      %mul3A_551 = arith.constant 16 : i32
      %mul3A_552 = arith.muli %scan3A_550, %mul3A_551 : i32
      %get3A = arith.index_cast %mul3A_552 : i32 to index
      %get3A_553 = tpu.vector_load %arg12[%get3A] {strides = array<i32>} : memref<10240xi32, #tpu.memory_space<vmem>>, vector<16xi32>,
      %mul3A_554 = arith.constant 16 : i32
      %mul3A_555 = arith.muli %scan3A_550, %mul3A_554 : i32
      %get3A_556 = arith.index_cast %arg0 : i32 to index
      %get3A_557 = arith.index_cast %mul3A_555 : i32 to index
      %get3A_558 = tpu.vector_load %arg13[%get3A_556, %get3A_557] {strides = array<i32>} : memref<2x10240xi32, #tpu.memory_space<vmem>>, vector<16xi32>,
      %gather3A = tpu.vector_load_idx %arg9[%get3A_553] : memref<10240xf32, #tpu.memory_space<vmem>>[vector<16xi32>], vector<16xf32>,
      %gather3A_559 = tpu.vector_load_idx %arg9[%get3A_558] : memref<10240xf32, #tpu.memory_space<vmem>>[vector<16xi32>], vector<16xf32>,
      %mul3A_560 = arith.mulf %gather3A, %gather3A_559 : vector<16xf32>
      %mul3A_561 = arith.constant 16 : i32
      %mul3A_562 = arith.muli %scan3A_550, %mul3A_561 : i32
      %get3A_563 = arith.index_cast %arg0 : i32 to index
      %get3A_564 = arith.index_cast %mul3A_562 : i32 to index
      %get3A_565 = tpu.vector_load %arg14[%get3A_563, %get3A_564] {strides = array<i32>} : memref<2x10240xf32, #tpu.memory_space<vmem>>, vector<16xf32>,
      %mul3A_566 = arith.mulf %mul3A_560, %get3A_565 : vector<16xf32>
      %mul3A_567 = arith.constant 16 : i32
      %mul3A_568 = arith.muli %scan3A_550, %mul3A_567 : i32
      %swap3A = arith.index_cast %arg0 : i32 to index
      %swap3A_569 = arith.index_cast %mul3A_568 : i32 to index
      %swap3A_570 = tpu.vector_load %arg14[%swap3A, %swap3A_569] {strides = array<i32>} : memref<2x10240xf32, #tpu.memory_space<vmem>>, vector<16xf32>,
      tpu.vector_store %arg14[%swap3A, %swap3A_569], %mul3A_566 {strides = array<i32>} : memref<2x10240xf32, #tpu.memory_space<vmem>>, vector<16xf32>,
      %scan3A_571 = arith.constant 1 : i32
      %scan3A_572 = arith.addi %scan3A_550, %scan3A_571 : i32
      %mul3A_573 = arith.constant 16 : i32
      %mul3A_574 = arith.muli %scan3A_572, %mul3A_573 : i32
      %get3A_575 = arith.index_cast %mul3A_574 : i32 to index
      %get3A_576 = tpu.vector_load %arg12[%get3A_575] {strides = array<i32>} : memref<10240xi32, #tpu.memory_space<vmem>>, vector<16xi32>,
      %mul3A_577 = arith.constant 16 : i32
      %mul3A_578 = arith.muli %scan3A_572, %mul3A_577 : i32
      %get3A_579 = arith.index_cast %arg0 : i32 to index
      %get3A_580 = arith.index_cast %mul3A_578 : i32 to index
      %get3A_581 = tpu.vector_load %arg13[%get3A_579, %get3A_580] {strides = array<i32>} : memref<2x10240xi32, #tpu.memory_space<vmem>>, vector<16xi32>,
      %gather3A_582 = tpu.vector_load_idx %arg9[%get3A_576] : memref<10240xf32, #tpu.memory_space<vmem>>[vector<16xi32>], vector<16xf32>,
      %gather3A_583 = tpu.vector_load_idx %arg9[%get3A_581] : memref<10240xf32, #tpu.memory_space<vmem>>[vector<16xi32>], vector<16xf32>,
      %mul3A_584 = arith.mulf %gather3A_582, %gather3A_583 : vector<16xf32>
      %mul3A_585 = arith.constant 16 : i32
      %mul3A_586 = arith.muli %scan3A_572, %mul3A_585 : i32
      %get3A_587 = arith.index_cast %arg0 : i32 to index
      %get3A_588 = arith.index_cast %mul3A_586 : i32 to index
      %get3A_589 = tpu.vector_load %arg14[%get3A_587, %get3A_588] {strides = array<i32>} : memref<2x10240xf32, #tpu.memory_space<vmem>>, vector<16xf32>,
      %mul3A_590 = arith.mulf %mul3A_584, %get3A_589 : vector<16xf32>
      %mul3A_591 = arith.constant 16 : i32
      %mul3A_592 = arith.muli %scan3A_572, %mul3A_591 : i32
      %swap3A_593 = arith.index_cast %arg0 : i32 to index
      %swap3A_594 = arith.index_cast %mul3A_592 : i32 to index
      %swap3A_595 = tpu.vector_load %arg14[%swap3A_593, %swap3A_594] {strides = array<i32>} : memref<2x10240xf32, #tpu.memory_space<vmem>>, vector<16xf32>,
      tpu.vector_store %arg14[%swap3A_593, %swap3A_594], %mul3A_590 {strides = array<i32>} : memref<2x10240xf32, #tpu.memory_space<vmem>>, vector<16xf32>,
      %scan3A_596 = arith.constant 2 : i32
      %scan3A_597 = arith.addi %scan3A_550, %scan3A_596 : i32
      %mul3A_598 = arith.constant 16 : i32
      %mul3A_599 = arith.muli %scan3A_597, %mul3A_598 : i32
      %get3A_600 = arith.index_cast %mul3A_599 : i32 to index
      %get3A_601 = tpu.vector_load %arg12[%get3A_600] {strides = array<i32>} : memref<10240xi32, #tpu.memory_space<vmem>>, vector<16xi32>,
      %mul3A_602 = arith.constant 16 : i32
      %mul3A_603 = arith.muli %scan3A_597, %mul3A_602 : i32
      %get3A_604 = arith.index_cast %arg0 : i32 to index
      %get3A_605 = arith.index_cast %mul3A_603 : i32 to index
      %get3A_606 = tpu.vector_load %arg13[%get3A_604, %get3A_605] {strides = array<i32>} : memref<2x10240xi32, #tpu.memory_space<vmem>>, vector<16xi32>,
      %gather3A_607 = tpu.vector_load_idx %arg9[%get3A_601] : memref<10240xf32, #tpu.memory_space<vmem>>[vector<16xi32>], vector<16xf32>,
      %gather3A_608 = tpu.vector_load_idx %arg9[%get3A_606] : memref<10240xf32, #tpu.memory_space<vmem>>[vector<16xi32>], vector<16xf32>,
      %mul3A_609 = arith.mulf %gather3A_607, %gather3A_608 : vector<16xf32>
      %mul3A_610 = arith.constant 16 : i32
      %mul3A_611 = arith.muli %scan3A_597, %mul3A_610 : i32
      %get3A_612 = arith.index_cast %arg0 : i32 to index
      %get3A_613 = arith.index_cast %mul3A_611 : i32 to index
      %get3A_614 = tpu.vector_load %arg14[%get3A_612, %get3A_613] {strides = array<i32>} : memref<2x10240xf32, #tpu.memory_space<vmem>>, vector<16xf32>,
      %mul3A_615 = arith.mulf %mul3A_609, %get3A_614 : vector<16xf32>
      %mul3A_616 = arith.constant 16 : i32
      %mul3A_617 = arith.muli %scan3A_597, %mul3A_616 : i32
      %swap3A_618 = arith.index_cast %arg0 : i32 to index
      %swap3A_619 = arith.index_cast %mul3A_617 : i32 to index
      %swap3A_620 = tpu.vector_load %arg14[%swap3A_618, %swap3A_619] {strides = array<i32>} : memref<2x10240xf32, #tpu.memory_space<vmem>>, vector<16xf32>,
      tpu.vector_store %arg14[%swap3A_618, %swap3A_619], %mul3A_615 {strides = array<i32>} : memref<2x10240xf32, #tpu.memory_space<vmem>>, vector<16xf32>,
      %scan3A_621 = arith.constant 3 : i32
      %scan3A_622 = arith.addi %scan3A_550, %scan3A_621 : i32
      %mul3A_623 = arith.constant 16 : i32
      %mul3A_624 = arith.muli %scan3A_622, %mul3A_623 : i32
      %get3A_625 = arith.index_cast %mul3A_624 : i32 to index
      %get3A_626 = tpu.vector_load %arg12[%get3A_625] {strides = array<i32>} : memref<10240xi32, #tpu.memory_space<vmem>>, vector<16xi32>,
      %mul3A_627 = arith.constant 16 : i32
      %mul3A_628 = arith.muli %scan3A_622, %mul3A_627 : i32
      %get3A_629 = arith.index_cast %arg0 : i32 to index
      %get3A_630 = arith.index_cast %mul3A_628 : i32 to index
      %get3A_631 = tpu.vector_load %arg13[%get3A_629, %get3A_630] {strides = array<i32>} : memref<2x10240xi32, #tpu.memory_space<vmem>>, vector<16xi32>,
      %gather3A_632 = tpu.vector_load_idx %arg9[%get3A_626] : memref<10240xf32, #tpu.memory_space<vmem>>[vector<16xi32>], vector<16xf32>,
      %gather3A_633 = tpu.vector_load_idx %arg9[%get3A_631] : memref<10240xf32, #tpu.memory_space<vmem>>[vector<16xi32>], vector<16xf32>,
      %mul3A_634 = arith.mulf %gather3A_632, %gather3A_633 : vector<16xf32>
      %mul3A_635 = arith.constant 16 : i32
      %mul3A_636 = arith.muli %scan3A_622, %mul3A_635 : i32
      %get3A_637 = arith.index_cast %arg0 : i32 to index
      %get3A_638 = arith.index_cast %mul3A_636 : i32 to index
      %get3A_639 = tpu.vector_load %arg14[%get3A_637, %get3A_638] {strides = array<i32>} : memref<2x10240xf32, #tpu.memory_space<vmem>>, vector<16xf32>,
      %mul3A_640 = arith.mulf %mul3A_634, %get3A_639 : vector<16xf32>
      %mul3A_641 = arith.constant 16 : i32
      %mul3A_642 = arith.muli %scan3A_622, %mul3A_641 : i32
      %swap3A_643 = arith.index_cast %arg0 : i32 to index
      %swap3A_644 = arith.index_cast %mul3A_642 : i32 to index
      %swap3A_645 = tpu.vector_load %arg14[%swap3A_643, %swap3A_644] {strides = array<i32>} : memref<2x10240xf32, #tpu.memory_space<vmem>>, vector<16xf32>,
      tpu.vector_store %arg14[%swap3A_643, %swap3A_644], %mul3A_640 {strides = array<i32>} : memref<2x10240xf32, #tpu.memory_space<vmem>>, vector<16xf32>,
    }
    %scan3A_549 = arith.constant 640 : i32
    "tpu.region"() ({
      %run_scoped3A = tpu.sem_alloc : memref<!tpu.dma_semaphore, #tpu.memory_space<semaphore_mem>>
      %dma_start3A_550 = arith.constant 0 : i32
      %dma_start3A_551 = tpu.memref_slice %arg14[%arg0, %dma_start3A_550] : memref<2x10240xf32, #tpu.memory_space<vmem>> -> memref<1x10240xf32, #tpu.memory_space<vmem>>
      %dma_start3A_552 = tpu.memref_squeeze %dma_start3A_551 : memref<1x10240xf32, #tpu.memory_space<vmem>> -> memref<10240xf32, #tpu.memory_space<vmem>>
      %dma_start3A_553 = arith.constant 0 : i32
      %dma_start3A_554 = tpu.memref_slice %arg5[%add3A, %dma_start3A_553] : memref<32x10240xf32, #tpu.memory_space<hbm>> -> memref<1x10240xf32, #tpu.memory_space<hbm>>
      %dma_start3A_555 = tpu.memref_squeeze %dma_start3A_554 : memref<1x10240xf32, #tpu.memory_space<hbm>> -> memref<10240xf32, #tpu.memory_space<hbm>>
      %dma_start3A_556 = arith.constant 0 : i32
      %dma_start3A_557 = tpu.memref_slice %arg5[%add3A, %dma_start3A_556] : memref<32x10240xf32, #tpu.memory_space<hbm>> -> memref<1x10240xf32, #tpu.memory_space<hbm>>
      %dma_start3A_558 = tpu.memref_squeeze %dma_start3A_557 : memref<1x10240xf32, #tpu.memory_space<hbm>> -> memref<10240xf32, #tpu.memory_space<hbm>>
      %dma_start3A_559 = arith.constant 0 : i32
      %dma_start3A_560 = tpu.memref_slice %arg14[%arg0, %dma_start3A_559] : memref<2x10240xf32, #tpu.memory_space<vmem>> -> memref<1x10240xf32, #tpu.memory_space<vmem>>
      %dma_start3A_561 = tpu.memref_squeeze %dma_start3A_560 : memref<1x10240xf32, #tpu.memory_space<vmem>> -> memref<10240xf32, #tpu.memory_space<vmem>>
      tpu.enqueue_dma source(%dma_start3A_561 : memref<10240xf32, #tpu.memory_space<vmem>>) target(%dma_start3A_558 : memref<10240xf32, #tpu.memory_space<hbm>>) target_semaphore(%run_scoped3A : memref<!tpu.dma_semaphore, #tpu.memory_space<semaphore_mem>>)
      %dma_wait3A_562 = arith.constant 0 : i32
      %dma_wait3A_563 = tpu.memref_slice %arg14[%arg0, %dma_wait3A_562] : memref<2x10240xf32, #tpu.memory_space<vmem>> -> memref<1x10240xf32, #tpu.memory_space<vmem>>
      %dma_wait3A_564 = tpu.memref_squeeze %dma_wait3A_563 : memref<1x10240xf32, #tpu.memory_space<vmem>> -> memref<10240xf32, #tpu.memory_space<vmem>>
      %dma_wait3A_565 = arith.constant 0 : i32
      %dma_wait3A_566 = tpu.memref_slice %arg5[%add3A, %dma_wait3A_565] : memref<32x10240xf32, #tpu.memory_space<hbm>> -> memref<1x10240xf32, #tpu.memory_space<hbm>>
      %dma_wait3A_567 = tpu.memref_squeeze %dma_wait3A_566 : memref<1x10240xf32, #tpu.memory_space<hbm>> -> memref<10240xf32, #tpu.memory_space<hbm>>
      %dma_wait3A_568 = arith.constant 0 : i32
      %dma_wait3A_569 = tpu.memref_slice %arg5[%add3A, %dma_wait3A_568] : memref<32x10240xf32, #tpu.memory_space<hbm>> -> memref<1x10240xf32, #tpu.memory_space<hbm>>
      %dma_wait3A_570 = tpu.memref_squeeze %dma_wait3A_569 : memref<1x10240xf32, #tpu.memory_space<hbm>> -> memref<10240xf32, #tpu.memory_space<hbm>>
      %dma_wait3A_571 = arith.constant 0 : i32
      %dma_wait3A_572 = tpu.memref_slice %arg14[%arg0, %dma_wait3A_571] : memref<2x10240xf32, #tpu.memory_space<vmem>> -> memref<1x10240xf32, #tpu.memory_space<vmem>>
      %dma_wait3A_573 = tpu.memref_squeeze %dma_wait3A_572 : memref<1x10240xf32, #tpu.memory_space<vmem>> -> memref<10240xf32, #tpu.memory_space<vmem>>
      tpu.wait_dma2 semaphore(%run_scoped3A : memref<!tpu.dma_semaphore, #tpu.memory_space<semaphore_mem>>) src(%dma_wait3A_573 : memref<10240xf32, #tpu.memory_space<vmem>>) dst(%dma_wait3A_570 : memref<10240xf32, #tpu.memory_space<hbm>>)
      tpu.yield
    }) : () -> ()
    return
  }
}

#map = affine_map<(d0, d1) -> (0, 0)>
#map1 = affine_map<(d0, d1) -> (0, 0, 0, 0)>
#map2 = affine_map<(d0, d1) -> (0, 0, 0)>
module attributes {stable_mosaic.version = 14 : i64} {
  func.func @_hop_kernel(%arg0: i32, %arg1: i32, %arg2: memref<10240x128xf32, #tpu.memory_space<hbm>>, %arg3: memref<32x4x40x64xi32, #tpu.memory_space<hbm>>, %arg4: memref<32x4x40x64xi32, #tpu.memory_space<hbm>>, %arg5: memref<32x4x40x64xf32, #tpu.memory_space<hbm>>, %arg6: memref<2x10240x128xf32, #tpu.memory_space<hbm>>, %arg7: memref<10240x128xf32, #tpu.memory_space<vmem_shared>>, %arg8: memref<40x64xi32, #tpu.memory_space<vmem>>, %arg9: memref<40x64xi32, #tpu.memory_space<vmem>>, %arg10: memref<40x64xf32, #tpu.memory_space<vmem>>, %arg11: memref<64x128xf32, #tpu.memory_space<vmem>>, %arg12: memref<64x128xf32, #tpu.memory_space<vmem>>, %arg13: memref<64x128xf32, #tpu.memory_space<vmem>>, %arg14: memref<64x128xf32, #tpu.memory_space<vmem>>, %arg15: memref<!tpu.dma_semaphore, #tpu.memory_space<semaphore_mem>>, %arg16: memref<!tpu.dma_semaphore, #tpu.memory_space<semaphore_mem>>, %arg17: memref<!tpu.dma_semaphore, #tpu.memory_space<semaphore_mem>>, %arg18: memref<!tpu.dma_semaphore, #tpu.memory_space<semaphore_mem>>, %arg19: memref<!tpu.dma_semaphore, #tpu.memory_space<semaphore_mem>>, %arg20: memref<!tpu.dma_semaphore, #tpu.memory_space<semaphore_mem>>, %arg21: memref<!tpu.dma_semaphore, #tpu.memory_space<semaphore_mem>>, %arg22: memref<!tpu.dma_semaphore, #tpu.memory_space<semaphore_mem>>, %arg23: memref<!tpu.dma_semaphore, #tpu.memory_space<semaphore_mem>>) attributes {dimension_semantics = [#tpu.dimension_semantics<core_parallel>, #tpu.dimension_semantics<subcore_parallel>], iteration_bounds = array<i64: 2, 16>, scalar_prefetch = 0 : i64, scratch_operands = 17 : i64, tpu.core_type = #tpu.core_type<sc_vector_subcore>, window_params = [{transform_indices = #map}, {transform_indices = #map1}, {transform_indices = #map1}, {transform_indices = #map1}, {transform_indices = #map2}]} {
    %mul3A = arith.constant 2 : i32
    %mul3A_0 = arith.muli %arg1, %mul3A : i32
    %add3A = arith.addi %mul3A_0, %arg0 : i32
    %broadcast_in_dim3A = arith.constant 0.000000e+00 : f32
    %broadcast_in_dim3A_1 = vector.broadcast %broadcast_in_dim3A : f32 to vector<16xf32>
    %scan3A = arith.constant 0 : i32
    %scan3A_2 = arith.constant 0 : i32
    %scan3A_3 = arith.constant 64 : i32
    %scan3A_4 = arith.addi %scan3A_2, %scan3A_3 : i32
    %scan3A_5 = arith.constant 1 : i32
    scf.for %scan3A_136 = %scan3A_2 to %scan3A_4 step %scan3A_5  : i32 {
      %swap3A = arith.index_cast %scan3A_136 : i32 to index
      %swap3A_137 = arith.constant 0 : index
      %swap3A_138 = tpu.vector_load %arg11[%swap3A, %swap3A_137] {strides = array<i32>} : memref<64x128xf32, #tpu.memory_space<vmem>>, vector<16xf32>,
      tpu.vector_store %arg11[%swap3A, %swap3A_137], %broadcast_in_dim3A_1 {strides = array<i32>} : memref<64x128xf32, #tpu.memory_space<vmem>>, vector<16xf32>,
      %swap3A_139 = arith.index_cast %scan3A_136 : i32 to index
      %swap3A_140 = arith.constant 16 : index
      %swap3A_141 = tpu.vector_load %arg11[%swap3A_139, %swap3A_140] {strides = array<i32>} : memref<64x128xf32, #tpu.memory_space<vmem>>, vector<16xf32>,
      tpu.vector_store %arg11[%swap3A_139, %swap3A_140], %broadcast_in_dim3A_1 {strides = array<i32>} : memref<64x128xf32, #tpu.memory_space<vmem>>, vector<16xf32>,
      %swap3A_142 = arith.index_cast %scan3A_136 : i32 to index
      %swap3A_143 = arith.constant 32 : index
      %swap3A_144 = tpu.vector_load %arg11[%swap3A_142, %swap3A_143] {strides = array<i32>} : memref<64x128xf32, #tpu.memory_space<vmem>>, vector<16xf32>,
      tpu.vector_store %arg11[%swap3A_142, %swap3A_143], %broadcast_in_dim3A_1 {strides = array<i32>} : memref<64x128xf32, #tpu.memory_space<vmem>>, vector<16xf32>,
      %swap3A_145 = arith.index_cast %scan3A_136 : i32 to index
      %swap3A_146 = arith.constant 48 : index
      %swap3A_147 = tpu.vector_load %arg11[%swap3A_145, %swap3A_146] {strides = array<i32>} : memref<64x128xf32, #tpu.memory_space<vmem>>, vector<16xf32>,
      tpu.vector_store %arg11[%swap3A_145, %swap3A_146], %broadcast_in_dim3A_1 {strides = array<i32>} : memref<64x128xf32, #tpu.memory_space<vmem>>, vector<16xf32>,
      %swap3A_148 = arith.index_cast %scan3A_136 : i32 to index
      %swap3A_149 = arith.constant 64 : index
      %swap3A_150 = tpu.vector_load %arg11[%swap3A_148, %swap3A_149] {strides = array<i32>} : memref<64x128xf32, #tpu.memory_space<vmem>>, vector<16xf32>,
      tpu.vector_store %arg11[%swap3A_148, %swap3A_149], %broadcast_in_dim3A_1 {strides = array<i32>} : memref<64x128xf32, #tpu.memory_space<vmem>>, vector<16xf32>,
      %swap3A_151 = arith.index_cast %scan3A_136 : i32 to index
      %swap3A_152 = arith.constant 80 : index
      %swap3A_153 = tpu.vector_load %arg11[%swap3A_151, %swap3A_152] {strides = array<i32>} : memref<64x128xf32, #tpu.memory_space<vmem>>, vector<16xf32>,
      tpu.vector_store %arg11[%swap3A_151, %swap3A_152], %broadcast_in_dim3A_1 {strides = array<i32>} : memref<64x128xf32, #tpu.memory_space<vmem>>, vector<16xf32>,
      %swap3A_154 = arith.index_cast %scan3A_136 : i32 to index
      %swap3A_155 = arith.constant 96 : index
      %swap3A_156 = tpu.vector_load %arg11[%swap3A_154, %swap3A_155] {strides = array<i32>} : memref<64x128xf32, #tpu.memory_space<vmem>>, vector<16xf32>,
      tpu.vector_store %arg11[%swap3A_154, %swap3A_155], %broadcast_in_dim3A_1 {strides = array<i32>} : memref<64x128xf32, #tpu.memory_space<vmem>>, vector<16xf32>,
      %swap3A_157 = arith.index_cast %scan3A_136 : i32 to index
      %swap3A_158 = arith.constant 112 : index
      %swap3A_159 = tpu.vector_load %arg11[%swap3A_157, %swap3A_158] {strides = array<i32>} : memref<64x128xf32, #tpu.memory_space<vmem>>, vector<16xf32>,
      tpu.vector_store %arg11[%swap3A_157, %swap3A_158], %broadcast_in_dim3A_1 {strides = array<i32>} : memref<64x128xf32, #tpu.memory_space<vmem>>, vector<16xf32>,
    }
    %scan3A_6 = arith.constant 64 : i32
    %mul3A_7 = arith.constant 640 : i32
    %mul3A_8 = arith.muli %arg1, %mul3A_7 : i32
    %add3A_9 = arith.constant 0 : i32
    %add3A_10 = arith.addi %mul3A_8, %add3A_9 : i32
    %dma_start3A = arith.constant 0 : i32
    %dma_start3A_11 = tpu.memref_slice %arg7[%add3A_10, %dma_start3A] : memref<10240x128xf32, #tpu.memory_space<vmem_shared>> -> memref<64x128xf32, #tpu.memory_space<vmem_shared>>
    %dma_start3A_12 = arith.constant 0 : i32
    %dma_start3A_13 = tpu.memref_slice %arg7[%add3A_10, %dma_start3A_12] : memref<10240x128xf32, #tpu.memory_space<vmem_shared>> -> memref<64x128xf32, #tpu.memory_space<vmem_shared>>
    tpu.enqueue_dma source(%arg11 : memref<64x128xf32, #tpu.memory_space<vmem>>) target(%dma_start3A_13 : memref<64x128xf32, #tpu.memory_space<vmem_shared>>) target_semaphore(%arg23 : memref<!tpu.dma_semaphore, #tpu.memory_space<semaphore_mem>>)
    %mul3A_14 = arith.constant 640 : i32
    %mul3A_15 = arith.muli %arg1, %mul3A_14 : i32
    %add3A_16 = arith.constant 64 : i32
    %add3A_17 = arith.addi %mul3A_15, %add3A_16 : i32
    %dma_start3A_18 = arith.constant 0 : i32
    %dma_start3A_19 = tpu.memref_slice %arg7[%add3A_17, %dma_start3A_18] : memref<10240x128xf32, #tpu.memory_space<vmem_shared>> -> memref<64x128xf32, #tpu.memory_space<vmem_shared>>
    %dma_start3A_20 = arith.constant 0 : i32
    %dma_start3A_21 = tpu.memref_slice %arg7[%add3A_17, %dma_start3A_20] : memref<10240x128xf32, #tpu.memory_space<vmem_shared>> -> memref<64x128xf32, #tpu.memory_space<vmem_shared>>
    tpu.enqueue_dma source(%arg11 : memref<64x128xf32, #tpu.memory_space<vmem>>) target(%dma_start3A_21 : memref<64x128xf32, #tpu.memory_space<vmem_shared>>) target_semaphore(%arg23 : memref<!tpu.dma_semaphore, #tpu.memory_space<semaphore_mem>>)
    %mul3A_22 = arith.constant 640 : i32
    %mul3A_23 = arith.muli %arg1, %mul3A_22 : i32
    %add3A_24 = arith.constant 128 : i32
    %add3A_25 = arith.addi %mul3A_23, %add3A_24 : i32
    %dma_start3A_26 = arith.constant 0 : i32
    %dma_start3A_27 = tpu.memref_slice %arg7[%add3A_25, %dma_start3A_26] : memref<10240x128xf32, #tpu.memory_space<vmem_shared>> -> memref<64x128xf32, #tpu.memory_space<vmem_shared>>
    %dma_start3A_28 = arith.constant 0 : i32
    %dma_start3A_29 = tpu.memref_slice %arg7[%add3A_25, %dma_start3A_28] : memref<10240x128xf32, #tpu.memory_space<vmem_shared>> -> memref<64x128xf32, #tpu.memory_space<vmem_shared>>
    tpu.enqueue_dma source(%arg11 : memref<64x128xf32, #tpu.memory_space<vmem>>) target(%dma_start3A_29 : memref<64x128xf32, #tpu.memory_space<vmem_shared>>) target_semaphore(%arg23 : memref<!tpu.dma_semaphore, #tpu.memory_space<semaphore_mem>>)
    %mul3A_30 = arith.constant 640 : i32
    %mul3A_31 = arith.muli %arg1, %mul3A_30 : i32
    %add3A_32 = arith.constant 192 : i32
    %add3A_33 = arith.addi %mul3A_31, %add3A_32 : i32
    %dma_start3A_34 = arith.constant 0 : i32
    %dma_start3A_35 = tpu.memref_slice %arg7[%add3A_33, %dma_start3A_34] : memref<10240x128xf32, #tpu.memory_space<vmem_shared>> -> memref<64x128xf32, #tpu.memory_space<vmem_shared>>
    %dma_start3A_36 = arith.constant 0 : i32
    %dma_start3A_37 = tpu.memref_slice %arg7[%add3A_33, %dma_start3A_36] : memref<10240x128xf32, #tpu.memory_space<vmem_shared>> -> memref<64x128xf32, #tpu.memory_space<vmem_shared>>
    tpu.enqueue_dma source(%arg11 : memref<64x128xf32, #tpu.memory_space<vmem>>) target(%dma_start3A_37 : memref<64x128xf32, #tpu.memory_space<vmem_shared>>) target_semaphore(%arg23 : memref<!tpu.dma_semaphore, #tpu.memory_space<semaphore_mem>>)
    %mul3A_38 = arith.constant 640 : i32
    %mul3A_39 = arith.muli %arg1, %mul3A_38 : i32
    %add3A_40 = arith.constant 256 : i32
    %add3A_41 = arith.addi %mul3A_39, %add3A_40 : i32
    %dma_start3A_42 = arith.constant 0 : i32
    %dma_start3A_43 = tpu.memref_slice %arg7[%add3A_41, %dma_start3A_42] : memref<10240x128xf32, #tpu.memory_space<vmem_shared>> -> memref<64x128xf32, #tpu.memory_space<vmem_shared>>
    %dma_start3A_44 = arith.constant 0 : i32
    %dma_start3A_45 = tpu.memref_slice %arg7[%add3A_41, %dma_start3A_44] : memref<10240x128xf32, #tpu.memory_space<vmem_shared>> -> memref<64x128xf32, #tpu.memory_space<vmem_shared>>
    tpu.enqueue_dma source(%arg11 : memref<64x128xf32, #tpu.memory_space<vmem>>) target(%dma_start3A_45 : memref<64x128xf32, #tpu.memory_space<vmem_shared>>) target_semaphore(%arg23 : memref<!tpu.dma_semaphore, #tpu.memory_space<semaphore_mem>>)
    %mul3A_46 = arith.constant 640 : i32
    %mul3A_47 = arith.muli %arg1, %mul3A_46 : i32
    %add3A_48 = arith.constant 320 : i32
    %add3A_49 = arith.addi %mul3A_47, %add3A_48 : i32
    %dma_start3A_50 = arith.constant 0 : i32
    %dma_start3A_51 = tpu.memref_slice %arg7[%add3A_49, %dma_start3A_50] : memref<10240x128xf32, #tpu.memory_space<vmem_shared>> -> memref<64x128xf32, #tpu.memory_space<vmem_shared>>
    %dma_start3A_52 = arith.constant 0 : i32
    %dma_start3A_53 = tpu.memref_slice %arg7[%add3A_49, %dma_start3A_52] : memref<10240x128xf32, #tpu.memory_space<vmem_shared>> -> memref<64x128xf32, #tpu.memory_space<vmem_shared>>
    tpu.enqueue_dma source(%arg11 : memref<64x128xf32, #tpu.memory_space<vmem>>) target(%dma_start3A_53 : memref<64x128xf32, #tpu.memory_space<vmem_shared>>) target_semaphore(%arg23 : memref<!tpu.dma_semaphore, #tpu.memory_space<semaphore_mem>>)
    %mul3A_54 = arith.constant 640 : i32
    %mul3A_55 = arith.muli %arg1, %mul3A_54 : i32
    %add3A_56 = arith.constant 384 : i32
    %add3A_57 = arith.addi %mul3A_55, %add3A_56 : i32
    %dma_start3A_58 = arith.constant 0 : i32
    %dma_start3A_59 = tpu.memref_slice %arg7[%add3A_57, %dma_start3A_58] : memref<10240x128xf32, #tpu.memory_space<vmem_shared>> -> memref<64x128xf32, #tpu.memory_space<vmem_shared>>
    %dma_start3A_60 = arith.constant 0 : i32
    %dma_start3A_61 = tpu.memref_slice %arg7[%add3A_57, %dma_start3A_60] : memref<10240x128xf32, #tpu.memory_space<vmem_shared>> -> memref<64x128xf32, #tpu.memory_space<vmem_shared>>
    tpu.enqueue_dma source(%arg11 : memref<64x128xf32, #tpu.memory_space<vmem>>) target(%dma_start3A_61 : memref<64x128xf32, #tpu.memory_space<vmem_shared>>) target_semaphore(%arg23 : memref<!tpu.dma_semaphore, #tpu.memory_space<semaphore_mem>>)
    %mul3A_62 = arith.constant 640 : i32
    %mul3A_63 = arith.muli %arg1, %mul3A_62 : i32
    %add3A_64 = arith.constant 448 : i32
    %add3A_65 = arith.addi %mul3A_63, %add3A_64 : i32
    %dma_start3A_66 = arith.constant 0 : i32
    %dma_start3A_67 = tpu.memref_slice %arg7[%add3A_65, %dma_start3A_66] : memref<10240x128xf32, #tpu.memory_space<vmem_shared>> -> memref<64x128xf32, #tpu.memory_space<vmem_shared>>
    %dma_start3A_68 = arith.constant 0 : i32
    %dma_start3A_69 = tpu.memref_slice %arg7[%add3A_65, %dma_start3A_68] : memref<10240x128xf32, #tpu.memory_space<vmem_shared>> -> memref<64x128xf32, #tpu.memory_space<vmem_shared>>
    tpu.enqueue_dma source(%arg11 : memref<64x128xf32, #tpu.memory_space<vmem>>) target(%dma_start3A_69 : memref<64x128xf32, #tpu.memory_space<vmem_shared>>) target_semaphore(%arg23 : memref<!tpu.dma_semaphore, #tpu.memory_space<semaphore_mem>>)
    %mul3A_70 = arith.constant 640 : i32
    %mul3A_71 = arith.muli %arg1, %mul3A_70 : i32
    %add3A_72 = arith.constant 512 : i32
    %add3A_73 = arith.addi %mul3A_71, %add3A_72 : i32
    %dma_start3A_74 = arith.constant 0 : i32
    %dma_start3A_75 = tpu.memref_slice %arg7[%add3A_73, %dma_start3A_74] : memref<10240x128xf32, #tpu.memory_space<vmem_shared>> -> memref<64x128xf32, #tpu.memory_space<vmem_shared>>
    %dma_start3A_76 = arith.constant 0 : i32
    %dma_start3A_77 = tpu.memref_slice %arg7[%add3A_73, %dma_start3A_76] : memref<10240x128xf32, #tpu.memory_space<vmem_shared>> -> memref<64x128xf32, #tpu.memory_space<vmem_shared>>
    tpu.enqueue_dma source(%arg11 : memref<64x128xf32, #tpu.memory_space<vmem>>) target(%dma_start3A_77 : memref<64x128xf32, #tpu.memory_space<vmem_shared>>) target_semaphore(%arg23 : memref<!tpu.dma_semaphore, #tpu.memory_space<semaphore_mem>>)
    %mul3A_78 = arith.constant 640 : i32
    %mul3A_79 = arith.muli %arg1, %mul3A_78 : i32
    %add3A_80 = arith.constant 576 : i32
    %add3A_81 = arith.addi %mul3A_79, %add3A_80 : i32
    %dma_start3A_82 = arith.constant 0 : i32
    %dma_start3A_83 = tpu.memref_slice %arg7[%add3A_81, %dma_start3A_82] : memref<10240x128xf32, #tpu.memory_space<vmem_shared>> -> memref<64x128xf32, #tpu.memory_space<vmem_shared>>
    %dma_start3A_84 = arith.constant 0 : i32
    %dma_start3A_85 = tpu.memref_slice %arg7[%add3A_81, %dma_start3A_84] : memref<10240x128xf32, #tpu.memory_space<vmem_shared>> -> memref<64x128xf32, #tpu.memory_space<vmem_shared>>
    tpu.enqueue_dma source(%arg11 : memref<64x128xf32, #tpu.memory_space<vmem>>) target(%dma_start3A_85 : memref<64x128xf32, #tpu.memory_space<vmem_shared>>) target_semaphore(%arg23 : memref<!tpu.dma_semaphore, #tpu.memory_space<semaphore_mem>>)
    %dma_wait3A = arith.constant 0 : i32
    %dma_wait3A_86 = tpu.memref_slice %arg7[%add3A_10, %dma_wait3A] : memref<10240x128xf32, #tpu.memory_space<vmem_shared>> -> memref<64x128xf32, #tpu.memory_space<vmem_shared>>
    %dma_wait3A_87 = arith.constant 0 : i32
    %dma_wait3A_88 = tpu.memref_slice %arg7[%add3A_10, %dma_wait3A_87] : memref<10240x128xf32, #tpu.memory_space<vmem_shared>> -> memref<64x128xf32, #tpu.memory_space<vmem_shared>>
    tpu.wait_dma2 semaphore(%arg23 : memref<!tpu.dma_semaphore, #tpu.memory_space<semaphore_mem>>) src(%arg11 : memref<64x128xf32, #tpu.memory_space<vmem>>) dst(%dma_wait3A_88 : memref<64x128xf32, #tpu.memory_space<vmem_shared>>)
    %dma_wait3A_89 = arith.constant 0 : i32
    %dma_wait3A_90 = tpu.memref_slice %arg7[%add3A_17, %dma_wait3A_89] : memref<10240x128xf32, #tpu.memory_space<vmem_shared>> -> memref<64x128xf32, #tpu.memory_space<vmem_shared>>
    %dma_wait3A_91 = arith.constant 0 : i32
    %dma_wait3A_92 = tpu.memref_slice %arg7[%add3A_17, %dma_wait3A_91] : memref<10240x128xf32, #tpu.memory_space<vmem_shared>> -> memref<64x128xf32, #tpu.memory_space<vmem_shared>>
    tpu.wait_dma2 semaphore(%arg23 : memref<!tpu.dma_semaphore, #tpu.memory_space<semaphore_mem>>) src(%arg11 : memref<64x128xf32, #tpu.memory_space<vmem>>) dst(%dma_wait3A_92 : memref<64x128xf32, #tpu.memory_space<vmem_shared>>)
    %dma_wait3A_93 = arith.constant 0 : i32
    %dma_wait3A_94 = tpu.memref_slice %arg7[%add3A_25, %dma_wait3A_93] : memref<10240x128xf32, #tpu.memory_space<vmem_shared>> -> memref<64x128xf32, #tpu.memory_space<vmem_shared>>
    %dma_wait3A_95 = arith.constant 0 : i32
    %dma_wait3A_96 = tpu.memref_slice %arg7[%add3A_25, %dma_wait3A_95] : memref<10240x128xf32, #tpu.memory_space<vmem_shared>> -> memref<64x128xf32, #tpu.memory_space<vmem_shared>>
    tpu.wait_dma2 semaphore(%arg23 : memref<!tpu.dma_semaphore, #tpu.memory_space<semaphore_mem>>) src(%arg11 : memref<64x128xf32, #tpu.memory_space<vmem>>) dst(%dma_wait3A_96 : memref<64x128xf32, #tpu.memory_space<vmem_shared>>)
    %dma_wait3A_97 = arith.constant 0 : i32
    %dma_wait3A_98 = tpu.memref_slice %arg7[%add3A_33, %dma_wait3A_97] : memref<10240x128xf32, #tpu.memory_space<vmem_shared>> -> memref<64x128xf32, #tpu.memory_space<vmem_shared>>
    %dma_wait3A_99 = arith.constant 0 : i32
    %dma_wait3A_100 = tpu.memref_slice %arg7[%add3A_33, %dma_wait3A_99] : memref<10240x128xf32, #tpu.memory_space<vmem_shared>> -> memref<64x128xf32, #tpu.memory_space<vmem_shared>>
    tpu.wait_dma2 semaphore(%arg23 : memref<!tpu.dma_semaphore, #tpu.memory_space<semaphore_mem>>) src(%arg11 : memref<64x128xf32, #tpu.memory_space<vmem>>) dst(%dma_wait3A_100 : memref<64x128xf32, #tpu.memory_space<vmem_shared>>)
    %dma_wait3A_101 = arith.constant 0 : i32
    %dma_wait3A_102 = tpu.memref_slice %arg7[%add3A_41, %dma_wait3A_101] : memref<10240x128xf32, #tpu.memory_space<vmem_shared>> -> memref<64x128xf32, #tpu.memory_space<vmem_shared>>
    %dma_wait3A_103 = arith.constant 0 : i32
    %dma_wait3A_104 = tpu.memref_slice %arg7[%add3A_41, %dma_wait3A_103] : memref<10240x128xf32, #tpu.memory_space<vmem_shared>> -> memref<64x128xf32, #tpu.memory_space<vmem_shared>>
    tpu.wait_dma2 semaphore(%arg23 : memref<!tpu.dma_semaphore, #tpu.memory_space<semaphore_mem>>) src(%arg11 : memref<64x128xf32, #tpu.memory_space<vmem>>) dst(%dma_wait3A_104 : memref<64x128xf32, #tpu.memory_space<vmem_shared>>)
    %dma_wait3A_105 = arith.constant 0 : i32
    %dma_wait3A_106 = tpu.memref_slice %arg7[%add3A_49, %dma_wait3A_105] : memref<10240x128xf32, #tpu.memory_space<vmem_shared>> -> memref<64x128xf32, #tpu.memory_space<vmem_shared>>
    %dma_wait3A_107 = arith.constant 0 : i32
    %dma_wait3A_108 = tpu.memref_slice %arg7[%add3A_49, %dma_wait3A_107] : memref<10240x128xf32, #tpu.memory_space<vmem_shared>> -> memref<64x128xf32, #tpu.memory_space<vmem_shared>>
    tpu.wait_dma2 semaphore(%arg23 : memref<!tpu.dma_semaphore, #tpu.memory_space<semaphore_mem>>) src(%arg11 : memref<64x128xf32, #tpu.memory_space<vmem>>) dst(%dma_wait3A_108 : memref<64x128xf32, #tpu.memory_space<vmem_shared>>)
    %dma_wait3A_109 = arith.constant 0 : i32
    %dma_wait3A_110 = tpu.memref_slice %arg7[%add3A_57, %dma_wait3A_109] : memref<10240x128xf32, #tpu.memory_space<vmem_shared>> -> memref<64x128xf32, #tpu.memory_space<vmem_shared>>
    %dma_wait3A_111 = arith.constant 0 : i32
    %dma_wait3A_112 = tpu.memref_slice %arg7[%add3A_57, %dma_wait3A_111] : memref<10240x128xf32, #tpu.memory_space<vmem_shared>> -> memref<64x128xf32, #tpu.memory_space<vmem_shared>>
    tpu.wait_dma2 semaphore(%arg23 : memref<!tpu.dma_semaphore, #tpu.memory_space<semaphore_mem>>) src(%arg11 : memref<64x128xf32, #tpu.memory_space<vmem>>) dst(%dma_wait3A_112 : memref<64x128xf32, #tpu.memory_space<vmem_shared>>)
    %dma_wait3A_113 = arith.constant 0 : i32
    %dma_wait3A_114 = tpu.memref_slice %arg7[%add3A_65, %dma_wait3A_113] : memref<10240x128xf32, #tpu.memory_space<vmem_shared>> -> memref<64x128xf32, #tpu.memory_space<vmem_shared>>
    %dma_wait3A_115 = arith.constant 0 : i32
    %dma_wait3A_116 = tpu.memref_slice %arg7[%add3A_65, %dma_wait3A_115] : memref<10240x128xf32, #tpu.memory_space<vmem_shared>> -> memref<64x128xf32, #tpu.memory_space<vmem_shared>>
    tpu.wait_dma2 semaphore(%arg23 : memref<!tpu.dma_semaphore, #tpu.memory_space<semaphore_mem>>) src(%arg11 : memref<64x128xf32, #tpu.memory_space<vmem>>) dst(%dma_wait3A_116 : memref<64x128xf32, #tpu.memory_space<vmem_shared>>)
    %dma_wait3A_117 = arith.constant 0 : i32
    %dma_wait3A_118 = tpu.memref_slice %arg7[%add3A_73, %dma_wait3A_117] : memref<10240x128xf32, #tpu.memory_space<vmem_shared>> -> memref<64x128xf32, #tpu.memory_space<vmem_shared>>
    %dma_wait3A_119 = arith.constant 0 : i32
    %dma_wait3A_120 = tpu.memref_slice %arg7[%add3A_73, %dma_wait3A_119] : memref<10240x128xf32, #tpu.memory_space<vmem_shared>> -> memref<64x128xf32, #tpu.memory_space<vmem_shared>>
    tpu.wait_dma2 semaphore(%arg23 : memref<!tpu.dma_semaphore, #tpu.memory_space<semaphore_mem>>) src(%arg11 : memref<64x128xf32, #tpu.memory_space<vmem>>) dst(%dma_wait3A_120 : memref<64x128xf32, #tpu.memory_space<vmem_shared>>)
    %dma_wait3A_121 = arith.constant 0 : i32
    %dma_wait3A_122 = tpu.memref_slice %arg7[%add3A_81, %dma_wait3A_121] : memref<10240x128xf32, #tpu.memory_space<vmem_shared>> -> memref<64x128xf32, #tpu.memory_space<vmem_shared>>
    %dma_wait3A_123 = arith.constant 0 : i32
    %dma_wait3A_124 = tpu.memref_slice %arg7[%add3A_81, %dma_wait3A_123] : memref<10240x128xf32, #tpu.memory_space<vmem_shared>> -> memref<64x128xf32, #tpu.memory_space<vmem_shared>>
    tpu.wait_dma2 semaphore(%arg23 : memref<!tpu.dma_semaphore, #tpu.memory_space<semaphore_mem>>) src(%arg11 : memref<64x128xf32, #tpu.memory_space<vmem>>) dst(%dma_wait3A_124 : memref<64x128xf32, #tpu.memory_space<vmem_shared>>)
    %barrier3A = arith.constant 0 : index
    tpu.barrier barrier_id(%barrier3A)
    %scan3A_125 = arith.constant 0 : i32
    %scan3A_126 = arith.constant 0 : i32
    %scan3A_127 = arith.constant 4 : i32
    %scan3A_128 = arith.addi %scan3A_126, %scan3A_127 : i32
    %scan3A_129 = arith.constant 1 : i32
    scf.for %scan3A_136 = %scan3A_126 to %scan3A_128 step %scan3A_129  : i32 {
      %dma_start3A_137 = arith.constant 0 : i32
      %dma_start3A_138 = arith.constant 0 : i32
      %dma_start3A_139 = tpu.memref_slice %arg3[%add3A, %scan3A_136, %dma_start3A_137, %dma_start3A_138] : memref<32x4x40x64xi32, #tpu.memory_space<hbm>> -> memref<1x1x40x64xi32, #tpu.memory_space<hbm>>
      %dma_start3A_140 = tpu.memref_squeeze %dma_start3A_139 : memref<1x1x40x64xi32, #tpu.memory_space<hbm>> -> memref<40x64xi32, #tpu.memory_space<hbm>>
      %dma_start3A_141 = arith.constant 0 : i32
      %dma_start3A_142 = arith.constant 0 : i32
      %dma_start3A_143 = tpu.memref_slice %arg3[%add3A, %scan3A_136, %dma_start3A_141, %dma_start3A_142] : memref<32x4x40x64xi32, #tpu.memory_space<hbm>> -> memref<1x1x40x64xi32, #tpu.memory_space<hbm>>
      %dma_start3A_144 = tpu.memref_squeeze %dma_start3A_143 : memref<1x1x40x64xi32, #tpu.memory_space<hbm>> -> memref<40x64xi32, #tpu.memory_space<hbm>>
      tpu.enqueue_dma source(%dma_start3A_144 : memref<40x64xi32, #tpu.memory_space<hbm>>) target(%arg8 : memref<40x64xi32, #tpu.memory_space<vmem>>) target_semaphore(%arg23 : memref<!tpu.dma_semaphore, #tpu.memory_space<semaphore_mem>>)
      %dma_start3A_145 = arith.constant 0 : i32
      %dma_start3A_146 = arith.constant 0 : i32
      %dma_start3A_147 = tpu.memref_slice %arg4[%add3A, %scan3A_136, %dma_start3A_145, %dma_start3A_146] : memref<32x4x40x64xi32, #tpu.memory_space<hbm>> -> memref<1x1x40x64xi32, #tpu.memory_space<hbm>>
      %dma_start3A_148 = tpu.memref_squeeze %dma_start3A_147 : memref<1x1x40x64xi32, #tpu.memory_space<hbm>> -> memref<40x64xi32, #tpu.memory_space<hbm>>
      %dma_start3A_149 = arith.constant 0 : i32
      %dma_start3A_150 = arith.constant 0 : i32
      %dma_start3A_151 = tpu.memref_slice %arg4[%add3A, %scan3A_136, %dma_start3A_149, %dma_start3A_150] : memref<32x4x40x64xi32, #tpu.memory_space<hbm>> -> memref<1x1x40x64xi32, #tpu.memory_space<hbm>>
      %dma_start3A_152 = tpu.memref_squeeze %dma_start3A_151 : memref<1x1x40x64xi32, #tpu.memory_space<hbm>> -> memref<40x64xi32, #tpu.memory_space<hbm>>
      tpu.enqueue_dma source(%dma_start3A_152 : memref<40x64xi32, #tpu.memory_space<hbm>>) target(%arg9 : memref<40x64xi32, #tpu.memory_space<vmem>>) target_semaphore(%arg23 : memref<!tpu.dma_semaphore, #tpu.memory_space<semaphore_mem>>)
      %dma_start3A_153 = arith.constant 0 : i32
      %dma_start3A_154 = arith.constant 0 : i32
      %dma_start3A_155 = tpu.memref_slice %arg5[%add3A, %scan3A_136, %dma_start3A_153, %dma_start3A_154] : memref<32x4x40x64xf32, #tpu.memory_space<hbm>> -> memref<1x1x40x64xf32, #tpu.memory_space<hbm>>
      %dma_start3A_156 = tpu.memref_squeeze %dma_start3A_155 : memref<1x1x40x64xf32, #tpu.memory_space<hbm>> -> memref<40x64xf32, #tpu.memory_space<hbm>>
      %dma_start3A_157 = arith.constant 0 : i32
      %dma_start3A_158 = arith.constant 0 : i32
      %dma_start3A_159 = tpu.memref_slice %arg5[%add3A, %scan3A_136, %dma_start3A_157, %dma_start3A_158] : memref<32x4x40x64xf32, #tpu.memory_space<hbm>> -> memref<1x1x40x64xf32, #tpu.memory_space<hbm>>
      %dma_start3A_160 = tpu.memref_squeeze %dma_start3A_159 : memref<1x1x40x64xf32, #tpu.memory_space<hbm>> -> memref<40x64xf32, #tpu.memory_space<hbm>>
      tpu.enqueue_dma source(%dma_start3A_160 : memref<40x64xf32, #tpu.memory_space<hbm>>) target(%arg10 : memref<40x64xf32, #tpu.memory_space<vmem>>) target_semaphore(%arg23 : memref<!tpu.dma_semaphore, #tpu.memory_space<semaphore_mem>>)
      %dma_wait3A_161 = arith.constant 0 : i32
      %dma_wait3A_162 = arith.constant 0 : i32
      %dma_wait3A_163 = tpu.memref_slice %arg3[%add3A, %scan3A_136, %dma_wait3A_161, %dma_wait3A_162] : memref<32x4x40x64xi32, #tpu.memory_space<hbm>> -> memref<1x1x40x64xi32, #tpu.memory_space<hbm>>
      %dma_wait3A_164 = tpu.memref_squeeze %dma_wait3A_163 : memref<1x1x40x64xi32, #tpu.memory_space<hbm>> -> memref<40x64xi32, #tpu.memory_space<hbm>>
      %dma_wait3A_165 = arith.constant 0 : i32
      %dma_wait3A_166 = arith.constant 0 : i32
      %dma_wait3A_167 = tpu.memref_slice %arg3[%add3A, %scan3A_136, %dma_wait3A_165, %dma_wait3A_166] : memref<32x4x40x64xi32, #tpu.memory_space<hbm>> -> memref<1x1x40x64xi32, #tpu.memory_space<hbm>>
      %dma_wait3A_168 = tpu.memref_squeeze %dma_wait3A_167 : memref<1x1x40x64xi32, #tpu.memory_space<hbm>> -> memref<40x64xi32, #tpu.memory_space<hbm>>
      tpu.wait_dma2 semaphore(%arg23 : memref<!tpu.dma_semaphore, #tpu.memory_space<semaphore_mem>>) src(%dma_wait3A_168 : memref<40x64xi32, #tpu.memory_space<hbm>>) dst(%arg8 : memref<40x64xi32, #tpu.memory_space<vmem>>)
      %dma_wait3A_169 = arith.constant 0 : i32
      %dma_wait3A_170 = arith.constant 0 : i32
      %dma_wait3A_171 = tpu.memref_slice %arg4[%add3A, %scan3A_136, %dma_wait3A_169, %dma_wait3A_170] : memref<32x4x40x64xi32, #tpu.memory_space<hbm>> -> memref<1x1x40x64xi32, #tpu.memory_space<hbm>>
      %dma_wait3A_172 = tpu.memref_squeeze %dma_wait3A_171 : memref<1x1x40x64xi32, #tpu.memory_space<hbm>> -> memref<40x64xi32, #tpu.memory_space<hbm>>
      %dma_wait3A_173 = arith.constant 0 : i32
      %dma_wait3A_174 = arith.constant 0 : i32
      %dma_wait3A_175 = tpu.memref_slice %arg4[%add3A, %scan3A_136, %dma_wait3A_173, %dma_wait3A_174] : memref<32x4x40x64xi32, #tpu.memory_space<hbm>> -> memref<1x1x40x64xi32, #tpu.memory_space<hbm>>
      %dma_wait3A_176 = tpu.memref_squeeze %dma_wait3A_175 : memref<1x1x40x64xi32, #tpu.memory_space<hbm>> -> memref<40x64xi32, #tpu.memory_space<hbm>>
      tpu.wait_dma2 semaphore(%arg23 : memref<!tpu.dma_semaphore, #tpu.memory_space<semaphore_mem>>) src(%dma_wait3A_176 : memref<40x64xi32, #tpu.memory_space<hbm>>) dst(%arg9 : memref<40x64xi32, #tpu.memory_space<vmem>>)
      %dma_wait3A_177 = arith.constant 0 : i32
      %dma_wait3A_178 = arith.constant 0 : i32
      %dma_wait3A_179 = tpu.memref_slice %arg5[%add3A, %scan3A_136, %dma_wait3A_177, %dma_wait3A_178] : memref<32x4x40x64xf32, #tpu.memory_space<hbm>> -> memref<1x1x40x64xf32, #tpu.memory_space<hbm>>
      %dma_wait3A_180 = tpu.memref_squeeze %dma_wait3A_179 : memref<1x1x40x64xf32, #tpu.memory_space<hbm>> -> memref<40x64xf32, #tpu.memory_space<hbm>>
      %dma_wait3A_181 = arith.constant 0 : i32
      %dma_wait3A_182 = arith.constant 0 : i32
      %dma_wait3A_183 = tpu.memref_slice %arg5[%add3A, %scan3A_136, %dma_wait3A_181, %dma_wait3A_182] : memref<32x4x40x64xf32, #tpu.memory_space<hbm>> -> memref<1x1x40x64xf32, #tpu.memory_space<hbm>>
      %dma_wait3A_184 = tpu.memref_squeeze %dma_wait3A_183 : memref<1x1x40x64xf32, #tpu.memory_space<hbm>> -> memref<40x64xf32, #tpu.memory_space<hbm>>
      tpu.wait_dma2 semaphore(%arg23 : memref<!tpu.dma_semaphore, #tpu.memory_space<semaphore_mem>>) src(%dma_wait3A_184 : memref<40x64xf32, #tpu.memory_space<hbm>>) dst(%arg10 : memref<40x64xf32, #tpu.memory_space<vmem>>)
      %dma_start3A_185 = arith.constant 0 : i32
      %dma_start3A_186 = arith.constant 0 : i32
      %dma_start3A_187 = tpu.memref_slice %arg8[%dma_start3A_185, %dma_start3A_186] : memref<40x64xi32, #tpu.memory_space<vmem>> -> memref<1x64xi32, #tpu.memory_space<vmem>>
      %dma_start3A_188 = tpu.memref_squeeze %dma_start3A_187 : memref<1x64xi32, #tpu.memory_space<vmem>> -> memref<64xi32, #tpu.memory_space<vmem>>
      %dma_start3A_189 = arith.constant 0 : i32
      %dma_start3A_190 = arith.constant 0 : i32
      %dma_start3A_191 = tpu.memref_slice %arg2[%dma_start3A_189, %dma_start3A_190] : memref<10240x128xf32, #tpu.memory_space<hbm>> -> memref<10240x128xf32, #tpu.memory_space<hbm>>
      tpu.enqueue_indirect_dma source(%dma_start3A_191 : memref<10240x128xf32, #tpu.memory_space<hbm>>) target(%arg11 : memref<64x128xf32, #tpu.memory_space<vmem>>) offsets(%dma_start3A_188 : memref<64xi32, #tpu.memory_space<vmem>>) semaphore(%arg15 : memref<!tpu.dma_semaphore, #tpu.memory_space<semaphore_mem>>)
      %dma_start3A_192 = arith.constant 1 : i32
      %dma_start3A_193 = arith.constant 0 : i32
      %dma_start3A_194 = tpu.memref_slice %arg8[%dma_start3A_192, %dma_start3A_193] : memref<40x64xi32, #tpu.memory_space<vmem>> -> memref<1x64xi32, #tpu.memory_space<vmem>>
      %dma_start3A_195 = tpu.memref_squeeze %dma_start3A_194 : memref<1x64xi32, #tpu.memory_space<vmem>> -> memref<64xi32, #tpu.memory_space<vmem>>
      %dma_start3A_196 = arith.constant 0 : i32
      %dma_start3A_197 = arith.constant 0 : i32
      %dma_start3A_198 = tpu.memref_slice %arg2[%dma_start3A_196, %dma_start3A_197] : memref<10240x128xf32, #tpu.memory_space<hbm>> -> memref<10240x128xf32, #tpu.memory_space<hbm>>
      tpu.enqueue_indirect_dma source(%dma_start3A_198 : memref<10240x128xf32, #tpu.memory_space<hbm>>) target(%arg12 : memref<64x128xf32, #tpu.memory_space<vmem>>) offsets(%dma_start3A_195 : memref<64xi32, #tpu.memory_space<vmem>>) semaphore(%arg16 : memref<!tpu.dma_semaphore, #tpu.memory_space<semaphore_mem>>)
      %scan3A_199 = arith.constant 0 : i32
      %scan3A_200 = arith.constant 0 : i32
      %scan3A_201 = arith.constant 10 : i32
      %scan3A_202 = arith.addi %scan3A_200, %scan3A_201 : i32
      %scan3A_203 = arith.constant 1 : i32
      scf.for %scan3A_219 = %scan3A_200 to %scan3A_202 step %scan3A_203  : i32 {
        %mul3A_220 = arith.constant 4 : i32
        %mul3A_221 = arith.muli %scan3A_219, %mul3A_220 : i32
        %add3A_222 = arith.constant 0 : i32
        %add3A_223 = arith.addi %mul3A_221, %add3A_222 : i32
        %add3A_224 = arith.constant 2 : i32
        %add3A_225 = arith.addi %add3A_223, %add3A_224 : i32
        %ge3A = arith.constant 1 : i32
        %ge3A_226 = arith.cmpi sge, %scan3A_219, %ge3A : i32
        %convert_element_type3A = arith.extui %ge3A_226 : i1 to i32
        %cond3A = arith.constant 0 : i32
        %cond3A_227 = arith.cmpi ne, %convert_element_type3A, %cond3A : i32
        scf.if %cond3A_227 {
          %dma_wait3A_358 = arith.constant 0 : i32
          %dma_wait3A_359 = arith.constant 0 : i32
          %dma_wait3A_360 = tpu.memref_slice %arg9[%dma_wait3A_358, %dma_wait3A_359] : memref<40x64xi32, #tpu.memory_space<vmem>> -> memref<1x64xi32, #tpu.memory_space<vmem>>
          %dma_wait3A_361 = tpu.memref_squeeze %dma_wait3A_360 : memref<1x64xi32, #tpu.memory_space<vmem>> -> memref<64xi32, #tpu.memory_space<vmem>>
          %dma_wait3A_362 = arith.constant 0 : i32
          %dma_wait3A_363 = arith.constant 0 : i32
          %dma_wait3A_364 = tpu.memref_slice %arg7[%dma_wait3A_362, %dma_wait3A_363] : memref<10240x128xf32, #tpu.memory_space<vmem_shared>> -> memref<10240x128xf32, #tpu.memory_space<vmem_shared>>
          tpu.wait_indirect_dma semaphore(%arg21 : memref<!tpu.dma_semaphore, #tpu.memory_space<semaphore_mem>>) src(%arg13 : memref<64x128xf32, #tpu.memory_space<vmem>>) dst(%dma_wait3A_364 : memref<10240x128xf32, #tpu.memory_space<vmem_shared>>)
        } else {
        }
        %dma_start3A_228 = arith.constant 0 : i32
        %dma_start3A_229 = tpu.memref_slice %arg8[%add3A_225, %dma_start3A_228] : memref<40x64xi32, #tpu.memory_space<vmem>> -> memref<1x64xi32, #tpu.memory_space<vmem>>
        %dma_start3A_230 = tpu.memref_squeeze %dma_start3A_229 : memref<1x64xi32, #tpu.memory_space<vmem>> -> memref<64xi32, #tpu.memory_space<vmem>>
        %dma_start3A_231 = arith.constant 0 : i32
        %dma_start3A_232 = arith.constant 0 : i32
        %dma_start3A_233 = tpu.memref_slice %arg2[%dma_start3A_231, %dma_start3A_232] : memref<10240x128xf32, #tpu.memory_space<hbm>> -> memref<10240x128xf32, #tpu.memory_space<hbm>>
        tpu.enqueue_indirect_dma source(%dma_start3A_233 : memref<10240x128xf32, #tpu.memory_space<hbm>>) target(%arg13 : memref<64x128xf32, #tpu.memory_space<vmem>>) offsets(%dma_start3A_230 : memref<64xi32, #tpu.memory_space<vmem>>) semaphore(%arg17 : memref<!tpu.dma_semaphore, #tpu.memory_space<semaphore_mem>>)
        %dma_wait3A_234 = arith.constant 0 : i32
        %dma_wait3A_235 = tpu.memref_slice %arg8[%add3A_223, %dma_wait3A_234] : memref<40x64xi32, #tpu.memory_space<vmem>> -> memref<1x64xi32, #tpu.memory_space<vmem>>
        %dma_wait3A_236 = tpu.memref_squeeze %dma_wait3A_235 : memref<1x64xi32, #tpu.memory_space<vmem>> -> memref<64xi32, #tpu.memory_space<vmem>>
        %dma_wait3A_237 = arith.constant 0 : i32
        %dma_wait3A_238 = arith.constant 0 : i32
        %dma_wait3A_239 = tpu.memref_slice %arg2[%dma_wait3A_237, %dma_wait3A_238] : memref<10240x128xf32, #tpu.memory_space<hbm>> -> memref<10240x128xf32, #tpu.memory_space<hbm>>
        tpu.wait_indirect_dma semaphore(%arg15 : memref<!tpu.dma_semaphore, #tpu.memory_space<semaphore_mem>>) src(%dma_wait3A_239 : memref<10240x128xf32, #tpu.memory_space<hbm>>) dst(%arg11 : memref<64x128xf32, #tpu.memory_space<vmem>>)
        %scan3A_240 = arith.constant 0 : i32
        %scan3A_241 = arith.constant 0 : i32
        %scan3A_242 = arith.constant 64 : i32
        %scan3A_243 = arith.addi %scan3A_241, %scan3A_242 : i32
        %scan3A_244 = arith.constant 2 : i32
        scf.for %scan3A_358 = %scan3A_241 to %scan3A_243 step %scan3A_244  : i32 {
          %broadcast_in_dim3A_359 = vector.broadcast %scan3A_358 : i32 to vector<16xi32>
          %gather3A = arith.constant 0 : i32
          %gather3A_360 = tpu.memref_slice %arg10[%add3A_223, %gather3A] : memref<40x64xf32, #tpu.memory_space<vmem>> -> memref<1x64xf32, #tpu.memory_space<vmem>>
          %gather3A_361 = tpu.memref_squeeze %gather3A_360 : memref<1x64xf32, #tpu.memory_space<vmem>> -> memref<64xf32, #tpu.memory_space<vmem>>
          %gather3A_362 = tpu.vector_load_idx %gather3A_361[%broadcast_in_dim3A_359] : memref<64xf32, #tpu.memory_space<vmem>>[vector<16xi32>], vector<16xf32>,
          %get3A = arith.index_cast %scan3A_358 : i32 to index
          %get3A_363 = arith.constant 0 : index
          %get3A_364 = tpu.vector_load %arg11[%get3A, %get3A_363] {strides = array<i32>} : memref<64x128xf32, #tpu.memory_space<vmem>>, vector<16xf32>,
          %mul3A_365 = arith.mulf %get3A_364, %gather3A_362 : vector<16xf32>
          %swap3A = arith.index_cast %scan3A_358 : i32 to index
          %swap3A_366 = arith.constant 0 : index
          %swap3A_367 = tpu.vector_load %arg11[%swap3A, %swap3A_366] {strides = array<i32>} : memref<64x128xf32, #tpu.memory_space<vmem>>, vector<16xf32>,
          tpu.vector_store %arg11[%swap3A, %swap3A_366], %mul3A_365 {strides = array<i32>} : memref<64x128xf32, #tpu.memory_space<vmem>>, vector<16xf32>,
          %get3A_368 = arith.index_cast %scan3A_358 : i32 to index
          %get3A_369 = arith.constant 16 : index
          %get3A_370 = tpu.vector_load %arg11[%get3A_368, %get3A_369] {strides = array<i32>} : memref<64x128xf32, #tpu.memory_space<vmem>>, vector<16xf32>,
          %mul3A_371 = arith.mulf %get3A_370, %gather3A_362 : vector<16xf32>
          %swap3A_372 = arith.index_cast %scan3A_358 : i32 to index
          %swap3A_373 = arith.constant 16 : index
          %swap3A_374 = tpu.vector_load %arg11[%swap3A_372, %swap3A_373] {strides = array<i32>} : memref<64x128xf32, #tpu.memory_space<vmem>>, vector<16xf32>,
          tpu.vector_store %arg11[%swap3A_372, %swap3A_373], %mul3A_371 {strides = array<i32>} : memref<64x128xf32, #tpu.memory_space<vmem>>, vector<16xf32>,
          %get3A_375 = arith.index_cast %scan3A_358 : i32 to index
          %get3A_376 = arith.constant 32 : index
          %get3A_377 = tpu.vector_load %arg11[%get3A_375, %get3A_376] {strides = array<i32>} : memref<64x128xf32, #tpu.memory_space<vmem>>, vector<16xf32>,
          %mul3A_378 = arith.mulf %get3A_377, %gather3A_362 : vector<16xf32>
          %swap3A_379 = arith.index_cast %scan3A_358 : i32 to index
          %swap3A_380 = arith.constant 32 : index
          %swap3A_381 = tpu.vector_load %arg11[%swap3A_379, %swap3A_380] {strides = array<i32>} : memref<64x128xf32, #tpu.memory_space<vmem>>, vector<16xf32>,
          tpu.vector_store %arg11[%swap3A_379, %swap3A_380], %mul3A_378 {strides = array<i32>} : memref<64x128xf32, #tpu.memory_space<vmem>>, vector<16xf32>,
          %get3A_382 = arith.index_cast %scan3A_358 : i32 to index
          %get3A_383 = arith.constant 48 : index
          %get3A_384 = tpu.vector_load %arg11[%get3A_382, %get3A_383] {strides = array<i32>} : memref<64x128xf32, #tpu.memory_space<vmem>>, vector<16xf32>,
          %mul3A_385 = arith.mulf %get3A_384, %gather3A_362 : vector<16xf32>
          %swap3A_386 = arith.index_cast %scan3A_358 : i32 to index
          %swap3A_387 = arith.constant 48 : index
          %swap3A_388 = tpu.vector_load %arg11[%swap3A_386, %swap3A_387] {strides = array<i32>} : memref<64x128xf32, #tpu.memory_space<vmem>>, vector<16xf32>,
          tpu.vector_store %arg11[%swap3A_386, %swap3A_387], %mul3A_385 {strides = array<i32>} : memref<64x128xf32, #tpu.memory_space<vmem>>, vector<16xf32>,
          %get3A_389 = arith.index_cast %scan3A_358 : i32 to index
          %get3A_390 = arith.constant 64 : index
          %get3A_391 = tpu.vector_load %arg11[%get3A_389, %get3A_390] {strides = array<i32>} : memref<64x128xf32, #tpu.memory_space<vmem>>, vector<16xf32>,
          %mul3A_392 = arith.mulf %get3A_391, %gather3A_362 : vector<16xf32>
          %swap3A_393 = arith.index_cast %scan3A_358 : i32 to index
          %swap3A_394 = arith.constant 64 : index
          %swap3A_395 = tpu.vector_load %arg11[%swap3A_393, %swap3A_394] {strides = array<i32>} : memref<64x128xf32, #tpu.memory_space<vmem>>, vector<16xf32>,
          tpu.vector_store %arg11[%swap3A_393, %swap3A_394], %mul3A_392 {strides = array<i32>} : memref<64x128xf32, #tpu.memory_space<vmem>>, vector<16xf32>,
          %get3A_396 = arith.index_cast %scan3A_358 : i32 to index
          %get3A_397 = arith.constant 80 : index
          %get3A_398 = tpu.vector_load %arg11[%get3A_396, %get3A_397] {strides = array<i32>} : memref<64x128xf32, #tpu.memory_space<vmem>>, vector<16xf32>,
          %mul3A_399 = arith.mulf %get3A_398, %gather3A_362 : vector<16xf32>
          %swap3A_400 = arith.index_cast %scan3A_358 : i32 to index
          %swap3A_401 = arith.constant 80 : index
          %swap3A_402 = tpu.vector_load %arg11[%swap3A_400, %swap3A_401] {strides = array<i32>} : memref<64x128xf32, #tpu.memory_space<vmem>>, vector<16xf32>,
          tpu.vector_store %arg11[%swap3A_400, %swap3A_401], %mul3A_399 {strides = array<i32>} : memref<64x128xf32, #tpu.memory_space<vmem>>, vector<16xf32>,
          %get3A_403 = arith.index_cast %scan3A_358 : i32 to index
          %get3A_404 = arith.constant 96 : index
          %get3A_405 = tpu.vector_load %arg11[%get3A_403, %get3A_404] {strides = array<i32>} : memref<64x128xf32, #tpu.memory_space<vmem>>, vector<16xf32>,
          %mul3A_406 = arith.mulf %get3A_405, %gather3A_362 : vector<16xf32>
          %swap3A_407 = arith.index_cast %scan3A_358 : i32 to index
          %swap3A_408 = arith.constant 96 : index
          %swap3A_409 = tpu.vector_load %arg11[%swap3A_407, %swap3A_408] {strides = array<i32>} : memref<64x128xf32, #tpu.memory_space<vmem>>, vector<16xf32>,
          tpu.vector_store %arg11[%swap3A_407, %swap3A_408], %mul3A_406 {strides = array<i32>} : memref<64x128xf32, #tpu.memory_space<vmem>>, vector<16xf32>,
          %get3A_410 = arith.index_cast %scan3A_358 : i32 to index
          %get3A_411 = arith.constant 112 : index
          %get3A_412 = tpu.vector_load %arg11[%get3A_410, %get3A_411] {strides = array<i32>} : memref<64x128xf32, #tpu.memory_space<vmem>>, vector<16xf32>,
          %mul3A_413 = arith.mulf %get3A_412, %gather3A_362 : vector<16xf32>
          %swap3A_414 = arith.index_cast %scan3A_358 : i32 to index
          %swap3A_415 = arith.constant 112 : index
          %swap3A_416 = tpu.vector_load %arg11[%swap3A_414, %swap3A_415] {strides = array<i32>} : memref<64x128xf32, #tpu.memory_space<vmem>>, vector<16xf32>,
          tpu.vector_store %arg11[%swap3A_414, %swap3A_415], %mul3A_413 {strides = array<i32>} : memref<64x128xf32, #tpu.memory_space<vmem>>, vector<16xf32>,
          %scan3A_417 = arith.constant 1 : i32
          %scan3A_418 = arith.addi %scan3A_358, %scan3A_417 : i32
          %broadcast_in_dim3A_419 = vector.broadcast %scan3A_418 : i32 to vector<16xi32>
          %gather3A_420 = arith.constant 0 : i32
          %gather3A_421 = tpu.memref_slice %arg10[%add3A_223, %gather3A_420] : memref<40x64xf32, #tpu.memory_space<vmem>> -> memref<1x64xf32, #tpu.memory_space<vmem>>
          %gather3A_422 = tpu.memref_squeeze %gather3A_421 : memref<1x64xf32, #tpu.memory_space<vmem>> -> memref<64xf32, #tpu.memory_space<vmem>>
          %gather3A_423 = tpu.vector_load_idx %gather3A_422[%broadcast_in_dim3A_419] : memref<64xf32, #tpu.memory_space<vmem>>[vector<16xi32>], vector<16xf32>,
          %get3A_424 = arith.index_cast %scan3A_418 : i32 to index
          %get3A_425 = arith.constant 0 : index
          %get3A_426 = tpu.vector_load %arg11[%get3A_424, %get3A_425] {strides = array<i32>} : memref<64x128xf32, #tpu.memory_space<vmem>>, vector<16xf32>,
          %mul3A_427 = arith.mulf %get3A_426, %gather3A_423 : vector<16xf32>
          %swap3A_428 = arith.index_cast %scan3A_418 : i32 to index
          %swap3A_429 = arith.constant 0 : index
          %swap3A_430 = tpu.vector_load %arg11[%swap3A_428, %swap3A_429] {strides = array<i32>} : memref<64x128xf32, #tpu.memory_space<vmem>>, vector<16xf32>,
          tpu.vector_store %arg11[%swap3A_428, %swap3A_429], %mul3A_427 {strides = array<i32>} : memref<64x128xf32, #tpu.memory_space<vmem>>, vector<16xf32>,
          %get3A_431 = arith.index_cast %scan3A_418 : i32 to index
          %get3A_432 = arith.constant 16 : index
          %get3A_433 = tpu.vector_load %arg11[%get3A_431, %get3A_432] {strides = array<i32>} : memref<64x128xf32, #tpu.memory_space<vmem>>, vector<16xf32>,
          %mul3A_434 = arith.mulf %get3A_433, %gather3A_423 : vector<16xf32>
          %swap3A_435 = arith.index_cast %scan3A_418 : i32 to index
          %swap3A_436 = arith.constant 16 : index
          %swap3A_437 = tpu.vector_load %arg11[%swap3A_435, %swap3A_436] {strides = array<i32>} : memref<64x128xf32, #tpu.memory_space<vmem>>, vector<16xf32>,
          tpu.vector_store %arg11[%swap3A_435, %swap3A_436], %mul3A_434 {strides = array<i32>} : memref<64x128xf32, #tpu.memory_space<vmem>>, vector<16xf32>,
          %get3A_438 = arith.index_cast %scan3A_418 : i32 to index
          %get3A_439 = arith.constant 32 : index
          %get3A_440 = tpu.vector_load %arg11[%get3A_438, %get3A_439] {strides = array<i32>} : memref<64x128xf32, #tpu.memory_space<vmem>>, vector<16xf32>,
          %mul3A_441 = arith.mulf %get3A_440, %gather3A_423 : vector<16xf32>
          %swap3A_442 = arith.index_cast %scan3A_418 : i32 to index
          %swap3A_443 = arith.constant 32 : index
          %swap3A_444 = tpu.vector_load %arg11[%swap3A_442, %swap3A_443] {strides = array<i32>} : memref<64x128xf32, #tpu.memory_space<vmem>>, vector<16xf32>,
          tpu.vector_store %arg11[%swap3A_442, %swap3A_443], %mul3A_441 {strides = array<i32>} : memref<64x128xf32, #tpu.memory_space<vmem>>, vector<16xf32>,
          %get3A_445 = arith.index_cast %scan3A_418 : i32 to index
          %get3A_446 = arith.constant 48 : index
          %get3A_447 = tpu.vector_load %arg11[%get3A_445, %get3A_446] {strides = array<i32>} : memref<64x128xf32, #tpu.memory_space<vmem>>, vector<16xf32>,
          %mul3A_448 = arith.mulf %get3A_447, %gather3A_423 : vector<16xf32>
          %swap3A_449 = arith.index_cast %scan3A_418 : i32 to index
          %swap3A_450 = arith.constant 48 : index
          %swap3A_451 = tpu.vector_load %arg11[%swap3A_449, %swap3A_450] {strides = array<i32>} : memref<64x128xf32, #tpu.memory_space<vmem>>, vector<16xf32>,
          tpu.vector_store %arg11[%swap3A_449, %swap3A_450], %mul3A_448 {strides = array<i32>} : memref<64x128xf32, #tpu.memory_space<vmem>>, vector<16xf32>,
          %get3A_452 = arith.index_cast %scan3A_418 : i32 to index
          %get3A_453 = arith.constant 64 : index
          %get3A_454 = tpu.vector_load %arg11[%get3A_452, %get3A_453] {strides = array<i32>} : memref<64x128xf32, #tpu.memory_space<vmem>>, vector<16xf32>,
          %mul3A_455 = arith.mulf %get3A_454, %gather3A_423 : vector<16xf32>
          %swap3A_456 = arith.index_cast %scan3A_418 : i32 to index
          %swap3A_457 = arith.constant 64 : index
          %swap3A_458 = tpu.vector_load %arg11[%swap3A_456, %swap3A_457] {strides = array<i32>} : memref<64x128xf32, #tpu.memory_space<vmem>>, vector<16xf32>,
          tpu.vector_store %arg11[%swap3A_456, %swap3A_457], %mul3A_455 {strides = array<i32>} : memref<64x128xf32, #tpu.memory_space<vmem>>, vector<16xf32>,
          %get3A_459 = arith.index_cast %scan3A_418 : i32 to index
          %get3A_460 = arith.constant 80 : index
          %get3A_461 = tpu.vector_load %arg11[%get3A_459, %get3A_460] {strides = array<i32>} : memref<64x128xf32, #tpu.memory_space<vmem>>, vector<16xf32>,
          %mul3A_462 = arith.mulf %get3A_461, %gather3A_423 : vector<16xf32>
          %swap3A_463 = arith.index_cast %scan3A_418 : i32 to index
          %swap3A_464 = arith.constant 80 : index
          %swap3A_465 = tpu.vector_load %arg11[%swap3A_463, %swap3A_464] {strides = array<i32>} : memref<64x128xf32, #tpu.memory_space<vmem>>, vector<16xf32>,
          tpu.vector_store %arg11[%swap3A_463, %swap3A_464], %mul3A_462 {strides = array<i32>} : memref<64x128xf32, #tpu.memory_space<vmem>>, vector<16xf32>,
          %get3A_466 = arith.index_cast %scan3A_418 : i32 to index
          %get3A_467 = arith.constant 96 : index
          %get3A_468 = tpu.vector_load %arg11[%get3A_466, %get3A_467] {strides = array<i32>} : memref<64x128xf32, #tpu.memory_space<vmem>>, vector<16xf32>,
          %mul3A_469 = arith.mulf %get3A_468, %gather3A_423 : vector<16xf32>
          %swap3A_470 = arith.index_cast %scan3A_418 : i32 to index
          %swap3A_471 = arith.constant 96 : index
          %swap3A_472 = tpu.vector_load %arg11[%swap3A_470, %swap3A_471] {strides = array<i32>} : memref<64x128xf32, #tpu.memory_space<vmem>>, vector<16xf32>,
          tpu.vector_store %arg11[%swap3A_470, %swap3A_471], %mul3A_469 {strides = array<i32>} : memref<64x128xf32, #tpu.memory_space<vmem>>, vector<16xf32>,
          %get3A_473 = arith.index_cast %scan3A_418 : i32 to index
          %get3A_474 = arith.constant 112 : index
          %get3A_475 = tpu.vector_load %arg11[%get3A_473, %get3A_474] {strides = array<i32>} : memref<64x128xf32, #tpu.memory_space<vmem>>, vector<16xf32>,
          %mul3A_476 = arith.mulf %get3A_475, %gather3A_423 : vector<16xf32>
          %swap3A_477 = arith.index_cast %scan3A_418 : i32 to index
          %swap3A_478 = arith.constant 112 : index
          %swap3A_479 = tpu.vector_load %arg11[%swap3A_477, %swap3A_478] {strides = array<i32>} : memref<64x128xf32, #tpu.memory_space<vmem>>, vector<16xf32>,
          tpu.vector_store %arg11[%swap3A_477, %swap3A_478], %mul3A_476 {strides = array<i32>} : memref<64x128xf32, #tpu.memory_space<vmem>>, vector<16xf32>,
        }
        %scan3A_245 = arith.constant 64 : i32
        %dma_start3A_246 = arith.constant 0 : i32
        %dma_start3A_247 = tpu.memref_slice %arg9[%add3A_223, %dma_start3A_246] : memref<40x64xi32, #tpu.memory_space<vmem>> -> memref<1x64xi32, #tpu.memory_space<vmem>>
        %dma_start3A_248 = tpu.memref_squeeze %dma_start3A_247 : memref<1x64xi32, #tpu.memory_space<vmem>> -> memref<64xi32, #tpu.memory_space<vmem>>
        %dma_start3A_249 = arith.constant 0 : i32
        %dma_start3A_250 = arith.constant 0 : i32
        %dma_start3A_251 = tpu.memref_slice %arg7[%dma_start3A_249, %dma_start3A_250] : memref<10240x128xf32, #tpu.memory_space<vmem_shared>> -> memref<10240x128xf32, #tpu.memory_space<vmem_shared>>
        tpu.enqueue_indirect_dma source(%arg11 : memref<64x128xf32, #tpu.memory_space<vmem>>) target(%dma_start3A_251 : memref<10240x128xf32, #tpu.memory_space<vmem_shared>>) offsets(%dma_start3A_248 : memref<64xi32, #tpu.memory_space<vmem>>) semaphore(%arg19 : memref<!tpu.dma_semaphore, #tpu.memory_space<semaphore_mem>>) {add = true}
        %mul3A_252 = arith.constant 4 : i32
        %mul3A_253 = arith.muli %scan3A_219, %mul3A_252 : i32
        %add3A_254 = arith.constant 1 : i32
        %add3A_255 = arith.addi %mul3A_253, %add3A_254 : i32
        %add3A_256 = arith.constant 2 : i32
        %add3A_257 = arith.addi %add3A_255, %add3A_256 : i32
        %ge3A_258 = arith.constant 1 : i32
        %ge3A_259 = arith.cmpi sge, %scan3A_219, %ge3A_258 : i32
        %convert_element_type3A_260 = arith.extui %ge3A_259 : i1 to i32
        %cond3A_261 = arith.constant 0 : i32
        %cond3A_262 = arith.cmpi ne, %convert_element_type3A_260, %cond3A_261 : i32
        scf.if %cond3A_262 {
          %dma_wait3A_358 = arith.constant 0 : i32
          %dma_wait3A_359 = arith.constant 0 : i32
          %dma_wait3A_360 = tpu.memref_slice %arg9[%dma_wait3A_358, %dma_wait3A_359] : memref<40x64xi32, #tpu.memory_space<vmem>> -> memref<1x64xi32, #tpu.memory_space<vmem>>
          %dma_wait3A_361 = tpu.memref_squeeze %dma_wait3A_360 : memref<1x64xi32, #tpu.memory_space<vmem>> -> memref<64xi32, #tpu.memory_space<vmem>>
          %dma_wait3A_362 = arith.constant 0 : i32
          %dma_wait3A_363 = arith.constant 0 : i32
          %dma_wait3A_364 = tpu.memref_slice %arg7[%dma_wait3A_362, %dma_wait3A_363] : memref<10240x128xf32, #tpu.memory_space<vmem_shared>> -> memref<10240x128xf32, #tpu.memory_space<vmem_shared>>
          tpu.wait_indirect_dma semaphore(%arg22 : memref<!tpu.dma_semaphore, #tpu.memory_space<semaphore_mem>>) src(%arg14 : memref<64x128xf32, #tpu.memory_space<vmem>>) dst(%dma_wait3A_364 : memref<10240x128xf32, #tpu.memory_space<vmem_shared>>)
        } else {
        }
        %dma_start3A_263 = arith.constant 0 : i32
        %dma_start3A_264 = tpu.memref_slice %arg8[%add3A_257, %dma_start3A_263] : memref<40x64xi32, #tpu.memory_space<vmem>> -> memref<1x64xi32, #tpu.memory_space<vmem>>
        %dma_start3A_265 = tpu.memref_squeeze %dma_start3A_264 : memref<1x64xi32, #tpu.memory_space<vmem>> -> memref<64xi32, #tpu.memory_space<vmem>>
        %dma_start3A_266 = arith.constant 0 : i32
        %dma_start3A_267 = arith.constant 0 : i32
        %dma_start3A_268 = tpu.memref_slice %arg2[%dma_start3A_266, %dma_start3A_267] : memref<10240x128xf32, #tpu.memory_space<hbm>> -> memref<10240x128xf32, #tpu.memory_space<hbm>>
        tpu.enqueue_indirect_dma source(%dma_start3A_268 : memref<10240x128xf32, #tpu.memory_space<hbm>>) target(%arg14 : memref<64x128xf32, #tpu.memory_space<vmem>>) offsets(%dma_start3A_265 : memref<64xi32, #tpu.memory_space<vmem>>) semaphore(%arg18 : memref<!tpu.dma_semaphore, #tpu.memory_space<semaphore_mem>>)
        %dma_wait3A_269 = arith.constant 0 : i32
        %dma_wait3A_270 = tpu.memref_slice %arg8[%add3A_255, %dma_wait3A_269] : memref<40x64xi32, #tpu.memory_space<vmem>> -> memref<1x64xi32, #tpu.memory_space<vmem>>
        %dma_wait3A_271 = tpu.memref_squeeze %dma_wait3A_270 : memref<1x64xi32, #tpu.memory_space<vmem>> -> memref<64xi32, #tpu.memory_space<vmem>>
        %dma_wait3A_272 = arith.constant 0 : i32
        %dma_wait3A_273 = arith.constant 0 : i32
        %dma_wait3A_274 = tpu.memref_slice %arg2[%dma_wait3A_272, %dma_wait3A_273] : memref<10240x128xf32, #tpu.memory_space<hbm>> -> memref<10240x128xf32, #tpu.memory_space<hbm>>
        tpu.wait_indirect_dma semaphore(%arg16 : memref<!tpu.dma_semaphore, #tpu.memory_space<semaphore_mem>>) src(%dma_wait3A_274 : memref<10240x128xf32, #tpu.memory_space<hbm>>) dst(%arg12 : memref<64x128xf32, #tpu.memory_space<vmem>>)
        %scan3A_275 = arith.constant 0 : i32
        %scan3A_276 = arith.constant 0 : i32
        %scan3A_277 = arith.constant 64 : i32
        %scan3A_278 = arith.addi %scan3A_276, %scan3A_277 : i32
        %scan3A_279 = arith.constant 2 : i32
        scf.for %scan3A_358 = %scan3A_276 to %scan3A_278 step %scan3A_279  : i32 {
          %broadcast_in_dim3A_359 = vector.broadcast %scan3A_358 : i32 to vector<16xi32>
          %gather3A = arith.constant 0 : i32
          %gather3A_360 = tpu.memref_slice %arg10[%add3A_255, %gather3A] : memref<40x64xf32, #tpu.memory_space<vmem>> -> memref<1x64xf32, #tpu.memory_space<vmem>>
          %gather3A_361 = tpu.memref_squeeze %gather3A_360 : memref<1x64xf32, #tpu.memory_space<vmem>> -> memref<64xf32, #tpu.memory_space<vmem>>
          %gather3A_362 = tpu.vector_load_idx %gather3A_361[%broadcast_in_dim3A_359] : memref<64xf32, #tpu.memory_space<vmem>>[vector<16xi32>], vector<16xf32>,
          %get3A = arith.index_cast %scan3A_358 : i32 to index
          %get3A_363 = arith.constant 0 : index
          %get3A_364 = tpu.vector_load %arg12[%get3A, %get3A_363] {strides = array<i32>} : memref<64x128xf32, #tpu.memory_space<vmem>>, vector<16xf32>,
          %mul3A_365 = arith.mulf %get3A_364, %gather3A_362 : vector<16xf32>
          %swap3A = arith.index_cast %scan3A_358 : i32 to index
          %swap3A_366 = arith.constant 0 : index
          %swap3A_367 = tpu.vector_load %arg12[%swap3A, %swap3A_366] {strides = array<i32>} : memref<64x128xf32, #tpu.memory_space<vmem>>, vector<16xf32>,
          tpu.vector_store %arg12[%swap3A, %swap3A_366], %mul3A_365 {strides = array<i32>} : memref<64x128xf32, #tpu.memory_space<vmem>>, vector<16xf32>,
          %get3A_368 = arith.index_cast %scan3A_358 : i32 to index
          %get3A_369 = arith.constant 16 : index
          %get3A_370 = tpu.vector_load %arg12[%get3A_368, %get3A_369] {strides = array<i32>} : memref<64x128xf32, #tpu.memory_space<vmem>>, vector<16xf32>,
          %mul3A_371 = arith.mulf %get3A_370, %gather3A_362 : vector<16xf32>
          %swap3A_372 = arith.index_cast %scan3A_358 : i32 to index
          %swap3A_373 = arith.constant 16 : index
          %swap3A_374 = tpu.vector_load %arg12[%swap3A_372, %swap3A_373] {strides = array<i32>} : memref<64x128xf32, #tpu.memory_space<vmem>>, vector<16xf32>,
          tpu.vector_store %arg12[%swap3A_372, %swap3A_373], %mul3A_371 {strides = array<i32>} : memref<64x128xf32, #tpu.memory_space<vmem>>, vector<16xf32>,
          %get3A_375 = arith.index_cast %scan3A_358 : i32 to index
          %get3A_376 = arith.constant 32 : index
          %get3A_377 = tpu.vector_load %arg12[%get3A_375, %get3A_376] {strides = array<i32>} : memref<64x128xf32, #tpu.memory_space<vmem>>, vector<16xf32>,
          %mul3A_378 = arith.mulf %get3A_377, %gather3A_362 : vector<16xf32>
          %swap3A_379 = arith.index_cast %scan3A_358 : i32 to index
          %swap3A_380 = arith.constant 32 : index
          %swap3A_381 = tpu.vector_load %arg12[%swap3A_379, %swap3A_380] {strides = array<i32>} : memref<64x128xf32, #tpu.memory_space<vmem>>, vector<16xf32>,
          tpu.vector_store %arg12[%swap3A_379, %swap3A_380], %mul3A_378 {strides = array<i32>} : memref<64x128xf32, #tpu.memory_space<vmem>>, vector<16xf32>,
          %get3A_382 = arith.index_cast %scan3A_358 : i32 to index
          %get3A_383 = arith.constant 48 : index
          %get3A_384 = tpu.vector_load %arg12[%get3A_382, %get3A_383] {strides = array<i32>} : memref<64x128xf32, #tpu.memory_space<vmem>>, vector<16xf32>,
          %mul3A_385 = arith.mulf %get3A_384, %gather3A_362 : vector<16xf32>
          %swap3A_386 = arith.index_cast %scan3A_358 : i32 to index
          %swap3A_387 = arith.constant 48 : index
          %swap3A_388 = tpu.vector_load %arg12[%swap3A_386, %swap3A_387] {strides = array<i32>} : memref<64x128xf32, #tpu.memory_space<vmem>>, vector<16xf32>,
          tpu.vector_store %arg12[%swap3A_386, %swap3A_387], %mul3A_385 {strides = array<i32>} : memref<64x128xf32, #tpu.memory_space<vmem>>, vector<16xf32>,
          %get3A_389 = arith.index_cast %scan3A_358 : i32 to index
          %get3A_390 = arith.constant 64 : index
          %get3A_391 = tpu.vector_load %arg12[%get3A_389, %get3A_390] {strides = array<i32>} : memref<64x128xf32, #tpu.memory_space<vmem>>, vector<16xf32>,
          %mul3A_392 = arith.mulf %get3A_391, %gather3A_362 : vector<16xf32>
          %swap3A_393 = arith.index_cast %scan3A_358 : i32 to index
          %swap3A_394 = arith.constant 64 : index
          %swap3A_395 = tpu.vector_load %arg12[%swap3A_393, %swap3A_394] {strides = array<i32>} : memref<64x128xf32, #tpu.memory_space<vmem>>, vector<16xf32>,
          tpu.vector_store %arg12[%swap3A_393, %swap3A_394], %mul3A_392 {strides = array<i32>} : memref<64x128xf32, #tpu.memory_space<vmem>>, vector<16xf32>,
          %get3A_396 = arith.index_cast %scan3A_358 : i32 to index
          %get3A_397 = arith.constant 80 : index
          %get3A_398 = tpu.vector_load %arg12[%get3A_396, %get3A_397] {strides = array<i32>} : memref<64x128xf32, #tpu.memory_space<vmem>>, vector<16xf32>,
          %mul3A_399 = arith.mulf %get3A_398, %gather3A_362 : vector<16xf32>
          %swap3A_400 = arith.index_cast %scan3A_358 : i32 to index
          %swap3A_401 = arith.constant 80 : index
          %swap3A_402 = tpu.vector_load %arg12[%swap3A_400, %swap3A_401] {strides = array<i32>} : memref<64x128xf32, #tpu.memory_space<vmem>>, vector<16xf32>,
          tpu.vector_store %arg12[%swap3A_400, %swap3A_401], %mul3A_399 {strides = array<i32>} : memref<64x128xf32, #tpu.memory_space<vmem>>, vector<16xf32>,
          %get3A_403 = arith.index_cast %scan3A_358 : i32 to index
          %get3A_404 = arith.constant 96 : index
          %get3A_405 = tpu.vector_load %arg12[%get3A_403, %get3A_404] {strides = array<i32>} : memref<64x128xf32, #tpu.memory_space<vmem>>, vector<16xf32>,
          %mul3A_406 = arith.mulf %get3A_405, %gather3A_362 : vector<16xf32>
          %swap3A_407 = arith.index_cast %scan3A_358 : i32 to index
          %swap3A_408 = arith.constant 96 : index
          %swap3A_409 = tpu.vector_load %arg12[%swap3A_407, %swap3A_408] {strides = array<i32>} : memref<64x128xf32, #tpu.memory_space<vmem>>, vector<16xf32>,
          tpu.vector_store %arg12[%swap3A_407, %swap3A_408], %mul3A_406 {strides = array<i32>} : memref<64x128xf32, #tpu.memory_space<vmem>>, vector<16xf32>,
          %get3A_410 = arith.index_cast %scan3A_358 : i32 to index
          %get3A_411 = arith.constant 112 : index
          %get3A_412 = tpu.vector_load %arg12[%get3A_410, %get3A_411] {strides = array<i32>} : memref<64x128xf32, #tpu.memory_space<vmem>>, vector<16xf32>,
          %mul3A_413 = arith.mulf %get3A_412, %gather3A_362 : vector<16xf32>
          %swap3A_414 = arith.index_cast %scan3A_358 : i32 to index
          %swap3A_415 = arith.constant 112 : index
          %swap3A_416 = tpu.vector_load %arg12[%swap3A_414, %swap3A_415] {strides = array<i32>} : memref<64x128xf32, #tpu.memory_space<vmem>>, vector<16xf32>,
          tpu.vector_store %arg12[%swap3A_414, %swap3A_415], %mul3A_413 {strides = array<i32>} : memref<64x128xf32, #tpu.memory_space<vmem>>, vector<16xf32>,
          %scan3A_417 = arith.constant 1 : i32
          %scan3A_418 = arith.addi %scan3A_358, %scan3A_417 : i32
          %broadcast_in_dim3A_419 = vector.broadcast %scan3A_418 : i32 to vector<16xi32>
          %gather3A_420 = arith.constant 0 : i32
          %gather3A_421 = tpu.memref_slice %arg10[%add3A_255, %gather3A_420] : memref<40x64xf32, #tpu.memory_space<vmem>> -> memref<1x64xf32, #tpu.memory_space<vmem>>
          %gather3A_422 = tpu.memref_squeeze %gather3A_421 : memref<1x64xf32, #tpu.memory_space<vmem>> -> memref<64xf32, #tpu.memory_space<vmem>>
          %gather3A_423 = tpu.vector_load_idx %gather3A_422[%broadcast_in_dim3A_419] : memref<64xf32, #tpu.memory_space<vmem>>[vector<16xi32>], vector<16xf32>,
          %get3A_424 = arith.index_cast %scan3A_418 : i32 to index
          %get3A_425 = arith.constant 0 : index
          %get3A_426 = tpu.vector_load %arg12[%get3A_424, %get3A_425] {strides = array<i32>} : memref<64x128xf32, #tpu.memory_space<vmem>>, vector<16xf32>,
          %mul3A_427 = arith.mulf %get3A_426, %gather3A_423 : vector<16xf32>
          %swap3A_428 = arith.index_cast %scan3A_418 : i32 to index
          %swap3A_429 = arith.constant 0 : index
          %swap3A_430 = tpu.vector_load %arg12[%swap3A_428, %swap3A_429] {strides = array<i32>} : memref<64x128xf32, #tpu.memory_space<vmem>>, vector<16xf32>,
          tpu.vector_store %arg12[%swap3A_428, %swap3A_429], %mul3A_427 {strides = array<i32>} : memref<64x128xf32, #tpu.memory_space<vmem>>, vector<16xf32>,
          %get3A_431 = arith.index_cast %scan3A_418 : i32 to index
          %get3A_432 = arith.constant 16 : index
          %get3A_433 = tpu.vector_load %arg12[%get3A_431, %get3A_432] {strides = array<i32>} : memref<64x128xf32, #tpu.memory_space<vmem>>, vector<16xf32>,
          %mul3A_434 = arith.mulf %get3A_433, %gather3A_423 : vector<16xf32>
          %swap3A_435 = arith.index_cast %scan3A_418 : i32 to index
          %swap3A_436 = arith.constant 16 : index
          %swap3A_437 = tpu.vector_load %arg12[%swap3A_435, %swap3A_436] {strides = array<i32>} : memref<64x128xf32, #tpu.memory_space<vmem>>, vector<16xf32>,
          tpu.vector_store %arg12[%swap3A_435, %swap3A_436], %mul3A_434 {strides = array<i32>} : memref<64x128xf32, #tpu.memory_space<vmem>>, vector<16xf32>,
          %get3A_438 = arith.index_cast %scan3A_418 : i32 to index
          %get3A_439 = arith.constant 32 : index
          %get3A_440 = tpu.vector_load %arg12[%get3A_438, %get3A_439] {strides = array<i32>} : memref<64x128xf32, #tpu.memory_space<vmem>>, vector<16xf32>,
          %mul3A_441 = arith.mulf %get3A_440, %gather3A_423 : vector<16xf32>
          %swap3A_442 = arith.index_cast %scan3A_418 : i32 to index
          %swap3A_443 = arith.constant 32 : index
          %swap3A_444 = tpu.vector_load %arg12[%swap3A_442, %swap3A_443] {strides = array<i32>} : memref<64x128xf32, #tpu.memory_space<vmem>>, vector<16xf32>,
          tpu.vector_store %arg12[%swap3A_442, %swap3A_443], %mul3A_441 {strides = array<i32>} : memref<64x128xf32, #tpu.memory_space<vmem>>, vector<16xf32>,
          %get3A_445 = arith.index_cast %scan3A_418 : i32 to index
          %get3A_446 = arith.constant 48 : index
          %get3A_447 = tpu.vector_load %arg12[%get3A_445, %get3A_446] {strides = array<i32>} : memref<64x128xf32, #tpu.memory_space<vmem>>, vector<16xf32>,
          %mul3A_448 = arith.mulf %get3A_447, %gather3A_423 : vector<16xf32>
          %swap3A_449 = arith.index_cast %scan3A_418 : i32 to index
          %swap3A_450 = arith.constant 48 : index
          %swap3A_451 = tpu.vector_load %arg12[%swap3A_449, %swap3A_450] {strides = array<i32>} : memref<64x128xf32, #tpu.memory_space<vmem>>, vector<16xf32>,
          tpu.vector_store %arg12[%swap3A_449, %swap3A_450], %mul3A_448 {strides = array<i32>} : memref<64x128xf32, #tpu.memory_space<vmem>>, vector<16xf32>,
          %get3A_452 = arith.index_cast %scan3A_418 : i32 to index
          %get3A_453 = arith.constant 64 : index
          %get3A_454 = tpu.vector_load %arg12[%get3A_452, %get3A_453] {strides = array<i32>} : memref<64x128xf32, #tpu.memory_space<vmem>>, vector<16xf32>,
          %mul3A_455 = arith.mulf %get3A_454, %gather3A_423 : vector<16xf32>
          %swap3A_456 = arith.index_cast %scan3A_418 : i32 to index
          %swap3A_457 = arith.constant 64 : index
          %swap3A_458 = tpu.vector_load %arg12[%swap3A_456, %swap3A_457] {strides = array<i32>} : memref<64x128xf32, #tpu.memory_space<vmem>>, vector<16xf32>,
          tpu.vector_store %arg12[%swap3A_456, %swap3A_457], %mul3A_455 {strides = array<i32>} : memref<64x128xf32, #tpu.memory_space<vmem>>, vector<16xf32>,
          %get3A_459 = arith.index_cast %scan3A_418 : i32 to index
          %get3A_460 = arith.constant 80 : index
          %get3A_461 = tpu.vector_load %arg12[%get3A_459, %get3A_460] {strides = array<i32>} : memref<64x128xf32, #tpu.memory_space<vmem>>, vector<16xf32>,
          %mul3A_462 = arith.mulf %get3A_461, %gather3A_423 : vector<16xf32>
          %swap3A_463 = arith.index_cast %scan3A_418 : i32 to index
          %swap3A_464 = arith.constant 80 : index
          %swap3A_465 = tpu.vector_load %arg12[%swap3A_463, %swap3A_464] {strides = array<i32>} : memref<64x128xf32, #tpu.memory_space<vmem>>, vector<16xf32>,
          tpu.vector_store %arg12[%swap3A_463, %swap3A_464], %mul3A_462 {strides = array<i32>} : memref<64x128xf32, #tpu.memory_space<vmem>>, vector<16xf32>,
          %get3A_466 = arith.index_cast %scan3A_418 : i32 to index
          %get3A_467 = arith.constant 96 : index
          %get3A_468 = tpu.vector_load %arg12[%get3A_466, %get3A_467] {strides = array<i32>} : memref<64x128xf32, #tpu.memory_space<vmem>>, vector<16xf32>,
          %mul3A_469 = arith.mulf %get3A_468, %gather3A_423 : vector<16xf32>
          %swap3A_470 = arith.index_cast %scan3A_418 : i32 to index
          %swap3A_471 = arith.constant 96 : index
          %swap3A_472 = tpu.vector_load %arg12[%swap3A_470, %swap3A_471] {strides = array<i32>} : memref<64x128xf32, #tpu.memory_space<vmem>>, vector<16xf32>,
          tpu.vector_store %arg12[%swap3A_470, %swap3A_471], %mul3A_469 {strides = array<i32>} : memref<64x128xf32, #tpu.memory_space<vmem>>, vector<16xf32>,
          %get3A_473 = arith.index_cast %scan3A_418 : i32 to index
          %get3A_474 = arith.constant 112 : index
          %get3A_475 = tpu.vector_load %arg12[%get3A_473, %get3A_474] {strides = array<i32>} : memref<64x128xf32, #tpu.memory_space<vmem>>, vector<16xf32>,
          %mul3A_476 = arith.mulf %get3A_475, %gather3A_423 : vector<16xf32>
          %swap3A_477 = arith.index_cast %scan3A_418 : i32 to index
          %swap3A_478 = arith.constant 112 : index
          %swap3A_479 = tpu.vector_load %arg12[%swap3A_477, %swap3A_478] {strides = array<i32>} : memref<64x128xf32, #tpu.memory_space<vmem>>, vector<16xf32>,
          tpu.vector_store %arg12[%swap3A_477, %swap3A_478], %mul3A_476 {strides = array<i32>} : memref<64x128xf32, #tpu.memory_space<vmem>>, vector<16xf32>,
        }
        %scan3A_280 = arith.constant 64 : i32
        %dma_start3A_281 = arith.constant 0 : i32
        %dma_start3A_282 = tpu.memref_slice %arg9[%add3A_255, %dma_start3A_281] : memref<40x64xi32, #tpu.memory_space<vmem>> -> memref<1x64xi32, #tpu.memory_space<vmem>>
        %dma_start3A_283 = tpu.memref_squeeze %dma_start3A_282 : memref<1x64xi32, #tpu.memory_space<vmem>> -> memref<64xi32, #tpu.memory_space<vmem>>
        %dma_start3A_284 = arith.constant 0 : i32
        %dma_start3A_285 = arith.constant 0 : i32
        %dma_start3A_286 = tpu.memref_slice %arg7[%dma_start3A_284, %dma_start3A_285] : memref<10240x128xf32, #tpu.memory_space<vmem_shared>> -> memref<10240x128xf32, #tpu.memory_space<vmem_shared>>
        tpu.enqueue_indirect_dma source(%arg12 : memref<64x128xf32, #tpu.memory_space<vmem>>) target(%dma_start3A_286 : memref<10240x128xf32, #tpu.memory_space<vmem_shared>>) offsets(%dma_start3A_283 : memref<64xi32, #tpu.memory_space<vmem>>) semaphore(%arg20 : memref<!tpu.dma_semaphore, #tpu.memory_space<semaphore_mem>>) {add = true}
        %mul3A_287 = arith.constant 4 : i32
        %mul3A_288 = arith.muli %scan3A_219, %mul3A_287 : i32
        %add3A_289 = arith.constant 2 : i32
        %add3A_290 = arith.addi %mul3A_288, %add3A_289 : i32
        %add3A_291 = arith.constant 2 : i32
        %add3A_292 = arith.addi %add3A_290, %add3A_291 : i32
        %dma_wait3A_293 = arith.constant 0 : i32
        %dma_wait3A_294 = arith.constant 0 : i32
        %dma_wait3A_295 = tpu.memref_slice %arg9[%dma_wait3A_293, %dma_wait3A_294] : memref<40x64xi32, #tpu.memory_space<vmem>> -> memref<1x64xi32, #tpu.memory_space<vmem>>
        %dma_wait3A_296 = tpu.memref_squeeze %dma_wait3A_295 : memref<1x64xi32, #tpu.memory_space<vmem>> -> memref<64xi32, #tpu.memory_space<vmem>>
        %dma_wait3A_297 = arith.constant 0 : i32
        %dma_wait3A_298 = arith.constant 0 : i32
        %dma_wait3A_299 = tpu.memref_slice %arg7[%dma_wait3A_297, %dma_wait3A_298] : memref<10240x128xf32, #tpu.memory_space<vmem_shared>> -> memref<10240x128xf32, #tpu.memory_space<vmem_shared>>
        tpu.wait_indirect_dma semaphore(%arg19 : memref<!tpu.dma_semaphore, #tpu.memory_space<semaphore_mem>>) src(%arg11 : memref<64x128xf32, #tpu.memory_space<vmem>>) dst(%dma_wait3A_299 : memref<10240x128xf32, #tpu.memory_space<vmem_shared>>)
        %lt3A = arith.constant 9 : i32
        %lt3A_300 = arith.cmpi slt, %scan3A_219, %lt3A : i32
        %convert_element_type3A_301 = arith.extui %lt3A_300 : i1 to i32
        %cond3A_302 = arith.constant 0 : i32
        %cond3A_303 = arith.cmpi ne, %convert_element_type3A_301, %cond3A_302 : i32
        scf.if %cond3A_303 {
          %dma_start3A_358 = arith.constant 0 : i32
          %dma_start3A_359 = tpu.memref_slice %arg8[%add3A_292, %dma_start3A_358] : memref<40x64xi32, #tpu.memory_space<vmem>> -> memref<1x64xi32, #tpu.memory_space<vmem>>
          %dma_start3A_360 = tpu.memref_squeeze %dma_start3A_359 : memref<1x64xi32, #tpu.memory_space<vmem>> -> memref<64xi32, #tpu.memory_space<vmem>>
          %dma_start3A_361 = arith.constant 0 : i32
          %dma_start3A_362 = arith.constant 0 : i32
          %dma_start3A_363 = tpu.memref_slice %arg2[%dma_start3A_361, %dma_start3A_362] : memref<10240x128xf32, #tpu.memory_space<hbm>> -> memref<10240x128xf32, #tpu.memory_space<hbm>>
          tpu.enqueue_indirect_dma source(%dma_start3A_363 : memref<10240x128xf32, #tpu.memory_space<hbm>>) target(%arg11 : memref<64x128xf32, #tpu.memory_space<vmem>>) offsets(%dma_start3A_360 : memref<64xi32, #tpu.memory_space<vmem>>) semaphore(%arg15 : memref<!tpu.dma_semaphore, #tpu.memory_space<semaphore_mem>>)
        } else {
        }
        %dma_wait3A_304 = arith.constant 0 : i32
        %dma_wait3A_305 = tpu.memref_slice %arg8[%add3A_290, %dma_wait3A_304] : memref<40x64xi32, #tpu.memory_space<vmem>> -> memref<1x64xi32, #tpu.memory_space<vmem>>
        %dma_wait3A_306 = tpu.memref_squeeze %dma_wait3A_305 : memref<1x64xi32, #tpu.memory_space<vmem>> -> memref<64xi32, #tpu.memory_space<vmem>>
        %dma_wait3A_307 = arith.constant 0 : i32
        %dma_wait3A_308 = arith.constant 0 : i32
        %dma_wait3A_309 = tpu.memref_slice %arg2[%dma_wait3A_307, %dma_wait3A_308] : memref<10240x128xf32, #tpu.memory_space<hbm>> -> memref<10240x128xf32, #tpu.memory_space<hbm>>
        tpu.wait_indirect_dma semaphore(%arg17 : memref<!tpu.dma_semaphore, #tpu.memory_space<semaphore_mem>>) src(%dma_wait3A_309 : memref<10240x128xf32, #tpu.memory_space<hbm>>) dst(%arg13 : memref<64x128xf32, #tpu.memory_space<vmem>>)
        %scan3A_310 = arith.constant 0 : i32
        %scan3A_311 = arith.constant 0 : i32
        %scan3A_312 = arith.constant 64 : i32
        %scan3A_313 = arith.addi %scan3A_311, %scan3A_312 : i32
        %scan3A_314 = arith.constant 2 : i32
        scf.for %scan3A_358 = %scan3A_311 to %scan3A_313 step %scan3A_314  : i32 {
          %broadcast_in_dim3A_359 = vector.broadcast %scan3A_358 : i32 to vector<16xi32>
          %gather3A = arith.constant 0 : i32
          %gather3A_360 = tpu.memref_slice %arg10[%add3A_290, %gather3A] : memref<40x64xf32, #tpu.memory_space<vmem>> -> memref<1x64xf32, #tpu.memory_space<vmem>>
          %gather3A_361 = tpu.memref_squeeze %gather3A_360 : memref<1x64xf32, #tpu.memory_space<vmem>> -> memref<64xf32, #tpu.memory_space<vmem>>
          %gather3A_362 = tpu.vector_load_idx %gather3A_361[%broadcast_in_dim3A_359] : memref<64xf32, #tpu.memory_space<vmem>>[vector<16xi32>], vector<16xf32>,
          %get3A = arith.index_cast %scan3A_358 : i32 to index
          %get3A_363 = arith.constant 0 : index
          %get3A_364 = tpu.vector_load %arg13[%get3A, %get3A_363] {strides = array<i32>} : memref<64x128xf32, #tpu.memory_space<vmem>>, vector<16xf32>,
          %mul3A_365 = arith.mulf %get3A_364, %gather3A_362 : vector<16xf32>
          %swap3A = arith.index_cast %scan3A_358 : i32 to index
          %swap3A_366 = arith.constant 0 : index
          %swap3A_367 = tpu.vector_load %arg13[%swap3A, %swap3A_366] {strides = array<i32>} : memref<64x128xf32, #tpu.memory_space<vmem>>, vector<16xf32>,
          tpu.vector_store %arg13[%swap3A, %swap3A_366], %mul3A_365 {strides = array<i32>} : memref<64x128xf32, #tpu.memory_space<vmem>>, vector<16xf32>,
          %get3A_368 = arith.index_cast %scan3A_358 : i32 to index
          %get3A_369 = arith.constant 16 : index
          %get3A_370 = tpu.vector_load %arg13[%get3A_368, %get3A_369] {strides = array<i32>} : memref<64x128xf32, #tpu.memory_space<vmem>>, vector<16xf32>,
          %mul3A_371 = arith.mulf %get3A_370, %gather3A_362 : vector<16xf32>
          %swap3A_372 = arith.index_cast %scan3A_358 : i32 to index
          %swap3A_373 = arith.constant 16 : index
          %swap3A_374 = tpu.vector_load %arg13[%swap3A_372, %swap3A_373] {strides = array<i32>} : memref<64x128xf32, #tpu.memory_space<vmem>>, vector<16xf32>,
          tpu.vector_store %arg13[%swap3A_372, %swap3A_373], %mul3A_371 {strides = array<i32>} : memref<64x128xf32, #tpu.memory_space<vmem>>, vector<16xf32>,
          %get3A_375 = arith.index_cast %scan3A_358 : i32 to index
          %get3A_376 = arith.constant 32 : index
          %get3A_377 = tpu.vector_load %arg13[%get3A_375, %get3A_376] {strides = array<i32>} : memref<64x128xf32, #tpu.memory_space<vmem>>, vector<16xf32>,
          %mul3A_378 = arith.mulf %get3A_377, %gather3A_362 : vector<16xf32>
          %swap3A_379 = arith.index_cast %scan3A_358 : i32 to index
          %swap3A_380 = arith.constant 32 : index
          %swap3A_381 = tpu.vector_load %arg13[%swap3A_379, %swap3A_380] {strides = array<i32>} : memref<64x128xf32, #tpu.memory_space<vmem>>, vector<16xf32>,
          tpu.vector_store %arg13[%swap3A_379, %swap3A_380], %mul3A_378 {strides = array<i32>} : memref<64x128xf32, #tpu.memory_space<vmem>>, vector<16xf32>,
          %get3A_382 = arith.index_cast %scan3A_358 : i32 to index
          %get3A_383 = arith.constant 48 : index
          %get3A_384 = tpu.vector_load %arg13[%get3A_382, %get3A_383] {strides = array<i32>} : memref<64x128xf32, #tpu.memory_space<vmem>>, vector<16xf32>,
          %mul3A_385 = arith.mulf %get3A_384, %gather3A_362 : vector<16xf32>
          %swap3A_386 = arith.index_cast %scan3A_358 : i32 to index
          %swap3A_387 = arith.constant 48 : index
          %swap3A_388 = tpu.vector_load %arg13[%swap3A_386, %swap3A_387] {strides = array<i32>} : memref<64x128xf32, #tpu.memory_space<vmem>>, vector<16xf32>,
          tpu.vector_store %arg13[%swap3A_386, %swap3A_387], %mul3A_385 {strides = array<i32>} : memref<64x128xf32, #tpu.memory_space<vmem>>, vector<16xf32>,
          %get3A_389 = arith.index_cast %scan3A_358 : i32 to index
          %get3A_390 = arith.constant 64 : index
          %get3A_391 = tpu.vector_load %arg13[%get3A_389, %get3A_390] {strides = array<i32>} : memref<64x128xf32, #tpu.memory_space<vmem>>, vector<16xf32>,
          %mul3A_392 = arith.mulf %get3A_391, %gather3A_362 : vector<16xf32>
          %swap3A_393 = arith.index_cast %scan3A_358 : i32 to index
          %swap3A_394 = arith.constant 64 : index
          %swap3A_395 = tpu.vector_load %arg13[%swap3A_393, %swap3A_394] {strides = array<i32>} : memref<64x128xf32, #tpu.memory_space<vmem>>, vector<16xf32>,
          tpu.vector_store %arg13[%swap3A_393, %swap3A_394], %mul3A_392 {strides = array<i32>} : memref<64x128xf32, #tpu.memory_space<vmem>>, vector<16xf32>,
          %get3A_396 = arith.index_cast %scan3A_358 : i32 to index
          %get3A_397 = arith.constant 80 : index
          %get3A_398 = tpu.vector_load %arg13[%get3A_396, %get3A_397] {strides = array<i32>} : memref<64x128xf32, #tpu.memory_space<vmem>>, vector<16xf32>,
          %mul3A_399 = arith.mulf %get3A_398, %gather3A_362 : vector<16xf32>
          %swap3A_400 = arith.index_cast %scan3A_358 : i32 to index
          %swap3A_401 = arith.constant 80 : index
          %swap3A_402 = tpu.vector_load %arg13[%swap3A_400, %swap3A_401] {strides = array<i32>} : memref<64x128xf32, #tpu.memory_space<vmem>>, vector<16xf32>,
          tpu.vector_store %arg13[%swap3A_400, %swap3A_401], %mul3A_399 {strides = array<i32>} : memref<64x128xf32, #tpu.memory_space<vmem>>, vector<16xf32>,
          %get3A_403 = arith.index_cast %scan3A_358 : i32 to index
          %get3A_404 = arith.constant 96 : index
          %get3A_405 = tpu.vector_load %arg13[%get3A_403, %get3A_404] {strides = array<i32>} : memref<64x128xf32, #tpu.memory_space<vmem>>, vector<16xf32>,
          %mul3A_406 = arith.mulf %get3A_405, %gather3A_362 : vector<16xf32>
          %swap3A_407 = arith.index_cast %scan3A_358 : i32 to index
          %swap3A_408 = arith.constant 96 : index
          %swap3A_409 = tpu.vector_load %arg13[%swap3A_407, %swap3A_408] {strides = array<i32>} : memref<64x128xf32, #tpu.memory_space<vmem>>, vector<16xf32>,
          tpu.vector_store %arg13[%swap3A_407, %swap3A_408], %mul3A_406 {strides = array<i32>} : memref<64x128xf32, #tpu.memory_space<vmem>>, vector<16xf32>,
          %get3A_410 = arith.index_cast %scan3A_358 : i32 to index
          %get3A_411 = arith.constant 112 : index
          %get3A_412 = tpu.vector_load %arg13[%get3A_410, %get3A_411] {strides = array<i32>} : memref<64x128xf32, #tpu.memory_space<vmem>>, vector<16xf32>,
          %mul3A_413 = arith.mulf %get3A_412, %gather3A_362 : vector<16xf32>
          %swap3A_414 = arith.index_cast %scan3A_358 : i32 to index
          %swap3A_415 = arith.constant 112 : index
          %swap3A_416 = tpu.vector_load %arg13[%swap3A_414, %swap3A_415] {strides = array<i32>} : memref<64x128xf32, #tpu.memory_space<vmem>>, vector<16xf32>,
          tpu.vector_store %arg13[%swap3A_414, %swap3A_415], %mul3A_413 {strides = array<i32>} : memref<64x128xf32, #tpu.memory_space<vmem>>, vector<16xf32>,
          %scan3A_417 = arith.constant 1 : i32
          %scan3A_418 = arith.addi %scan3A_358, %scan3A_417 : i32
          %broadcast_in_dim3A_419 = vector.broadcast %scan3A_418 : i32 to vector<16xi32>
          %gather3A_420 = arith.constant 0 : i32
          %gather3A_421 = tpu.memref_slice %arg10[%add3A_290, %gather3A_420] : memref<40x64xf32, #tpu.memory_space<vmem>> -> memref<1x64xf32, #tpu.memory_space<vmem>>
          %gather3A_422 = tpu.memref_squeeze %gather3A_421 : memref<1x64xf32, #tpu.memory_space<vmem>> -> memref<64xf32, #tpu.memory_space<vmem>>
          %gather3A_423 = tpu.vector_load_idx %gather3A_422[%broadcast_in_dim3A_419] : memref<64xf32, #tpu.memory_space<vmem>>[vector<16xi32>], vector<16xf32>,
          %get3A_424 = arith.index_cast %scan3A_418 : i32 to index
          %get3A_425 = arith.constant 0 : index
          %get3A_426 = tpu.vector_load %arg13[%get3A_424, %get3A_425] {strides = array<i32>} : memref<64x128xf32, #tpu.memory_space<vmem>>, vector<16xf32>,
          %mul3A_427 = arith.mulf %get3A_426, %gather3A_423 : vector<16xf32>
          %swap3A_428 = arith.index_cast %scan3A_418 : i32 to index
          %swap3A_429 = arith.constant 0 : index
          %swap3A_430 = tpu.vector_load %arg13[%swap3A_428, %swap3A_429] {strides = array<i32>} : memref<64x128xf32, #tpu.memory_space<vmem>>, vector<16xf32>,
          tpu.vector_store %arg13[%swap3A_428, %swap3A_429], %mul3A_427 {strides = array<i32>} : memref<64x128xf32, #tpu.memory_space<vmem>>, vector<16xf32>,
          %get3A_431 = arith.index_cast %scan3A_418 : i32 to index
          %get3A_432 = arith.constant 16 : index
          %get3A_433 = tpu.vector_load %arg13[%get3A_431, %get3A_432] {strides = array<i32>} : memref<64x128xf32, #tpu.memory_space<vmem>>, vector<16xf32>,
          %mul3A_434 = arith.mulf %get3A_433, %gather3A_423 : vector<16xf32>
          %swap3A_435 = arith.index_cast %scan3A_418 : i32 to index
          %swap3A_436 = arith.constant 16 : index
          %swap3A_437 = tpu.vector_load %arg13[%swap3A_435, %swap3A_436] {strides = array<i32>} : memref<64x128xf32, #tpu.memory_space<vmem>>, vector<16xf32>,
          tpu.vector_store %arg13[%swap3A_435, %swap3A_436], %mul3A_434 {strides = array<i32>} : memref<64x128xf32, #tpu.memory_space<vmem>>, vector<16xf32>,
          %get3A_438 = arith.index_cast %scan3A_418 : i32 to index
          %get3A_439 = arith.constant 32 : index
          %get3A_440 = tpu.vector_load %arg13[%get3A_438, %get3A_439] {strides = array<i32>} : memref<64x128xf32, #tpu.memory_space<vmem>>, vector<16xf32>,
          %mul3A_441 = arith.mulf %get3A_440, %gather3A_423 : vector<16xf32>
          %swap3A_442 = arith.index_cast %scan3A_418 : i32 to index
          %swap3A_443 = arith.constant 32 : index
          %swap3A_444 = tpu.vector_load %arg13[%swap3A_442, %swap3A_443] {strides = array<i32>} : memref<64x128xf32, #tpu.memory_space<vmem>>, vector<16xf32>,
          tpu.vector_store %arg13[%swap3A_442, %swap3A_443], %mul3A_441 {strides = array<i32>} : memref<64x128xf32, #tpu.memory_space<vmem>>, vector<16xf32>,
          %get3A_445 = arith.index_cast %scan3A_418 : i32 to index
          %get3A_446 = arith.constant 48 : index
          %get3A_447 = tpu.vector_load %arg13[%get3A_445, %get3A_446] {strides = array<i32>} : memref<64x128xf32, #tpu.memory_space<vmem>>, vector<16xf32>,
          %mul3A_448 = arith.mulf %get3A_447, %gather3A_423 : vector<16xf32>
          %swap3A_449 = arith.index_cast %scan3A_418 : i32 to index
          %swap3A_450 = arith.constant 48 : index
          %swap3A_451 = tpu.vector_load %arg13[%swap3A_449, %swap3A_450] {strides = array<i32>} : memref<64x128xf32, #tpu.memory_space<vmem>>, vector<16xf32>,
          tpu.vector_store %arg13[%swap3A_449, %swap3A_450], %mul3A_448 {strides = array<i32>} : memref<64x128xf32, #tpu.memory_space<vmem>>, vector<16xf32>,
          %get3A_452 = arith.index_cast %scan3A_418 : i32 to index
          %get3A_453 = arith.constant 64 : index
          %get3A_454 = tpu.vector_load %arg13[%get3A_452, %get3A_453] {strides = array<i32>} : memref<64x128xf32, #tpu.memory_space<vmem>>, vector<16xf32>,
          %mul3A_455 = arith.mulf %get3A_454, %gather3A_423 : vector<16xf32>
          %swap3A_456 = arith.index_cast %scan3A_418 : i32 to index
          %swap3A_457 = arith.constant 64 : index
          %swap3A_458 = tpu.vector_load %arg13[%swap3A_456, %swap3A_457] {strides = array<i32>} : memref<64x128xf32, #tpu.memory_space<vmem>>, vector<16xf32>,
          tpu.vector_store %arg13[%swap3A_456, %swap3A_457], %mul3A_455 {strides = array<i32>} : memref<64x128xf32, #tpu.memory_space<vmem>>, vector<16xf32>,
          %get3A_459 = arith.index_cast %scan3A_418 : i32 to index
          %get3A_460 = arith.constant 80 : index
          %get3A_461 = tpu.vector_load %arg13[%get3A_459, %get3A_460] {strides = array<i32>} : memref<64x128xf32, #tpu.memory_space<vmem>>, vector<16xf32>,
          %mul3A_462 = arith.mulf %get3A_461, %gather3A_423 : vector<16xf32>
          %swap3A_463 = arith.index_cast %scan3A_418 : i32 to index
          %swap3A_464 = arith.constant 80 : index
          %swap3A_465 = tpu.vector_load %arg13[%swap3A_463, %swap3A_464] {strides = array<i32>} : memref<64x128xf32, #tpu.memory_space<vmem>>, vector<16xf32>,
          tpu.vector_store %arg13[%swap3A_463, %swap3A_464], %mul3A_462 {strides = array<i32>} : memref<64x128xf32, #tpu.memory_space<vmem>>, vector<16xf32>,
          %get3A_466 = arith.index_cast %scan3A_418 : i32 to index
          %get3A_467 = arith.constant 96 : index
          %get3A_468 = tpu.vector_load %arg13[%get3A_466, %get3A_467] {strides = array<i32>} : memref<64x128xf32, #tpu.memory_space<vmem>>, vector<16xf32>,
          %mul3A_469 = arith.mulf %get3A_468, %gather3A_423 : vector<16xf32>
          %swap3A_470 = arith.index_cast %scan3A_418 : i32 to index
          %swap3A_471 = arith.constant 96 : index
          %swap3A_472 = tpu.vector_load %arg13[%swap3A_470, %swap3A_471] {strides = array<i32>} : memref<64x128xf32, #tpu.memory_space<vmem>>, vector<16xf32>,
          tpu.vector_store %arg13[%swap3A_470, %swap3A_471], %mul3A_469 {strides = array<i32>} : memref<64x128xf32, #tpu.memory_space<vmem>>, vector<16xf32>,
          %get3A_473 = arith.index_cast %scan3A_418 : i32 to index
          %get3A_474 = arith.constant 112 : index
          %get3A_475 = tpu.vector_load %arg13[%get3A_473, %get3A_474] {strides = array<i32>} : memref<64x128xf32, #tpu.memory_space<vmem>>, vector<16xf32>,
          %mul3A_476 = arith.mulf %get3A_475, %gather3A_423 : vector<16xf32>
          %swap3A_477 = arith.index_cast %scan3A_418 : i32 to index
          %swap3A_478 = arith.constant 112 : index
          %swap3A_479 = tpu.vector_load %arg13[%swap3A_477, %swap3A_478] {strides = array<i32>} : memref<64x128xf32, #tpu.memory_space<vmem>>, vector<16xf32>,
          tpu.vector_store %arg13[%swap3A_477, %swap3A_478], %mul3A_476 {strides = array<i32>} : memref<64x128xf32, #tpu.memory_space<vmem>>, vector<16xf32>,
        }
        %scan3A_315 = arith.constant 64 : i32
        %dma_start3A_316 = arith.constant 0 : i32
        %dma_start3A_317 = tpu.memref_slice %arg9[%add3A_290, %dma_start3A_316] : memref<40x64xi32, #tpu.memory_space<vmem>> -> memref<1x64xi32, #tpu.memory_space<vmem>>
        %dma_start3A_318 = tpu.memref_squeeze %dma_start3A_317 : memref<1x64xi32, #tpu.memory_space<vmem>> -> memref<64xi32, #tpu.memory_space<vmem>>
        %dma_start3A_319 = arith.constant 0 : i32
        %dma_start3A_320 = arith.constant 0 : i32
        %dma_start3A_321 = tpu.memref_slice %arg7[%dma_start3A_319, %dma_start3A_320] : memref<10240x128xf32, #tpu.memory_space<vmem_shared>> -> memref<10240x128xf32, #tpu.memory_space<vmem_shared>>
        tpu.enqueue_indirect_dma source(%arg13 : memref<64x128xf32, #tpu.memory_space<vmem>>) target(%dma_start3A_321 : memref<10240x128xf32, #tpu.memory_space<vmem_shared>>) offsets(%dma_start3A_318 : memref<64xi32, #tpu.memory_space<vmem>>) semaphore(%arg21 : memref<!tpu.dma_semaphore, #tpu.memory_space<semaphore_mem>>) {add = true}
        %mul3A_322 = arith.constant 4 : i32
        %mul3A_323 = arith.muli %scan3A_219, %mul3A_322 : i32
        %add3A_324 = arith.constant 3 : i32
        %add3A_325 = arith.addi %mul3A_323, %add3A_324 : i32
        %add3A_326 = arith.constant 2 : i32
        %add3A_327 = arith.addi %add3A_325, %add3A_326 : i32
        %dma_wait3A_328 = arith.constant 0 : i32
        %dma_wait3A_329 = arith.constant 0 : i32
        %dma_wait3A_330 = tpu.memref_slice %arg9[%dma_wait3A_328, %dma_wait3A_329] : memref<40x64xi32, #tpu.memory_space<vmem>> -> memref<1x64xi32, #tpu.memory_space<vmem>>
        %dma_wait3A_331 = tpu.memref_squeeze %dma_wait3A_330 : memref<1x64xi32, #tpu.memory_space<vmem>> -> memref<64xi32, #tpu.memory_space<vmem>>
        %dma_wait3A_332 = arith.constant 0 : i32
        %dma_wait3A_333 = arith.constant 0 : i32
        %dma_wait3A_334 = tpu.memref_slice %arg7[%dma_wait3A_332, %dma_wait3A_333] : memref<10240x128xf32, #tpu.memory_space<vmem_shared>> -> memref<10240x128xf32, #tpu.memory_space<vmem_shared>>
        tpu.wait_indirect_dma semaphore(%arg20 : memref<!tpu.dma_semaphore, #tpu.memory_space<semaphore_mem>>) src(%arg12 : memref<64x128xf32, #tpu.memory_space<vmem>>) dst(%dma_wait3A_334 : memref<10240x128xf32, #tpu.memory_space<vmem_shared>>)
        %lt3A_335 = arith.constant 9 : i32
        %lt3A_336 = arith.cmpi slt, %scan3A_219, %lt3A_335 : i32
        %convert_element_type3A_337 = arith.extui %lt3A_336 : i1 to i32
        %cond3A_338 = arith.constant 0 : i32
        %cond3A_339 = arith.cmpi ne, %convert_element_type3A_337, %cond3A_338 : i32
        scf.if %cond3A_339 {
          %dma_start3A_358 = arith.constant 0 : i32
          %dma_start3A_359 = tpu.memref_slice %arg8[%add3A_327, %dma_start3A_358] : memref<40x64xi32, #tpu.memory_space<vmem>> -> memref<1x64xi32, #tpu.memory_space<vmem>>
          %dma_start3A_360 = tpu.memref_squeeze %dma_start3A_359 : memref<1x64xi32, #tpu.memory_space<vmem>> -> memref<64xi32, #tpu.memory_space<vmem>>
          %dma_start3A_361 = arith.constant 0 : i32
          %dma_start3A_362 = arith.constant 0 : i32
          %dma_start3A_363 = tpu.memref_slice %arg2[%dma_start3A_361, %dma_start3A_362] : memref<10240x128xf32, #tpu.memory_space<hbm>> -> memref<10240x128xf32, #tpu.memory_space<hbm>>
          tpu.enqueue_indirect_dma source(%dma_start3A_363 : memref<10240x128xf32, #tpu.memory_space<hbm>>) target(%arg12 : memref<64x128xf32, #tpu.memory_space<vmem>>) offsets(%dma_start3A_360 : memref<64xi32, #tpu.memory_space<vmem>>) semaphore(%arg16 : memref<!tpu.dma_semaphore, #tpu.memory_space<semaphore_mem>>)
        } else {
        }
        %dma_wait3A_340 = arith.constant 0 : i32
        %dma_wait3A_341 = tpu.memref_slice %arg8[%add3A_325, %dma_wait3A_340] : memref<40x64xi32, #tpu.memory_space<vmem>> -> memref<1x64xi32, #tpu.memory_space<vmem>>
        %dma_wait3A_342 = tpu.memref_squeeze %dma_wait3A_341 : memref<1x64xi32, #tpu.memory_space<vmem>> -> memref<64xi32, #tpu.memory_space<vmem>>
        %dma_wait3A_343 = arith.constant 0 : i32
        %dma_wait3A_344 = arith.constant 0 : i32
        %dma_wait3A_345 = tpu.memref_slice %arg2[%dma_wait3A_343, %dma_wait3A_344] : memref<10240x128xf32, #tpu.memory_space<hbm>> -> memref<10240x128xf32, #tpu.memory_space<hbm>>
        tpu.wait_indirect_dma semaphore(%arg18 : memref<!tpu.dma_semaphore, #tpu.memory_space<semaphore_mem>>) src(%dma_wait3A_345 : memref<10240x128xf32, #tpu.memory_space<hbm>>) dst(%arg14 : memref<64x128xf32, #tpu.memory_space<vmem>>)
        %scan3A_346 = arith.constant 0 : i32
        %scan3A_347 = arith.constant 0 : i32
        %scan3A_348 = arith.constant 64 : i32
        %scan3A_349 = arith.addi %scan3A_347, %scan3A_348 : i32
        %scan3A_350 = arith.constant 2 : i32
        scf.for %scan3A_358 = %scan3A_347 to %scan3A_349 step %scan3A_350  : i32 {
          %broadcast_in_dim3A_359 = vector.broadcast %scan3A_358 : i32 to vector<16xi32>
          %gather3A = arith.constant 0 : i32
          %gather3A_360 = tpu.memref_slice %arg10[%add3A_325, %gather3A] : memref<40x64xf32, #tpu.memory_space<vmem>> -> memref<1x64xf32, #tpu.memory_space<vmem>>
          %gather3A_361 = tpu.memref_squeeze %gather3A_360 : memref<1x64xf32, #tpu.memory_space<vmem>> -> memref<64xf32, #tpu.memory_space<vmem>>
          %gather3A_362 = tpu.vector_load_idx %gather3A_361[%broadcast_in_dim3A_359] : memref<64xf32, #tpu.memory_space<vmem>>[vector<16xi32>], vector<16xf32>,
          %get3A = arith.index_cast %scan3A_358 : i32 to index
          %get3A_363 = arith.constant 0 : index
          %get3A_364 = tpu.vector_load %arg14[%get3A, %get3A_363] {strides = array<i32>} : memref<64x128xf32, #tpu.memory_space<vmem>>, vector<16xf32>,
          %mul3A_365 = arith.mulf %get3A_364, %gather3A_362 : vector<16xf32>
          %swap3A = arith.index_cast %scan3A_358 : i32 to index
          %swap3A_366 = arith.constant 0 : index
          %swap3A_367 = tpu.vector_load %arg14[%swap3A, %swap3A_366] {strides = array<i32>} : memref<64x128xf32, #tpu.memory_space<vmem>>, vector<16xf32>,
          tpu.vector_store %arg14[%swap3A, %swap3A_366], %mul3A_365 {strides = array<i32>} : memref<64x128xf32, #tpu.memory_space<vmem>>, vector<16xf32>,
          %get3A_368 = arith.index_cast %scan3A_358 : i32 to index
          %get3A_369 = arith.constant 16 : index
          %get3A_370 = tpu.vector_load %arg14[%get3A_368, %get3A_369] {strides = array<i32>} : memref<64x128xf32, #tpu.memory_space<vmem>>, vector<16xf32>,
          %mul3A_371 = arith.mulf %get3A_370, %gather3A_362 : vector<16xf32>
          %swap3A_372 = arith.index_cast %scan3A_358 : i32 to index
          %swap3A_373 = arith.constant 16 : index
          %swap3A_374 = tpu.vector_load %arg14[%swap3A_372, %swap3A_373] {strides = array<i32>} : memref<64x128xf32, #tpu.memory_space<vmem>>, vector<16xf32>,
          tpu.vector_store %arg14[%swap3A_372, %swap3A_373], %mul3A_371 {strides = array<i32>} : memref<64x128xf32, #tpu.memory_space<vmem>>, vector<16xf32>,
          %get3A_375 = arith.index_cast %scan3A_358 : i32 to index
          %get3A_376 = arith.constant 32 : index
          %get3A_377 = tpu.vector_load %arg14[%get3A_375, %get3A_376] {strides = array<i32>} : memref<64x128xf32, #tpu.memory_space<vmem>>, vector<16xf32>,
          %mul3A_378 = arith.mulf %get3A_377, %gather3A_362 : vector<16xf32>
          %swap3A_379 = arith.index_cast %scan3A_358 : i32 to index
          %swap3A_380 = arith.constant 32 : index
          %swap3A_381 = tpu.vector_load %arg14[%swap3A_379, %swap3A_380] {strides = array<i32>} : memref<64x128xf32, #tpu.memory_space<vmem>>, vector<16xf32>,
          tpu.vector_store %arg14[%swap3A_379, %swap3A_380], %mul3A_378 {strides = array<i32>} : memref<64x128xf32, #tpu.memory_space<vmem>>, vector<16xf32>,
          %get3A_382 = arith.index_cast %scan3A_358 : i32 to index
          %get3A_383 = arith.constant 48 : index
          %get3A_384 = tpu.vector_load %arg14[%get3A_382, %get3A_383] {strides = array<i32>} : memref<64x128xf32, #tpu.memory_space<vmem>>, vector<16xf32>,
          %mul3A_385 = arith.mulf %get3A_384, %gather3A_362 : vector<16xf32>
          %swap3A_386 = arith.index_cast %scan3A_358 : i32 to index
          %swap3A_387 = arith.constant 48 : index
          %swap3A_388 = tpu.vector_load %arg14[%swap3A_386, %swap3A_387] {strides = array<i32>} : memref<64x128xf32, #tpu.memory_space<vmem>>, vector<16xf32>,
          tpu.vector_store %arg14[%swap3A_386, %swap3A_387], %mul3A_385 {strides = array<i32>} : memref<64x128xf32, #tpu.memory_space<vmem>>, vector<16xf32>,
          %get3A_389 = arith.index_cast %scan3A_358 : i32 to index
          %get3A_390 = arith.constant 64 : index
          %get3A_391 = tpu.vector_load %arg14[%get3A_389, %get3A_390] {strides = array<i32>} : memref<64x128xf32, #tpu.memory_space<vmem>>, vector<16xf32>,
          %mul3A_392 = arith.mulf %get3A_391, %gather3A_362 : vector<16xf32>
          %swap3A_393 = arith.index_cast %scan3A_358 : i32 to index
          %swap3A_394 = arith.constant 64 : index
          %swap3A_395 = tpu.vector_load %arg14[%swap3A_393, %swap3A_394] {strides = array<i32>} : memref<64x128xf32, #tpu.memory_space<vmem>>, vector<16xf32>,
          tpu.vector_store %arg14[%swap3A_393, %swap3A_394], %mul3A_392 {strides = array<i32>} : memref<64x128xf32, #tpu.memory_space<vmem>>, vector<16xf32>,
          %get3A_396 = arith.index_cast %scan3A_358 : i32 to index
          %get3A_397 = arith.constant 80 : index
          %get3A_398 = tpu.vector_load %arg14[%get3A_396, %get3A_397] {strides = array<i32>} : memref<64x128xf32, #tpu.memory_space<vmem>>, vector<16xf32>,
          %mul3A_399 = arith.mulf %get3A_398, %gather3A_362 : vector<16xf32>
          %swap3A_400 = arith.index_cast %scan3A_358 : i32 to index
          %swap3A_401 = arith.constant 80 : index
          %swap3A_402 = tpu.vector_load %arg14[%swap3A_400, %swap3A_401] {strides = array<i32>} : memref<64x128xf32, #tpu.memory_space<vmem>>, vector<16xf32>,
          tpu.vector_store %arg14[%swap3A_400, %swap3A_401], %mul3A_399 {strides = array<i32>} : memref<64x128xf32, #tpu.memory_space<vmem>>, vector<16xf32>,
          %get3A_403 = arith.index_cast %scan3A_358 : i32 to index
          %get3A_404 = arith.constant 96 : index
          %get3A_405 = tpu.vector_load %arg14[%get3A_403, %get3A_404] {strides = array<i32>} : memref<64x128xf32, #tpu.memory_space<vmem>>, vector<16xf32>,
          %mul3A_406 = arith.mulf %get3A_405, %gather3A_362 : vector<16xf32>
          %swap3A_407 = arith.index_cast %scan3A_358 : i32 to index
          %swap3A_408 = arith.constant 96 : index
          %swap3A_409 = tpu.vector_load %arg14[%swap3A_407, %swap3A_408] {strides = array<i32>} : memref<64x128xf32, #tpu.memory_space<vmem>>, vector<16xf32>,
          tpu.vector_store %arg14[%swap3A_407, %swap3A_408], %mul3A_406 {strides = array<i32>} : memref<64x128xf32, #tpu.memory_space<vmem>>, vector<16xf32>,
          %get3A_410 = arith.index_cast %scan3A_358 : i32 to index
          %get3A_411 = arith.constant 112 : index
          %get3A_412 = tpu.vector_load %arg14[%get3A_410, %get3A_411] {strides = array<i32>} : memref<64x128xf32, #tpu.memory_space<vmem>>, vector<16xf32>,
          %mul3A_413 = arith.mulf %get3A_412, %gather3A_362 : vector<16xf32>
          %swap3A_414 = arith.index_cast %scan3A_358 : i32 to index
          %swap3A_415 = arith.constant 112 : index
          %swap3A_416 = tpu.vector_load %arg14[%swap3A_414, %swap3A_415] {strides = array<i32>} : memref<64x128xf32, #tpu.memory_space<vmem>>, vector<16xf32>,
          tpu.vector_store %arg14[%swap3A_414, %swap3A_415], %mul3A_413 {strides = array<i32>} : memref<64x128xf32, #tpu.memory_space<vmem>>, vector<16xf32>,
          %scan3A_417 = arith.constant 1 : i32
          %scan3A_418 = arith.addi %scan3A_358, %scan3A_417 : i32
          %broadcast_in_dim3A_419 = vector.broadcast %scan3A_418 : i32 to vector<16xi32>
          %gather3A_420 = arith.constant 0 : i32
          %gather3A_421 = tpu.memref_slice %arg10[%add3A_325, %gather3A_420] : memref<40x64xf32, #tpu.memory_space<vmem>> -> memref<1x64xf32, #tpu.memory_space<vmem>>
          %gather3A_422 = tpu.memref_squeeze %gather3A_421 : memref<1x64xf32, #tpu.memory_space<vmem>> -> memref<64xf32, #tpu.memory_space<vmem>>
          %gather3A_423 = tpu.vector_load_idx %gather3A_422[%broadcast_in_dim3A_419] : memref<64xf32, #tpu.memory_space<vmem>>[vector<16xi32>], vector<16xf32>,
          %get3A_424 = arith.index_cast %scan3A_418 : i32 to index
          %get3A_425 = arith.constant 0 : index
          %get3A_426 = tpu.vector_load %arg14[%get3A_424, %get3A_425] {strides = array<i32>} : memref<64x128xf32, #tpu.memory_space<vmem>>, vector<16xf32>,
          %mul3A_427 = arith.mulf %get3A_426, %gather3A_423 : vector<16xf32>
          %swap3A_428 = arith.index_cast %scan3A_418 : i32 to index
          %swap3A_429 = arith.constant 0 : index
          %swap3A_430 = tpu.vector_load %arg14[%swap3A_428, %swap3A_429] {strides = array<i32>} : memref<64x128xf32, #tpu.memory_space<vmem>>, vector<16xf32>,
          tpu.vector_store %arg14[%swap3A_428, %swap3A_429], %mul3A_427 {strides = array<i32>} : memref<64x128xf32, #tpu.memory_space<vmem>>, vector<16xf32>,
          %get3A_431 = arith.index_cast %scan3A_418 : i32 to index
          %get3A_432 = arith.constant 16 : index
          %get3A_433 = tpu.vector_load %arg14[%get3A_431, %get3A_432] {strides = array<i32>} : memref<64x128xf32, #tpu.memory_space<vmem>>, vector<16xf32>,
          %mul3A_434 = arith.mulf %get3A_433, %gather3A_423 : vector<16xf32>
          %swap3A_435 = arith.index_cast %scan3A_418 : i32 to index
          %swap3A_436 = arith.constant 16 : index
          %swap3A_437 = tpu.vector_load %arg14[%swap3A_435, %swap3A_436] {strides = array<i32>} : memref<64x128xf32, #tpu.memory_space<vmem>>, vector<16xf32>,
          tpu.vector_store %arg14[%swap3A_435, %swap3A_436], %mul3A_434 {strides = array<i32>} : memref<64x128xf32, #tpu.memory_space<vmem>>, vector<16xf32>,
          %get3A_438 = arith.index_cast %scan3A_418 : i32 to index
          %get3A_439 = arith.constant 32 : index
          %get3A_440 = tpu.vector_load %arg14[%get3A_438, %get3A_439] {strides = array<i32>} : memref<64x128xf32, #tpu.memory_space<vmem>>, vector<16xf32>,
          %mul3A_441 = arith.mulf %get3A_440, %gather3A_423 : vector<16xf32>
          %swap3A_442 = arith.index_cast %scan3A_418 : i32 to index
          %swap3A_443 = arith.constant 32 : index
          %swap3A_444 = tpu.vector_load %arg14[%swap3A_442, %swap3A_443] {strides = array<i32>} : memref<64x128xf32, #tpu.memory_space<vmem>>, vector<16xf32>,
          tpu.vector_store %arg14[%swap3A_442, %swap3A_443], %mul3A_441 {strides = array<i32>} : memref<64x128xf32, #tpu.memory_space<vmem>>, vector<16xf32>,
          %get3A_445 = arith.index_cast %scan3A_418 : i32 to index
          %get3A_446 = arith.constant 48 : index
          %get3A_447 = tpu.vector_load %arg14[%get3A_445, %get3A_446] {strides = array<i32>} : memref<64x128xf32, #tpu.memory_space<vmem>>, vector<16xf32>,
          %mul3A_448 = arith.mulf %get3A_447, %gather3A_423 : vector<16xf32>
          %swap3A_449 = arith.index_cast %scan3A_418 : i32 to index
          %swap3A_450 = arith.constant 48 : index
          %swap3A_451 = tpu.vector_load %arg14[%swap3A_449, %swap3A_450] {strides = array<i32>} : memref<64x128xf32, #tpu.memory_space<vmem>>, vector<16xf32>,
          tpu.vector_store %arg14[%swap3A_449, %swap3A_450], %mul3A_448 {strides = array<i32>} : memref<64x128xf32, #tpu.memory_space<vmem>>, vector<16xf32>,
          %get3A_452 = arith.index_cast %scan3A_418 : i32 to index
          %get3A_453 = arith.constant 64 : index
          %get3A_454 = tpu.vector_load %arg14[%get3A_452, %get3A_453] {strides = array<i32>} : memref<64x128xf32, #tpu.memory_space<vmem>>, vector<16xf32>,
          %mul3A_455 = arith.mulf %get3A_454, %gather3A_423 : vector<16xf32>
          %swap3A_456 = arith.index_cast %scan3A_418 : i32 to index
          %swap3A_457 = arith.constant 64 : index
          %swap3A_458 = tpu.vector_load %arg14[%swap3A_456, %swap3A_457] {strides = array<i32>} : memref<64x128xf32, #tpu.memory_space<vmem>>, vector<16xf32>,
          tpu.vector_store %arg14[%swap3A_456, %swap3A_457], %mul3A_455 {strides = array<i32>} : memref<64x128xf32, #tpu.memory_space<vmem>>, vector<16xf32>,
          %get3A_459 = arith.index_cast %scan3A_418 : i32 to index
          %get3A_460 = arith.constant 80 : index
          %get3A_461 = tpu.vector_load %arg14[%get3A_459, %get3A_460] {strides = array<i32>} : memref<64x128xf32, #tpu.memory_space<vmem>>, vector<16xf32>,
          %mul3A_462 = arith.mulf %get3A_461, %gather3A_423 : vector<16xf32>
          %swap3A_463 = arith.index_cast %scan3A_418 : i32 to index
          %swap3A_464 = arith.constant 80 : index
          %swap3A_465 = tpu.vector_load %arg14[%swap3A_463, %swap3A_464] {strides = array<i32>} : memref<64x128xf32, #tpu.memory_space<vmem>>, vector<16xf32>,
          tpu.vector_store %arg14[%swap3A_463, %swap3A_464], %mul3A_462 {strides = array<i32>} : memref<64x128xf32, #tpu.memory_space<vmem>>, vector<16xf32>,
          %get3A_466 = arith.index_cast %scan3A_418 : i32 to index
          %get3A_467 = arith.constant 96 : index
          %get3A_468 = tpu.vector_load %arg14[%get3A_466, %get3A_467] {strides = array<i32>} : memref<64x128xf32, #tpu.memory_space<vmem>>, vector<16xf32>,
          %mul3A_469 = arith.mulf %get3A_468, %gather3A_423 : vector<16xf32>
          %swap3A_470 = arith.index_cast %scan3A_418 : i32 to index
          %swap3A_471 = arith.constant 96 : index
          %swap3A_472 = tpu.vector_load %arg14[%swap3A_470, %swap3A_471] {strides = array<i32>} : memref<64x128xf32, #tpu.memory_space<vmem>>, vector<16xf32>,
          tpu.vector_store %arg14[%swap3A_470, %swap3A_471], %mul3A_469 {strides = array<i32>} : memref<64x128xf32, #tpu.memory_space<vmem>>, vector<16xf32>,
          %get3A_473 = arith.index_cast %scan3A_418 : i32 to index
          %get3A_474 = arith.constant 112 : index
          %get3A_475 = tpu.vector_load %arg14[%get3A_473, %get3A_474] {strides = array<i32>} : memref<64x128xf32, #tpu.memory_space<vmem>>, vector<16xf32>,
          %mul3A_476 = arith.mulf %get3A_475, %gather3A_423 : vector<16xf32>
          %swap3A_477 = arith.index_cast %scan3A_418 : i32 to index
          %swap3A_478 = arith.constant 112 : index
          %swap3A_479 = tpu.vector_load %arg14[%swap3A_477, %swap3A_478] {strides = array<i32>} : memref<64x128xf32, #tpu.memory_space<vmem>>, vector<16xf32>,
          tpu.vector_store %arg14[%swap3A_477, %swap3A_478], %mul3A_476 {strides = array<i32>} : memref<64x128xf32, #tpu.memory_space<vmem>>, vector<16xf32>,
        }
        %scan3A_351 = arith.constant 64 : i32
        %dma_start3A_352 = arith.constant 0 : i32
        %dma_start3A_353 = tpu.memref_slice %arg9[%add3A_325, %dma_start3A_352] : memref<40x64xi32, #tpu.memory_space<vmem>> -> memref<1x64xi32, #tpu.memory_space<vmem>>
        %dma_start3A_354 = tpu.memref_squeeze %dma_start3A_353 : memref<1x64xi32, #tpu.memory_space<vmem>> -> memref<64xi32, #tpu.memory_space<vmem>>
        %dma_start3A_355 = arith.constant 0 : i32
        %dma_start3A_356 = arith.constant 0 : i32
        %dma_start3A_357 = tpu.memref_slice %arg7[%dma_start3A_355, %dma_start3A_356] : memref<10240x128xf32, #tpu.memory_space<vmem_shared>> -> memref<10240x128xf32, #tpu.memory_space<vmem_shared>>
        tpu.enqueue_indirect_dma source(%arg14 : memref<64x128xf32, #tpu.memory_space<vmem>>) target(%dma_start3A_357 : memref<10240x128xf32, #tpu.memory_space<vmem_shared>>) offsets(%dma_start3A_354 : memref<64xi32, #tpu.memory_space<vmem>>) semaphore(%arg22 : memref<!tpu.dma_semaphore, #tpu.memory_space<semaphore_mem>>) {add = true}
      }
      %scan3A_204 = arith.constant 10 : i32
      %dma_wait3A_205 = arith.constant 0 : i32
      %dma_wait3A_206 = arith.constant 0 : i32
      %dma_wait3A_207 = tpu.memref_slice %arg9[%dma_wait3A_205, %dma_wait3A_206] : memref<40x64xi32, #tpu.memory_space<vmem>> -> memref<1x64xi32, #tpu.memory_space<vmem>>
      %dma_wait3A_208 = tpu.memref_squeeze %dma_wait3A_207 : memref<1x64xi32, #tpu.memory_space<vmem>> -> memref<64xi32, #tpu.memory_space<vmem>>
      %dma_wait3A_209 = arith.constant 0 : i32
      %dma_wait3A_210 = arith.constant 0 : i32
      %dma_wait3A_211 = tpu.memref_slice %arg7[%dma_wait3A_209, %dma_wait3A_210] : memref<10240x128xf32, #tpu.memory_space<vmem_shared>> -> memref<10240x128xf32, #tpu.memory_space<vmem_shared>>
      tpu.wait_indirect_dma semaphore(%arg21 : memref<!tpu.dma_semaphore, #tpu.memory_space<semaphore_mem>>) src(%arg13 : memref<64x128xf32, #tpu.memory_space<vmem>>) dst(%dma_wait3A_211 : memref<10240x128xf32, #tpu.memory_space<vmem_shared>>)
      %dma_wait3A_212 = arith.constant 0 : i32
      %dma_wait3A_213 = arith.constant 0 : i32
      %dma_wait3A_214 = tpu.memref_slice %arg9[%dma_wait3A_212, %dma_wait3A_213] : memref<40x64xi32, #tpu.memory_space<vmem>> -> memref<1x64xi32, #tpu.memory_space<vmem>>
      %dma_wait3A_215 = tpu.memref_squeeze %dma_wait3A_214 : memref<1x64xi32, #tpu.memory_space<vmem>> -> memref<64xi32, #tpu.memory_space<vmem>>
      %dma_wait3A_216 = arith.constant 0 : i32
      %dma_wait3A_217 = arith.constant 0 : i32
      %dma_wait3A_218 = tpu.memref_slice %arg7[%dma_wait3A_216, %dma_wait3A_217] : memref<10240x128xf32, #tpu.memory_space<vmem_shared>> -> memref<10240x128xf32, #tpu.memory_space<vmem_shared>>
      tpu.wait_indirect_dma semaphore(%arg22 : memref<!tpu.dma_semaphore, #tpu.memory_space<semaphore_mem>>) src(%arg14 : memref<64x128xf32, #tpu.memory_space<vmem>>) dst(%dma_wait3A_218 : memref<10240x128xf32, #tpu.memory_space<vmem_shared>>)
    }
    %scan3A_130 = arith.constant 4 : i32
    %barrier3A_131 = arith.constant 0 : index
    tpu.barrier barrier_id(%barrier3A_131)
    %mul3A_132 = arith.constant 640 : i32
    %mul3A_133 = arith.muli %arg1, %mul3A_132 : i32
    %mul3A_134 = arith.constant 640 : i32
    %mul3A_135 = arith.muli %arg1, %mul3A_134 : i32
    "tpu.region"() ({
      %run_scoped3A = tpu.sem_alloc : memref<!tpu.dma_semaphore, #tpu.memory_space<semaphore_mem>>
      %dma_start3A_136 = arith.constant 0 : i32
      %dma_start3A_137 = tpu.memref_slice %arg6[%arg0, %mul3A_135, %dma_start3A_136] : memref<2x10240x128xf32, #tpu.memory_space<hbm>> -> memref<1x640x128xf32, #tpu.memory_space<hbm>>
      %dma_start3A_138 = tpu.memref_squeeze %dma_start3A_137 : memref<1x640x128xf32, #tpu.memory_space<hbm>> -> memref<640x128xf32, #tpu.memory_space<hbm>>
      %dma_start3A_139 = arith.constant 0 : i32
      %dma_start3A_140 = tpu.memref_slice %arg7[%mul3A_133, %dma_start3A_139] : memref<10240x128xf32, #tpu.memory_space<vmem_shared>> -> memref<640x128xf32, #tpu.memory_space<vmem_shared>>
      tpu.enqueue_dma source(%dma_start3A_140 : memref<640x128xf32, #tpu.memory_space<vmem_shared>>) target(%dma_start3A_138 : memref<640x128xf32, #tpu.memory_space<hbm>>) target_semaphore(%run_scoped3A : memref<!tpu.dma_semaphore, #tpu.memory_space<semaphore_mem>>)
      %dma_wait3A_141 = arith.constant 0 : i32
      %dma_wait3A_142 = tpu.memref_slice %arg6[%arg0, %mul3A_135, %dma_wait3A_141] : memref<2x10240x128xf32, #tpu.memory_space<hbm>> -> memref<1x640x128xf32, #tpu.memory_space<hbm>>
      %dma_wait3A_143 = tpu.memref_squeeze %dma_wait3A_142 : memref<1x640x128xf32, #tpu.memory_space<hbm>> -> memref<640x128xf32, #tpu.memory_space<hbm>>
      %dma_wait3A_144 = arith.constant 0 : i32
      %dma_wait3A_145 = tpu.memref_slice %arg7[%mul3A_133, %dma_wait3A_144] : memref<10240x128xf32, #tpu.memory_space<vmem_shared>> -> memref<640x128xf32, #tpu.memory_space<vmem_shared>>
      tpu.wait_dma2 semaphore(%run_scoped3A : memref<!tpu.dma_semaphore, #tpu.memory_space<semaphore_mem>>) src(%dma_wait3A_145 : memref<640x128xf32, #tpu.memory_space<vmem_shared>>) dst(%dma_wait3A_143 : memref<640x128xf32, #tpu.memory_space<hbm>>)
      tpu.yield
    }) : () -> ()
    return
  }
}

module attributes {stable_mosaic.version = 14 : i64} {
  func.func @_comb_body(%arg0: i32, %arg1: memref<2x1024x128xf32, #tpu.memory_space<vmem>>, %arg2: memref<1024x128xf32, #tpu.memory_space<vmem>>, %arg3: memref<1024x1xf32, #tpu.memory_space<vmem>>, %arg4: memref<1024x128xf32, #tpu.memory_space<vmem>>) attributes {dimension_semantics = [#tpu.dimension_semantics<arbitrary>], iteration_bounds = array<i64: 10>, scalar_prefetch = 0 : i64, scratch_operands = 0 : i64, tpu.core_type = #tpu.core_type<tc>, window_params = [{transform_indices = @transform_0, window_bounds = array<i64: 2, 1024, 128>}, {transform_indices = @transform_1, window_bounds = array<i64: 1024, 128>}, {transform_indices = @transform_2, window_bounds = array<i64: 1024, 1>}, {transform_indices = @transform_3, window_bounds = array<i64: 1024, 128>}]} {
    %get3A = arith.constant 0 : index
    %get3A_0 = arith.constant 0 : index
    %get3A_1 = vector.load %arg3[%get3A, %get3A_0] : memref<1024x1xf32, #tpu.memory_space<vmem>>, vector<1024x1xf32>
    %get3A_2 = arith.constant 0 : index
    %get3A_3 = arith.constant 0 : index
    %get3A_4 = vector.load %arg3[%get3A_2, %get3A_3] : memref<1024x1xf32, #tpu.memory_space<vmem>>, vector<1024x1xf32>
    %mul3A = arith.mulf %get3A_1, %get3A_4 : vector<1024x1xf32>
    %get3A_5 = arith.constant 0 : index
    %get3A_6 = arith.constant 0 : index
    %get3A_7 = arith.constant 0 : index
    %get3A_8 = vector.load %arg1[%get3A_5, %get3A_6, %get3A_7] : memref<2x1024x128xf32, #tpu.memory_space<vmem>>, vector<1x1024x128xf32>
    %get3A_9 = vector.shape_cast %get3A_8 : vector<1x1024x128xf32> to vector<1024x128xf32>
    %get3A_10 = arith.constant 1 : index
    %get3A_11 = arith.constant 0 : index
    %get3A_12 = arith.constant 0 : index
    %get3A_13 = vector.load %arg1[%get3A_10, %get3A_11, %get3A_12] : memref<2x1024x128xf32, #tpu.memory_space<vmem>>, vector<1x1024x128xf32>
    %get3A_14 = vector.shape_cast %get3A_13 : vector<1x1024x128xf32> to vector<1024x128xf32>
    %add3A = arith.addf %get3A_9, %get3A_14 : vector<1024x128xf32>
    %get3A_15 = arith.constant 0 : index
    %get3A_16 = arith.constant 0 : index
    %get3A_17 = vector.load %arg2[%get3A_15, %get3A_16] : memref<1024x128xf32, #tpu.memory_space<vmem>>, vector<1024x128xf32>
    %mul3A_18 = vector.broadcast %mul3A : vector<1024x1xf32> to vector<1024x128xf32>
    %mul3A_19 = arith.mulf %mul3A_18, %get3A_17 : vector<1024x128xf32>
    %add3A_20 = arith.addf %add3A, %mul3A_19 : vector<1024x128xf32>
    %swap3A = arith.constant 0 : index
    %swap3A_21 = arith.constant 0 : index
    %swap3A_22 = vector.load %arg4[%swap3A, %swap3A_21] : memref<1024x128xf32, #tpu.memory_space<vmem>>, vector<1024x128xf32>
    tpu.vector_store %arg4[%swap3A, %swap3A_21], %add3A_20 {strides = array<i32>} : memref<1024x128xf32, #tpu.memory_space<vmem>>, vector<1024x128xf32>,
    return
  }
  func.func @transform_0(%arg0: i32) -> (i32, i32, i32) {
    %c0_i32 = arith.constant 0 : i32
    %c0_i32_0 = arith.constant 0 : i32
    %c0_i32_1 = arith.constant 0 : i32
    return %c0_i32, %arg0, %c0_i32_0 : i32, i32, i32
  }
  func.func @transform_1(%arg0: i32) -> (i32, i32) {
    %c0_i32 = arith.constant 0 : i32
    %c0_i32_0 = arith.constant 0 : i32
    return %arg0, %c0_i32 : i32, i32
  }
  func.func @transform_2(%arg0: i32) -> (i32, i32) {
    %c0_i32 = arith.constant 0 : i32
    %c0_i32_0 = arith.constant 0 : i32
    return %arg0, %c0_i32 : i32, i32
  }
  func.func @transform_3(%arg0: i32) -> (i32, i32) {
    %c0_i32 = arith.constant 0 : i32
    %c0_i32_0 = arith.constant 0 : i32
    return %arg0, %c0_i32 : i32, i32
  }
}

module attributes {stable_mosaic.version = 14 : i64} {
  func.func @_fin_body(%arg0: i32, %arg1: memref<2x1024x128xf32, #tpu.memory_space<vmem>>, %arg2: memref<1024x128xf32, #tpu.memory_space<vmem>>, %arg3: memref<1024x1xf32, #tpu.memory_space<vmem>>, %arg4: memref<128x128xf32, #tpu.memory_space<vmem>>, %arg5: memref<1x128xf32, #tpu.memory_space<vmem>>, %arg6: memref<1024x128xf32, #tpu.memory_space<vmem>>) attributes {dimension_semantics = [#tpu.dimension_semantics<arbitrary>], iteration_bounds = array<i64: 10>, scalar_prefetch = 0 : i64, scratch_operands = 0 : i64, tpu.core_type = #tpu.core_type<tc>, window_params = [{transform_indices = @transform_0, window_bounds = array<i64: 2, 1024, 128>}, {transform_indices = @transform_1, window_bounds = array<i64: 1024, 128>}, {transform_indices = @transform_2, window_bounds = array<i64: 1024, 1>}, {pipeline_mode = #tpu.pipeline_mode<synchronous>, transform_indices = @transform_3, window_bounds = array<i64: 128, 128>}, {pipeline_mode = #tpu.pipeline_mode<synchronous>, transform_indices = @transform_4, window_bounds = array<i64: 1, 128>}, {transform_indices = @transform_5, window_bounds = array<i64: 1024, 128>}]} {
    %get3A = arith.constant 0 : index
    %get3A_0 = arith.constant 0 : index
    %get3A_1 = vector.load %arg3[%get3A, %get3A_0] : memref<1024x1xf32, #tpu.memory_space<vmem>>, vector<1024x1xf32>
    %get3A_2 = arith.constant 0 : index
    %get3A_3 = arith.constant 0 : index
    %get3A_4 = vector.load %arg3[%get3A_2, %get3A_3] : memref<1024x1xf32, #tpu.memory_space<vmem>>, vector<1024x1xf32>
    %mul3A = arith.mulf %get3A_1, %get3A_4 : vector<1024x1xf32>
    %get3A_5 = arith.constant 0 : index
    %get3A_6 = arith.constant 0 : index
    %get3A_7 = arith.constant 0 : index
    %get3A_8 = vector.load %arg1[%get3A_5, %get3A_6, %get3A_7] : memref<2x1024x128xf32, #tpu.memory_space<vmem>>, vector<1x1024x128xf32>
    %get3A_9 = vector.shape_cast %get3A_8 : vector<1x1024x128xf32> to vector<1024x128xf32>
    %get3A_10 = arith.constant 1 : index
    %get3A_11 = arith.constant 0 : index
    %get3A_12 = arith.constant 0 : index
    %get3A_13 = vector.load %arg1[%get3A_10, %get3A_11, %get3A_12] : memref<2x1024x128xf32, #tpu.memory_space<vmem>>, vector<1x1024x128xf32>
    %get3A_14 = vector.shape_cast %get3A_13 : vector<1x1024x128xf32> to vector<1024x128xf32>
    %add3A = arith.addf %get3A_9, %get3A_14 : vector<1024x128xf32>
    %get3A_15 = arith.constant 0 : index
    %get3A_16 = arith.constant 0 : index
    %get3A_17 = vector.load %arg2[%get3A_15, %get3A_16] : memref<1024x128xf32, #tpu.memory_space<vmem>>, vector<1024x128xf32>
    %mul3A_18 = vector.broadcast %mul3A : vector<1024x1xf32> to vector<1024x128xf32>
    %mul3A_19 = arith.mulf %mul3A_18, %get3A_17 : vector<1024x128xf32>
    %add3A_20 = arith.addf %add3A, %mul3A_19 : vector<1024x128xf32>
    %get3A_21 = arith.constant 0 : index
    %get3A_22 = arith.constant 0 : index
    %get3A_23 = vector.load %arg4[%get3A_21, %get3A_22] : memref<128x128xf32, #tpu.memory_space<vmem>>, vector<128x128xf32>
    %dot_general3A = arith.constant dense<0.000000e+00> : vector<1024x128xf32>
    %dot_general3A_24 = tpu.matmul %add3A_20, %get3A_23, %dot_general3A {dimension_numbers = #tpu.dot_dimension_numbers<[1], [0], [0], [1], [0, 0, 1, 1], [], []>, transpose_lhs_hint = false} : vector<1024x128xf32>, vector<128x128xf32>, vector<1024x128xf32> -> vector<1024x128xf32>
    %get3A_25 = arith.constant 0 : index
    %get3A_26 = arith.constant 0 : index
    %get3A_27 = vector.load %arg5[%get3A_25, %get3A_26] : memref<1x128xf32, #tpu.memory_space<vmem>>, vector<1x128xf32>
    %add3A_28 = vector.broadcast %get3A_27 : vector<1x128xf32> to vector<1024x128xf32>
    %add3A_29 = arith.addf %dot_general3A_24, %add3A_28 : vector<1024x128xf32>
    %gt3A = arith.constant 0.000000e+00 : f32
    %gt3A_30 = vector.broadcast %gt3A : f32 to vector<1024x128xf32>
    %gt3A_31 = arith.cmpf ogt, %add3A_29, %gt3A_30 : vector<1024x128xf32>
    %min3A = arith.constant 0.000000e+00 : f32
    %min3A_32 = vector.broadcast %min3A : f32 to vector<1024x128xf32>
    %min3A_33 = arith.minimumf %add3A_29, %min3A_32 : vector<1024x128xf32>
    %exp3A = math.exp %min3A_33 : vector<1024x128xf32>
    %sub3A = arith.constant 1.000000e+00 : f32
    %sub3A_34 = vector.broadcast %sub3A : f32 to vector<1024x128xf32>
    %sub3A_35 = arith.subf %exp3A, %sub3A_34 : vector<1024x128xf32>
    %select_n3A = arith.select %gt3A_31, %add3A_29, %sub3A_35 : vector<1024x128xi1>, vector<1024x128xf32>
    %swap3A = arith.constant 0 : index
    %swap3A_36 = arith.constant 0 : index
    %swap3A_37 = vector.load %arg6[%swap3A, %swap3A_36] : memref<1024x128xf32, #tpu.memory_space<vmem>>, vector<1024x128xf32>
    tpu.vector_store %arg6[%swap3A, %swap3A_36], %select_n3A {strides = array<i32>} : memref<1024x128xf32, #tpu.memory_space<vmem>>, vector<1024x128xf32>,
    return
  }
  func.func @transform_0(%arg0: i32) -> (i32, i32, i32) {
    %c0_i32 = arith.constant 0 : i32
    %c0_i32_0 = arith.constant 0 : i32
    %c0_i32_1 = arith.constant 0 : i32
    return %c0_i32, %arg0, %c0_i32_0 : i32, i32, i32
  }
  func.func @transform_1(%arg0: i32) -> (i32, i32) {
    %c0_i32 = arith.constant 0 : i32
    %c0_i32_0 = arith.constant 0 : i32
    return %arg0, %c0_i32 : i32, i32
  }
  func.func @transform_2(%arg0: i32) -> (i32, i32) {
    %c0_i32 = arith.constant 0 : i32
    %c0_i32_0 = arith.constant 0 : i32
    return %arg0, %c0_i32 : i32, i32
  }
  func.func @transform_3(%arg0: i32) -> (i32, i32) {
    %c0_i32 = arith.constant 0 : i32
    %c0_i32_0 = arith.constant 0 : i32
    %c0_i32_1 = arith.constant 0 : i32
    return %c0_i32, %c0_i32_0 : i32, i32
  }
  func.func @transform_4(%arg0: i32) -> (i32, i32) {
    %c0_i32 = arith.constant 0 : i32
    %c0_i32_0 = arith.constant 0 : i32
    %c0_i32_1 = arith.constant 0 : i32
    return %c0_i32, %c0_i32_0 : i32, i32
  }
  func.func @transform_5(%arg0: i32) -> (i32, i32) {
    %c0_i32 = arith.constant 0 : i32
    %c0_i32_0 = arith.constant 0 : i32
    return %arg0, %c0_i32 : i32, i32
  }
}

</mosaic_0001>

<sc_bundles>
// kernel: kernel.10.cloned.1.call-start
scs
__scs_entry_jumppad:
0x0: {  	(pc) =	sbr.rel $0x88, $3  }
0x1: {  	(tag) =	ssettag $0x0;
	lr =	simm.s32 $0x1  }
0x2: {  	[smem:$0x3F9C] =	sst lr;
	_ =	strace $0xD0000000  }
0x3: {  	_ = 	snop  }
0x4: {  	_ = 	snop  }
0x5: {  	_ = 	snop  }
0x6: {  	_ = 	snop  }
0x7: {  	_ = 	snop  }
__scs_overlays_trampoline_lowered:
0x8: {  	[smem:$0x3FAB] =	sst s0  }
0x9: {  	[smem:$0x3FAC] =	sst s1  }
0xa: {  	[smem:$0x3FAD] =	sst s2  }
0xb: {  	[smem:$0x3FAE] =	sst s3  }
0xc: {  	[smem:$0x3FAF] =	sst s4  }
0xd: {  	[smem:$0x3FB0] =	sst s5  }
0xe: {  	[smem:$0x3FB1] =	sst s6  }
0xf: {  	[smem:$0x3FB2] =	sst s7  }
0x10: {  	[smem:$0x3FB3] =	sst s8  }
0x11: {  	[smem:$0x3FB4] =	sst s9;
	s0 =	simm.s32 @!p0 $0x0  }
0x12: {  	s1 =	sld [smem:$0x3F9A];
	s0 =	simm.s32 @p0 $0x1  }
0x13: {  	[smem:$0x3FB5] =	sst s0;
	s0 =	simm.s32 @!p1 $0x0  }
0x14: {  	s2 =	sld [smem:$0x3F99];
	s0 =	simm.s32 @p1 $0x1  }
0x15: {  	[smem:$0x3FB6] =	sst s0;
	s0 =	simm.s32 @!p2 $0x0  }
0x16: {  	s3 =	sld [smem:$0x3FDB];
	s0 =	simm.s32 @p2 $0x1  }
0x17: {  	s4 =	simm.s32 $0x1BF5;
	[smem:$0x3FB8] =	sst s0  }
0x18: {  	s0 =	sld [smem:$0x3F9B];
	_ =	swait.ge [sflag:s4], $0x0  }
0x19: {  	s7 =	sld [smem:$0x3F9C]  }
0x1a: {  	s8 =	sadd.s32 $0xFFFFE003, lr  }
0x1b: {  	s9 =	sadd.s32 $0xFFFFFEF7, lr;
	s5 =	simm.s32 $0xFFFFFFFF;
	p2 =	slt.u32 s8, $0xFFFFF086  }
0x1c: {  	p1 =	slt.u32 s9, $0xF7A;
	s5 =	simm.s32 @!p2 $0x0  }
0x1d: {  	s5 =	simm.s32 @p1 $0x1;
	p0 =	seq.s32 s7, s2  }
0x1e: {  	s7 =	smul.u32 @!p0 $0xF7A, s2;
	p2 =	seq.s32 @!p0 s5, $0x0  }
0x1f: {  	s9 =	smul.u32 $0xF7A, s1;
	s8 =	simm.s32 @!p0 $0x1BF5;
	p2 =	por !p2, p0  }
0x20: {  	[sflag:s8] =	ssyncset.s32 @!p0 $0xFFFFF086;
	s6 =	sadd.s32 @!p0 s3, s7;
	s7 =	simm.s32 @!p0 $0x108  }
0x21: {  	s3 =	sadd.s32 s3, s9;
	s6 =	sadd.s32 @!p0 $0x88, s6;
	s7 =	simm.s32 @p2 $0x1082  }
0x22: {  	[simem:s7], [sflag:s8] =	dma.local @!p0 [hbm:s6], $0xF7A  }
0x23: {  	s9 =	sor.u32 $0xD0000000, s2;
	s6 =	simm.s32 $0x108;
	_ =	swait.ge @!p0 [sflag:s8], $0x0  }
0x24: {  	s3 =	sadd.s32 $0x88, s3;
	s6 =	simm.s32 @!p1 $0x1082;
	[sflag:s4] =	ssyncset.s32 $0xFFFFF086  }
0x25: {  	[simem:s6], [sflag:s4] =	dma.local [hbm:s3], $0xF7A  }
0x26: {  	[smem:$0x3F9C] =	sst s1;
	(tag) =	ssettag s2;
	_ =	strace s9  }
0x27: {  	s1 =	sld [smem:$0x3FAC]  }
0x28: {  	s2 =	sld [smem:$0x3FAD]  }
0x29: {  	s4 =	sld [smem:$0x3FAF]  }
0x2a: {  	p0 =	seq.s32 s5, $0x0;
	s5 =	sld [smem:$0x3FB0]  }
0x2b: {  	s6 =	sld [smem:$0x3FB1]  }
0x2c: {  	s7 =	sld [smem:$0x3FB2]  }
0x2d: {  	s3 =	simm.s32 $0x108;
	s8 =	sld [smem:$0x3FB3]  }
0x2e: {  	s3 =	simm.s32 @!p0 $0x1082;
	s9 =	sld [smem:$0x3FB4]  }
0x2f: {  	lr =	sadd.s32 s0, s3;
	s0 =	sld [smem:$0x3FAB]  }
0x30: {  	s3 =	sld [smem:$0x3FAE]  }
0x31: {  	[smem:$0x3FB7] =	sst s10  }
0x32: {  	s10 =	sld [smem:$0x3FB5];
	_ =	sdelay $0x3  }
0x33: {  	p0 =	seq.s32 s10, $0x1;
	s10 =	sld [smem:$0x3FB7];
	_ =	sdelay $0x3  }
0x34: {  	[smem:$0x3FB7] =	sst s10  }
0x35: {  	s10 =	sld [smem:$0x3FB6];
	_ =	sdelay $0x3  }
0x36: {  	p1 =	seq.s32 s10, $0x1;
	s10 =	sld [smem:$0x3FB7];
	_ =	sdelay $0x3  }
0x37: {  	[smem:$0x3FB7] =	sst s10  }
0x38: {  	s10 =	sld [smem:$0x3FB8]  }
0x39: {  	_ = 	snop;
	(pc) =	sbr.ind lr, $3  }
0x3a: {  	_ = 	snop  }
0x3b: {  	_ = 	snop  }
0x3c: {  	p2 =	seq.s32 s10, $0x1;
	s10 =	sld [smem:$0x3FB7]  }
0x3d: {  	_ =	shalt  }
0x3e: {  	_ =	shalt  }
0x3f: {  	_ =	shalt  }
0x40: {  	_ =	shalt  }
0x41: {  	_ =	shalt  }
0x42: {  	_ =	shalt  }
0x43: {  	_ =	shalt  }
0x44: {  	_ =	shalt  }
0x45: {  	_ =	shalt  }
0x46: {  	_ =	shalt  }
0x47: {  	_ =	shalt  }
0x48: {  	_ =	shalt  }
0x49: {  	_ =	shalt  }
0x4a: {  	_ =	shalt  }
0x4b: {  	_ =	shalt  }
0x4c: {  	_ =	shalt  }
0x4d: {  	_ =	shalt  }
0x4e: {  	_ =	shalt  }
0x4f: {  	_ =	shalt  }
0x50: {  	_ =	shalt  }
0x51: {  	_ =	shalt  }
0x52: {  	_ =	shalt  }
0x53: {  	_ =	shalt  }
0x54: {  	_ =	shalt  }
0x55: {  	_ =	shalt  }
0x56: {  	_ =	shalt  }
0x57: {  	_ =	shalt  }
0x58: {  	_ =	shalt  }
0x59: {  	_ =	shalt  }
0x5a: {  	_ =	shalt  }
0x5b: {  	_ =	shalt  }
0x5c: {  	_ =	shalt  }
0x5d: {  	_ =	shalt  }
0x5e: {  	_ =	shalt  }
0x5f: {  	_ =	shalt  }
0x60: {  	_ =	shalt  }
0x61: {  	_ =	shalt  }
0x62: {  	_ =	shalt  }
0x63: {  	_ =	shalt  }
0x64: {  	_ =	shalt  }
0x65: {  	_ =	shalt  }
0x66: {  	_ =	shalt  }
0x67: {  	_ =	shalt  }
0x68: {  	_ =	shalt  }
0x69: {  	_ =	shalt  }
0x6a: {  	_ =	shalt  }
0x6b: {  	_ =	shalt  }
0x6c: {  	_ =	shalt  }
0x6d: {  	_ =	shalt  }
0x6e: {  	_ =	shalt  }
0x6f: {  	_ =	shalt  }
0x70: {  	_ =	shalt  }
0x71: {  	_ =	shalt  }
0x72: {  	_ =	shalt  }
0x73: {  	_ =	shalt  }
0x74: {  	_ =	shalt  }
0x75: {  	_ =	shalt  }
0x76: {  	_ =	shalt  }
0x77: {  	_ =	shalt  }
0x78: {  	_ =	shalt  }
0x79: {  	_ =	shalt  }
0x7a: {  	_ =	shalt  }
0x7b: {  	_ =	shalt  }
0x7c: {  	_ =	shalt  }
0x7d: {  	_ =	shalt  }
0x7e: {  	_ =	shalt  }
0x7f: {  	_ =	shalt  }
0x80: {  	_ =	shalt  }
0x81: {  	_ =	shalt  }
0x82: {  	_ =	shalt  }
0x83: {  	_ =	shalt  }
0x84: {  	_ =	shalt  }
0x85: {  	_ =	shalt  }
0x86: {  	_ =	shalt  }
0x87: {  	_ =	shalt  }
.Lfunc_end0:
.L_simem_size_0:
called_computation.1_lowered:
.L_overlay_start_0:
0x88: {  	s2 =	sld [smem:$0x3FD9]  }
0x89: {  	s3 =	sld [smem:$0x3FFE];
	_ =	sdelay $0x1  }
0x8a: {  	s1 =	srdreg.scid  }
0x8b: {  	s0 =	sand.u32 $0x1, s1  }
0x8c: {  	s17 =	sshll.u32 s0, $0xA;
	s2 =	sadd.s32 s3, s2  }
0x8d: {  	s2 =	sadd.s32 s2, s17  }
0x8e: {  	[smem:$0x3FC3] =	sst s2  }
0x8f: {  	_ = 	snop  }
0x90: {  	s2 =	sld [smem:$0x3FD0];
	(tm) =	ssettm $0x1  }
0x91: {  	s18 =	sld [smem:$0x3FFB];
	_ =	sdelay $0x3  }
0x92: {  	_ =	strace s18  }
0x93: {  	s3 =	sld [smem:$0x3FFC];
	_ =	sdelay $0x3  }
0x94: {  	_ =	strace s3  }
0x95: {  	s3 =	sld [smem:$0x3FFD];
	_ =	sdelay $0x3  }
0x96: {  	_ =	strace s3  }
0x97: {  	_ =	strace $0x8FFFFFFF  }
0x98: {  	s19 =	sld [smem:$0x3FDB];
	_ =	sdelay $0x1  }
0x99: {  	s4 =	simm.s32 $_scs_section_size  }
0x9a: {  	s5 =	simm.s32 $_size__tile_overlayer_lowered;
	s6 =	simm.s32 $_tile_overlayer_lowered  }
0x9b: {  	s22 =	simm.s32 $0x1BFF;
	s21 =	sshll.u32 s6, $0x1;
	s3 =	sadd.s32 s4, s19  }
0x9c: {  	s7 =	simm.s32 $0x0;
	s20 =	sshll.u32 s5, $0x1;
	s5 =	sadd.s32 s21, s3  }
0x9d: {  	[timem:s7], [sflag:s22] =	dma.local [hbm:s5], s20  }
0x9e: {  	_ =	swait.ge [sflag:s22], s20  }
0x9f: {  	s4 =	ssub.s32 $0x0, s20;
	[sflag:s22] =	ssyncset.done $0x0  }
0xa0: {  	[sflag:s22] =	ssyncadd.s32 s4;
	_ =	sdelay $0x1  }
0xa1: {  	s23 =	simm.s32 $0x1B8B  }
0xa2: {  	_ =	swait.ge [sflag:s23], $0x1  }
0xa3: {  	[sflag:s23] =	ssyncset.done $0x0  }
0xa4: {  	s25 =	simm.s32 $0x1B8E;
	s24 =	sld [smem:$0x3FFE];
	[sflag:s23] =	ssyncadd.s32 $0xFFFFFFFF  }
0xa5: {  	s26 =	simm.s32 $execute0_lowered;
	[smem:$0x3FD2] =	sst s25  }
0xa6: {  	s5 =	sshll.u32 s26, $0x1;
	_ =	strace $0x80000049;
	[dreg:$0x1] =	wrdreg $0xFFFFFFFF  }
0xa7: {  	s28 =	simm.s32 $_size_execute0_lowered;
	s3 =	sadd.s32 s3, s5;
	[dreg:$0x0] =	wrdreg $0x0  }
0xa8: {  	s5 =	sshll.u32 s28, $0x1;
	[dreg:$0x2] =	wrdreg s3  }
0xa9: {  	[dreg:$0x3] =	wrdreg s5  }
0xaa: {  	[dreg:$0x4] =	wrdreg $0xC0  }
0xab: {  	_ =	task [dreg:s7], $0x5FFFF  }
0xac: {  	[dreg:$0x1] =	wrdreg $0xFFFFFFFF  }
0xad: {  	[dreg:$0x0] =	wrdreg $0x60  }
0xae: {  	[dreg:$0x2] =	wrdreg s24  }
0xaf: {  	[dreg:$0x3] =	wrdreg s2  }
0xb0: {  	[dreg:$0x4] =	wrdreg $0x0  }
0xb1: {  	[dreg:$0x5] =	wrdreg $0x9  }
0xb2: {  	_ =	task.clear_ibuf [dreg:s7], $0x6FFFF;
	_ =	strace $0x90000049  }
0xb3: {  	s29 =	simm.s32 $0x9;
	_ =	strace $0x8000004B  }
0xb4: {  	_ =	swait.ge [sflag:s29], $0x1  }
0xb5: {  	[sflag:s29] =	ssyncadd.s32 $0xFFFFFFFF  }
0xb6: {  	_ =	strace $0x9000004B  }
0xb7: {  	_ =	sfence  }
0xb8: {  	s30 =	sld [smem:$0x0];
	_ =	sdelay $0x2  }
0xb9: {  	s31 =	sshll.u32 s1, $0xD;
	s1 =	sshrl.u32 s1, $0x2  }
0xba: {  	s3 =	sand.u32 $0x4000, s31;
	s1 =	sadd.s32 s1, s30  }
0xbb: {  	s0 =	sor.u32 s3, s0;
	s1 =	sshll.u32 s1, $0x11  }
0xbc: {  	s0 =	sor.u32 s1, s0  }
0xbd: {  	s0 =	sadd.s32 $0x8F2B, s0  }
0xbe: {  	[sflag:s0] =	ssyncadd.remote.s32 $0x1  }
0xbf: {  	_ =	sfence.sel $0xFFFF  }
0xc0: {  	[dreg:$0x0] =	wrdreg $0xFFFFFFFF;
	(pc) =	sbr.abs _section_cstart, $3  }
0xc1: {  	[dreg:$0x1] =	wrdreg $0xFFFFFFFF  }
0xc2: {  	_ =	task.clear_ibuf [dreg:s7], $0x2FFFF;
	_ =	strace $0x9FFFFFFF  }
0xc3: {  	(tm) =	ssettm $0x7FFFFFFF  }
tec
execute0_lowered:
.L_overlay_start_1:
0x0: {  	(tag) =	ssettag $0x1  }
0x1: {  	s0 =	rddreg [dreg:$0x0]  }
0x2: {  	s2 =	rddreg [dreg:$0x2];
	s1 =	srdreg.scid;
	s15 =	simm.s32 $0x0  }
0x3: {  	s8 =	stileid.u32;
	s29 =	simm.s32 $0x19C00;
	s30 =	simm.s32 $0x1BC00  }
0x4: {  	s31 =	simm.s32 $0x1;
	s9 =	simm.s32 $0x5;
	s4 =	smul.u32 $0x14000, s8  }
0x5: {  	s10 =	simm.s32 $0x3;
	s1 =	sand.u32 $0x1, s1;
	s16 =	smul.u32 $0x50000, s8  }
0x6: {  	s11 =	simm.s32 $0x6;
	s12 =	simm.s32 $0x4;
	s3 =	smul.u32 $0x140000, s1  }
0x7: {  	s13 =	simm.s32 $0x7;
	s14 =	simm.s32 $0x8;
	[smem:$0x7FF] =	sst s15  }
0x8: {  	s6 =	sadd.s32 $0x2AC00, s0;
	s3 =	sadd.s32 s4, s3;
	s4 =	sshrl.u32 s16, $0x2  }
0x9: {  	_ =	strace $0x8000004A;
	[dreg:$0x5] =	wrdreg s6;
	s16 =	sadd.s32 s4, s2  }
0xa: {  	s5 =	sadd.s32 $0x3EC00, s0;
	s4 =	sadd.s32 $0x2000, s16;
	[dreg:$0x6] =	wrdreg s16  }
0xb: {  	s7 =	sadd.s32 $0x2600, s0;
	s19 =	sadd.s32 $0x4000, s16;
	[dreg:$0x7] =	wrdreg s4  }
0xc: {  	s8 =	sshll.u32 s8, $0x1;
	s20 =	sadd.s32 $0x6000, s16;
	[dreg:$0x8] =	wrdreg s19  }
0xd: {  	s17 =	ssub.s32 $0x2, s1;
	s21 =	sadd.s32 $0x8000, s16;
	[dreg:$0x9] =	wrdreg s20  }
0xe: {  	s1 =	sor.u32 s1, s8;
	s22 =	sadd.s32 $0xA000, s16;
	[dreg:$0xa] =	wrdreg s21  }
0xf: {  	s18 =	sshrl.u32 s17, $0x1;
	s23 =	sadd.s32 $0xC000, s16;
	[dreg:$0xb] =	wrdreg s22  }
0x10: {  	s3 =	sshrl.u32 s3, $0x3;
	s24 =	sadd.s32 $0xE000, s16;
	[dreg:$0xc] =	wrdreg s23  }
0x11: {  	s0 =	sadd.s32 s3, s0;
	s25 =	sadd.s32 $0x10000, s16;
	[dreg:$0xd] =	wrdreg s24  }
0x12: {  	s3 =	ssub.s32 s17, s18;
	s26 =	sadd.s32 $0x12000, s16;
	[dreg:$0xe] =	wrdreg s25  }
0x13: {  	s18 =	smul.u32 $0x5000, s1;
	[dreg:$0xf] =	wrdreg s26;
	s0 =	sadd.s32 $0x66C00, s0  }
0x14: {  	s28 =	smax.u32 s3, $0x1;
	s21 =	simm.s32 $0x17C00;
	s22 =	simm.s32 $0x9  }
0x15: {  	s23 =	simm.s32 $0x14000;
	s26 =	simm.s32 $0x40;
	[dreg:$0x10] =	wrdreg s0  }
0x16: {  	v0 =	vimm.f32 $0.0e+00;
	s3 =	simm.s32 $0x2;
	[dreg:$0x11] =	wrdreg s28;
	s0 =	simm.s32 $0x1DC00  }
.LBB2_1:
0x17: {  	[dreg:$0x4] =	wrdreg s15;
	s1 =	simm.s32 $0x0;
	s4 =	simm.s32 $0x200  }
.LBB2_2:
0x18: {  	p0 =	sne.s32 s4, $0x7E00;
	[tilespmem:s1+$0x17C70] =	vst v0  }
0x19: {  	[tilespmem:s1+$0x17C00] =	vst v0  }
0x1a: {  	[tilespmem:s1+$0x17C10] =	vst v0  }
.Ltmp0:
0x1b: {  	[tilespmem:s1+$0x17C20] =	vst v0;
	(pc) =	sbr.rel @p0 .LBB2_2-.Ltmp0, $4  }
0x1c: {  	[tilespmem:s1+$0x17C30] =	vst v0  }
0x1d: {  	[tilespmem:s1+$0x17C40] =	vst v0  }
0x1e: {  	[tilespmem:s1+$0x17C50] =	vst v0  }
0x1f: {  	[tilespmem:s1+$0x17C60] =	vst v0;
	s1 =	sshra.s32 s4, $0x2;
	s4 =	sadd.s32 $0x200, s4  }
0x20: {  	[tilespmem:s1+$0x17C70] =	vst v0  }
0x21: {  	[tilespmem:s1+$0x17C00] =	vst v0  }
0x22: {  	[tilespmem:s1+$0x17C10] =	vst v0  }
0x23: {  	[tilespmem:s1+$0x17C20] =	vst v0  }
0x24: {  	[tilespmem:s1+$0x17C30] =	vst v0  }
0x25: {  	[tilespmem:s1+$0x17C40] =	vst v0  }
0x26: {  	[tilespmem:s1+$0x17C50] =	vst v0  }
0x27: {  	[tilespmem:s1+$0x17C60] =	vst v0  }
0x28: {  	[spmem:s16] =	stream.linear.scatter [tilespmem:s21], [sflag:$0x9], $0x2000, $0x38;
	[tilespmem:$0x1FC00] =	vst v63  }
0x29: {  	s8 =	rddreg [dreg:$0x7]  }
0x2a: {  	[spmem:s8] =	stream.linear.scatter [tilespmem:s21], [sflag:$0x9], $0x2000, $0x38;
	[tilespmem:$0x1FC00] =	vst v63  }
0x2b: {  	s15 =	rddreg [dreg:$0x8]  }
0x2c: {  	[spmem:s15] =	stream.linear.scatter [tilespmem:s21], [sflag:$0x9], $0x2000, $0x38;
	[tilespmem:$0x1FC00] =	vst v63  }
0x2d: {  	s16 =	rddreg [dreg:$0x9]  }
0x2e: {  	[spmem:s16] =	stream.linear.scatter [tilespmem:s21], [sflag:$0x9], $0x2000, $0x38;
	[tilespmem:$0x1FC00] =	vst v63  }
0x2f: {  	s17 =	rddreg [dreg:$0xa]  }
0x30: {  	[spmem:s17] =	stream.linear.scatter [tilespmem:s21], [sflag:$0x9], $0x2000, $0x38;
	[tilespmem:$0x1FC00] =	vst v63  }
0x31: {  	s19 =	rddreg [dreg:$0xb]  }
0x32: {  	[spmem:s19] =	stream.linear.scatter [tilespmem:s21], [sflag:$0x9], $0x2000, $0x38;
	[tilespmem:$0x1FC00] =	vst v63  }
0x33: {  	s20 =	rddreg [dreg:$0xc]  }
0x34: {  	[spmem:s20] =	stream.linear.scatter [tilespmem:s21], [sflag:$0x9], $0x2000, $0x38;
	[tilespmem:$0x1FC00] =	vst v63  }
0x35: {  	s24 =	rddreg [dreg:$0xd]  }
0x36: {  	[spmem:s24] =	stream.linear.scatter [tilespmem:s21], [sflag:$0x9], $0x2000, $0x38;
	[tilespmem:$0x1FC00] =	vst v63  }
0x37: {  	s25 =	rddreg [dreg:$0xe]  }
0x38: {  	[spmem:s25] =	stream.linear.scatter [tilespmem:s21], [sflag:$0x9], $0x2000, $0x38;
	[tilespmem:$0x1FC00] =	vst v63  }
0x39: {  	s28 =	rddreg [dreg:$0xf]  }
0x3a: {  	[spmem:s28] =	stream.linear.scatter [tilespmem:s21], [sflag:$0x9], $0x2000, $0x38;
	[tilespmem:$0x1FC00] =	vst v63  }
0x3b: {  	_ =	swait.ge [sflag:s22], $0x2000  }
0x3c: {  	[sflag:s22] =	ssyncset.done $0x0  }
0x3d: {  	[sflag:s22] =	ssyncadd.s32 $0xFFFFE000  }
0x3e: {  	_ =	swait.ge [sflag:s22], $0x2000  }
0x3f: {  	[sflag:s22] =	ssyncset.done $0x0  }
0x40: {  	[sflag:s22] =	ssyncadd.s32 $0xFFFFE000  }
0x41: {  	_ =	swait.ge [sflag:s22], $0x2000  }
0x42: {  	[sflag:s22] =	ssyncset.done $0x0  }
0x43: {  	[sflag:s22] =	ssyncadd.s32 $0xFFFFE000  }
0x44: {  	_ =	swait.ge [sflag:s22], $0x2000  }
0x45: {  	[sflag:s22] =	ssyncset.done $0x0  }
0x46: {  	[sflag:s22] =	ssyncadd.s32 $0xFFFFE000  }
0x47: {  	_ =	swait.ge [sflag:s22], $0x2000  }
0x48: {  	[sflag:s22] =	ssyncset.done $0x0  }
0x49: {  	[sflag:s22] =	ssyncadd.s32 $0xFFFFE000  }
0x4a: {  	_ =	swait.ge [sflag:s22], $0x2000  }
0x4b: {  	[sflag:s22] =	ssyncset.done $0x0  }
0x4c: {  	[sflag:s22] =	ssyncadd.s32 $0xFFFFE000  }
0x4d: {  	_ =	swait.ge [sflag:s22], $0x2000  }
0x4e: {  	[sflag:s22] =	ssyncset.done $0x0  }
0x4f: {  	[sflag:s22] =	ssyncadd.s32 $0xFFFFE000  }
0x50: {  	_ =	swait.ge [sflag:s22], $0x2000  }
0x51: {  	[sflag:s22] =	ssyncset.done $0x0  }
0x52: {  	[sflag:s22] =	ssyncadd.s32 $0xFFFFE000  }
0x53: {  	_ =	swait.ge [sflag:s22], $0x2000  }
0x54: {  	[sflag:s22] =	ssyncset.done $0x0  }
0x55: {  	[sflag:s22] =	ssyncadd.s32 $0xFFFFE000  }
0x56: {  	_ =	swait.ge [sflag:s22], $0x2000  }
0x57: {  	[sflag:s22] =	ssyncset.done $0x0  }
0x58: {  	[sflag:s22] =	ssyncadd.s32 $0xFFFFE000  }
0x59: {  	s16 =	simm.s32 $0x0;
	s17 =	simm.s32 $0x0;
	[bflag:$0x0] =	sbarrier.arrive $0xFFFF  }
.LBB2_4:
0x5a: {  	s1 =	smul.u32 $0x1400, s17;
	_ =	sdelay $0x1  }
0x5b: {  	s1 =	sadd.s32 s18, s1  }
0x5c: {  	s4 =	rddreg [dreg:$0x1];
	s1 =	sshrl.u32 s1, $0x3  }
0x5d: {  	s24 =	rddreg [dreg:$0x5];
	s4 =	sadd.s32 s4, s1  }
0x5e: {  	[tilespmem:s23], [sflag:$0x9] =	stream.linear.gather [hbm4b:s4+s16], $0x1400, $0x38;
	[tilespmem:$0x1FC00] =	vst v63  }
0x5f: {  	s6 =	simm.s32 $0x15400;
	s4 =	sadd.s32 s24, s1  }
0x60: {  	[tilespmem:s6], [sflag:$0x9] =	stream.linear.gather [hbm4b:s4+s16], $0x1400, $0x38;
	[tilespmem:$0x1FC00] =	vst v63  }
0x61: {  	s25 =	simm.s32 $0x16800;
	s1 =	sadd.s32 s7, s1  }
0x62: {  	[tilespmem:s25], [sflag:$0x9] =	stream.linear.gather [hbm4b:s1+s16], $0x1400, $0x38;
	[tilespmem:$0x1FC00] =	vst v63  }
0x63: {  	_ =	swait.ge [sflag:s22], $0x1400  }
0x64: {  	[sflag:s22] =	ssyncset.done $0x0  }
0x65: {  	[sflag:s22] =	ssyncadd.s32 $0xFFFFEC00  }
0x66: {  	_ =	swait.ge [sflag:s22], $0x1400  }
0x67: {  	[sflag:s22] =	ssyncset.done $0x0  }
0x68: {  	[sflag:s22] =	ssyncadd.s32 $0xFFFFEC00  }
0x69: {  	_ =	swait.ge [sflag:s22], $0x1400  }
0x6a: {  	[sflag:s22] =	ssyncset.done $0x0  }
0x6b: {  	[sflag:s22] =	ssyncadd.s32 $0xFFFFEC00  }
0x6c: {  	[tilespmem:s21], [sflag:$0x1] =	stream.indirect.gather [hbm4b:s5+s26], $0x80, s23, s26, $0xb8;
	[tilespmem:$0x1FC00] =	vst v63  }
0x6d: {  	s28 =	simm.s32 $0x14080;
	s19 =	simm.s32 $0x0  }
0x6e: {  	[tilespmem:s29], [sflag:$0x2] =	stream.indirect.gather [hbm4b:s5+s26], $0x80, s28, s26, $0xb8;
	[tilespmem:$0x1FC00] =	vst v63  }
.LBB2_5:
0x6f: {  	p0 =	seq.s32 s19, $0x0  }
0x70: {  	s4 =	simm.s32 $0x0;
	s1 =	simm.s32 @!p0 $0x7  }
0x71: {  	v1 =	vmov s4;
	_ =	swait.ge @!p0 [sflag:s1], $0x2000  }
0x72: {  	s15 =	sshll.u32 s19, $0x9;
	v1 =	vand.u32 $0xFFFFFFFE, v1;
	[sflag:s1] =	ssyncset.done @!p0 $0x0  }
0x73: {  	s25 =	sadd.s32 $0x14100, s15;
	v2 =	vbroadcast v1, $0x0;
	[sflag:s1] =	ssyncadd.s32 @!p0 $0xFFFFE000  }
0x74: {  	[tilespmem:s30], [sflag:$0x3] =	stream.indirect.gather [hbm4b:s5+s26], $0x80, s25, s26, $0xb8;
	[tilespmem:$0x1FC00] =	vst v63  }
0x75: {  	_ =	swait.ge [sflag:s31], $0x2000  }
0x76: {  	s8 =	sshll.u32 s19, $0xB;
	[sflag:s31] =	ssyncset.done $0x0  }
0x77: {  	s4 =	simm.s32 $0x17C80;
	s1 =	sshra.s32 s8, $0x2;
	[sflag:s31] =	ssyncadd.s32 $0xFFFFE000  }
0x78: {  	s24 =	sadd.s32 $0x16800, s1;
	v5 =	vld [tilespmem:s4+$0xFFFFFFF0]  }
0x79: {  	v6 =	vld.idx.msk [tilespmem:v2+s24+$0x0], $0xffff  }
0x7a: {  	v7 =	vld [tilespmem:s4+$0xFFFFFF80]  }
0x7b: {  	v8 =	vld [tilespmem:s4+$0xFFFFFFA0]  }
0x7c: {  	v4 =	vld [tilespmem:s4+$0xFFFFFFB0]  }
0x7d: {  	v3 =	vld [tilespmem:s4+$0xFFFFFFD0]  }
0x7e: {  	v10 =	vld [tilespmem:s4+$0xFFFFFF90];
	v5 =	vmul.f32 v5, v6  }
0x7f: {  	v9 =	vld [tilespmem:s4+$0xFFFFFFE0];
	v7 =	vmul.f32 v7, v6  }
0x80: {  	v11 =	vld [tilespmem:s4+$0xFFFFFFC0];
	v8 =	vmul.f32 v8, v6;
	[tilespmem:s4+$0xFFFFFFF0] =	vst v5  }
0x81: {  	v4 =	vmul.f32 v4, v6;
	[tilespmem:s4+$0xFFFFFF80] =	vst v7  }
0x82: {  	s6 =	simm.s32 $0x1;
	v3 =	vmul.f32 v3, v6;
	[tilespmem:s4+$0xFFFFFFA0] =	vst v8  }
0x83: {  	v5 =	vmul.f32 v10, v6;
	[tilespmem:s4+$0xFFFFFFB0] =	vst v4;
	v7 =	vmov s6  }
0x84: {  	v1 =	vld [tilespmem:s4+$0x0];
	v4 =	vmul.f32 v9, v6;
	[tilespmem:s4+$0xFFFFFFD0] =	vst v3  }
0x85: {  	v2 =	vld [tilespmem:s4+$0x10];
	v3 =	vmul.f32 v11, v6;
	[tilespmem:s4+$0xFFFFFF90] =	vst v5  }
0x86: {  	[tilespmem:s4+$0xFFFFFFE0] =	vst v4;
	v5 =	vld [tilespmem:s4+$0x30]  }
0x87: {  	[tilespmem:s4+$0xFFFFFFC0] =	vst v3;
	v4 =	vld [tilespmem:s4+$0x70]  }
0x88: {  	s28 =	simm.s32 $0x17C80;
	s20 =	sor.u32 $0x100, s15;
	s25 =	simm.s32 $0x2;
	v3 =	vld.idx.msk [tilespmem:v7+s24+$0x0], $0xffff  }
.LBB2_6:
0x89: {  	p1 =	slt.u32 s25, $0x3E  }
0x8a: {  	v6 =	vld [tilespmem:s4+$0x20];
	s28 =	sadd.s32 $0x100, s28;
	s6 =	smov.u32 s25;
	s25 =	sadd.s32 $0x2, s25  }
0x8b: {  	v7 =	vld [tilespmem:s4+$0x40]  }
0x8c: {  	v8 =	vld [tilespmem:s4+$0x50]  }
0x8d: {  	v9 =	vld [tilespmem:s4+$0x60];
	_ =	sdelay $0x1  }
0x8e: {  	v1 =	vmul.f32 v1, v3;
	v2 =	vmul.f32 v2, v3  }
0x8f: {  	v5 =	vmul.f32 v5, v3;
	v6 =	vmul.f32 v6, v3  }
0x90: {  	v10 =	vmov s6;
	v7 =	vmul.f32 v7, v3;
	[tilespmem:s4+$0x0] =	vst v1;
	v8 =	vmul.f32 v8, v3  }
0x91: {  	v10 =	vand.u32 $0xFFFFFFFE, v10;
	v1 =	vld [tilespmem:s28+$0x0];
	[tilespmem:s4+$0x30] =	vst v5;
	v5 =	vmul.f32 v9, v3;
	v3 =	vmul.f32 v4, v3  }
0x92: {  	v4 =	vbroadcast v10, $0x0;
	[tilespmem:s4+$0x10] =	vst v2  }
0x93: {  	[tilespmem:s4+$0x70] =	vst v3  }
0x94: {  	v3 =	vld [tilespmem:s28+$0xFFFFFFD0];
	[tilespmem:s4+$0x20] =	vst v6  }
0x95: {  	v6 =	vld [tilespmem:s28+$0xFFFFFFB0];
	[tilespmem:s4+$0x60] =	vst v5  }
0x96: {  	v5 =	vld [tilespmem:s28+$0xFFFFFFE0];
	[tilespmem:s4+$0x40] =	vst v7  }
0x97: {  	v7 =	vld [tilespmem:s28+$0xFFFFFFF0];
	[tilespmem:s4+$0x50] =	vst v8;
	s4 =	smov.u32 s28  }
0x98: {  	v4 =	vld.idx.msk [tilespmem:v4+s24+$0x0], $0xffff  }
0x99: {  	v8 =	vld [tilespmem:s28+$0xFFFFFF80]  }
0x9a: {  	v9 =	vld [tilespmem:s28+$0xFFFFFFA0]  }
0x9b: {  	v10 =	vld [tilespmem:s28+$0xFFFFFF90]  }
0x9c: {  	v11 =	vld [tilespmem:s28+$0xFFFFFFC0]  }
0x9d: {  	v2 =	vld [tilespmem:s28+$0x10]  }
0x9e: {  	v7 =	vmul.f32 v7, v4;
	v8 =	vmul.f32 v8, v4  }
0x9f: {  	v5 =	vmul.f32 v5, v4;
	v9 =	vmul.f32 v9, v4  }
0xa0: {  	v6 =	vmul.f32 v6, v4;
	v10 =	vmul.f32 v10, v4;
	[tilespmem:s28+$0xFFFFFFF0] =	vst v7  }
0xa1: {  	v3 =	vmul.f32 v3, v4;
	[tilespmem:s28+$0xFFFFFF80] =	vst v8;
	v7 =	vmul.f32 v11, v4  }
0xa2: {  	s6 =	sadd.s32 $0x1, s6;
	[tilespmem:s28+$0xFFFFFFA0] =	vst v9  }
0xa3: {  	[tilespmem:s28+$0xFFFFFFB0] =	vst v6;
	v6 =	vmov s6  }
.Ltmp1:
0xa4: {  	[tilespmem:s28+$0xFFFFFFD0] =	vst v3;
	(pc) =	sbr.rel @p1 .LBB2_6-.Ltmp1, $4  }
0xa5: {  	[tilespmem:s28+$0xFFFFFF90] =	vst v10  }
0xa6: {  	[tilespmem:s28+$0xFFFFFFE0] =	vst v5;
	v5 =	vld [tilespmem:s28+$0x30]  }
0xa7: {  	[tilespmem:s28+$0xFFFFFFC0] =	vst v7;
	v4 =	vld [tilespmem:s28+$0x70]  }
0xa8: {  	v3 =	vld.idx.msk [tilespmem:v6+s24+$0x0], $0xffff  }
0xa9: {  	_ =	sdelay $0x2  }
0xaa: {  	v6 =	vld [tilespmem:s4+$0x20]  }
0xab: {  	v7 =	vld [tilespmem:s4+$0x60];
	v1 =	vmul.f32 v1, v3  }
0xac: {  	v8 =	vld [tilespmem:s4+$0x40];
	v5 =	vmul.f32 v5, v3  }
0xad: {  	v9 =	vld [tilespmem:s4+$0x50];
	v2 =	vmul.f32 v2, v3;
	[tilespmem:s4+$0x0] =	vst v1  }
0xae: {  	[tilespmem:s4+$0x30] =	vst v5;
	v1 =	vmul.f32 v4, v3  }
0xaf: {  	v4 =	vmul.f32 v6, v3;
	[tilespmem:s4+$0x10] =	vst v2  }
0xb0: {  	v2 =	vmul.f32 v7, v3;
	[tilespmem:s4+$0x70] =	vst v1  }
0xb1: {  	v1 =	vmul.f32 v8, v3;
	[tilespmem:s4+$0x20] =	vst v4  }
0xb2: {  	v3 =	vmul.f32 v9, v3;
	[tilespmem:s4+$0x60] =	vst v2  }
0xb3: {  	[tilespmem:s4+$0x40] =	vst v1  }
0xb4: {  	s1 =	sadd.s32 $0x15400, s1;
	[tilespmem:s4+$0x50] =	vst v3  }
0xb5: {  	[spmem:s2] =	stream.indirect.scatter.add.f32 [tilespmem:s21], [sflag:$0x5], $0x80, s1, s26, $0xb8;
	[tilespmem:$0x1FC00] =	vst v63  }
0xb6: {  	s24 =	simm.s32 $0x0;
	s1 =	simm.s32 @!p0 $0x8  }
0xb7: {  	v1 =	vmov s24;
	_ =	swait.ge @!p0 [sflag:s1], $0x2000  }
0xb8: {  	v1 =	vand.u32 $0xFFFFFFFE, v1;
	[sflag:s1] =	ssyncset.done @!p0 $0x0  }
0xb9: {  	s6 =	sadd.s32 $0x14180, s15;
	v2 =	vbroadcast v1, $0x0;
	[sflag:s1] =	ssyncadd.s32 @!p0 $0xFFFFE000  }
0xba: {  	[tilespmem:s0], [sflag:$0x4] =	stream.indirect.gather [hbm4b:s5+s26], $0x80, s6, s26, $0xb8;
	[tilespmem:$0x1FC00] =	vst v63  }
0xbb: {  	_ =	swait.ge [sflag:s3], $0x2000  }
0xbc: {  	s25 =	sor.u32 $0x200, s8;
	[sflag:s3] =	ssyncset.done $0x0  }
0xbd: {  	s4 =	simm.s32 $0x19C80;
	s1 =	sshra.s32 s25, $0x2;
	[sflag:s3] =	ssyncadd.s32 $0xFFFFE000  }
0xbe: {  	s24 =	sadd.s32 $0x16800, s1;
	v5 =	vld [tilespmem:s4+$0xFFFFFFF0]  }
0xbf: {  	v6 =	vld.idx.msk [tilespmem:v2+s24+$0x0], $0xffff  }
0xc0: {  	v7 =	vld [tilespmem:s4+$0xFFFFFF80]  }
0xc1: {  	v62 =	vld [tilespmem:s4+$0xFFFFFFA0]  }
0xc2: {  	v4 =	vld [tilespmem:s4+$0xFFFFFFB0]  }
0xc3: {  	v3 =	vld [tilespmem:s4+$0xFFFFFFD0]  }
0xc4: {  	v10 =	vld [tilespmem:s4+$0xFFFFFF90];
	v5 =	vmul.f32 v5, v6  }
0xc5: {  	v63 =	vld [tilespmem:s4+$0xFFFFFFE0];
	v7 =	vmul.f32 v7, v6  }
0xc6: {  	v11 =	vld [tilespmem:s4+$0xFFFFFFC0];
	v8 =	vmul.f32 v62, v6;
	[tilespmem:s4+$0xFFFFFFF0] =	vst v5  }
0xc7: {  	v4 =	vmul.f32 v4, v6;
	[tilespmem:s4+$0xFFFFFF80] =	vst v7  }
0xc8: {  	s6 =	simm.s32 $0x1;
	v3 =	vmul.f32 v3, v6;
	[tilespmem:s4+$0xFFFFFFA0] =	vst v8  }
0xc9: {  	v5 =	vmul.f32 v10, v6;
	[tilespmem:s4+$0xFFFFFFB0] =	vst v4;
	v7 =	vmov s6  }
0xca: {  	v1 =	vld [tilespmem:s4+$0x0];
	v4 =	vmul.f32 v63, v6;
	[tilespmem:s4+$0xFFFFFFD0] =	vst v3  }
0xcb: {  	v2 =	vld [tilespmem:s4+$0x10];
	v3 =	vmul.f32 v11, v6;
	[tilespmem:s4+$0xFFFFFF90] =	vst v5  }
0xcc: {  	[tilespmem:s4+$0xFFFFFFE0] =	vst v4;
	v5 =	vld [tilespmem:s4+$0x30]  }
0xcd: {  	[tilespmem:s4+$0xFFFFFFC0] =	vst v3;
	v4 =	vld [tilespmem:s4+$0x70]  }
0xce: {  	s15 =	sor.u32 $0x180, s15;
	s28 =	simm.s32 $0x19C80;
	s25 =	simm.s32 $0x2;
	v3 =	vld.idx.msk [tilespmem:v7+s24+$0x0], $0xffff  }
.LBB2_8:
0xcf: {  	p0 =	slt.u32 s25, $0x3E  }
0xd0: {  	v6 =	vld [tilespmem:s4+$0x20];
	s28 =	sadd.s32 $0x100, s28;
	s6 =	smov.u32 s25;
	s25 =	sadd.s32 $0x2, s25  }
0xd1: {  	v7 =	vld [tilespmem:s4+$0x40]  }
0xd2: {  	v8 =	vld [tilespmem:s4+$0x50]  }
0xd3: {  	v9 =	vld [tilespmem:s4+$0x60];
	_ =	sdelay $0x1  }
0xd4: {  	v1 =	vmul.f32 v1, v3;
	v2 =	vmul.f32 v2, v3  }
0xd5: {  	v5 =	vmul.f32 v5, v3;
	v6 =	vmul.f32 v6, v3  }
0xd6: {  	v10 =	vmov s6;
	v7 =	vmul.f32 v7, v3;
	[tilespmem:s4+$0x0] =	vst v1;
	v8 =	vmul.f32 v8, v3  }
0xd7: {  	v10 =	vand.u32 $0xFFFFFFFE, v10;
	v1 =	vld [tilespmem:s28+$0x0];
	[tilespmem:s4+$0x30] =	vst v5;
	v5 =	vmul.f32 v9, v3;
	v3 =	vmul.f32 v4, v3  }
0xd8: {  	v4 =	vbroadcast v10, $0x0;
	[tilespmem:s4+$0x10] =	vst v2  }
0xd9: {  	[tilespmem:s4+$0x70] =	vst v3  }
0xda: {  	v3 =	vld [tilespmem:s28+$0xFFFFFFD0];
	[tilespmem:s4+$0x20] =	vst v6  }
0xdb: {  	v6 =	vld [tilespmem:s28+$0xFFFFFFB0];
	[tilespmem:s4+$0x60] =	vst v5  }
0xdc: {  	v5 =	vld [tilespmem:s28+$0xFFFFFFE0];
	[tilespmem:s4+$0x40] =	vst v7  }
0xdd: {  	v7 =	vld [tilespmem:s28+$0xFFFFFFF0];
	[tilespmem:s4+$0x50] =	vst v8;
	s4 =	smov.u32 s28  }
0xde: {  	v4 =	vld.idx.msk [tilespmem:v4+s24+$0x0], $0xffff  }
0xdf: {  	v8 =	vld [tilespmem:s28+$0xFFFFFF80]  }
0xe0: {  	v9 =	vld [tilespmem:s28+$0xFFFFFFA0]  }
0xe1: {  	v10 =	vld [tilespmem:s28+$0xFFFFFF90]  }
0xe2: {  	v11 =	vld [tilespmem:s28+$0xFFFFFFC0]  }
0xe3: {  	v2 =	vld [tilespmem:s28+$0x10]  }
0xe4: {  	v7 =	vmul.f32 v7, v4;
	v8 =	vmul.f32 v8, v4  }
0xe5: {  	v5 =	vmul.f32 v5, v4;
	v9 =	vmul.f32 v9, v4  }
0xe6: {  	v6 =	vmul.f32 v6, v4;
	v10 =	vmul.f32 v10, v4;
	[tilespmem:s28+$0xFFFFFFF0] =	vst v7  }
0xe7: {  	v3 =	vmul.f32 v3, v4;
	[tilespmem:s28+$0xFFFFFF80] =	vst v8;
	v7 =	vmul.f32 v11, v4  }
0xe8: {  	s6 =	sadd.s32 $0x1, s6;
	[tilespmem:s28+$0xFFFFFFA0] =	vst v9  }
0xe9: {  	[tilespmem:s28+$0xFFFFFFB0] =	vst v6;
	v6 =	vmov s6  }
.Ltmp2:
0xea: {  	[tilespmem:s28+$0xFFFFFFD0] =	vst v3;
	(pc) =	sbr.rel @p0 .LBB2_8-.Ltmp2, $4  }
0xeb: {  	[tilespmem:s28+$0xFFFFFF90] =	vst v10  }
0xec: {  	[tilespmem:s28+$0xFFFFFFE0] =	vst v5;
	v5 =	vld [tilespmem:s28+$0x30]  }
0xed: {  	[tilespmem:s28+$0xFFFFFFC0] =	vst v7;
	v4 =	vld [tilespmem:s28+$0x70]  }
0xee: {  	v3 =	vld.idx.msk [tilespmem:v6+s24+$0x0], $0xffff  }
0xef: {  	_ =	sdelay $0x2  }
0xf0: {  	v6 =	vld [tilespmem:s4+$0x20]  }
0xf1: {  	v7 =	vld [tilespmem:s4+$0x60];
	v1 =	vmul.f32 v1, v3  }
0xf2: {  	v8 =	vld [tilespmem:s4+$0x40];
	v5 =	vmul.f32 v5, v3  }
0xf3: {  	v9 =	vld [tilespmem:s4+$0x50];
	v2 =	vmul.f32 v2, v3;
	[tilespmem:s4+$0x0] =	vst v1  }
0xf4: {  	[tilespmem:s4+$0x30] =	vst v5;
	v1 =	vmul.f32 v4, v3  }
0xf5: {  	v4 =	vmul.f32 v6, v3;
	[tilespmem:s4+$0x10] =	vst v2  }
0xf6: {  	v2 =	vmul.f32 v7, v3;
	[tilespmem:s4+$0x70] =	vst v1  }
0xf7: {  	v1 =	vmul.f32 v8, v3;
	[tilespmem:s4+$0x20] =	vst v4  }
0xf8: {  	v3 =	vmul.f32 v9, v3;
	[tilespmem:s4+$0x60] =	vst v2  }
0xf9: {  	[tilespmem:s4+$0x40] =	vst v1  }
0xfa: {  	s1 =	sadd.s32 $0x15400, s1;
	s24 =	simm.s32 $0x0;
	[tilespmem:s4+$0x50] =	vst v3  }
0xfb: {  	[spmem:s2] =	stream.indirect.scatter.add.f32 [tilespmem:s29], [sflag:$0x6], $0x80, s1, s26, $0xb8;
	[tilespmem:$0x1FC00] =	vst v63  }
0xfc: {  	p0 =	seq.s32 s19, $0x9;
	v1 =	vmov s24;
	_ =	swait.ge [sflag:s9], $0x2000  }
0xfd: {  	s8 =	sshra.s32 @!p0 s8, $0x2;
	s6 =	simm.s32 @!p0 $0x17C00;
	v1 =	vand.u32 $0xFFFFFFFE, v1;
	[sflag:s9] =	ssyncset.done $0x0  }
0xfe: {  	s4 =	simm.s32 @!p0 $0x40;
	s1 =	sadd.s32 @!p0 $0x14200, s8;
	v2 =	vbroadcast v1, $0x0;
	[sflag:s9] =	ssyncadd.s32 $0xFFFFE000  }
0xff: {  	[tilespmem:s6], [sflag:$0x1] =	stream.indirect.gather @!p0 [hbm4b:s5+s4], $0x80, s1, s4, $0xb8;
	[tilespmem:$0x1FC00] =	vst v63  }
0x100: {  	_ =	swait.ge [sflag:s10], $0x2000  }
0x101: {  	[sflag:s10] =	ssyncset.done $0x0  }
0x102: {  	s1 =	simm.s32 $0x1BC80;
	[sflag:s10] =	ssyncadd.s32 $0xFFFFE000  }
0x103: {  	s4 =	sadd.s32 $0x16800, s20;
	v5 =	vld [tilespmem:s1+$0xFFFFFFF0]  }
0x104: {  	v6 =	vld.idx.msk [tilespmem:v2+s4+$0x0], $0xffff  }
0x105: {  	v7 =	vld [tilespmem:s1+$0xFFFFFF80]  }
0x106: {  	v62 =	vld [tilespmem:s1+$0xFFFFFFA0]  }
0x107: {  	v4 =	vld [tilespmem:s1+$0xFFFFFFB0]  }
0x108: {  	v3 =	vld [tilespmem:s1+$0xFFFFFFD0]  }
0x109: {  	v10 =	vld [tilespmem:s1+$0xFFFFFF90];
	v5 =	vmul.f32 v5, v6  }
0x10a: {  	v63 =	vld [tilespmem:s1+$0xFFFFFFE0];
	v7 =	vmul.f32 v7, v6  }
0x10b: {  	v11 =	vld [tilespmem:s1+$0xFFFFFFC0];
	v8 =	vmul.f32 v62, v6;
	[tilespmem:s1+$0xFFFFFFF0] =	vst v5  }
0x10c: {  	v4 =	vmul.f32 v4, v6;
	[tilespmem:s1+$0xFFFFFF80] =	vst v7  }
0x10d: {  	s28 =	simm.s32 $0x1;
	v3 =	vmul.f32 v3, v6;
	[tilespmem:s1+$0xFFFFFFA0] =	vst v8  }
0x10e: {  	v5 =	vmul.f32 v10, v6;
	[tilespmem:s1+$0xFFFFFFB0] =	vst v4;
	v7 =	vmov s28  }
0x10f: {  	v1 =	vld [tilespmem:s1+$0x0];
	v4 =	vmul.f32 v63, v6;
	[tilespmem:s1+$0xFFFFFFD0] =	vst v3  }
0x110: {  	v2 =	vld [tilespmem:s1+$0x10];
	v3 =	vmul.f32 v11, v6;
	[tilespmem:s1+$0xFFFFFF90] =	vst v5  }
0x111: {  	[tilespmem:s1+$0xFFFFFFE0] =	vst v4;
	v5 =	vld [tilespmem:s1+$0x30]  }
0x112: {  	[tilespmem:s1+$0xFFFFFFC0] =	vst v3;
	v4 =	vld [tilespmem:s1+$0x70]  }
0x113: {  	s25 =	simm.s32 $0x1BC80;
	s24 =	simm.s32 $0x2;
	v3 =	vld.idx.msk [tilespmem:v7+s4+$0x0], $0xffff  }
.LBB2_10:
0x114: {  	p1 =	slt.u32 s24, $0x3E  }
0x115: {  	v6 =	vld [tilespmem:s1+$0x20];
	s25 =	sadd.s32 $0x100, s25;
	s6 =	smov.u32 s24;
	s24 =	sadd.s32 $0x2, s24  }
0x116: {  	v7 =	vld [tilespmem:s1+$0x40]  }
0x117: {  	v8 =	vld [tilespmem:s1+$0x50]  }
0x118: {  	v9 =	vld [tilespmem:s1+$0x60];
	_ =	sdelay $0x1  }
0x119: {  	v1 =	vmul.f32 v1, v3;
	v2 =	vmul.f32 v2, v3  }
0x11a: {  	v5 =	vmul.f32 v5, v3;
	v6 =	vmul.f32 v6, v3  }
0x11b: {  	v10 =	vmov s6;
	v7 =	vmul.f32 v7, v3;
	[tilespmem:s1+$0x0] =	vst v1;
	v8 =	vmul.f32 v8, v3  }
0x11c: {  	v10 =	vand.u32 $0xFFFFFFFE, v10;
	v1 =	vld [tilespmem:s25+$0x0];
	[tilespmem:s1+$0x30] =	vst v5;
	v5 =	vmul.f32 v9, v3;
	v3 =	vmul.f32 v4, v3  }
0x11d: {  	v4 =	vbroadcast v10, $0x0;
	[tilespmem:s1+$0x10] =	vst v2  }
0x11e: {  	[tilespmem:s1+$0x70] =	vst v3  }
0x11f: {  	v3 =	vld [tilespmem:s25+$0xFFFFFFD0];
	[tilespmem:s1+$0x20] =	vst v6  }
0x120: {  	v6 =	vld [tilespmem:s25+$0xFFFFFFB0];
	[tilespmem:s1+$0x60] =	vst v5  }
0x121: {  	v5 =	vld [tilespmem:s25+$0xFFFFFFE0];
	[tilespmem:s1+$0x40] =	vst v7  }
0x122: {  	v7 =	vld [tilespmem:s25+$0xFFFFFFF0];
	[tilespmem:s1+$0x50] =	vst v8;
	s1 =	smov.u32 s25  }
0x123: {  	v4 =	vld.idx.msk [tilespmem:v4+s4+$0x0], $0xffff  }
0x124: {  	v8 =	vld [tilespmem:s25+$0xFFFFFF80]  }
0x125: {  	v9 =	vld [tilespmem:s25+$0xFFFFFFA0]  }
0x126: {  	v10 =	vld [tilespmem:s25+$0xFFFFFF90]  }
0x127: {  	v11 =	vld [tilespmem:s25+$0xFFFFFFC0]  }
0x128: {  	v2 =	vld [tilespmem:s25+$0x10]  }
0x129: {  	v7 =	vmul.f32 v7, v4;
	v8 =	vmul.f32 v8, v4  }
0x12a: {  	v5 =	vmul.f32 v5, v4;
	v9 =	vmul.f32 v9, v4  }
0x12b: {  	v6 =	vmul.f32 v6, v4;
	v10 =	vmul.f32 v10, v4;
	[tilespmem:s25+$0xFFFFFFF0] =	vst v7  }
0x12c: {  	v3 =	vmul.f32 v3, v4;
	[tilespmem:s25+$0xFFFFFF80] =	vst v8;
	v7 =	vmul.f32 v11, v4  }
0x12d: {  	s6 =	sadd.s32 $0x1, s6;
	[tilespmem:s25+$0xFFFFFFA0] =	vst v9  }
0x12e: {  	[tilespmem:s25+$0xFFFFFFB0] =	vst v6;
	v6 =	vmov s6  }
.Ltmp3:
0x12f: {  	[tilespmem:s25+$0xFFFFFFD0] =	vst v3;
	(pc) =	sbr.rel @p1 .LBB2_10-.Ltmp3, $4  }
0x130: {  	[tilespmem:s25+$0xFFFFFF90] =	vst v10  }
0x131: {  	[tilespmem:s25+$0xFFFFFFE0] =	vst v5;
	v5 =	vld [tilespmem:s25+$0x30]  }
0x132: {  	[tilespmem:s25+$0xFFFFFFC0] =	vst v7;
	v4 =	vld [tilespmem:s25+$0x70]  }
0x133: {  	v3 =	vld.idx.msk [tilespmem:v6+s4+$0x0], $0xffff  }
0x134: {  	_ =	sdelay $0x2  }
0x135: {  	v6 =	vld [tilespmem:s1+$0x20]  }
0x136: {  	v7 =	vld [tilespmem:s1+$0x60];
	v1 =	vmul.f32 v1, v3  }
0x137: {  	v8 =	vld [tilespmem:s1+$0x40];
	v5 =	vmul.f32 v5, v3  }
0x138: {  	v9 =	vld [tilespmem:s1+$0x50];
	v2 =	vmul.f32 v2, v3;
	[tilespmem:s1+$0x0] =	vst v1  }
0x139: {  	[tilespmem:s1+$0x30] =	vst v5;
	v1 =	vmul.f32 v4, v3  }
0x13a: {  	v4 =	vmul.f32 v6, v3;
	[tilespmem:s1+$0x10] =	vst v2  }
0x13b: {  	v2 =	vmul.f32 v7, v3;
	[tilespmem:s1+$0x70] =	vst v1  }
0x13c: {  	v1 =	vmul.f32 v8, v3;
	[tilespmem:s1+$0x20] =	vst v4  }
0x13d: {  	v3 =	vmul.f32 v9, v3;
	[tilespmem:s1+$0x60] =	vst v2  }
0x13e: {  	[tilespmem:s1+$0x40] =	vst v1  }
0x13f: {  	s24 =	sadd.s32 $0x15400, s20;
	s25 =	simm.s32 $0x0;
	[tilespmem:s1+$0x50] =	vst v3  }
0x140: {  	[spmem:s2] =	stream.indirect.scatter.add.f32 [tilespmem:s30], [sflag:$0x7], $0x80, s24, s26, $0xb8;
	[tilespmem:$0x1FC00] =	vst v63  }
0x141: {  	v1 =	vmov s25;
	_ =	swait.ge [sflag:s11], $0x2000  }
0x142: {  	s4 =	simm.s32 @!p0 $0x40;
	v1 =	vand.u32 $0xFFFFFFFE, v1;
	[sflag:s11] =	ssyncset.done $0x0  }
0x143: {  	s6 =	simm.s32 @!p0 $0x19C00;
	s1 =	sadd.s32 @!p0 $0x14280, s8;
	v2 =	vbroadcast v1, $0x0;
	[sflag:s11] =	ssyncadd.s32 $0xFFFFE000  }
0x144: {  	[tilespmem:s6], [sflag:$0x2] =	stream.indirect.gather @!p0 [hbm4b:s5+s4], $0x80, s1, s4, $0xb8;
	[tilespmem:$0x1FC00] =	vst v63  }
0x145: {  	_ =	swait.ge [sflag:s12], $0x2000  }
0x146: {  	[sflag:s12] =	ssyncset.done $0x0  }
0x147: {  	s1 =	simm.s32 $0x1DC80;
	[sflag:s12] =	ssyncadd.s32 $0xFFFFE000  }
0x148: {  	s4 =	sadd.s32 $0x16800, s15;
	v5 =	vld [tilespmem:s1+$0xFFFFFFF0]  }
0x149: {  	v6 =	vld.idx.msk [tilespmem:v2+s4+$0x0], $0xffff  }
0x14a: {  	v7 =	vld [tilespmem:s1+$0xFFFFFF80]  }
0x14b: {  	v62 =	vld [tilespmem:s1+$0xFFFFFFA0]  }
0x14c: {  	v4 =	vld [tilespmem:s1+$0xFFFFFFB0]  }
0x14d: {  	v3 =	vld [tilespmem:s1+$0xFFFFFFD0]  }
0x14e: {  	v10 =	vld [tilespmem:s1+$0xFFFFFF90];
	v5 =	vmul.f32 v5, v6  }
0x14f: {  	v63 =	vld [tilespmem:s1+$0xFFFFFFE0];
	v7 =	vmul.f32 v7, v6  }
0x150: {  	v11 =	vld [tilespmem:s1+$0xFFFFFFC0];
	v8 =	vmul.f32 v62, v6;
	[tilespmem:s1+$0xFFFFFFF0] =	vst v5  }
0x151: {  	v4 =	vmul.f32 v4, v6;
	[tilespmem:s1+$0xFFFFFF80] =	vst v7  }
0x152: {  	s28 =	simm.s32 $0x1;
	v3 =	vmul.f32 v3, v6;
	[tilespmem:s1+$0xFFFFFFA0] =	vst v8  }
0x153: {  	v5 =	vmul.f32 v10, v6;
	[tilespmem:s1+$0xFFFFFFB0] =	vst v4;
	v7 =	vmov s28  }
0x154: {  	v1 =	vld [tilespmem:s1+$0x0];
	v4 =	vmul.f32 v63, v6;
	[tilespmem:s1+$0xFFFFFFD0] =	vst v3  }
0x155: {  	v2 =	vld [tilespmem:s1+$0x10];
	v3 =	vmul.f32 v11, v6;
	[tilespmem:s1+$0xFFFFFF90] =	vst v5  }
0x156: {  	[tilespmem:s1+$0xFFFFFFE0] =	vst v4;
	v5 =	vld [tilespmem:s1+$0x30]  }
0x157: {  	[tilespmem:s1+$0xFFFFFFC0] =	vst v3;
	v4 =	vld [tilespmem:s1+$0x70]  }
0x158: {  	s20 =	simm.s32 $0x1DC80;
	s8 =	simm.s32 $0x2;
	v3 =	vld.idx.msk [tilespmem:v7+s4+$0x0], $0xffff  }
.LBB2_12:
0x159: {  	p0 =	slt.u32 s8, $0x3E  }
0x15a: {  	v6 =	vld [tilespmem:s1+$0x20];
	s20 =	sadd.s32 $0x100, s20;
	s6 =	smov.u32 s8;
	s8 =	sadd.s32 $0x2, s8  }
0x15b: {  	v7 =	vld [tilespmem:s1+$0x40]  }
0x15c: {  	v8 =	vld [tilespmem:s1+$0x50]  }
0x15d: {  	v9 =	vld [tilespmem:s1+$0x60];
	_ =	sdelay $0x1  }
0x15e: {  	v1 =	vmul.f32 v1, v3;
	v2 =	vmul.f32 v2, v3  }
0x15f: {  	v5 =	vmul.f32 v5, v3;
	v6 =	vmul.f32 v6, v3  }
0x160: {  	v10 =	vmov s6;
	v7 =	vmul.f32 v7, v3;
	[tilespmem:s1+$0x0] =	vst v1;
	v8 =	vmul.f32 v8, v3  }
0x161: {  	v10 =	vand.u32 $0xFFFFFFFE, v10;
	v1 =	vld [tilespmem:s20+$0x0];
	[tilespmem:s1+$0x30] =	vst v5;
	v5 =	vmul.f32 v9, v3;
	v3 =	vmul.f32 v4, v3  }
0x162: {  	v4 =	vbroadcast v10, $0x0;
	[tilespmem:s1+$0x10] =	vst v2  }
0x163: {  	[tilespmem:s1+$0x70] =	vst v3  }
0x164: {  	v3 =	vld [tilespmem:s20+$0xFFFFFFD0];
	[tilespmem:s1+$0x20] =	vst v6  }
0x165: {  	v6 =	vld [tilespmem:s20+$0xFFFFFFB0];
	[tilespmem:s1+$0x60] =	vst v5  }
0x166: {  	v5 =	vld [tilespmem:s20+$0xFFFFFFE0];
	[tilespmem:s1+$0x40] =	vst v7  }
0x167: {  	v7 =	vld [tilespmem:s20+$0xFFFFFFF0];
	[tilespmem:s1+$0x50] =	vst v8;
	s1 =	smov.u32 s20  }
0x168: {  	v4 =	vld.idx.msk [tilespmem:v4+s4+$0x0], $0xffff  }
0x169: {  	v8 =	vld [tilespmem:s20+$0xFFFFFF80]  }
0x16a: {  	v9 =	vld [tilespmem:s20+$0xFFFFFFA0]  }
0x16b: {  	v10 =	vld [tilespmem:s20+$0xFFFFFF90]  }
0x16c: {  	v11 =	vld [tilespmem:s20+$0xFFFFFFC0]  }
0x16d: {  	v2 =	vld [tilespmem:s20+$0x10]  }
0x16e: {  	v7 =	vmul.f32 v7, v4;
	v8 =	vmul.f32 v8, v4  }
0x16f: {  	v5 =	vmul.f32 v5, v4;
	v9 =	vmul.f32 v9, v4  }
0x170: {  	v6 =	vmul.f32 v6, v4;
	v10 =	vmul.f32 v10, v4;
	[tilespmem:s20+$0xFFFFFFF0] =	vst v7  }
0x171: {  	v3 =	vmul.f32 v3, v4;
	[tilespmem:s20+$0xFFFFFF80] =	vst v8;
	v7 =	vmul.f32 v11, v4  }
0x172: {  	s6 =	sadd.s32 $0x1, s6;
	[tilespmem:s20+$0xFFFFFFA0] =	vst v9  }
0x173: {  	[tilespmem:s20+$0xFFFFFFB0] =	vst v6;
	v6 =	vmov s6  }
.Ltmp4:
0x174: {  	[tilespmem:s20+$0xFFFFFFD0] =	vst v3;
	(pc) =	sbr.rel @p0 .LBB2_12-.Ltmp4, $4  }
0x175: {  	[tilespmem:s20+$0xFFFFFF90] =	vst v10  }
0x176: {  	[tilespmem:s20+$0xFFFFFFE0] =	vst v5;
	v5 =	vld [tilespmem:s20+$0x30]  }
0x177: {  	[tilespmem:s20+$0xFFFFFFC0] =	vst v7;
	v4 =	vld [tilespmem:s20+$0x70]  }
0x178: {  	v3 =	vld.idx.msk [tilespmem:v6+s4+$0x0], $0xffff  }
0x179: {  	_ =	sdelay $0x1  }
0x17a: {  	v6 =	vld [tilespmem:s1+$0x20];
	_ =	sdelay $0x1  }
0x17b: {  	v7 =	vld [tilespmem:s1+$0x60];
	v1 =	vmul.f32 v1, v3  }
0x17c: {  	v8 =	vld [tilespmem:s1+$0x40];
	v5 =	vmul.f32 v5, v3  }
0x17d: {  	v9 =	vld [tilespmem:s1+$0x50];
	v2 =	vmul.f32 v2, v3;
	[tilespmem:s1+$0x0] =	vst v1  }
0x17e: {  	v63 =	vmul.f32 v6, v3;
	[tilespmem:s1+$0x30] =	vst v5  }
0x17f: {  	s19 =	sadd.s32 $0x1, s19;
	v1 =	vmul.f32 v4, v3;
	[tilespmem:s1+$0x10] =	vst v2  }
0x180: {  	p0 =	sne.s32 s19, $0xA;
	v2 =	vmul.f32 v7, v3;
	[tilespmem:s1+$0x20] =	vst v63  }
.Ltmp5:
0x181: {  	[tilespmem:s1+$0x70] =	vst v1;
	v1 =	vmul.f32 v8, v3;
	(pc) =	sbr.rel @p0 .LBB2_5-.Ltmp5, $4  }
0x182: {  	v3 =	vmul.f32 v9, v3;
	[tilespmem:s1+$0x60] =	vst v2  }
0x183: {  	[tilespmem:s1+$0x40] =	vst v1  }
0x184: {  	s28 =	sadd.s32 $0x15400, s15;
	[tilespmem:s1+$0x50] =	vst v3  }
0x185: {  	[spmem:s2] =	stream.indirect.scatter.add.f32 [tilespmem:s0], [sflag:$0x8], $0x80, s28, s26, $0xb8;
	[tilespmem:$0x1FC00] =	vst v63  }
0x186: {  	s17 =	sadd.s32 $0x1, s17  }
0x187: {  	_ =	swait.ge [sflag:s13], $0x2000;
	p0 =	sne.s32 s17, $0x4  }
.Ltmp6:
0x188: {  	[sflag:s13] =	ssyncset.done $0x0;
	(pc) =	sbr.rel @p0 .LBB2_4-.Ltmp6, $4  }
0x189: {  	[sflag:s13] =	ssyncadd.s32 $0xFFFFE000  }
0x18a: {  	_ =	swait.ge [sflag:s14], $0x2000  }
0x18b: {  	[sflag:s14] =	ssyncset.done $0x0  }
0x18c: {  	[sflag:s14] =	ssyncadd.s32 $0xFFFFE000  }
0x18d: {  	s1 =	stileid.u32;
	[bflag:$0x0] =	sbarrier.arrive $0xFFFF  }
0x18e: {  	s25 =	simm.s32 $0xA;
	s1 =	sshll.u32 s1, $0x6;
	s16 =	rddreg [dreg:$0x6]  }
0x18f: {  	s6 =	rddreg [dreg:$0x10];
	s1 =	sor.u32 $0x1C0A, s1;
	s4 =	sshrl.u32 s16, $0x3  }
0x190: {  	[hbm:s6], [sflag:s1] =	dma.local [spmem:s4], $0x2800  }
0x191: {  	_ =	swait.ge [sflag:s25], $0x2800  }
0x192: {  	s15 =	rddreg [dreg:$0x4]  }
0x193: {  	s28 =	rddreg [dreg:$0x11];
	s15 =	sadd.s32 $0x1, s15  }
0x194: {  	p0 =	sne.s32 s15, s28  }
.Ltmp7:
0x195: {  	_ = 	snop;
	(pc) =	sbr.rel @p0 .LBB2_1-.Ltmp7, $3  }
0x196: {  	_ =	sdelay $0x1  }
0x197: {  	[sflag:s25] =	ssyncset.done $0x0  }
0x198: {  	[sflag:s25] =	ssyncadd.s32 $0xFFFFD800  }
0x199: {  	_ =	sfence.sel $0x180000  }
0x19a: {  	[bflag:$0x0] =	sbarrier.arrive $0xFFFF  }
0x19b: {  	_ =	strace $0x9000004A  }
0x19c: {  	s0 =	stileid.u32;
	[bflag:$0x2] =	sbarrier.arrive $0xFFFF  }
0x19d: {  	p0 =	sne.s32 s0, $0x0;
	s0 =	rddreg [dreg:$0x3]  }
0x19e: {  	s0 =	sadd.s32 @!p0 $0x100000, s0  }
0x19f: {  	[sflag:s0] =	ssyncadd.tile.s32 @!p0 $0x1;
	_ =	shalt  }
.Lfunc_end2:
_tile_overlayer_lowered:
.L_overlay_start_2:
0x1a0: {  	(tag) =	ssettag $0x2  }
0x1a1: {  	s0 =	rddreg [dreg:$0x0];
	s2 =	stileid.u32  }
0x1a2: {  	s1 =	rddreg [dreg:$0x1];
	p0 =	sne.s32 s2, $0x0  }
0x1a3: {  	s3 =	rddreg [dreg:$0x2];
	[bflag:$0x3] =	sbarrier.arrive $0xFFFF;
	s2 =	simm.s32 @!p0 $0x1C0A  }
0x1a4: {  	[timem:s3], [sflag:s2] =	dma.local @!p0 [hbm:s0], s1  }
0x1a5: {  	s0 =	simm.s32 @!p0 $0xA  }
0x1a6: {  	_ =	swait.ge @!p0 [sflag:s0], s1  }
0x1a7: {  	s1 =	ssub.s32 @!p0 $0x0, s1;
	[sflag:s0] =	ssyncset.done @!p0 $0x0  }
0x1a8: {  	[sflag:s0] =	ssyncadd.s32 @!p0 s1  }
0x1a9: {  	[bflag:$0x3] =	sbarrier.arrive $0xFFFF  }
0x1aa: {  	_ =	shalt  }

// kernel: kernel.13.cloned.1.call-start
scs
__scs_entry_jumppad:
0x0: {  	(pc) =	sbr.rel $0x88, $3  }
0x1: {  	(tag) =	ssettag $0x0;
	lr =	simm.s32 $0x1  }
0x2: {  	[smem:$0x3F9C] =	sst lr;
	_ =	strace $0xD0000000  }
0x3: {  	_ = 	snop  }
0x4: {  	_ = 	snop  }
0x5: {  	_ = 	snop  }
0x6: {  	_ = 	snop  }
0x7: {  	_ = 	snop  }
__scs_overlays_trampoline_lowered:
0x8: {  	[smem:$0x3FAB] =	sst s0  }
0x9: {  	[smem:$0x3FAC] =	sst s1  }
0xa: {  	[smem:$0x3FAD] =	sst s2  }
0xb: {  	[smem:$0x3FAE] =	sst s3  }
0xc: {  	[smem:$0x3FAF] =	sst s4  }
0xd: {  	[smem:$0x3FB0] =	sst s5  }
0xe: {  	[smem:$0x3FB1] =	sst s6  }
0xf: {  	[smem:$0x3FB2] =	sst s7  }
0x10: {  	[smem:$0x3FB3] =	sst s8  }
0x11: {  	[smem:$0x3FB4] =	sst s9;
	s0 =	simm.s32 @!p0 $0x0  }
0x12: {  	s1 =	sld [smem:$0x3F9A];
	s0 =	simm.s32 @p0 $0x1  }
0x13: {  	[smem:$0x3FB5] =	sst s0;
	s0 =	simm.s32 @!p1 $0x0  }
0x14: {  	s2 =	sld [smem:$0x3F99];
	s0 =	simm.s32 @p1 $0x1  }
0x15: {  	[smem:$0x3FB6] =	sst s0;
	s0 =	simm.s32 @!p2 $0x0  }
0x16: {  	s3 =	sld [smem:$0x3FDB];
	s0 =	simm.s32 @p2 $0x1  }
0x17: {  	s4 =	simm.s32 $0x1BF5;
	[smem:$0x3FB8] =	sst s0  }
0x18: {  	s0 =	sld [smem:$0x3F9B];
	_ =	swait.ge [sflag:s4], $0x0  }
0x19: {  	s7 =	sld [smem:$0x3F9C]  }
0x1a: {  	s8 =	sadd.s32 $0xFFFFE003, lr  }
0x1b: {  	s9 =	sadd.s32 $0xFFFFFEF7, lr;
	s5 =	simm.s32 $0xFFFFFFFF;
	p2 =	slt.u32 s8, $0xFFFFF086  }
0x1c: {  	p1 =	slt.u32 s9, $0xF7A;
	s5 =	simm.s32 @!p2 $0x0  }
0x1d: {  	s5 =	simm.s32 @p1 $0x1;
	p0 =	seq.s32 s7, s2  }
0x1e: {  	s7 =	smul.u32 @!p0 $0xF7A, s2;
	p2 =	seq.s32 @!p0 s5, $0x0  }
0x1f: {  	s9 =	smul.u32 $0xF7A, s1;
	s8 =	simm.s32 @!p0 $0x1BF5;
	p2 =	por !p2, p0  }
0x20: {  	[sflag:s8] =	ssyncset.s32 @!p0 $0xFFFFF086;
	s6 =	sadd.s32 @!p0 s3, s7;
	s7 =	simm.s32 @!p0 $0x108  }
0x21: {  	s3 =	sadd.s32 s3, s9;
	s6 =	sadd.s32 @!p0 $0x88, s6;
	s7 =	simm.s32 @p2 $0x1082  }
0x22: {  	[simem:s7], [sflag:s8] =	dma.local @!p0 [hbm:s6], $0xF7A  }
0x23: {  	s9 =	sor.u32 $0xD0000000, s2;
	s6 =	simm.s32 $0x108;
	_ =	swait.ge @!p0 [sflag:s8], $0x0  }
0x24: {  	s3 =	sadd.s32 $0x88, s3;
	s6 =	simm.s32 @!p1 $0x1082;
	[sflag:s4] =	ssyncset.s32 $0xFFFFF086  }
0x25: {  	[simem:s6], [sflag:s4] =	dma.local [hbm:s3], $0xF7A  }
0x26: {  	[smem:$0x3F9C] =	sst s1;
	(tag) =	ssettag s2;
	_ =	strace s9  }
0x27: {  	s1 =	sld [smem:$0x3FAC]  }
0x28: {  	s2 =	sld [smem:$0x3FAD]  }
0x29: {  	s4 =	sld [smem:$0x3FAF]  }
0x2a: {  	p0 =	seq.s32 s5, $0x0;
	s5 =	sld [smem:$0x3FB0]  }
0x2b: {  	s6 =	sld [smem:$0x3FB1]  }
0x2c: {  	s7 =	sld [smem:$0x3FB2]  }
0x2d: {  	s3 =	simm.s32 $0x108;
	s8 =	sld [smem:$0x3FB3]  }
0x2e: {  	s3 =	simm.s32 @!p0 $0x1082;
	s9 =	sld [smem:$0x3FB4]  }
0x2f: {  	lr =	sadd.s32 s0, s3;
	s0 =	sld [smem:$0x3FAB]  }
0x30: {  	s3 =	sld [smem:$0x3FAE]  }
0x31: {  	[smem:$0x3FB7] =	sst s10  }
0x32: {  	s10 =	sld [smem:$0x3FB5];
	_ =	sdelay $0x3  }
0x33: {  	p0 =	seq.s32 s10, $0x1;
	s10 =	sld [smem:$0x3FB7];
	_ =	sdelay $0x3  }
0x34: {  	[smem:$0x3FB7] =	sst s10  }
0x35: {  	s10 =	sld [smem:$0x3FB6];
	_ =	sdelay $0x3  }
0x36: {  	p1 =	seq.s32 s10, $0x1;
	s10 =	sld [smem:$0x3FB7];
	_ =	sdelay $0x3  }
0x37: {  	[smem:$0x3FB7] =	sst s10  }
0x38: {  	s10 =	sld [smem:$0x3FB8]  }
0x39: {  	_ = 	snop;
	(pc) =	sbr.ind lr, $3  }
0x3a: {  	_ = 	snop  }
0x3b: {  	_ = 	snop  }
0x3c: {  	p2 =	seq.s32 s10, $0x1;
	s10 =	sld [smem:$0x3FB7]  }
0x3d: {  	_ =	shalt  }
0x3e: {  	_ =	shalt  }
0x3f: {  	_ =	shalt  }
0x40: {  	_ =	shalt  }
0x41: {  	_ =	shalt  }
0x42: {  	_ =	shalt  }
0x43: {  	_ =	shalt  }
0x44: {  	_ =	shalt  }
0x45: {  	_ =	shalt  }
0x46: {  	_ =	shalt  }
0x47: {  	_ =	shalt  }
0x48: {  	_ =	shalt  }
0x49: {  	_ =	shalt  }
0x4a: {  	_ =	shalt  }
0x4b: {  	_ =	shalt  }
0x4c: {  	_ =	shalt  }
0x4d: {  	_ =	shalt  }
0x4e: {  	_ =	shalt  }
0x4f: {  	_ =	shalt  }
0x50: {  	_ =	shalt  }
0x51: {  	_ =	shalt  }
0x52: {  	_ =	shalt  }
0x53: {  	_ =	shalt  }
0x54: {  	_ =	shalt  }
0x55: {  	_ =	shalt  }
0x56: {  	_ =	shalt  }
0x57: {  	_ =	shalt  }
0x58: {  	_ =	shalt  }
0x59: {  	_ =	shalt  }
0x5a: {  	_ =	shalt  }
0x5b: {  	_ =	shalt  }
0x5c: {  	_ =	shalt  }
0x5d: {  	_ =	shalt  }
0x5e: {  	_ =	shalt  }
0x5f: {  	_ =	shalt  }
0x60: {  	_ =	shalt  }
0x61: {  	_ =	shalt  }
0x62: {  	_ =	shalt  }
0x63: {  	_ =	shalt  }
0x64: {  	_ =	shalt  }
0x65: {  	_ =	shalt  }
0x66: {  	_ =	shalt  }
0x67: {  	_ =	shalt  }
0x68: {  	_ =	shalt  }
0x69: {  	_ =	shalt  }
0x6a: {  	_ =	shalt  }
0x6b: {  	_ =	shalt  }
0x6c: {  	_ =	shalt  }
0x6d: {  	_ =	shalt  }
0x6e: {  	_ =	shalt  }
0x6f: {  	_ =	shalt  }
0x70: {  	_ =	shalt  }
0x71: {  	_ =	shalt  }
0x72: {  	_ =	shalt  }
0x73: {  	_ =	shalt  }
0x74: {  	_ =	shalt  }
0x75: {  	_ =	shalt  }
0x76: {  	_ =	shalt  }
0x77: {  	_ =	shalt  }
0x78: {  	_ =	shalt  }
0x79: {  	_ =	shalt  }
0x7a: {  	_ =	shalt  }
0x7b: {  	_ =	shalt  }
0x7c: {  	_ =	shalt  }
0x7d: {  	_ =	shalt  }
0x7e: {  	_ =	shalt  }
0x7f: {  	_ =	shalt  }
0x80: {  	_ =	shalt  }
0x81: {  	_ =	shalt  }
0x82: {  	_ =	shalt  }
0x83: {  	_ =	shalt  }
0x84: {  	_ =	shalt  }
0x85: {  	_ =	shalt  }
0x86: {  	_ =	shalt  }
0x87: {  	_ =	shalt  }
.Lfunc_end0:
.L_simem_size_0:
called_computation.2_lowered:
.L_overlay_start_0:
0x88: {  	s2 =	sld [smem:$0x3FD9]  }
0x89: {  	s3 =	sld [smem:$0x3FFE];
	_ =	sdelay $0x1  }
0x8a: {  	s1 =	srdreg.scid  }
0x8b: {  	s0 =	sand.u32 $0x1, s1  }
0x8c: {  	s17 =	sshll.u32 s0, $0xA;
	s2 =	sadd.s32 s3, s2  }
0x8d: {  	s2 =	sadd.s32 s2, s17  }
0x8e: {  	[smem:$0x3FC3] =	sst s2  }
0x8f: {  	_ = 	snop  }
0x90: {  	s2 =	sld [smem:$0x3FD0];
	(tm) =	ssettm $0x1  }
0x91: {  	s18 =	sld [smem:$0x3FFB];
	_ =	sdelay $0x3  }
0x92: {  	_ =	strace s18  }
0x93: {  	s3 =	sld [smem:$0x3FFC];
	_ =	sdelay $0x3  }
0x94: {  	_ =	strace s3  }
0x95: {  	s3 =	sld [smem:$0x3FFD];
	_ =	sdelay $0x3  }
0x96: {  	_ =	strace s3  }
0x97: {  	_ =	strace $0x8FFFFFFF  }
0x98: {  	s19 =	sld [smem:$0x3FDB];
	_ =	sdelay $0x1  }
0x99: {  	s4 =	simm.s32 $_scs_section_size  }
0x9a: {  	s5 =	simm.s32 $_size__tile_overlayer_lowered;
	s6 =	simm.s32 $_tile_overlayer_lowered  }
0x9b: {  	s22 =	simm.s32 $0x1BFF;
	s21 =	sshll.u32 s6, $0x1;
	s3 =	sadd.s32 s4, s19  }
0x9c: {  	s7 =	simm.s32 $0x0;
	s20 =	sshll.u32 s5, $0x1;
	s5 =	sadd.s32 s21, s3  }
0x9d: {  	[timem:s7], [sflag:s22] =	dma.local [hbm:s5], s20  }
0x9e: {  	_ =	swait.ge [sflag:s22], s20  }
0x9f: {  	s4 =	ssub.s32 $0x0, s20;
	[sflag:s22] =	ssyncset.done $0x0  }
0xa0: {  	[sflag:s22] =	ssyncadd.s32 s4;
	_ =	sdelay $0x1  }
0xa1: {  	s23 =	simm.s32 $0x1B8B  }
0xa2: {  	_ =	swait.ge [sflag:s23], $0x1  }
0xa3: {  	[sflag:s23] =	ssyncset.done $0x0  }
0xa4: {  	s25 =	simm.s32 $0x1B8E;
	s24 =	sld [smem:$0x3FFE];
	[sflag:s23] =	ssyncadd.s32 $0xFFFFFFFF  }
0xa5: {  	s26 =	simm.s32 $execute0_lowered;
	[smem:$0x3FD2] =	sst s25  }
0xa6: {  	s5 =	sshll.u32 s26, $0x1;
	_ =	strace $0x8000004C;
	[dreg:$0x1] =	wrdreg $0xFFFFFFFF  }
0xa7: {  	s28 =	simm.s32 $_size_execute0_lowered;
	s3 =	sadd.s32 s3, s5;
	[dreg:$0x0] =	wrdreg $0x0  }
0xa8: {  	s5 =	sshll.u32 s28, $0x1;
	[dreg:$0x2] =	wrdreg s3  }
0xa9: {  	[dreg:$0x3] =	wrdreg s5  }
0xaa: {  	[dreg:$0x4] =	wrdreg $0xC0  }
0xab: {  	_ =	task [dreg:s7], $0x5FFFF  }
0xac: {  	[dreg:$0x1] =	wrdreg $0xFFFFFFFF  }
0xad: {  	[dreg:$0x0] =	wrdreg $0x60  }
0xae: {  	[dreg:$0x2] =	wrdreg s24  }
0xaf: {  	[dreg:$0x3] =	wrdreg s2  }
0xb0: {  	[dreg:$0x4] =	wrdreg $0x0  }
0xb1: {  	[dreg:$0x5] =	wrdreg $0x9  }
0xb2: {  	_ =	task.clear_ibuf [dreg:s7], $0x6FFFF;
	_ =	strace $0x9000004C  }
0xb3: {  	s29 =	simm.s32 $0x9;
	_ =	strace $0x8000004E  }
0xb4: {  	_ =	swait.ge [sflag:s29], $0x1  }
0xb5: {  	[sflag:s29] =	ssyncadd.s32 $0xFFFFFFFF  }
0xb6: {  	_ =	strace $0x9000004E  }
0xb7: {  	_ =	sfence  }
0xb8: {  	s30 =	sld [smem:$0x0];
	_ =	sdelay $0x2  }
0xb9: {  	s31 =	sshll.u32 s1, $0xD;
	s1 =	sshrl.u32 s1, $0x2  }
0xba: {  	s3 =	sand.u32 $0x4000, s31;
	s1 =	sadd.s32 s1, s30  }
0xbb: {  	s0 =	sor.u32 s3, s0;
	s1 =	sshll.u32 s1, $0x11  }
0xbc: {  	s0 =	sor.u32 s1, s0  }
0xbd: {  	s0 =	sadd.s32 $0x8F2B, s0  }
0xbe: {  	[sflag:s0] =	ssyncadd.remote.s32 $0x1  }
0xbf: {  	_ =	sfence.sel $0xFFFF  }
0xc0: {  	[dreg:$0x0] =	wrdreg $0xFFFFFFFF;
	(pc) =	sbr.abs _section_cstart, $3  }
0xc1: {  	[dreg:$0x1] =	wrdreg $0xFFFFFFFF  }
0xc2: {  	_ =	task.clear_ibuf [dreg:s7], $0x2FFFF;
	_ =	strace $0x9FFFFFFF  }
0xc3: {  	(tm) =	ssettm $0x7FFFFFFF  }
tec
execute0_lowered:
.L_overlay_start_1:
0x0: {  	(tag) =	ssettag $0x1  }
0x1: {  	s0 =	rddreg [dreg:$0x0]  }
0x2: {  	s2 =	rddreg [dreg:$0x2];
	s1 =	srdreg.scid;
	s15 =	simm.s32 $0x0  }
0x3: {  	s8 =	stileid.u32;
	s29 =	simm.s32 $0x19C00;
	s30 =	simm.s32 $0x1BC00  }
0x4: {  	s31 =	simm.s32 $0x1;
	s9 =	simm.s32 $0x5;
	s4 =	smul.u32 $0x14000, s8  }
0x5: {  	s10 =	simm.s32 $0x3;
	s1 =	sand.u32 $0x1, s1;
	s16 =	smul.u32 $0x50000, s8  }
0x6: {  	s11 =	simm.s32 $0x6;
	s12 =	simm.s32 $0x4;
	s3 =	smul.u32 $0x140000, s1  }
0x7: {  	s13 =	simm.s32 $0x7;
	s14 =	simm.s32 $0x8;
	[smem:$0x7FF] =	sst s15  }
0x8: {  	s6 =	sadd.s32 $0x2AC00, s0;
	s3 =	sadd.s32 s4, s3;
	s4 =	sshrl.u32 s16, $0x2  }
0x9: {  	_ =	strace $0x8000004D;
	[dreg:$0x5] =	wrdreg s6;
	s16 =	sadd.s32 s4, s2  }
0xa: {  	s5 =	sadd.s32 $0x3EC00, s0;
	s4 =	sadd.s32 $0x2000, s16;
	[dreg:$0x6] =	wrdreg s16  }
0xb: {  	s7 =	sadd.s32 $0x2600, s0;
	s19 =	sadd.s32 $0x4000, s16;
	[dreg:$0x7] =	wrdreg s4  }
0xc: {  	s8 =	sshll.u32 s8, $0x1;
	s20 =	sadd.s32 $0x6000, s16;
	[dreg:$0x8] =	wrdreg s19  }
0xd: {  	s17 =	ssub.s32 $0x2, s1;
	s21 =	sadd.s32 $0x8000, s16;
	[dreg:$0x9] =	wrdreg s20  }
0xe: {  	s1 =	sor.u32 s1, s8;
	s22 =	sadd.s32 $0xA000, s16;
	[dreg:$0xa] =	wrdreg s21  }
0xf: {  	s18 =	sshrl.u32 s17, $0x1;
	s23 =	sadd.s32 $0xC000, s16;
	[dreg:$0xb] =	wrdreg s22  }
0x10: {  	s3 =	sshrl.u32 s3, $0x3;
	s24 =	sadd.s32 $0xE000, s16;
	[dreg:$0xc] =	wrdreg s23  }
0x11: {  	s0 =	sadd.s32 s3, s0;
	s25 =	sadd.s32 $0x10000, s16;
	[dreg:$0xd] =	wrdreg s24  }
0x12: {  	s3 =	ssub.s32 s17, s18;
	s26 =	sadd.s32 $0x12000, s16;
	[dreg:$0xe] =	wrdreg s25  }
0x13: {  	s18 =	smul.u32 $0x5000, s1;
	[dreg:$0xf] =	wrdreg s26;
	s0 =	sadd.s32 $0x66C00, s0  }
0x14: {  	s28 =	smax.u32 s3, $0x1;
	s21 =	simm.s32 $0x17C00;
	s22 =	simm.s32 $0x9  }
0x15: {  	s23 =	simm.s32 $0x14000;
	s26 =	simm.s32 $0x40;
	[dreg:$0x10] =	wrdreg s0  }
0x16: {  	v0 =	vimm.f32 $0.0e+00;
	s3 =	simm.s32 $0x2;
	[dreg:$0x11] =	wrdreg s28;
	s0 =	simm.s32 $0x1DC00  }
.LBB2_1:
0x17: {  	[dreg:$0x4] =	wrdreg s15;
	s1 =	simm.s32 $0x0;
	s4 =	simm.s32 $0x200  }
.LBB2_2:
0x18: {  	p0 =	sne.s32 s4, $0x7E00;
	[tilespmem:s1+$0x17C70] =	vst v0  }
0x19: {  	[tilespmem:s1+$0x17C00] =	vst v0  }
0x1a: {  	[tilespmem:s1+$0x17C10] =	vst v0  }
.Ltmp0:
0x1b: {  	[tilespmem:s1+$0x17C20] =	vst v0;
	(pc) =	sbr.rel @p0 .LBB2_2-.Ltmp0, $4  }
0x1c: {  	[tilespmem:s1+$0x17C30] =	vst v0  }
0x1d: {  	[tilespmem:s1+$0x17C40] =	vst v0  }
0x1e: {  	[tilespmem:s1+$0x17C50] =	vst v0  }
0x1f: {  	[tilespmem:s1+$0x17C60] =	vst v0;
	s1 =	sshra.s32 s4, $0x2;
	s4 =	sadd.s32 $0x200, s4  }
0x20: {  	[tilespmem:s1+$0x17C70] =	vst v0  }
0x21: {  	[tilespmem:s1+$0x17C00] =	vst v0  }
0x22: {  	[tilespmem:s1+$0x17C10] =	vst v0  }
0x23: {  	[tilespmem:s1+$0x17C20] =	vst v0  }
0x24: {  	[tilespmem:s1+$0x17C30] =	vst v0  }
0x25: {  	[tilespmem:s1+$0x17C40] =	vst v0  }
0x26: {  	[tilespmem:s1+$0x17C50] =	vst v0  }
0x27: {  	[tilespmem:s1+$0x17C60] =	vst v0  }
0x28: {  	[spmem:s16] =	stream.linear.scatter [tilespmem:s21], [sflag:$0x9], $0x2000, $0x38;
	[tilespmem:$0x1FC00] =	vst v63  }
0x29: {  	s8 =	rddreg [dreg:$0x7]  }
0x2a: {  	[spmem:s8] =	stream.linear.scatter [tilespmem:s21], [sflag:$0x9], $0x2000, $0x38;
	[tilespmem:$0x1FC00] =	vst v63  }
0x2b: {  	s15 =	rddreg [dreg:$0x8]  }
0x2c: {  	[spmem:s15] =	stream.linear.scatter [tilespmem:s21], [sflag:$0x9], $0x2000, $0x38;
	[tilespmem:$0x1FC00] =	vst v63  }
0x2d: {  	s16 =	rddreg [dreg:$0x9]  }
0x2e: {  	[spmem:s16] =	stream.linear.scatter [tilespmem:s21], [sflag:$0x9], $0x2000, $0x38;
	[tilespmem:$0x1FC00] =	vst v63  }
0x2f: {  	s17 =	rddreg [dreg:$0xa]  }
0x30: {  	[spmem:s17] =	stream.linear.scatter [tilespmem:s21], [sflag:$0x9], $0x2000, $0x38;
	[tilespmem:$0x1FC00] =	vst v63  }
0x31: {  	s19 =	rddreg [dreg:$0xb]  }
0x32: {  	[spmem:s19] =	stream.linear.scatter [tilespmem:s21], [sflag:$0x9], $0x2000, $0x38;
	[tilespmem:$0x1FC00] =	vst v63  }
0x33: {  	s20 =	rddreg [dreg:$0xc]  }
0x34: {  	[spmem:s20] =	stream.linear.scatter [tilespmem:s21], [sflag:$0x9], $0x2000, $0x38;
	[tilespmem:$0x1FC00] =	vst v63  }
0x35: {  	s24 =	rddreg [dreg:$0xd]  }
0x36: {  	[spmem:s24] =	stream.linear.scatter [tilespmem:s21], [sflag:$0x9], $0x2000, $0x38;
	[tilespmem:$0x1FC00] =	vst v63  }
0x37: {  	s25 =	rddreg [dreg:$0xe]  }
0x38: {  	[spmem:s25] =	stream.linear.scatter [tilespmem:s21], [sflag:$0x9], $0x2000, $0x38;
	[tilespmem:$0x1FC00] =	vst v63  }
0x39: {  	s28 =	rddreg [dreg:$0xf]  }
0x3a: {  	[spmem:s28] =	stream.linear.scatter [tilespmem:s21], [sflag:$0x9], $0x2000, $0x38;
	[tilespmem:$0x1FC00] =	vst v63  }
0x3b: {  	_ =	swait.ge [sflag:s22], $0x2000  }
0x3c: {  	[sflag:s22] =	ssyncset.done $0x0  }
0x3d: {  	[sflag:s22] =	ssyncadd.s32 $0xFFFFE000  }
0x3e: {  	_ =	swait.ge [sflag:s22], $0x2000  }
0x3f: {  	[sflag:s22] =	ssyncset.done $0x0  }
0x40: {  	[sflag:s22] =	ssyncadd.s32 $0xFFFFE000  }
0x41: {  	_ =	swait.ge [sflag:s22], $0x2000  }
0x42: {  	[sflag:s22] =	ssyncset.done $0x0  }
0x43: {  	[sflag:s22] =	ssyncadd.s32 $0xFFFFE000  }
0x44: {  	_ =	swait.ge [sflag:s22], $0x2000  }
0x45: {  	[sflag:s22] =	ssyncset.done $0x0  }
0x46: {  	[sflag:s22] =	ssyncadd.s32 $0xFFFFE000  }
0x47: {  	_ =	swait.ge [sflag:s22], $0x2000  }
0x48: {  	[sflag:s22] =	ssyncset.done $0x0  }
0x49: {  	[sflag:s22] =	ssyncadd.s32 $0xFFFFE000  }
0x4a: {  	_ =	swait.ge [sflag:s22], $0x2000  }
0x4b: {  	[sflag:s22] =	ssyncset.done $0x0  }
0x4c: {  	[sflag:s22] =	ssyncadd.s32 $0xFFFFE000  }
0x4d: {  	_ =	swait.ge [sflag:s22], $0x2000  }
0x4e: {  	[sflag:s22] =	ssyncset.done $0x0  }
0x4f: {  	[sflag:s22] =	ssyncadd.s32 $0xFFFFE000  }
0x50: {  	_ =	swait.ge [sflag:s22], $0x2000  }
0x51: {  	[sflag:s22] =	ssyncset.done $0x0  }
0x52: {  	[sflag:s22] =	ssyncadd.s32 $0xFFFFE000  }
0x53: {  	_ =	swait.ge [sflag:s22], $0x2000  }
0x54: {  	[sflag:s22] =	ssyncset.done $0x0  }
0x55: {  	[sflag:s22] =	ssyncadd.s32 $0xFFFFE000  }
0x56: {  	_ =	swait.ge [sflag:s22], $0x2000  }
0x57: {  	[sflag:s22] =	ssyncset.done $0x0  }
0x58: {  	[sflag:s22] =	ssyncadd.s32 $0xFFFFE000  }
0x59: {  	s16 =	simm.s32 $0x0;
	s17 =	simm.s32 $0x0;
	[bflag:$0x0] =	sbarrier.arrive $0xFFFF  }
.LBB2_4:
0x5a: {  	s1 =	smul.u32 $0x1400, s17;
	_ =	sdelay $0x1  }
0x5b: {  	s1 =	sadd.s32 s18, s1  }
0x5c: {  	s4 =	rddreg [dreg:$0x1];
	s1 =	sshrl.u32 s1, $0x3  }
0x5d: {  	s24 =	rddreg [dreg:$0x5];
	s4 =	sadd.s32 s4, s1  }
0x5e: {  	[tilespmem:s23], [sflag:$0x9] =	stream.linear.gather [hbm4b:s4+s16], $0x1400, $0x38;
	[tilespmem:$0x1FC00] =	vst v63  }
0x5f: {  	s6 =	simm.s32 $0x15400;
	s4 =	sadd.s32 s24, s1  }
0x60: {  	[tilespmem:s6], [sflag:$0x9] =	stream.linear.gather [hbm4b:s4+s16], $0x1400, $0x38;
	[tilespmem:$0x1FC00] =	vst v63  }
0x61: {  	s25 =	simm.s32 $0x16800;
	s1 =	sadd.s32 s7, s1  }
0x62: {  	[tilespmem:s25], [sflag:$0x9] =	stream.linear.gather [hbm4b:s1+s16], $0x1400, $0x38;
	[tilespmem:$0x1FC00] =	vst v63  }
0x63: {  	_ =	swait.ge [sflag:s22], $0x1400  }
0x64: {  	[sflag:s22] =	ssyncset.done $0x0  }
0x65: {  	[sflag:s22] =	ssyncadd.s32 $0xFFFFEC00  }
0x66: {  	_ =	swait.ge [sflag:s22], $0x1400  }
0x67: {  	[sflag:s22] =	ssyncset.done $0x0  }
0x68: {  	[sflag:s22] =	ssyncadd.s32 $0xFFFFEC00  }
0x69: {  	_ =	swait.ge [sflag:s22], $0x1400  }
0x6a: {  	[sflag:s22] =	ssyncset.done $0x0  }
0x6b: {  	[sflag:s22] =	ssyncadd.s32 $0xFFFFEC00  }
0x6c: {  	[tilespmem:s21], [sflag:$0x1] =	stream.indirect.gather [hbm4b:s5+s26], $0x80, s23, s26, $0xb8;
	[tilespmem:$0x1FC00] =	vst v63  }
0x6d: {  	s28 =	simm.s32 $0x14080;
	s19 =	simm.s32 $0x0  }
0x6e: {  	[tilespmem:s29], [sflag:$0x2] =	stream.indirect.gather [hbm4b:s5+s26], $0x80, s28, s26, $0xb8;
	[tilespmem:$0x1FC00] =	vst v63  }
.LBB2_5:
0x6f: {  	p0 =	seq.s32 s19, $0x0  }
0x70: {  	s4 =	simm.s32 $0x0;
	s1 =	simm.s32 @!p0 $0x7  }
0x71: {  	v1 =	vmov s4;
	_ =	swait.ge @!p0 [sflag:s1], $0x2000  }
0x72: {  	s15 =	sshll.u32 s19, $0x9;
	v1 =	vand.u32 $0xFFFFFFFE, v1;
	[sflag:s1] =	ssyncset.done @!p0 $0x0  }
0x73: {  	s25 =	sadd.s32 $0x14100, s15;
	v2 =	vbroadcast v1, $0x0;
	[sflag:s1] =	ssyncadd.s32 @!p0 $0xFFFFE000  }
0x74: {  	[tilespmem:s30], [sflag:$0x3] =	stream.indirect.gather [hbm4b:s5+s26], $0x80, s25, s26, $0xb8;
	[tilespmem:$0x1FC00] =	vst v63  }
0x75: {  	_ =	swait.ge [sflag:s31], $0x2000  }
0x76: {  	s8 =	sshll.u32 s19, $0xB;
	[sflag:s31] =	ssyncset.done $0x0  }
0x77: {  	s4 =	simm.s32 $0x17C80;
	s1 =	sshra.s32 s8, $0x2;
	[sflag:s31] =	ssyncadd.s32 $0xFFFFE000  }
0x78: {  	s24 =	sadd.s32 $0x16800, s1;
	v5 =	vld [tilespmem:s4+$0xFFFFFFF0]  }
0x79: {  	v6 =	vld.idx.msk [tilespmem:v2+s24+$0x0], $0xffff  }
0x7a: {  	v7 =	vld [tilespmem:s4+$0xFFFFFF80]  }
0x7b: {  	v8 =	vld [tilespmem:s4+$0xFFFFFFA0]  }
0x7c: {  	v4 =	vld [tilespmem:s4+$0xFFFFFFB0]  }
0x7d: {  	v3 =	vld [tilespmem:s4+$0xFFFFFFD0]  }
0x7e: {  	v10 =	vld [tilespmem:s4+$0xFFFFFF90];
	v5 =	vmul.f32 v5, v6  }
0x7f: {  	v9 =	vld [tilespmem:s4+$0xFFFFFFE0];
	v7 =	vmul.f32 v7, v6  }
0x80: {  	v11 =	vld [tilespmem:s4+$0xFFFFFFC0];
	v8 =	vmul.f32 v8, v6;
	[tilespmem:s4+$0xFFFFFFF0] =	vst v5  }
0x81: {  	v4 =	vmul.f32 v4, v6;
	[tilespmem:s4+$0xFFFFFF80] =	vst v7  }
0x82: {  	s6 =	simm.s32 $0x1;
	v3 =	vmul.f32 v3, v6;
	[tilespmem:s4+$0xFFFFFFA0] =	vst v8  }
0x83: {  	v5 =	vmul.f32 v10, v6;
	[tilespmem:s4+$0xFFFFFFB0] =	vst v4;
	v7 =	vmov s6  }
0x84: {  	v1 =	vld [tilespmem:s4+$0x0];
	v4 =	vmul.f32 v9, v6;
	[tilespmem:s4+$0xFFFFFFD0] =	vst v3  }
0x85: {  	v2 =	vld [tilespmem:s4+$0x10];
	v3 =	vmul.f32 v11, v6;
	[tilespmem:s4+$0xFFFFFF90] =	vst v5  }
0x86: {  	[tilespmem:s4+$0xFFFFFFE0] =	vst v4;
	v5 =	vld [tilespmem:s4+$0x30]  }
0x87: {  	[tilespmem:s4+$0xFFFFFFC0] =	vst v3;
	v4 =	vld [tilespmem:s4+$0x70]  }
0x88: {  	s28 =	simm.s32 $0x17C80;
	s20 =	sor.u32 $0x100, s15;
	s25 =	simm.s32 $0x2;
	v3 =	vld.idx.msk [tilespmem:v7+s24+$0x0], $0xffff  }
.LBB2_6:
0x89: {  	p1 =	slt.u32 s25, $0x3E  }
0x8a: {  	v6 =	vld [tilespmem:s4+$0x20];
	s28 =	sadd.s32 $0x100, s28;
	s6 =	smov.u32 s25;
	s25 =	sadd.s32 $0x2, s25  }
0x8b: {  	v7 =	vld [tilespmem:s4+$0x40]  }
0x8c: {  	v8 =	vld [tilespmem:s4+$0x50]  }
0x8d: {  	v9 =	vld [tilespmem:s4+$0x60];
	_ =	sdelay $0x1  }
0x8e: {  	v1 =	vmul.f32 v1, v3;
	v2 =	vmul.f32 v2, v3  }
0x8f: {  	v5 =	vmul.f32 v5, v3;
	v6 =	vmul.f32 v6, v3  }
0x90: {  	v10 =	vmov s6;
	v7 =	vmul.f32 v7, v3;
	[tilespmem:s4+$0x0] =	vst v1;
	v8 =	vmul.f32 v8, v3  }
0x91: {  	v10 =	vand.u32 $0xFFFFFFFE, v10;
	v1 =	vld [tilespmem:s28+$0x0];
	[tilespmem:s4+$0x30] =	vst v5;
	v5 =	vmul.f32 v9, v3;
	v3 =	vmul.f32 v4, v3  }
0x92: {  	v4 =	vbroadcast v10, $0x0;
	[tilespmem:s4+$0x10] =	vst v2  }
0x93: {  	[tilespmem:s4+$0x70] =	vst v3  }
0x94: {  	v3 =	vld [tilespmem:s28+$0xFFFFFFD0];
	[tilespmem:s4+$0x20] =	vst v6  }
0x95: {  	v6 =	vld [tilespmem:s28+$0xFFFFFFB0];
	[tilespmem:s4+$0x60] =	vst v5  }
0x96: {  	v5 =	vld [tilespmem:s28+$0xFFFFFFE0];
	[tilespmem:s4+$0x40] =	vst v7  }
0x97: {  	v7 =	vld [tilespmem:s28+$0xFFFFFFF0];
	[tilespmem:s4+$0x50] =	vst v8;
	s4 =	smov.u32 s28  }
0x98: {  	v4 =	vld.idx.msk [tilespmem:v4+s24+$0x0], $0xffff  }
0x99: {  	v8 =	vld [tilespmem:s28+$0xFFFFFF80]  }
0x9a: {  	v9 =	vld [tilespmem:s28+$0xFFFFFFA0]  }
0x9b: {  	v10 =	vld [tilespmem:s28+$0xFFFFFF90]  }
0x9c: {  	v11 =	vld [tilespmem:s28+$0xFFFFFFC0]  }
0x9d: {  	v2 =	vld [tilespmem:s28+$0x10]  }
0x9e: {  	v7 =	vmul.f32 v7, v4;
	v8 =	vmul.f32 v8, v4  }
0x9f: {  	v5 =	vmul.f32 v5, v4;
	v9 =	vmul.f32 v9, v4  }
0xa0: {  	v6 =	vmul.f32 v6, v4;
	v10 =	vmul.f32 v10, v4;
	[tilespmem:s28+$0xFFFFFFF0] =	vst v7  }
0xa1: {  	v3 =	vmul.f32 v3, v4;
	[tilespmem:s28+$0xFFFFFF80] =	vst v8;
	v7 =	vmul.f32 v11, v4  }
0xa2: {  	s6 =	sadd.s32 $0x1, s6;
	[tilespmem:s28+$0xFFFFFFA0] =	vst v9  }
0xa3: {  	[tilespmem:s28+$0xFFFFFFB0] =	vst v6;
	v6 =	vmov s6  }
.Ltmp1:
0xa4: {  	[tilespmem:s28+$0xFFFFFFD0] =	vst v3;
	(pc) =	sbr.rel @p1 .LBB2_6-.Ltmp1, $4  }
0xa5: {  	[tilespmem:s28+$0xFFFFFF90] =	vst v10  }
0xa6: {  	[tilespmem:s28+$0xFFFFFFE0] =	vst v5;
	v5 =	vld [tilespmem:s28+$0x30]  }
0xa7: {  	[tilespmem:s28+$0xFFFFFFC0] =	vst v7;
	v4 =	vld [tilespmem:s28+$0x70]  }
0xa8: {  	v3 =	vld.idx.msk [tilespmem:v6+s24+$0x0], $0xffff  }
0xa9: {  	_ =	sdelay $0x2  }
0xaa: {  	v6 =	vld [tilespmem:s4+$0x20]  }
0xab: {  	v7 =	vld [tilespmem:s4+$0x60];
	v1 =	vmul.f32 v1, v3  }
0xac: {  	v8 =	vld [tilespmem:s4+$0x40];
	v5 =	vmul.f32 v5, v3  }
0xad: {  	v9 =	vld [tilespmem:s4+$0x50];
	v2 =	vmul.f32 v2, v3;
	[tilespmem:s4+$0x0] =	vst v1  }
0xae: {  	[tilespmem:s4+$0x30] =	vst v5;
	v1 =	vmul.f32 v4, v3  }
0xaf: {  	v4 =	vmul.f32 v6, v3;
	[tilespmem:s4+$0x10] =	vst v2  }
0xb0: {  	v2 =	vmul.f32 v7, v3;
	[tilespmem:s4+$0x70] =	vst v1  }
0xb1: {  	v1 =	vmul.f32 v8, v3;
	[tilespmem:s4+$0x20] =	vst v4  }
0xb2: {  	v3 =	vmul.f32 v9, v3;
	[tilespmem:s4+$0x60] =	vst v2  }
0xb3: {  	[tilespmem:s4+$0x40] =	vst v1  }
0xb4: {  	s1 =	sadd.s32 $0x15400, s1;
	[tilespmem:s4+$0x50] =	vst v3  }
0xb5: {  	[spmem:s2] =	stream.indirect.scatter.add.f32 [tilespmem:s21], [sflag:$0x5], $0x80, s1, s26, $0xb8;
	[tilespmem:$0x1FC00] =	vst v63  }
0xb6: {  	s24 =	simm.s32 $0x0;
	s1 =	simm.s32 @!p0 $0x8  }
0xb7: {  	v1 =	vmov s24;
	_ =	swait.ge @!p0 [sflag:s1], $0x2000  }
0xb8: {  	v1 =	vand.u32 $0xFFFFFFFE, v1;
	[sflag:s1] =	ssyncset.done @!p0 $0x0  }
0xb9: {  	s6 =	sadd.s32 $0x14180, s15;
	v2 =	vbroadcast v1, $0x0;
	[sflag:s1] =	ssyncadd.s32 @!p0 $0xFFFFE000  }
0xba: {  	[tilespmem:s0], [sflag:$0x4] =	stream.indirect.gather [hbm4b:s5+s26], $0x80, s6, s26, $0xb8;
	[tilespmem:$0x1FC00] =	vst v63  }
0xbb: {  	_ =	swait.ge [sflag:s3], $0x2000  }
0xbc: {  	s25 =	sor.u32 $0x200, s8;
	[sflag:s3] =	ssyncset.done $0x0  }
0xbd: {  	s4 =	simm.s32 $0x19C80;
	s1 =	sshra.s32 s25, $0x2;
	[sflag:s3] =	ssyncadd.s32 $0xFFFFE000  }
0xbe: {  	s24 =	sadd.s32 $0x16800, s1;
	v5 =	vld [tilespmem:s4+$0xFFFFFFF0]  }
0xbf: {  	v6 =	vld.idx.msk [tilespmem:v2+s24+$0x0], $0xffff  }
0xc0: {  	v7 =	vld [tilespmem:s4+$0xFFFFFF80]  }
0xc1: {  	v62 =	vld [tilespmem:s4+$0xFFFFFFA0]  }
0xc2: {  	v4 =	vld [tilespmem:s4+$0xFFFFFFB0]  }
0xc3: {  	v3 =	vld [tilespmem:s4+$0xFFFFFFD0]  }
0xc4: {  	v10 =	vld [tilespmem:s4+$0xFFFFFF90];
	v5 =	vmul.f32 v5, v6  }
0xc5: {  	v63 =	vld [tilespmem:s4+$0xFFFFFFE0];
	v7 =	vmul.f32 v7, v6  }
0xc6: {  	v11 =	vld [tilespmem:s4+$0xFFFFFFC0];
	v8 =	vmul.f32 v62, v6;
	[tilespmem:s4+$0xFFFFFFF0] =	vst v5  }
0xc7: {  	v4 =	vmul.f32 v4, v6;
	[tilespmem:s4+$0xFFFFFF80] =	vst v7  }
0xc8: {  	s6 =	simm.s32 $0x1;
	v3 =	vmul.f32 v3, v6;
	[tilespmem:s4+$0xFFFFFFA0] =	vst v8  }
0xc9: {  	v5 =	vmul.f32 v10, v6;
	[tilespmem:s4+$0xFFFFFFB0] =	vst v4;
	v7 =	vmov s6  }
0xca: {  	v1 =	vld [tilespmem:s4+$0x0];
	v4 =	vmul.f32 v63, v6;
	[tilespmem:s4+$0xFFFFFFD0] =	vst v3  }
0xcb: {  	v2 =	vld [tilespmem:s4+$0x10];
	v3 =	vmul.f32 v11, v6;
	[tilespmem:s4+$0xFFFFFF90] =	vst v5  }
0xcc: {  	[tilespmem:s4+$0xFFFFFFE0] =	vst v4;
	v5 =	vld [tilespmem:s4+$0x30]  }
0xcd: {  	[tilespmem:s4+$0xFFFFFFC0] =	vst v3;
	v4 =	vld [tilespmem:s4+$0x70]  }
0xce: {  	s15 =	sor.u32 $0x180, s15;
	s28 =	simm.s32 $0x19C80;
	s25 =	simm.s32 $0x2;
	v3 =	vld.idx.msk [tilespmem:v7+s24+$0x0], $0xffff  }
.LBB2_8:
0xcf: {  	p0 =	slt.u32 s25, $0x3E  }
0xd0: {  	v6 =	vld [tilespmem:s4+$0x20];
	s28 =	sadd.s32 $0x100, s28;
	s6 =	smov.u32 s25;
	s25 =	sadd.s32 $0x2, s25  }
0xd1: {  	v7 =	vld [tilespmem:s4+$0x40]  }
0xd2: {  	v8 =	vld [tilespmem:s4+$0x50]  }
0xd3: {  	v9 =	vld [tilespmem:s4+$0x60];
	_ =	sdelay $0x1  }
0xd4: {  	v1 =	vmul.f32 v1, v3;
	v2 =	vmul.f32 v2, v3  }
0xd5: {  	v5 =	vmul.f32 v5, v3;
	v6 =	vmul.f32 v6, v3  }
0xd6: {  	v10 =	vmov s6;
	v7 =	vmul.f32 v7, v3;
	[tilespmem:s4+$0x0] =	vst v1;
	v8 =	vmul.f32 v8, v3  }
0xd7: {  	v10 =	vand.u32 $0xFFFFFFFE, v10;
	v1 =	vld [tilespmem:s28+$0x0];
	[tilespmem:s4+$0x30] =	vst v5;
	v5 =	vmul.f32 v9, v3;
	v3 =	vmul.f32 v4, v3  }
0xd8: {  	v4 =	vbroadcast v10, $0x0;
	[tilespmem:s4+$0x10] =	vst v2  }
0xd9: {  	[tilespmem:s4+$0x70] =	vst v3  }
0xda: {  	v3 =	vld [tilespmem:s28+$0xFFFFFFD0];
	[tilespmem:s4+$0x20] =	vst v6  }
0xdb: {  	v6 =	vld [tilespmem:s28+$0xFFFFFFB0];
	[tilespmem:s4+$0x60] =	vst v5  }
0xdc: {  	v5 =	vld [tilespmem:s28+$0xFFFFFFE0];
	[tilespmem:s4+$0x40] =	vst v7  }
0xdd: {  	v7 =	vld [tilespmem:s28+$0xFFFFFFF0];
	[tilespmem:s4+$0x50] =	vst v8;
	s4 =	smov.u32 s28  }
0xde: {  	v4 =	vld.idx.msk [tilespmem:v4+s24+$0x0], $0xffff  }
0xdf: {  	v8 =	vld [tilespmem:s28+$0xFFFFFF80]  }
0xe0: {  	v9 =	vld [tilespmem:s28+$0xFFFFFFA0]  }
0xe1: {  	v10 =	vld [tilespmem:s28+$0xFFFFFF90]  }
0xe2: {  	v11 =	vld [tilespmem:s28+$0xFFFFFFC0]  }
0xe3: {  	v2 =	vld [tilespmem:s28+$0x10]  }
0xe4: {  	v7 =	vmul.f32 v7, v4;
	v8 =	vmul.f32 v8, v4  }
0xe5: {  	v5 =	vmul.f32 v5, v4;
	v9 =	vmul.f32 v9, v4  }
0xe6: {  	v6 =	vmul.f32 v6, v4;
	v10 =	vmul.f32 v10, v4;
	[tilespmem:s28+$0xFFFFFFF0] =	vst v7  }
0xe7: {  	v3 =	vmul.f32 v3, v4;
	[tilespmem:s28+$0xFFFFFF80] =	vst v8;
	v7 =	vmul.f32 v11, v4  }
0xe8: {  	s6 =	sadd.s32 $0x1, s6;
	[tilespmem:s28+$0xFFFFFFA0] =	vst v9  }
0xe9: {  	[tilespmem:s28+$0xFFFFFFB0] =	vst v6;
	v6 =	vmov s6  }
.Ltmp2:
0xea: {  	[tilespmem:s28+$0xFFFFFFD0] =	vst v3;
	(pc) =	sbr.rel @p0 .LBB2_8-.Ltmp2, $4  }
0xeb: {  	[tilespmem:s28+$0xFFFFFF90] =	vst v10  }
0xec: {  	[tilespmem:s28+$0xFFFFFFE0] =	vst v5;
	v5 =	vld [tilespmem:s28+$0x30]  }
0xed: {  	[tilespmem:s28+$0xFFFFFFC0] =	vst v7;
	v4 =	vld [tilespmem:s28+$0x70]  }
0xee: {  	v3 =	vld.idx.msk [tilespmem:v6+s24+$0x0], $0xffff  }
0xef: {  	_ =	sdelay $0x2  }
0xf0: {  	v6 =	vld [tilespmem:s4+$0x20]  }
0xf1: {  	v7 =	vld [tilespmem:s4+$0x60];
	v1 =	vmul.f32 v1, v3  }
0xf2: {  	v8 =	vld [tilespmem:s4+$0x40];
	v5 =	vmul.f32 v5, v3  }
0xf3: {  	v9 =	vld [tilespmem:s4+$0x50];
	v2 =	vmul.f32 v2, v3;
	[tilespmem:s4+$0x0] =	vst v1  }
0xf4: {  	[tilespmem:s4+$0x30] =	vst v5;
	v1 =	vmul.f32 v4, v3  }
0xf5: {  	v4 =	vmul.f32 v6, v3;
	[tilespmem:s4+$0x10] =	vst v2  }
0xf6: {  	v2 =	vmul.f32 v7, v3;
	[tilespmem:s4+$0x70] =	vst v1  }
0xf7: {  	v1 =	vmul.f32 v8, v3;
	[tilespmem:s4+$0x20] =	vst v4  }
0xf8: {  	v3 =	vmul.f32 v9, v3;
	[tilespmem:s4+$0x60] =	vst v2  }
0xf9: {  	[tilespmem:s4+$0x40] =	vst v1  }
0xfa: {  	s1 =	sadd.s32 $0x15400, s1;
	s24 =	simm.s32 $0x0;
	[tilespmem:s4+$0x50] =	vst v3  }
0xfb: {  	[spmem:s2] =	stream.indirect.scatter.add.f32 [tilespmem:s29], [sflag:$0x6], $0x80, s1, s26, $0xb8;
	[tilespmem:$0x1FC00] =	vst v63  }
0xfc: {  	p0 =	seq.s32 s19, $0x9;
	v1 =	vmov s24;
	_ =	swait.ge [sflag:s9], $0x2000  }
0xfd: {  	s8 =	sshra.s32 @!p0 s8, $0x2;
	s6 =	simm.s32 @!p0 $0x17C00;
	v1 =	vand.u32 $0xFFFFFFFE, v1;
	[sflag:s9] =	ssyncset.done $0x0  }
0xfe: {  	s4 =	simm.s32 @!p0 $0x40;
	s1 =	sadd.s32 @!p0 $0x14200, s8;
	v2 =	vbroadcast v1, $0x0;
	[sflag:s9] =	ssyncadd.s32 $0xFFFFE000  }
0xff: {  	[tilespmem:s6], [sflag:$0x1] =	stream.indirect.gather @!p0 [hbm4b:s5+s4], $0x80, s1, s4, $0xb8;
	[tilespmem:$0x1FC00] =	vst v63  }
0x100: {  	_ =	swait.ge [sflag:s10], $0x2000  }
0x101: {  	[sflag:s10] =	ssyncset.done $0x0  }
0x102: {  	s1 =	simm.s32 $0x1BC80;
	[sflag:s10] =	ssyncadd.s32 $0xFFFFE000  }
0x103: {  	s4 =	sadd.s32 $0x16800, s20;
	v5 =	vld [tilespmem:s1+$0xFFFFFFF0]  }
0x104: {  	v6 =	vld.idx.msk [tilespmem:v2+s4+$0x0], $0xffff  }
0x105: {  	v7 =	vld [tilespmem:s1+$0xFFFFFF80]  }
0x106: {  	v62 =	vld [tilespmem:s1+$0xFFFFFFA0]  }
0x107: {  	v4 =	vld [tilespmem:s1+$0xFFFFFFB0]  }
0x108: {  	v3 =	vld [tilespmem:s1+$0xFFFFFFD0]  }
0x109: {  	v10 =	vld [tilespmem:s1+$0xFFFFFF90];
	v5 =	vmul.f32 v5, v6  }
0x10a: {  	v63 =	vld [tilespmem:s1+$0xFFFFFFE0];
	v7 =	vmul.f32 v7, v6  }
0x10b: {  	v11 =	vld [tilespmem:s1+$0xFFFFFFC0];
	v8 =	vmul.f32 v62, v6;
	[tilespmem:s1+$0xFFFFFFF0] =	vst v5  }
0x10c: {  	v4 =	vmul.f32 v4, v6;
	[tilespmem:s1+$0xFFFFFF80] =	vst v7  }
0x10d: {  	s28 =	simm.s32 $0x1;
	v3 =	vmul.f32 v3, v6;
	[tilespmem:s1+$0xFFFFFFA0] =	vst v8  }
0x10e: {  	v5 =	vmul.f32 v10, v6;
	[tilespmem:s1+$0xFFFFFFB0] =	vst v4;
	v7 =	vmov s28  }
0x10f: {  	v1 =	vld [tilespmem:s1+$0x0];
	v4 =	vmul.f32 v63, v6;
	[tilespmem:s1+$0xFFFFFFD0] =	vst v3  }
0x110: {  	v2 =	vld [tilespmem:s1+$0x10];
	v3 =	vmul.f32 v11, v6;
	[tilespmem:s1+$0xFFFFFF90] =	vst v5  }
0x111: {  	[tilespmem:s1+$0xFFFFFFE0] =	vst v4;
	v5 =	vld [tilespmem:s1+$0x30]  }
0x112: {  	[tilespmem:s1+$0xFFFFFFC0] =	vst v3;
	v4 =	vld [tilespmem:s1+$0x70]  }
0x113: {  	s25 =	simm.s32 $0x1BC80;
	s24 =	simm.s32 $0x2;
	v3 =	vld.idx.msk [tilespmem:v7+s4+$0x0], $0xffff  }
.LBB2_10:
0x114: {  	p1 =	slt.u32 s24, $0x3E  }
0x115: {  	v6 =	vld [tilespmem:s1+$0x20];
	s25 =	sadd.s32 $0x100, s25;
	s6 =	smov.u32 s24;
	s24 =	sadd.s32 $0x2, s24  }
0x116: {  	v7 =	vld [tilespmem:s1+$0x40]  }
0x117: {  	v8 =	vld [tilespmem:s1+$0x50]  }
0x118: {  	v9 =	vld [tilespmem:s1+$0x60];
	_ =	sdelay $0x1  }
0x119: {  	v1 =	vmul.f32 v1, v3;
	v2 =	vmul.f32 v2, v3  }
0x11a: {  	v5 =	vmul.f32 v5, v3;
	v6 =	vmul.f32 v6, v3  }
0x11b: {  	v10 =	vmov s6;
	v7 =	vmul.f32 v7, v3;
	[tilespmem:s1+$0x0] =	vst v1;
	v8 =	vmul.f32 v8, v3  }
0x11c: {  	v10 =	vand.u32 $0xFFFFFFFE, v10;
	v1 =	vld [tilespmem:s25+$0x0];
	[tilespmem:s1+$0x30] =	vst v5;
	v5 =	vmul.f32 v9, v3;
	v3 =	vmul.f32 v4, v3  }
0x11d: {  	v4 =	vbroadcast v10, $0x0;
	[tilespmem:s1+$0x10] =	vst v2  }
0x11e: {  	[tilespmem:s1+$0x70] =	vst v3  }
0x11f: {  	v3 =	vld [tilespmem:s25+$0xFFFFFFD0];
	[tilespmem:s1+$0x20] =	vst v6  }
0x120: {  	v6 =	vld [tilespmem:s25+$0xFFFFFFB0];
	[tilespmem:s1+$0x60] =	vst v5  }
0x121: {  	v5 =	vld [tilespmem:s25+$0xFFFFFFE0];
	[tilespmem:s1+$0x40] =	vst v7  }
0x122: {  	v7 =	vld [tilespmem:s25+$0xFFFFFFF0];
	[tilespmem:s1+$0x50] =	vst v8;
	s1 =	smov.u32 s25  }
0x123: {  	v4 =	vld.idx.msk [tilespmem:v4+s4+$0x0], $0xffff  }
0x124: {  	v8 =	vld [tilespmem:s25+$0xFFFFFF80]  }
0x125: {  	v9 =	vld [tilespmem:s25+$0xFFFFFFA0]  }
0x126: {  	v10 =	vld [tilespmem:s25+$0xFFFFFF90]  }
0x127: {  	v11 =	vld [tilespmem:s25+$0xFFFFFFC0]  }
0x128: {  	v2 =	vld [tilespmem:s25+$0x10]  }
0x129: {  	v7 =	vmul.f32 v7, v4;
	v8 =	vmul.f32 v8, v4  }
0x12a: {  	v5 =	vmul.f32 v5, v4;
	v9 =	vmul.f32 v9, v4  }
0x12b: {  	v6 =	vmul.f32 v6, v4;
	v10 =	vmul.f32 v10, v4;
	[tilespmem:s25+$0xFFFFFFF0] =	vst v7  }
0x12c: {  	v3 =	vmul.f32 v3, v4;
	[tilespmem:s25+$0xFFFFFF80] =	vst v8;
	v7 =	vmul.f32 v11, v4  }
0x12d: {  	s6 =	sadd.s32 $0x1, s6;
	[tilespmem:s25+$0xFFFFFFA0] =	vst v9  }
0x12e: {  	[tilespmem:s25+$0xFFFFFFB0] =	vst v6;
	v6 =	vmov s6  }
.Ltmp3:
0x12f: {  	[tilespmem:s25+$0xFFFFFFD0] =	vst v3;
	(pc) =	sbr.rel @p1 .LBB2_10-.Ltmp3, $4  }
0x130: {  	[tilespmem:s25+$0xFFFFFF90] =	vst v10  }
0x131: {  	[tilespmem:s25+$0xFFFFFFE0] =	vst v5;
	v5 =	vld [tilespmem:s25+$0x30]  }
0x132: {  	[tilespmem:s25+$0xFFFFFFC0] =	vst v7;
	v4 =	vld [tilespmem:s25+$0x70]  }
0x133: {  	v3 =	vld.idx.msk [tilespmem:v6+s4+$0x0], $0xffff  }
0x134: {  	_ =	sdelay $0x2  }
0x135: {  	v6 =	vld [tilespmem:s1+$0x20]  }
0x136: {  	v7 =	vld [tilespmem:s1+$0x60];
	v1 =	vmul.f32 v1, v3  }
0x137: {  	v8 =	vld [tilespmem:s1+$0x40];
	v5 =	vmul.f32 v5, v3  }
0x138: {  	v9 =	vld [tilespmem:s1+$0x50];
	v2 =	vmul.f32 v2, v3;
	[tilespmem:s1+$0x0] =	vst v1  }
0x139: {  	[tilespmem:s1+$0x30] =	vst v5;
	v1 =	vmul.f32 v4, v3  }
0x13a: {  	v4 =	vmul.f32 v6, v3;
	[tilespmem:s1+$0x10] =	vst v2  }
0x13b: {  	v2 =	vmul.f32 v7, v3;
	[tilespmem:s1+$0x70] =	vst v1  }
0x13c: {  	v1 =	vmul.f32 v8, v3;
	[tilespmem:s1+$0x20] =	vst v4  }
0x13d: {  	v3 =	vmul.f32 v9, v3;
	[tilespmem:s1+$0x60] =	vst v2  }
0x13e: {  	[tilespmem:s1+$0x40] =	vst v1  }
0x13f: {  	s24 =	sadd.s32 $0x15400, s20;
	s25 =	simm.s32 $0x0;
	[tilespmem:s1+$0x50] =	vst v3  }
0x140: {  	[spmem:s2] =	stream.indirect.scatter.add.f32 [tilespmem:s30], [sflag:$0x7], $0x80, s24, s26, $0xb8;
	[tilespmem:$0x1FC00] =	vst v63  }
0x141: {  	v1 =	vmov s25;
	_ =	swait.ge [sflag:s11], $0x2000  }
0x142: {  	s4 =	simm.s32 @!p0 $0x40;
	v1 =	vand.u32 $0xFFFFFFFE, v1;
	[sflag:s11] =	ssyncset.done $0x0  }
0x143: {  	s6 =	simm.s32 @!p0 $0x19C00;
	s1 =	sadd.s32 @!p0 $0x14280, s8;
	v2 =	vbroadcast v1, $0x0;
	[sflag:s11] =	ssyncadd.s32 $0xFFFFE000  }
0x144: {  	[tilespmem:s6], [sflag:$0x2] =	stream.indirect.gather @!p0 [hbm4b:s5+s4], $0x80, s1, s4, $0xb8;
	[tilespmem:$0x1FC00] =	vst v63  }
0x145: {  	_ =	swait.ge [sflag:s12], $0x2000  }
0x146: {  	[sflag:s12] =	ssyncset.done $0x0  }
0x147: {  	s1 =	simm.s32 $0x1DC80;
	[sflag:s12] =	ssyncadd.s32 $0xFFFFE000  }
0x148: {  	s4 =	sadd.s32 $0x16800, s15;
	v5 =	vld [tilespmem:s1+$0xFFFFFFF0]  }
0x149: {  	v6 =	vld.idx.msk [tilespmem:v2+s4+$0x0], $0xffff  }
0x14a: {  	v7 =	vld [tilespmem:s1+$0xFFFFFF80]  }
0x14b: {  	v62 =	vld [tilespmem:s1+$0xFFFFFFA0]  }
0x14c: {  	v4 =	vld [tilespmem:s1+$0xFFFFFFB0]  }
0x14d: {  	v3 =	vld [tilespmem:s1+$0xFFFFFFD0]  }
0x14e: {  	v10 =	vld [tilespmem:s1+$0xFFFFFF90];
	v5 =	vmul.f32 v5, v6  }
0x14f: {  	v63 =	vld [tilespmem:s1+$0xFFFFFFE0];
	v7 =	vmul.f32 v7, v6  }
0x150: {  	v11 =	vld [tilespmem:s1+$0xFFFFFFC0];
	v8 =	vmul.f32 v62, v6;
	[tilespmem:s1+$0xFFFFFFF0] =	vst v5  }
0x151: {  	v4 =	vmul.f32 v4, v6;
	[tilespmem:s1+$0xFFFFFF80] =	vst v7  }
0x152: {  	s28 =	simm.s32 $0x1;
	v3 =	vmul.f32 v3, v6;
	[tilespmem:s1+$0xFFFFFFA0] =	vst v8  }
0x153: {  	v5 =	vmul.f32 v10, v6;
	[tilespmem:s1+$0xFFFFFFB0] =	vst v4;
	v7 =	vmov s28  }
0x154: {  	v1 =	vld [tilespmem:s1+$0x0];
	v4 =	vmul.f32 v63, v6;
	[tilespmem:s1+$0xFFFFFFD0] =	vst v3  }
0x155: {  	v2 =	vld [tilespmem:s1+$0x10];
	v3 =	vmul.f32 v11, v6;
	[tilespmem:s1+$0xFFFFFF90] =	vst v5  }
0x156: {  	[tilespmem:s1+$0xFFFFFFE0] =	vst v4;
	v5 =	vld [tilespmem:s1+$0x30]  }
0x157: {  	[tilespmem:s1+$0xFFFFFFC0] =	vst v3;
	v4 =	vld [tilespmem:s1+$0x70]  }
0x158: {  	s20 =	simm.s32 $0x1DC80;
	s8 =	simm.s32 $0x2;
	v3 =	vld.idx.msk [tilespmem:v7+s4+$0x0], $0xffff  }
.LBB2_12:
0x159: {  	p0 =	slt.u32 s8, $0x3E  }
0x15a: {  	v6 =	vld [tilespmem:s1+$0x20];
	s20 =	sadd.s32 $0x100, s20;
	s6 =	smov.u32 s8;
	s8 =	sadd.s32 $0x2, s8  }
0x15b: {  	v7 =	vld [tilespmem:s1+$0x40]  }
0x15c: {  	v8 =	vld [tilespmem:s1+$0x50]  }
0x15d: {  	v9 =	vld [tilespmem:s1+$0x60];
	_ =	sdelay $0x1  }
0x15e: {  	v1 =	vmul.f32 v1, v3;
	v2 =	vmul.f32 v2, v3  }
0x15f: {  	v5 =	vmul.f32 v5, v3;
	v6 =	vmul.f32 v6, v3  }
0x160: {  	v10 =	vmov s6;
	v7 =	vmul.f32 v7, v3;
	[tilespmem:s1+$0x0] =	vst v1;
	v8 =	vmul.f32 v8, v3  }
0x161: {  	v10 =	vand.u32 $0xFFFFFFFE, v10;
	v1 =	vld [tilespmem:s20+$0x0];
	[tilespmem:s1+$0x30] =	vst v5;
	v5 =	vmul.f32 v9, v3;
	v3 =	vmul.f32 v4, v3  }
0x162: {  	v4 =	vbroadcast v10, $0x0;
	[tilespmem:s1+$0x10] =	vst v2  }
0x163: {  	[tilespmem:s1+$0x70] =	vst v3  }
0x164: {  	v3 =	vld [tilespmem:s20+$0xFFFFFFD0];
	[tilespmem:s1+$0x20] =	vst v6  }
0x165: {  	v6 =	vld [tilespmem:s20+$0xFFFFFFB0];
	[tilespmem:s1+$0x60] =	vst v5  }
0x166: {  	v5 =	vld [tilespmem:s20+$0xFFFFFFE0];
	[tilespmem:s1+$0x40] =	vst v7  }
0x167: {  	v7 =	vld [tilespmem:s20+$0xFFFFFFF0];
	[tilespmem:s1+$0x50] =	vst v8;
	s1 =	smov.u32 s20  }
0x168: {  	v4 =	vld.idx.msk [tilespmem:v4+s4+$0x0], $0xffff  }
0x169: {  	v8 =	vld [tilespmem:s20+$0xFFFFFF80]  }
0x16a: {  	v9 =	vld [tilespmem:s20+$0xFFFFFFA0]  }
0x16b: {  	v10 =	vld [tilespmem:s20+$0xFFFFFF90]  }
0x16c: {  	v11 =	vld [tilespmem:s20+$0xFFFFFFC0]  }
0x16d: {  	v2 =	vld [tilespmem:s20+$0x10]  }
0x16e: {  	v7 =	vmul.f32 v7, v4;
	v8 =	vmul.f32 v8, v4  }
0x16f: {  	v5 =	vmul.f32 v5, v4;
	v9 =	vmul.f32 v9, v4  }
0x170: {  	v6 =	vmul.f32 v6, v4;
	v10 =	vmul.f32 v10, v4;
	[tilespmem:s20+$0xFFFFFFF0] =	vst v7  }
0x171: {  	v3 =	vmul.f32 v3, v4;
	[tilespmem:s20+$0xFFFFFF80] =	vst v8;
	v7 =	vmul.f32 v11, v4  }
0x172: {  	s6 =	sadd.s32 $0x1, s6;
	[tilespmem:s20+$0xFFFFFFA0] =	vst v9  }
0x173: {  	[tilespmem:s20+$0xFFFFFFB0] =	vst v6;
	v6 =	vmov s6  }
.Ltmp4:
0x174: {  	[tilespmem:s20+$0xFFFFFFD0] =	vst v3;
	(pc) =	sbr.rel @p0 .LBB2_12-.Ltmp4, $4  }
0x175: {  	[tilespmem:s20+$0xFFFFFF90] =	vst v10  }
0x176: {  	[tilespmem:s20+$0xFFFFFFE0] =	vst v5;
	v5 =	vld [tilespmem:s20+$0x30]  }
0x177: {  	[tilespmem:s20+$0xFFFFFFC0] =	vst v7;
	v4 =	vld [tilespmem:s20+$0x70]  }
0x178: {  	v3 =	vld.idx.msk [tilespmem:v6+s4+$0x0], $0xffff  }
0x179: {  	_ =	sdelay $0x1  }
0x17a: {  	v6 =	vld [tilespmem:s1+$0x20];
	_ =	sdelay $0x1  }
0x17b: {  	v7 =	vld [tilespmem:s1+$0x60];
	v1 =	vmul.f32 v1, v3  }
0x17c: {  	v8 =	vld [tilespmem:s1+$0x40];
	v5 =	vmul.f32 v5, v3  }
0x17d: {  	v9 =	vld [tilespmem:s1+$0x50];
	v2 =	vmul.f32 v2, v3;
	[tilespmem:s1+$0x0] =	vst v1  }
0x17e: {  	v63 =	vmul.f32 v6, v3;
	[tilespmem:s1+$0x30] =	vst v5  }
0x17f: {  	s19 =	sadd.s32 $0x1, s19;
	v1 =	vmul.f32 v4, v3;
	[tilespmem:s1+$0x10] =	vst v2  }
0x180: {  	p0 =	sne.s32 s19, $0xA;
	v2 =	vmul.f32 v7, v3;
	[tilespmem:s1+$0x20] =	vst v63  }
.Ltmp5:
0x181: {  	[tilespmem:s1+$0x70] =	vst v1;
	v1 =	vmul.f32 v8, v3;
	(pc) =	sbr.rel @p0 .LBB2_5-.Ltmp5, $4  }
0x182: {  	v3 =	vmul.f32 v9, v3;
	[tilespmem:s1+$0x60] =	vst v2  }
0x183: {  	[tilespmem:s1+$0x40] =	vst v1  }
0x184: {  	s28 =	sadd.s32 $0x15400, s15;
	[tilespmem:s1+$0x50] =	vst v3  }
0x185: {  	[spmem:s2] =	stream.indirect.scatter.add.f32 [tilespmem:s0], [sflag:$0x8], $0x80, s28, s26, $0xb8;
	[tilespmem:$0x1FC00] =	vst v63  }
0x186: {  	s17 =	sadd.s32 $0x1, s17  }
0x187: {  	_ =	swait.ge [sflag:s13], $0x2000;
	p0 =	sne.s32 s17, $0x4  }
.Ltmp6:
0x188: {  	[sflag:s13] =	ssyncset.done $0x0;
	(pc) =	sbr.rel @p0 .LBB2_4-.Ltmp6, $4  }
0x189: {  	[sflag:s13] =	ssyncadd.s32 $0xFFFFE000  }
0x18a: {  	_ =	swait.ge [sflag:s14], $0x2000  }
0x18b: {  	[sflag:s14] =	ssyncset.done $0x0  }
0x18c: {  	[sflag:s14] =	ssyncadd.s32 $0xFFFFE000  }
0x18d: {  	s1 =	stileid.u32;
	[bflag:$0x0] =	sbarrier.arrive $0xFFFF  }
0x18e: {  	s25 =	simm.s32 $0xA;
	s1 =	sshll.u32 s1, $0x6;
	s16 =	rddreg [dreg:$0x6]  }
0x18f: {  	s6 =	rddreg [dreg:$0x10];
	s1 =	sor.u32 $0x1C0A, s1;
	s4 =	sshrl.u32 s16, $0x3  }
0x190: {  	[hbm:s6], [sflag:s1] =	dma.local [spmem:s4], $0x2800  }
0x191: {  	_ =	swait.ge [sflag:s25], $0x2800  }
0x192: {  	s15 =	rddreg [dreg:$0x4]  }
0x193: {  	s28 =	rddreg [dreg:$0x11];
	s15 =	sadd.s32 $0x1, s15  }
0x194: {  	p0 =	sne.s32 s15, s28  }
.Ltmp7:
0x195: {  	_ = 	snop;
	(pc) =	sbr.rel @p0 .LBB2_1-.Ltmp7, $3  }
0x196: {  	_ =	sdelay $0x1  }
0x197: {  	[sflag:s25] =	ssyncset.done $0x0  }
0x198: {  	[sflag:s25] =	ssyncadd.s32 $0xFFFFD800  }
0x199: {  	_ =	sfence.sel $0x180000  }
0x19a: {  	[bflag:$0x0] =	sbarrier.arrive $0xFFFF  }
0x19b: {  	_ =	strace $0x9000004D  }
0x19c: {  	s0 =	stileid.u32;
	[bflag:$0x2] =	sbarrier.arrive $0xFFFF  }
0x19d: {  	p0 =	sne.s32 s0, $0x0;
	s0 =	rddreg [dreg:$0x3]  }
0x19e: {  	s0 =	sadd.s32 @!p0 $0x100000, s0  }
0x19f: {  	[sflag:s0] =	ssyncadd.tile.s32 @!p0 $0x1;
	_ =	shalt  }
.Lfunc_end2:
_tile_overlayer_lowered:
.L_overlay_start_2:
0x1a0: {  	(tag) =	ssettag $0x2  }
0x1a1: {  	s0 =	rddreg [dreg:$0x0];
	s2 =	stileid.u32  }
0x1a2: {  	s1 =	rddreg [dreg:$0x1];
	p0 =	sne.s32 s2, $0x0  }
0x1a3: {  	s3 =	rddreg [dreg:$0x2];
	[bflag:$0x3] =	sbarrier.arrive $0xFFFF;
	s2 =	simm.s32 @!p0 $0x1C0A  }
0x1a4: {  	[timem:s3], [sflag:s2] =	dma.local @!p0 [hbm:s0], s1  }
0x1a5: {  	s0 =	simm.s32 @!p0 $0xA  }
0x1a6: {  	_ =	swait.ge @!p0 [sflag:s0], s1  }
0x1a7: {  	s1 =	ssub.s32 @!p0 $0x0, s1;
	[sflag:s0] =	ssyncset.done @!p0 $0x0  }
0x1a8: {  	[sflag:s0] =	ssyncadd.s32 @!p0 s1  }
0x1a9: {  	[bflag:$0x3] =	sbarrier.arrive $0xFFFF  }
0x1aa: {  	_ =	shalt  }

// kernel: kernel.7.cloned.1.call-start
scs
__scs_entry_jumppad:
0x0: {  	(pc) =	sbr.rel $0x88, $3  }
0x1: {  	(tag) =	ssettag $0x0;
	lr =	simm.s32 $0x1  }
0x2: {  	[smem:$0x3F9C] =	sst lr;
	_ =	strace $0xD0000000  }
0x3: {  	_ = 	snop  }
0x4: {  	_ = 	snop  }
0x5: {  	_ = 	snop  }
0x6: {  	_ = 	snop  }
0x7: {  	_ = 	snop  }
__scs_overlays_trampoline_lowered:
0x8: {  	[smem:$0x3FAB] =	sst s0  }
0x9: {  	[smem:$0x3FAC] =	sst s1  }
0xa: {  	[smem:$0x3FAD] =	sst s2  }
0xb: {  	[smem:$0x3FAE] =	sst s3  }
0xc: {  	[smem:$0x3FAF] =	sst s4  }
0xd: {  	[smem:$0x3FB0] =	sst s5  }
0xe: {  	[smem:$0x3FB1] =	sst s6  }
0xf: {  	[smem:$0x3FB2] =	sst s7  }
0x10: {  	[smem:$0x3FB3] =	sst s8  }
0x11: {  	[smem:$0x3FB4] =	sst s9;
	s0 =	simm.s32 @!p0 $0x0  }
0x12: {  	s1 =	sld [smem:$0x3F9A];
	s0 =	simm.s32 @p0 $0x1  }
0x13: {  	[smem:$0x3FB5] =	sst s0;
	s0 =	simm.s32 @!p1 $0x0  }
0x14: {  	s2 =	sld [smem:$0x3F99];
	s0 =	simm.s32 @p1 $0x1  }
0x15: {  	[smem:$0x3FB6] =	sst s0;
	s0 =	simm.s32 @!p2 $0x0  }
0x16: {  	s3 =	sld [smem:$0x3FDB];
	s0 =	simm.s32 @p2 $0x1  }
0x17: {  	s4 =	simm.s32 $0x1BF5;
	[smem:$0x3FB8] =	sst s0  }
0x18: {  	s0 =	sld [smem:$0x3F9B];
	_ =	swait.ge [sflag:s4], $0x0  }
0x19: {  	s7 =	sld [smem:$0x3F9C]  }
0x1a: {  	s8 =	sadd.s32 $0xFFFFE003, lr  }
0x1b: {  	s9 =	sadd.s32 $0xFFFFFEF7, lr;
	s5 =	simm.s32 $0xFFFFFFFF;
	p2 =	slt.u32 s8, $0xFFFFF086  }
0x1c: {  	p1 =	slt.u32 s9, $0xF7A;
	s5 =	simm.s32 @!p2 $0x0  }
0x1d: {  	s5 =	simm.s32 @p1 $0x1;
	p0 =	seq.s32 s7, s2  }
0x1e: {  	s7 =	smul.u32 @!p0 $0xF7A, s2;
	p2 =	seq.s32 @!p0 s5, $0x0  }
0x1f: {  	s9 =	smul.u32 $0xF7A, s1;
	s8 =	simm.s32 @!p0 $0x1BF5;
	p2 =	por !p2, p0  }
0x20: {  	[sflag:s8] =	ssyncset.s32 @!p0 $0xFFFFF086;
	s6 =	sadd.s32 @!p0 s3, s7;
	s7 =	simm.s32 @!p0 $0x108  }
0x21: {  	s3 =	sadd.s32 s3, s9;
	s6 =	sadd.s32 @!p0 $0x88, s6;
	s7 =	simm.s32 @p2 $0x1082  }
0x22: {  	[simem:s7], [sflag:s8] =	dma.local @!p0 [hbm:s6], $0xF7A  }
0x23: {  	s9 =	sor.u32 $0xD0000000, s2;
	s6 =	simm.s32 $0x108;
	_ =	swait.ge @!p0 [sflag:s8], $0x0  }
0x24: {  	s3 =	sadd.s32 $0x88, s3;
	s6 =	simm.s32 @!p1 $0x1082;
	[sflag:s4] =	ssyncset.s32 $0xFFFFF086  }
0x25: {  	[simem:s6], [sflag:s4] =	dma.local [hbm:s3], $0xF7A  }
0x26: {  	[smem:$0x3F9C] =	sst s1;
	(tag) =	ssettag s2;
	_ =	strace s9  }
0x27: {  	s1 =	sld [smem:$0x3FAC]  }
0x28: {  	s2 =	sld [smem:$0x3FAD]  }
0x29: {  	s4 =	sld [smem:$0x3FAF]  }
0x2a: {  	p0 =	seq.s32 s5, $0x0;
	s5 =	sld [smem:$0x3FB0]  }
0x2b: {  	s6 =	sld [smem:$0x3FB1]  }
0x2c: {  	s7 =	sld [smem:$0x3FB2]  }
0x2d: {  	s3 =	simm.s32 $0x108;
	s8 =	sld [smem:$0x3FB3]  }
0x2e: {  	s3 =	simm.s32 @!p0 $0x1082;
	s9 =	sld [smem:$0x3FB4]  }
0x2f: {  	lr =	sadd.s32 s0, s3;
	s0 =	sld [smem:$0x3FAB]  }
0x30: {  	s3 =	sld [smem:$0x3FAE]  }
0x31: {  	[smem:$0x3FB7] =	sst s10  }
0x32: {  	s10 =	sld [smem:$0x3FB5];
	_ =	sdelay $0x3  }
0x33: {  	p0 =	seq.s32 s10, $0x1;
	s10 =	sld [smem:$0x3FB7];
	_ =	sdelay $0x3  }
0x34: {  	[smem:$0x3FB7] =	sst s10  }
0x35: {  	s10 =	sld [smem:$0x3FB6];
	_ =	sdelay $0x3  }
0x36: {  	p1 =	seq.s32 s10, $0x1;
	s10 =	sld [smem:$0x3FB7];
	_ =	sdelay $0x3  }
0x37: {  	[smem:$0x3FB7] =	sst s10  }
0x38: {  	s10 =	sld [smem:$0x3FB8]  }
0x39: {  	_ = 	snop;
	(pc) =	sbr.ind lr, $3  }
0x3a: {  	_ = 	snop  }
0x3b: {  	_ = 	snop  }
0x3c: {  	p2 =	seq.s32 s10, $0x1;
	s10 =	sld [smem:$0x3FB7]  }
0x3d: {  	_ =	shalt  }
0x3e: {  	_ =	shalt  }
0x3f: {  	_ =	shalt  }
0x40: {  	_ =	shalt  }
0x41: {  	_ =	shalt  }
0x42: {  	_ =	shalt  }
0x43: {  	_ =	shalt  }
0x44: {  	_ =	shalt  }
0x45: {  	_ =	shalt  }
0x46: {  	_ =	shalt  }
0x47: {  	_ =	shalt  }
0x48: {  	_ =	shalt  }
0x49: {  	_ =	shalt  }
0x4a: {  	_ =	shalt  }
0x4b: {  	_ =	shalt  }
0x4c: {  	_ =	shalt  }
0x4d: {  	_ =	shalt  }
0x4e: {  	_ =	shalt  }
0x4f: {  	_ =	shalt  }
0x50: {  	_ =	shalt  }
0x51: {  	_ =	shalt  }
0x52: {  	_ =	shalt  }
0x53: {  	_ =	shalt  }
0x54: {  	_ =	shalt  }
0x55: {  	_ =	shalt  }
0x56: {  	_ =	shalt  }
0x57: {  	_ =	shalt  }
0x58: {  	_ =	shalt  }
0x59: {  	_ =	shalt  }
0x5a: {  	_ =	shalt  }
0x5b: {  	_ =	shalt  }
0x5c: {  	_ =	shalt  }
0x5d: {  	_ =	shalt  }
0x5e: {  	_ =	shalt  }
0x5f: {  	_ =	shalt  }
0x60: {  	_ =	shalt  }
0x61: {  	_ =	shalt  }
0x62: {  	_ =	shalt  }
0x63: {  	_ =	shalt  }
0x64: {  	_ =	shalt  }
0x65: {  	_ =	shalt  }
0x66: {  	_ =	shalt  }
0x67: {  	_ =	shalt  }
0x68: {  	_ =	shalt  }
0x69: {  	_ =	shalt  }
0x6a: {  	_ =	shalt  }
0x6b: {  	_ =	shalt  }
0x6c: {  	_ =	shalt  }
0x6d: {  	_ =	shalt  }
0x6e: {  	_ =	shalt  }
0x6f: {  	_ =	shalt  }
0x70: {  	_ =	shalt  }
0x71: {  	_ =	shalt  }
0x72: {  	_ =	shalt  }
0x73: {  	_ =	shalt  }
0x74: {  	_ =	shalt  }
0x75: {  	_ =	shalt  }
0x76: {  	_ =	shalt  }
0x77: {  	_ =	shalt  }
0x78: {  	_ =	shalt  }
0x79: {  	_ =	shalt  }
0x7a: {  	_ =	shalt  }
0x7b: {  	_ =	shalt  }
0x7c: {  	_ =	shalt  }
0x7d: {  	_ =	shalt  }
0x7e: {  	_ =	shalt  }
0x7f: {  	_ =	shalt  }
0x80: {  	_ =	shalt  }
0x81: {  	_ =	shalt  }
0x82: {  	_ =	shalt  }
0x83: {  	_ =	shalt  }
0x84: {  	_ =	shalt  }
0x85: {  	_ =	shalt  }
0x86: {  	_ =	shalt  }
0x87: {  	_ =	shalt  }
.Lfunc_end0:
.L_simem_size_0:
called_computation_lowered:
.L_overlay_start_0:
0x88: {  	s2 =	sld [smem:$0x3FD9]  }
0x89: {  	s3 =	sld [smem:$0x3FFE];
	_ =	sdelay $0x1  }
0x8a: {  	s1 =	srdreg.scid  }
0x8b: {  	s0 =	sand.u32 $0x1, s1  }
0x8c: {  	s16 =	sshll.u32 s0, $0xA;
	s2 =	sadd.s32 s3, s2  }
0x8d: {  	s2 =	sadd.s32 s2, s16  }
0x8e: {  	[smem:$0x3FC3] =	sst s2  }
0x8f: {  	_ = 	snop  }
0x90: {  	(tm) =	ssettm $0x1  }
0x91: {  	s17 =	sld [smem:$0x3FFB];
	_ =	sdelay $0x3  }
0x92: {  	_ =	strace s17  }
0x93: {  	s2 =	sld [smem:$0x3FFC];
	_ =	sdelay $0x3  }
0x94: {  	_ =	strace s2  }
0x95: {  	s2 =	sld [smem:$0x3FFD];
	_ =	sdelay $0x3  }
0x96: {  	_ =	strace s2  }
0x97: {  	_ =	strace $0x8FFFFFFF  }
0x98: {  	s18 =	sld [smem:$0x3FDB];
	_ =	sdelay $0x1  }
0x99: {  	s19 =	simm.s32 $_scs_section_size  }
0x9a: {  	s4 =	simm.s32 $_size__tile_overlayer_lowered;
	s5 =	simm.s32 $_tile_overlayer_lowered  }
0x9b: {  	s22 =	simm.s32 $0x1BFF;
	s21 =	sshll.u32 s5, $0x1;
	s2 =	sadd.s32 s19, s18  }
0x9c: {  	s6 =	simm.s32 $0x0;
	s20 =	sshll.u32 s4, $0x1;
	s4 =	sadd.s32 s21, s2  }
0x9d: {  	[timem:s6], [sflag:s22] =	dma.local [hbm:s4], s20  }
0x9e: {  	_ =	swait.ge [sflag:s22], s20  }
0x9f: {  	s3 =	ssub.s32 $0x0, s20;
	[sflag:s22] =	ssyncset.done $0x0  }
0xa0: {  	[sflag:s22] =	ssyncadd.s32 s3;
	_ =	sdelay $0x1  }
0xa1: {  	s23 =	simm.s32 $0x1B8B  }
0xa2: {  	_ =	swait.ge [sflag:s23], $0x1  }
0xa3: {  	[sflag:s23] =	ssyncset.done $0x0  }
0xa4: {  	s25 =	simm.s32 $0x1B8E;
	s24 =	sld [smem:$0x3FFE];
	[sflag:s23] =	ssyncadd.s32 $0xFFFFFFFF  }
0xa5: {  	s26 =	simm.s32 $execute0_lowered;
	[smem:$0x3FD2] =	sst s25  }
0xa6: {  	s4 =	sshll.u32 s26, $0x1;
	_ =	strace $0x80000046;
	[dreg:$0x1] =	wrdreg $0xFFFFFFFF  }
0xa7: {  	s28 =	simm.s32 $_size_execute0_lowered;
	s2 =	sadd.s32 s2, s4;
	[dreg:$0x0] =	wrdreg $0x0  }
0xa8: {  	s4 =	sshll.u32 s28, $0x1;
	[dreg:$0x2] =	wrdreg s2  }
0xa9: {  	[dreg:$0x3] =	wrdreg s4  }
0xaa: {  	[dreg:$0x4] =	wrdreg $0xC0  }
0xab: {  	_ =	task [dreg:s6], $0x5FFFF  }
0xac: {  	[dreg:$0x1] =	wrdreg $0xFFFFFFFF  }
0xad: {  	[dreg:$0x0] =	wrdreg $0x60  }
0xae: {  	[dreg:$0x2] =	wrdreg s24  }
0xaf: {  	[dreg:$0x3] =	wrdreg $0x0  }
0xb0: {  	[dreg:$0x4] =	wrdreg $0x28000  }
0xb1: {  	[dreg:$0x5] =	wrdreg $0x9  }
0xb2: {  	_ =	task.clear_ibuf [dreg:s6], $0x6FFFF;
	_ =	strace $0x90000046  }
0xb3: {  	s29 =	simm.s32 $0x9;
	_ =	strace $0x80000048  }
0xb4: {  	_ =	swait.ge [sflag:s29], $0x1  }
0xb5: {  	[sflag:s29] =	ssyncadd.s32 $0xFFFFFFFF  }
0xb6: {  	_ =	strace $0x90000048  }
0xb7: {  	_ =	sfence  }
0xb8: {  	s30 =	sld [smem:$0x0];
	_ =	sdelay $0x2  }
0xb9: {  	s31 =	sshll.u32 s1, $0xD;
	s1 =	sshrl.u32 s1, $0x2  }
0xba: {  	s3 =	sand.u32 $0x4000, s31;
	s1 =	sadd.s32 s1, s30  }
0xbb: {  	s0 =	sor.u32 s3, s0;
	s1 =	sshll.u32 s1, $0x11  }
0xbc: {  	s0 =	sor.u32 s1, s0  }
0xbd: {  	s0 =	sadd.s32 $0x8F2B, s0  }
0xbe: {  	[sflag:s0] =	ssyncadd.remote.s32 $0x1  }
0xbf: {  	_ =	sfence.sel $0xFFFF  }
0xc0: {  	[dreg:$0x0] =	wrdreg $0xFFFFFFFF;
	(pc) =	sbr.abs _section_cstart, $3  }
0xc1: {  	[dreg:$0x1] =	wrdreg $0xFFFFFFFF  }
0xc2: {  	_ =	task.clear_ibuf [dreg:s6], $0x2FFFF;
	_ =	strace $0x9FFFFFFF  }
0xc3: {  	(tm) =	ssettm $0x7FFFFFFF  }
tec
execute0_lowered:
.L_overlay_start_1:
0x0: {  	(tag) =	ssettag $0x1  }
0x1: {  	s0 =	srdreg.scid;
	s1 =	rddreg [dreg:$0x0]  }
0x2: {  	s15 =	stileid.u32;
	s4 =	rddreg [dreg:$0x1]  }
0x3: {  	s16 =	rddreg [dreg:$0x2];
	s26 =	sshrl.u32 s15, $0x3;
	s13 =	smul.u32 $0x5000, s15  }
0x4: {  	s0 =	sand.u32 $0x1, s0;
	s2 =	sshll.u32 s15, $0x1;
	s9 =	smul.u32 $0x50000, s26  }
0x5: {  	s3 =	sshrl.u32 s15, $0x2;
	s8 =	sadd.s32 $0xC600, s1;
	s10 =	sadd.s32 $0x16600, s1  }
0x6: {  	s5 =	smul.u32 $0x14000, s3;
	s13 =	sshrl.u32 s13, $0x2;
	s9 =	sshrl.u32 s9, $0x2  }
0x7: {  	s3 =	simm.s32 $0x0;
	s14 =	sadd.s32 s9, s4;
	s9 =	sadd.s32 s13, s4  }
0x8: {  	s24 =	sshll.u32 s15, $0x8;
	[smem:$0x7FF] =	sst s3;
	s13 =	sadd.s32 $0x100, s9  }
0x9: {  	_ =	strace $0x80000047;
	s17 =	sadd.s32 $0x200, s9;
	[dreg:$0x8] =	wrdreg s13  }
0xa: {  	s31 =	sshll.u32 s15, $0x7;
	s18 =	sadd.s32 $0x280, s9;
	[dreg:$0xa] =	wrdreg s17  }
0xb: {  	s20 =	smul.u32 $0xA00, s15;
	s19 =	sadd.s32 $0x300, s9;
	[dreg:$0xb] =	wrdreg s18  }
0xc: {  	s2 =	sor.u32 s0, s2;
	s21 =	sadd.s32 $0x380, s9;
	[dreg:$0xc] =	wrdreg s19  }
0xd: {  	s6 =	sshll.u32 s2, $0x7;
	s22 =	sadd.s32 $0x14000, s9;
	[dreg:$0xd] =	wrdreg s21  }
0xe: {  	s6 =	sand.u32 $0x380, s6;
	s23 =	sadd.s32 $0x14080, s9;
	[dreg:$0xe] =	wrdreg s22  }
0xf: {  	s6 =	sor.u32 s5, s6;
	s4 =	sadd.s32 $0x14380, s9;
	[dreg:$0xf] =	wrdreg s23  }
0x10: {  	s6 =	sshrl.u32 s6, $0x3;
	s15 =	sadd.s32 $0x880, s9;
	[dreg:$0x17] =	wrdreg s4  }
0x11: {  	s11 =	sadd.s32 s6, s1;
	s1 =	sadd.s32 $0x2A600, s1;
	[dreg:$0x1d] =	wrdreg s15  }
0x12: {  	s6 =	sand.u32 $0x300, s24;
	s24 =	sadd.s32 $0x14100, s9;
	[dreg:$0x4] =	wrdreg s1  }
0x13: {  	s13 =	sadd.s32 $0x1000, s9;
	[dreg:$0x10] =	wrdreg s24  }
0x14: {  	s17 =	sadd.s32 $0x1080, s9;
	[dreg:$0x1b] =	wrdreg s13  }
0x15: {  	s18 =	sadd.s32 $0x500, s9;
	[dreg:$0x1f] =	wrdreg s17  }
0x16: {  	s19 =	sadd.s32 $0x900, s9;
	[smem:$0x7CF] =	sst s18  }
0x17: {  	s21 =	sadd.s32 $0x1100, s9;
	[smem:$0x7D0] =	sst s19  }
0x18: {  	s22 =	sadd.s32 $0x580, s9;
	[smem:$0x7D2] =	sst s21  }
0x19: {  	s25 =	ssub.s32 $0x2, s0;
	s4 =	sadd.s32 $0xE00, s9;
	[smem:$0x7D3] =	sst s22  }
0x1a: {  	s7 =	sshrl.u32 s25, $0x1;
	s15 =	sadd.s32 $0x700, s9;
	[smem:$0x7D9] =	sst s4  }
0x1b: {  	s1 =	ssub.s32 s25, s7;
	s30 =	sadd.s32 $0x2600, s11;
	[smem:$0x7DF] =	sst s15  }
0x1c: {  	s24 =	sadd.s32 $0x20600, s11;
	s11 =	sadd.s32 $0x800, s9;
	[dreg:$0x5] =	wrdreg s30  }
0x1d: {  	s25 =	sshrl.u32 s20, $0x2;
	s20 =	sadd.s32 $0xD00, s9;
	[dreg:$0x19] =	wrdreg s11  }
0x1e: {  	s13 =	sadd.s32 $0xE80, s9;
	[smem:$0x7D1] =	sst s20  }
0x1f: {  	s17 =	sadd.s32 $0xF00, s9;
	[smem:$0x7DD] =	sst s13  }
0x20: {  	s18 =	sadd.s32 $0x1300, s9;
	[smem:$0x7E1] =	sst s17  }
0x21: {  	s19 =	sadd.s32 $0x780, s9;
	[smem:$0x7E2] =	sst s18  }
0x22: {  	s21 =	sadd.s32 $0xF80, s9;
	[smem:$0x7E3] =	sst s19  }
0x23: {  	s22 =	sadd.s32 $0x1380, s9;
	[smem:$0x7E5] =	sst s21  }
0x24: {  	s4 =	sadd.s32 $0x14880, s9;
	[smem:$0x7E6] =	sst s22  }
0x25: {  	s15 =	sadd.s32 $0x15100, s9;
	[smem:$0x7EC] =	sst s4  }
0x26: {  	p0 =	sne.s32 s2, $0x0;
	s2 =	sadd.s32 s25, s16;
	[smem:$0x7F2] =	sst s15  }
0x27: {  	s26 =	smax.u32 s1, $0x1;
	[dreg:$0x11] =	wrdreg s2  }
0x28: {  	s30 =	sadd.s32 $0x14180, s9;
	[dreg:$0x12] =	wrdreg s26  }
0x29: {  	s1 =	sadd.s32 $0x14280, s9;
	[dreg:$0x13] =	wrdreg s30  }
0x2a: {  	s16 =	sadd.s32 $0xC80, s9;
	[dreg:$0x15] =	wrdreg s1  }
0x2b: {  	s25 =	sadd.s32 $0x980, s9;
	[dreg:$0x1e] =	wrdreg s16  }
0x2c: {  	s11 =	sadd.s32 $0x680, s9;
	[smem:$0x7D4] =	sst s25  }
0x2d: {  	s20 =	sadd.s32 $0xB80, s9;
	[smem:$0x7DB] =	sst s11  }
0x2e: {  	s13 =	sadd.s32 $0x14900, s9;
	[smem:$0x7E4] =	sst s20  }
0x2f: {  	s5 =	sor.u32 s6, s5;
	s17 =	sadd.s32 $0x14980, s9;
	[smem:$0x7F0] =	sst s13  }
0x30: {  	s5 =	sshrl.u32 s5, $0x3;
	s18 =	sadd.s32 $0x14D80, s9;
	[smem:$0x7F4] =	sst s17  }
0x31: {  	s19 =	sadd.s32 $0x15180, s9;
	s21 =	sadd.s32 $0x14A00, s9;
	[smem:$0x7F5] =	sst s18  }
0x32: {  	s22 =	sadd.s32 $0x14E00, s9;
	s12 =	sor.u32 $0x10, s5;
	[smem:$0x7F6] =	sst s19  }
0x33: {  	s6 =	sadd.s32 s8, s5;
	s7 =	sadd.s32 s10, s5;
	[smem:$0x7F8] =	sst s21  }
0x34: {  	s5 =	sand.u32 $0x380, s31;
	s31 =	sadd.s32 $0x14200, s9;
	[smem:$0x7F9] =	sst s22  }
0x35: {  	s2 =	sadd.s32 $0x14300, s9;
	[dreg:$0x14] =	wrdreg s31  }
0x36: {  	s26 =	sadd.s32 $0xD80, s9;
	[dreg:$0x16] =	wrdreg s2  }
0x37: {  	s30 =	sadd.s32 $0x1180, s9;
	[smem:$0x7D5] =	sst s26  }
0x38: {  	s16 =	sadd.s32 $0xB00, s9;
	[smem:$0x7D6] =	sst s30  }
0x39: {  	s25 =	sadd.s32 $0x14400, s9;
	[smem:$0x7E0] =	sst s16  }
0x3a: {  	s11 =	sadd.s32 $0x15080, s9;
	[smem:$0x7E7] =	sst s25  }
0x3b: {  	s20 =	sadd.s32 $0x14600, s9;
	[smem:$0x7EE] =	sst s11  }
0x3c: {  	s8 =	sadd.s32 s8, s12;
	s5 =	sadd.s32 s5, s14;
	[smem:$0x7F7] =	sst s20  }
0x3d: {  	s10 =	sadd.s32 s10, s12;
	s12 =	sadd.s32 $0x80, s9;
	[dreg:$0x6] =	wrdreg s5  }
0x3e: {  	s14 =	sadd.s32 $0x180, s9;
	[dreg:$0x7] =	wrdreg s12  }
0x3f: {  	s31 =	sadd.s32 $0x600, s9;
	[dreg:$0x9] =	wrdreg s14  }
0x40: {  	s2 =	sadd.s32 $0xA00, s9;
	[smem:$0x7D7] =	sst s31  }
0x41: {  	s26 =	sadd.s32 $0x14800, s9;
	[smem:$0x7D8] =	sst s2  }
0x42: {  	s30 =	sadd.s32 $0x14C00, s9;
	[smem:$0x7E8] =	sst s26  }
0x43: {  	s16 =	sadd.s32 $0x14580, s9;
	[smem:$0x7E9] =	sst s30  }
0x44: {  	s28 =	sadd.s32 $0x14F80, s9;
	s25 =	sadd.s32 $0x15200, s9;
	[smem:$0x7F3] =	sst s16  }
0x45: {  	s29 =	sadd.s32 $0x15380, s9;
	s5 =	sadd.s32 $0x400, s9;
	[smem:$0x7FA] =	sst s25  }
0x46: {  	s23 =	sshll.u32 s0, $0x7;
	s12 =	sadd.s32 $0xC00, s9;
	[dreg:$0x18] =	wrdreg s5  }
0x47: {  	s0 =	simm.s32 $0x1;
	s14 =	sadd.s32 $0x480, s9;
	[dreg:$0x1a] =	wrdreg s12  }
0x48: {  	s4 =	simm.s32 $0x2;
	s31 =	sadd.s32 $0x15000, s9;
	[dreg:$0x1c] =	wrdreg s14  }
0x49: {  	s1 =	sor.u32 $0xF500, s23;
	s2 =	sadd.s32 $0x14480, s9;
	[smem:$0x7EA] =	sst s31  }
0x4a: {  	s18 =	sadd.s32 $0x15280, s9;
	s26 =	sadd.s32 $0x14680, s9;
	[smem:$0x7EB] =	sst s2  }
0x4b: {  	s19 =	sadd.s32 $0x14700, s9;
	s30 =	sadd.s32 $0x14A80, s9;
	[smem:$0x7FB] =	sst s26  }
0x4c: {  	s21 =	sadd.s32 $0x14F00, s9;
	s5 =	sadd.s32 $0x1200, s9;
	[smem:$0x7FC] =	sst s30  }
0x4d: {  	s22 =	sadd.s32 $0x15300, s9;
	s12 =	sadd.s32 $0xA80, s9;
	[smem:$0x7DA] =	sst s5  }
0x4e: {  	s17 =	simm.s32 $0x400;
	s14 =	sadd.s32 $0x1280, s9;
	[smem:$0x7DC] =	sst s12  }
0x4f: {  	s20 =	sadd.s32 $0x14B00, s9;
	s31 =	sadd.s32 $0x14E80, s9;
	[smem:$0x7DE] =	sst s14  }
0x50: {  	s25 =	sadd.s32 $0x14780, s9;
	s5 =	sadd.s32 $0x14C80, s9;
	[smem:$0x7FD] =	sst s31  }
0x51: {  	s16 =	simm.s32 $0x80;
	s12 =	sadd.s32 $0x14500, s9;
	[smem:$0x7ED] =	sst s5  }
0x52: {  	s26 =	sadd.s32 $0x14B80, s9;
	s14 =	sadd.s32 $0x14D00, s9;
	[smem:$0x7EF] =	sst s12  }
0x53: {  	v0 =	vimm.f32 $0.0e+00;
	s2 =	simm.s32 $0x2A80;
	[smem:$0x7F1] =	sst s14;
	s5 =	simm.s32 $0x0  }
.LBB2_1:
0x54: {  	s11 =	rddreg [dreg:$0x5];
	s12 =	simm.s32 $0x7D00;
	s14 =	sadd.s32 $0x0, s6  }
0x55: {  	[tilespmem:s12], [sflag:$0x1] =	stream.strided.gather [hbm4b:s11+s16], $0x2800, s17, s16, $0x38;
	[tilespmem:$0x14500] =	vst v63  }
0x56: {  	s13 =	simm.s32 $0xA600;
	s11 =	simm.s32 $0xA500;
	s12 =	simm.s32 $0x80  }
.LBB2_2:
0x57: {  	[tilespmem:s11], [sflag:$0x1] =	stream.linear.gather [hbm4b:s14+s3], $0x80, $0x38;
	[tilespmem:$0x14500] =	vst v63  }
0x58: {  	s14 =	smov.u32 s12;
	s11 =	smov.u32 s13;
	p1 =	sne.s32 s12, $0x2780  }
.Ltmp0:
0x59: {  	s12 =	sadd.s32 $0x80, s12;
	(pc) =	sbr.rel @p1 .LBB2_2-.Ltmp0, $2  }
0x5a: {  	_ =	sdelay $0x2  }
0x5b: {  	s13 =	sadd.s32 $0x100, s13;
	s14 =	sadd.s32 s14, s6  }
0x5c: {  	[tilespmem:s11], [sflag:$0x1] =	stream.linear.gather [hbm4b:s14+s3], $0x80, $0x38;
	[tilespmem:$0x14500] =	vst v63  }
0x5d: {  	s11 =	simm.s32 $0xF500  }
0x5e: {  	s12 =	simm.s32 $0x80;
	s14 =	sadd.s32 $0x0, s7;
	s13 =	simm.s32 $0xF600  }
.LBB2_4:
0x5f: {  	[tilespmem:s11], [sflag:$0x1] =	stream.linear.gather [hbm4b:s14+s3], $0x80, $0x38;
	[tilespmem:$0x14500] =	vst v63  }
0x60: {  	s14 =	smov.u32 s12;
	s11 =	smov.u32 s13;
	p1 =	sne.s32 s12, $0x2780  }
.Ltmp1:
0x61: {  	s12 =	sadd.s32 $0x80, s12;
	(pc) =	sbr.rel @p1 .LBB2_4-.Ltmp1, $2  }
0x62: {  	_ =	sdelay $0x2  }
0x63: {  	s13 =	sadd.s32 $0x100, s13;
	s14 =	sadd.s32 s14, s7  }
0x64: {  	[tilespmem:s11], [sflag:$0x1] =	stream.linear.gather [hbm4b:s14+s3], $0x80, $0x38;
	[tilespmem:$0x14500] =	vst v63  }
0x65: {  	s11 =	simm.s32 $0xA580  }
0x66: {  	s12 =	simm.s32 $0x80;
	s14 =	sadd.s32 $0x0, s8;
	s13 =	simm.s32 $0xA680  }
.LBB2_6:
0x67: {  	[tilespmem:s11], [sflag:$0x1] =	stream.linear.gather [hbm4b:s14+s3], $0x80, $0x38;
	[tilespmem:$0x14500] =	vst v63  }
0x68: {  	s14 =	smov.u32 s12;
	s11 =	smov.u32 s13;
	p1 =	sne.s32 s12, $0x2780  }
.Ltmp2:
0x69: {  	s12 =	sadd.s32 $0x80, s12;
	(pc) =	sbr.rel @p1 .LBB2_6-.Ltmp2, $2  }
0x6a: {  	_ =	sdelay $0x2  }
0x6b: {  	s13 =	sadd.s32 $0x100, s13;
	s14 =	sadd.s32 s14, s8  }
0x6c: {  	[tilespmem:s11], [sflag:$0x1] =	stream.linear.gather [hbm4b:s14+s3], $0x80, $0x38;
	[tilespmem:$0x14500] =	vst v63  }
0x6d: {  	s11 =	simm.s32 $0x0;
	s12 =	simm.s32 $0xF580  }
0x6e: {  	s13 =	simm.s32 $0x80;
	s30 =	sadd.s32 $0x0, s10;
	s14 =	simm.s32 $0xF680  }
.LBB2_8:
0x6f: {  	[tilespmem:s12], [sflag:$0x1] =	stream.linear.gather [hbm4b:s30+s11], $0x80, $0x38;
	[tilespmem:$0x14500] =	vst v63  }
0x70: {  	s30 =	smov.u32 s13;
	s12 =	smov.u32 s14;
	p1 =	sne.s32 s13, $0x2780  }
.Ltmp3:
0x71: {  	s13 =	sadd.s32 $0x80, s13;
	(pc) =	sbr.rel @p1 .LBB2_8-.Ltmp3, $2  }
0x72: {  	_ =	sdelay $0x2  }
0x73: {  	s14 =	sadd.s32 $0x100, s14;
	s30 =	sadd.s32 s30, s10  }
0x74: {  	[tilespmem:s12], [sflag:$0x1] =	stream.linear.gather [hbm4b:s30+s11], $0x80, $0x38;
	[tilespmem:$0x14500] =	vst v63  }
0x75: {  	s11 =	simm.s32 $0x40;
	s12 =	simm.s32 $0x0  }
.LBB2_10:
0x76: {  	p1 =	sne.s32 s11, $0x9FC0;
	[tilespmem:s12+$0x2A80] =	vst v0;
	s12 =	smov.u32 s11;
	s11 =	sadd.s32 $0x40, s11  }
.Ltmp4:
0x77: {  	(pc) =	sbr.rel @p1 .LBB2_10-.Ltmp4, $2  }
0x78: {  	_ =	sdelay $0x2  }
0x79: {  	s12 =	sshra.s32 s12, $0x2  }
0x7a: {  	[tilespmem:s12+$0x2A80] =	vst v0  }
0x7b: {  	_ =	swait.ge [sflag:s0], $0x2800  }
0x7c: {  	[sflag:s0] =	ssyncset.done $0x0  }
0x7d: {  	[sflag:s0] =	ssyncadd.s32 $0xFFFFD800  }
0x7e: {  	_ =	swait.ge [sflag:s0], $0x2800  }
0x7f: {  	[sflag:s0] =	ssyncset.done $0x0  }
0x80: {  	[sflag:s0] =	ssyncadd.s32 $0xFFFFD800  }
0x81: {  	_ =	swait.ge [sflag:s0], $0x2800  }
0x82: {  	[sflag:s0] =	ssyncset.done $0x0  }
0x83: {  	[sflag:s0] =	ssyncadd.s32 $0xFFFFD800  }
0x84: {  	_ =	swait.ge [sflag:s0], $0x2800  }
0x85: {  	[sflag:s0] =	ssyncset.done $0x0  }
0x86: {  	[sflag:s0] =	ssyncadd.s32 $0xFFFFD800  }
0x87: {  	s12 =	simm.s32 $0xFFFFFFFC;
	_ =	swait.ge [sflag:s0], $0x2800  }
0x88: {  	s11 =	simm.s32 $0x0;
	s13 =	simm.s32 $0x0;
	[sflag:s0] =	ssyncset.done $0x0  }
0x89: {  	s14 =	simm.s32 $0x0;
	s30 =	simm.s32 $0xFFFFFFFC;
	[sflag:s0] =	ssyncadd.s32 $0xFFFFD800  }
.LBB2_12:
0x8a: {  	s15 =	sand.u32 $0x40, s13;
	s31 =	sand.u32 $0x7F00, s14  }
0x8b: {  	s15 =	sor.u32 s15, s31  }
0x8c: {  	v1 =	vld [tilespmem:s15+$0xA500];
	_ =	sdelay $0x2  }
0x8d: {  	v2 =	vld [tilespmem:s15+$0xF500];
	_ =	sdelay $0x4  }
0x8e: {  	[tilespmem:v1+s2+$0x0] =	vst.idx.add.f32.msk $0xffff, v2  }
0x8f: {  	v1 =	vld [tilespmem:s15+$0xA510];
	_ =	sdelay $0x2  }
0x90: {  	v2 =	vld [tilespmem:s15+$0xF510];
	_ =	sdelay $0x4  }
0x91: {  	[tilespmem:v1+s2+$0x0] =	vst.idx.add.f32.msk $0xffff, v2  }
0x92: {  	v1 =	vld [tilespmem:s15+$0xA520];
	_ =	sdelay $0x2  }
0x93: {  	v2 =	vld [tilespmem:s15+$0xF520];
	_ =	sdelay $0x4  }
0x94: {  	[tilespmem:v1+s2+$0x0] =	vst.idx.add.f32.msk $0xffff, v2  }
0x95: {  	v1 =	vld [tilespmem:s15+$0xA530];
	_ =	sdelay $0x1  }
0x96: {  	s30 =	sadd.s32 $0x4, s30  }
0x97: {  	p2 =	slt.u32 s30, $0x27C;
	v2 =	vld [tilespmem:s15+$0xF530]  }
.Ltmp5:
0x98: {  	_ = 	snop;
	(pc) =	sbr.rel @p2 .LBB2_12-.Ltmp5, $2  }
0x99: {  	_ =	sdelay $0x2  }
0x9a: {  	s14 =	sadd.s32 $0x80, s14;
	s13 =	sadd.s32 $0x40, s13;
	p1 =	por $0x0, $0x0;
	[tilespmem:v1+s2+$0x0] =	vst.idx.add.f32.msk $0xffff, v2  }
0x9b: {  	s13 =	simm.s32 $0x1  }
0x9c: {  	s13 =	simm.s32 @!p1 $0x0  }
0x9d: {  	s13 =	sshll.u32 s13, $0x6  }
0x9e: {  	s13 =	sadd.s32 s13, s11  }
0x9f: {  	s14 =	sor.u32 $0x80, s13  }
0xa0: {  	v1 =	vld [tilespmem:s14+$0xA500];
	_ =	sdelay $0x2  }
0xa1: {  	v2 =	vld [tilespmem:s14+$0xF500];
	_ =	sdelay $0x4  }
0xa2: {  	s30 =	sor.u32 $0x90, s13;
	[tilespmem:v1+s2+$0x0] =	vst.idx.add.f32.msk $0xffff, v2  }
0xa3: {  	v1 =	vld [tilespmem:s30+$0xA500];
	_ =	sdelay $0x2  }
0xa4: {  	v2 =	vld [tilespmem:s30+$0xF500];
	_ =	sdelay $0x4  }
0xa5: {  	s31 =	sor.u32 $0xA0, s13;
	[tilespmem:v1+s2+$0x0] =	vst.idx.add.f32.msk $0xffff, v2  }
0xa6: {  	v1 =	vld [tilespmem:s31+$0xA500];
	_ =	sdelay $0x2  }
0xa7: {  	v2 =	vld [tilespmem:s31+$0xF500];
	_ =	sdelay $0x4  }
0xa8: {  	s13 =	sor.u32 $0xB0, s13;
	[tilespmem:v1+s2+$0x0] =	vst.idx.add.f32.msk $0xffff, v2  }
0xa9: {  	v1 =	vld [tilespmem:s13+$0xA500];
	_ =	sdelay $0x2  }
0xaa: {  	s12 =	sadd.s32 $0x4, s12;
	p1 =	por !p1, !p1;
	v2 =	vld [tilespmem:s13+$0xF500]  }
.LBB2_14:
0xab: {  	s13 =	simm.s32 $0x1  }
0xac: {  	s12 =	sadd.s32 $0x4, s12;
	s13 =	simm.s32 @!p1 $0x0  }
0xad: {  	s11 =	sadd.s32 $0x80, s11;
	p2 =	slt.u32 s12, $0x27C;
	s13 =	sshll.u32 s13, $0x6  }
0xae: {  	s13 =	sadd.s32 s13, s11  }
0xaf: {  	s14 =	sor.u32 $0x80, s13;
	[tilespmem:v1+s2+$0x0] =	vst.idx.add.f32.msk $0xffff, v2  }
0xb0: {  	v1 =	vld [tilespmem:s14+$0xA500]  }
0xb1: {  	v2 =	vld [tilespmem:s14+$0xF500];
	_ =	sdelay $0x6  }
0xb2: {  	s14 =	sor.u32 $0x90, s13;
	[tilespmem:v1+s2+$0x0] =	vst.idx.add.f32.msk $0xffff, v2  }
0xb3: {  	v1 =	vld [tilespmem:s14+$0xA500];
	_ =	sdelay $0x2  }
0xb4: {  	v2 =	vld [tilespmem:s14+$0xF500];
	_ =	sdelay $0x4  }
0xb5: {  	s14 =	sor.u32 $0xA0, s13;
	[tilespmem:v1+s2+$0x0] =	vst.idx.add.f32.msk $0xffff, v2  }
0xb6: {  	v1 =	vld [tilespmem:s14+$0xA500];
	_ =	sdelay $0x2  }
0xb7: {  	v2 =	vld [tilespmem:s14+$0xF500];
	_ =	sdelay $0x4  }
0xb8: {  	s13 =	sor.u32 $0xB0, s13;
	[tilespmem:v1+s2+$0x0] =	vst.idx.add.f32.msk $0xffff, v2  }
.Ltmp6:
0xb9: {  	v1 =	vld [tilespmem:s13+$0xA500];
	(pc) =	sbr.rel @p2 .LBB2_14-.Ltmp6, $2  }
0xba: {  	v2 =	vld [tilespmem:s13+$0xF500];
	_ =	sdelay $0x2  }
0xbb: {  	p1 =	por !p1, !p1  }
0xbc: {  	_ =	sdelay $0x3  }
0xbd: {  	s11 =	rddreg [dreg:$0x6];
	[tilespmem:v1+s2+$0x0] =	vst.idx.add.f32.msk $0xffff, v2  }
0xbe: {  	[spmem:s11] =	stream.strided.scatter [tilespmem:s2], [sflag:$0x2], $0x2800, s17, s16, $0x38;
	[tilespmem:$0x14500] =	vst v63  }
0xbf: {  	_ =	swait.ge [sflag:s4], $0x2800  }
0xc0: {  	[sflag:s4] =	ssyncset.done $0x0  }
0xc1: {  	[sflag:s4] =	ssyncadd.s32 $0xFFFFD800  }
0xc2: {  	s12 =	simm.s32 $0x5280;
	[bflag:$0x0] =	sbarrier.arrive $0xFFFF  }
0xc3: {  	[tilespmem:s12], [sflag:$0x1] =	stream.linear.gather [spmem:s9], $0x80, $0x38;
	[tilespmem:$0x14500] =	vst v63  }
0xc4: {  	s13 =	rddreg [dreg:$0x18]  }
0xc5: {  	s12 =	simm.s32 $0x5680;
	s14 =	rddreg [dreg:$0x19]  }
0xc6: {  	[tilespmem:s12], [sflag:$0x1] =	stream.linear.gather [spmem:s13], $0x80, $0x38;
	[tilespmem:$0x14500] =	vst v63  }
0xc7: {  	s15 =	simm.s32 $0x5A80;
	s16 =	rddreg [dreg:$0x1a]  }
0xc8: {  	[tilespmem:s15], [sflag:$0x1] =	stream.linear.gather [spmem:s14], $0x80, $0x38;
	[tilespmem:$0x14500] =	vst v63  }
0xc9: {  	s17 =	simm.s32 $0x5E80;
	s30 =	rddreg [dreg:$0x1b]  }
0xca: {  	[tilespmem:s17], [sflag:$0x1] =	stream.linear.gather [spmem:s16], $0x80, $0x38;
	[tilespmem:$0x14500] =	vst v63  }
0xcb: {  	s31 =	simm.s32 $0x6280;
	s12 =	rddreg [dreg:$0x7]  }
0xcc: {  	[tilespmem:s31], [sflag:$0x1] =	stream.linear.gather [spmem:s30], $0x80, $0x38;
	[tilespmem:$0x14500] =	vst v63  }
0xcd: {  	s13 =	simm.s32 $0x5300;
	s14 =	rddreg [dreg:$0x1c]  }
0xce: {  	[tilespmem:s13], [sflag:$0x1] =	stream.linear.gather [spmem:s12], $0x80, $0x38;
	[tilespmem:$0x14500] =	vst v63  }
0xcf: {  	s15 =	simm.s32 $0x5700;
	s16 =	rddreg [dreg:$0x1d]  }
0xd0: {  	[tilespmem:s15], [sflag:$0x1] =	stream.linear.gather [spmem:s14], $0x80, $0x38;
	[tilespmem:$0x14500] =	vst v63  }
0xd1: {  	s17 =	simm.s32 $0x5B00;
	s30 =	rddreg [dreg:$0x1e]  }
0xd2: {  	[tilespmem:s17], [sflag:$0x1] =	stream.linear.gather [spmem:s16], $0x80, $0x38;
	[tilespmem:$0x14500] =	vst v63  }
0xd3: {  	s31 =	simm.s32 $0x5F00;
	s12 =	rddreg [dreg:$0x1f]  }
0xd4: {  	[tilespmem:s31], [sflag:$0x1] =	stream.linear.gather [spmem:s30], $0x80, $0x38;
	[tilespmem:$0x14500] =	vst v63  }
0xd5: {  	s13 =	simm.s32 $0x6300;
	s14 =	rddreg [dreg:$0x8]  }
0xd6: {  	[tilespmem:s13], [sflag:$0x1] =	stream.linear.gather [spmem:s12], $0x80, $0x38;
	[tilespmem:$0x14500] =	vst v63  }
0xd7: {  	s15 =	simm.s32 $0x5380;
	s16 =	sld [smem:$0x7CF]  }
0xd8: {  	[tilespmem:s15], [sflag:$0x1] =	stream.linear.gather [spmem:s14], $0x80, $0x38;
	[tilespmem:$0x14500] =	vst v63  }
0xd9: {  	s17 =	simm.s32 $0x5780;
	s30 =	sld [smem:$0x7D0]  }
0xda: {  	[tilespmem:s17], [sflag:$0x1] =	stream.linear.gather [spmem:s16], $0x80, $0x38;
	[tilespmem:$0x14500] =	vst v63  }
0xdb: {  	s31 =	simm.s32 $0x5B80;
	s12 =	sld [smem:$0x7D1]  }
0xdc: {  	[tilespmem:s31], [sflag:$0x1] =	stream.linear.gather [spmem:s30], $0x80, $0x38;
	[tilespmem:$0x14500] =	vst v63  }
0xdd: {  	s13 =	simm.s32 $0x5F80;
	s14 =	sld [smem:$0x7D2]  }
0xde: {  	[tilespmem:s13], [sflag:$0x1] =	stream.linear.gather [spmem:s12], $0x80, $0x38;
	[tilespmem:$0x14500] =	vst v63  }
0xdf: {  	s15 =	simm.s32 $0x6380;
	s16 =	rddreg [dreg:$0x9]  }
0xe0: {  	[tilespmem:s15], [sflag:$0x1] =	stream.linear.gather [spmem:s14], $0x80, $0x38;
	[tilespmem:$0x14500] =	vst v63  }
0xe1: {  	s17 =	simm.s32 $0x5400;
	s30 =	sld [smem:$0x7D3]  }
0xe2: {  	[tilespmem:s17], [sflag:$0x1] =	stream.linear.gather [spmem:s16], $0x80, $0x38;
	[tilespmem:$0x14500] =	vst v63  }
0xe3: {  	s31 =	simm.s32 $0x5800;
	s12 =	sld [smem:$0x7D4]  }
0xe4: {  	[tilespmem:s31], [sflag:$0x1] =	stream.linear.gather [spmem:s30], $0x80, $0x38;
	[tilespmem:$0x14500] =	vst v63  }
0xe5: {  	s13 =	simm.s32 $0x5C00;
	s14 =	sld [smem:$0x7D5]  }
0xe6: {  	[tilespmem:s13], [sflag:$0x1] =	stream.linear.gather [spmem:s12], $0x80, $0x38;
	[tilespmem:$0x14500] =	vst v63  }
0xe7: {  	s15 =	simm.s32 $0x6000;
	s16 =	sld [smem:$0x7D6]  }
0xe8: {  	[tilespmem:s15], [sflag:$0x1] =	stream.linear.gather [spmem:s14], $0x80, $0x38;
	[tilespmem:$0x14500] =	vst v63  }
0xe9: {  	s17 =	simm.s32 $0x6400;
	s30 =	rddreg [dreg:$0xa]  }
0xea: {  	[tilespmem:s17], [sflag:$0x1] =	stream.linear.gather [spmem:s16], $0x80, $0x38;
	[tilespmem:$0x14500] =	vst v63  }
0xeb: {  	s31 =	simm.s32 $0x5480;
	s12 =	sld [smem:$0x7D7]  }
0xec: {  	[tilespmem:s31], [sflag:$0x1] =	stream.linear.gather [spmem:s30], $0x80, $0x38;
	[tilespmem:$0x14500] =	vst v63  }
0xed: {  	s13 =	simm.s32 $0x5880;
	s14 =	sld [smem:$0x7D8]  }
0xee: {  	[tilespmem:s13], [sflag:$0x1] =	stream.linear.gather [spmem:s12], $0x80, $0x38;
	[tilespmem:$0x14500] =	vst v63  }
0xef: {  	s15 =	simm.s32 $0x5C80;
	s16 =	sld [smem:$0x7D9]  }
0xf0: {  	[tilespmem:s15], [sflag:$0x1] =	stream.linear.gather [spmem:s14], $0x80, $0x38;
	[tilespmem:$0x14500] =	vst v63  }
0xf1: {  	s17 =	simm.s32 $0x6080;
	s30 =	sld [smem:$0x7DA]  }
0xf2: {  	[tilespmem:s17], [sflag:$0x1] =	stream.linear.gather [spmem:s16], $0x80, $0x38;
	[tilespmem:$0x14500] =	vst v63  }
0xf3: {  	s31 =	simm.s32 $0x6480;
	s12 =	rddreg [dreg:$0xb]  }
0xf4: {  	[tilespmem:s31], [sflag:$0x1] =	stream.linear.gather [spmem:s30], $0x80, $0x38;
	[tilespmem:$0x14500] =	vst v63  }
0xf5: {  	s13 =	simm.s32 $0x5500;
	s14 =	sld [smem:$0x7DB]  }
0xf6: {  	[tilespmem:s13], [sflag:$0x1] =	stream.linear.gather [spmem:s12], $0x80, $0x38;
	[tilespmem:$0x14500] =	vst v63  }
0xf7: {  	s15 =	simm.s32 $0x5900;
	s16 =	sld [smem:$0x7DC]  }
0xf8: {  	[tilespmem:s15], [sflag:$0x1] =	stream.linear.gather [spmem:s14], $0x80, $0x38;
	[tilespmem:$0x14500] =	vst v63  }
0xf9: {  	s17 =	simm.s32 $0x5D00;
	s30 =	sld [smem:$0x7DD]  }
0xfa: {  	[tilespmem:s17], [sflag:$0x1] =	stream.linear.gather [spmem:s16], $0x80, $0x38;
	[tilespmem:$0x14500] =	vst v63  }
0xfb: {  	s31 =	simm.s32 $0x6100;
	s12 =	sld [smem:$0x7DE]  }
0xfc: {  	[tilespmem:s31], [sflag:$0x1] =	stream.linear.gather [spmem:s30], $0x80, $0x38;
	[tilespmem:$0x14500] =	vst v63  }
0xfd: {  	s13 =	simm.s32 $0x6500;
	s14 =	rddreg [dreg:$0xc]  }
0xfe: {  	[tilespmem:s13], [sflag:$0x1] =	stream.linear.gather [spmem:s12], $0x80, $0x38;
	[tilespmem:$0x14500] =	vst v63  }
0xff: {  	s15 =	simm.s32 $0x5580;
	s16 =	sld [smem:$0x7DF]  }
0x100: {  	[tilespmem:s15], [sflag:$0x1] =	stream.linear.gather [spmem:s14], $0x80, $0x38;
	[tilespmem:$0x14500] =	vst v63  }
0x101: {  	s17 =	simm.s32 $0x5980;
	s30 =	sld [smem:$0x7E0]  }
0x102: {  	[tilespmem:s17], [sflag:$0x1] =	stream.linear.gather [spmem:s16], $0x80, $0x38;
	[tilespmem:$0x14500] =	vst v63  }
0x103: {  	s31 =	simm.s32 $0x5D80;
	s12 =	sld [smem:$0x7E1]  }
0x104: {  	[tilespmem:s31], [sflag:$0x1] =	stream.linear.gather [spmem:s30], $0x80, $0x38;
	[tilespmem:$0x14500] =	vst v63  }
0x105: {  	s13 =	simm.s32 $0x6180;
	s14 =	sld [smem:$0x7E2]  }
0x106: {  	[tilespmem:s13], [sflag:$0x1] =	stream.linear.gather [spmem:s12], $0x80, $0x38;
	[tilespmem:$0x14500] =	vst v63  }
0x107: {  	s15 =	simm.s32 $0x6580;
	s16 =	rddreg [dreg:$0xd]  }
0x108: {  	[tilespmem:s15], [sflag:$0x1] =	stream.linear.gather [spmem:s14], $0x80, $0x38;
	[tilespmem:$0x14500] =	vst v63  }
0x109: {  	s17 =	simm.s32 $0x5600;
	s30 =	sld [smem:$0x7E3]  }
0x10a: {  	[tilespmem:s17], [sflag:$0x1] =	stream.linear.gather [spmem:s16], $0x80, $0x38;
	[tilespmem:$0x14500] =	vst v63  }
0x10b: {  	s31 =	simm.s32 $0x5A00;
	s12 =	sld [smem:$0x7E4]  }
0x10c: {  	[tilespmem:s31], [sflag:$0x1] =	stream.linear.gather [spmem:s30], $0x80, $0x38;
	[tilespmem:$0x14500] =	vst v63  }
0x10d: {  	s13 =	simm.s32 $0x5E00;
	s14 =	sld [smem:$0x7E5]  }
0x10e: {  	[tilespmem:s13], [sflag:$0x1] =	stream.linear.gather [spmem:s12], $0x80, $0x38;
	[tilespmem:$0x14500] =	vst v63  }
0x10f: {  	s15 =	simm.s32 $0x6200;
	s16 =	sld [smem:$0x7E6]  }
0x110: {  	[tilespmem:s15], [sflag:$0x1] =	stream.linear.gather [spmem:s14], $0x80, $0x38;
	[tilespmem:$0x14500] =	vst v63  }
0x111: {  	s17 =	simm.s32 $0x6600;
	s30 =	rddreg [dreg:$0xe]  }
0x112: {  	[tilespmem:s17], [sflag:$0x1] =	stream.linear.gather [spmem:s16], $0x80, $0x38;
	[tilespmem:$0x14500] =	vst v63  }
0x113: {  	s31 =	simm.s32 $0x6680;
	s12 =	sld [smem:$0x7E7]  }
0x114: {  	[tilespmem:s31], [sflag:$0x1] =	stream.linear.gather [spmem:s30], $0x80, $0x38;
	[tilespmem:$0x14500] =	vst v63  }
0x115: {  	s13 =	simm.s32 $0x6A80;
	s14 =	sld [smem:$0x7E8]  }
0x116: {  	[tilespmem:s13], [sflag:$0x1] =	stream.linear.gather [spmem:s12], $0x80, $0x38;
	[tilespmem:$0x14500] =	vst v63  }
0x117: {  	s15 =	simm.s32 $0x6E80;
	s16 =	sld [smem:$0x7E9]  }
0x118: {  	[tilespmem:s15], [sflag:$0x1] =	stream.linear.gather [spmem:s14], $0x80, $0x38;
	[tilespmem:$0x14500] =	vst v63  }
0x119: {  	s17 =	simm.s32 $0x7280;
	s30 =	sld [smem:$0x7EA]  }
0x11a: {  	[tilespmem:s17], [sflag:$0x1] =	stream.linear.gather [spmem:s16], $0x80, $0x38;
	[tilespmem:$0x14500] =	vst v63  }
0x11b: {  	s31 =	simm.s32 $0x7680;
	s12 =	rddreg [dreg:$0xf]  }
0x11c: {  	[tilespmem:s31], [sflag:$0x1] =	stream.linear.gather [spmem:s30], $0x80, $0x38;
	[tilespmem:$0x14500] =	vst v63  }
0x11d: {  	s13 =	simm.s32 $0x6700;
	s14 =	sld [smem:$0x7EB]  }
0x11e: {  	[tilespmem:s13], [sflag:$0x1] =	stream.linear.gather [spmem:s12], $0x80, $0x38;
	[tilespmem:$0x14500] =	vst v63  }
0x11f: {  	s15 =	simm.s32 $0x6B00;
	s16 =	sld [smem:$0x7EC]  }
0x120: {  	[tilespmem:s15], [sflag:$0x1] =	stream.linear.gather [spmem:s14], $0x80, $0x38;
	[tilespmem:$0x14500] =	vst v63  }
0x121: {  	s17 =	simm.s32 $0x6F00;
	s30 =	sld [smem:$0x7ED]  }
0x122: {  	[tilespmem:s17], [sflag:$0x1] =	stream.linear.gather [spmem:s16], $0x80, $0x38;
	[tilespmem:$0x14500] =	vst v63  }
0x123: {  	s31 =	simm.s32 $0x7300;
	s12 =	sld [smem:$0x7EE]  }
0x124: {  	[tilespmem:s31], [sflag:$0x1] =	stream.linear.gather [spmem:s30], $0x80, $0x38;
	[tilespmem:$0x14500] =	vst v63  }
0x125: {  	s13 =	simm.s32 $0x7700;
	s14 =	rddreg [dreg:$0x10]  }
0x126: {  	[tilespmem:s13], [sflag:$0x1] =	stream.linear.gather [spmem:s12], $0x80, $0x38;
	[tilespmem:$0x14500] =	vst v63  }
0x127: {  	s15 =	simm.s32 $0x6780;
	s16 =	sld [smem:$0x7EF]  }
0x128: {  	[tilespmem:s15], [sflag:$0x1] =	stream.linear.gather [spmem:s14], $0x80, $0x38;
	[tilespmem:$0x14500] =	vst v63  }
0x129: {  	s17 =	simm.s32 $0x6B80;
	s30 =	sld [smem:$0x7F0]  }
0x12a: {  	[tilespmem:s17], [sflag:$0x1] =	stream.linear.gather [spmem:s16], $0x80, $0x38;
	[tilespmem:$0x14500] =	vst v63  }
0x12b: {  	s31 =	simm.s32 $0x6F80;
	s12 =	sld [smem:$0x7F1]  }
0x12c: {  	[tilespmem:s31], [sflag:$0x1] =	stream.linear.gather [spmem:s30], $0x80, $0x38;
	[tilespmem:$0x14500] =	vst v63  }
0x12d: {  	s13 =	simm.s32 $0x7380;
	s14 =	sld [smem:$0x7F2]  }
0x12e: {  	[tilespmem:s13], [sflag:$0x1] =	stream.linear.gather [spmem:s12], $0x80, $0x38;
	[tilespmem:$0x14500] =	vst v63  }
0x12f: {  	s15 =	simm.s32 $0x7780;
	s16 =	rddreg [dreg:$0x13]  }
0x130: {  	[tilespmem:s15], [sflag:$0x1] =	stream.linear.gather [spmem:s14], $0x80, $0x38;
	[tilespmem:$0x14500] =	vst v63  }
0x131: {  	s17 =	simm.s32 $0x6800;
	s30 =	sld [smem:$0x7F3]  }
0x132: {  	[tilespmem:s17], [sflag:$0x1] =	stream.linear.gather [spmem:s16], $0x80, $0x38;
	[tilespmem:$0x14500] =	vst v63  }
0x133: {  	s31 =	simm.s32 $0x6C00;
	s12 =	sld [smem:$0x7F4]  }
0x134: {  	[tilespmem:s31], [sflag:$0x1] =	stream.linear.gather [spmem:s30], $0x80, $0x38;
	[tilespmem:$0x14500] =	vst v63  }
0x135: {  	s13 =	simm.s32 $0x7000;
	s14 =	sld [smem:$0x7F5]  }
0x136: {  	[tilespmem:s13], [sflag:$0x1] =	stream.linear.gather [spmem:s12], $0x80, $0x38;
	[tilespmem:$0x14500] =	vst v63  }
0x137: {  	s15 =	simm.s32 $0x7400;
	s16 =	sld [smem:$0x7F6]  }
0x138: {  	[tilespmem:s15], [sflag:$0x1] =	stream.linear.gather [spmem:s14], $0x80, $0x38;
	[tilespmem:$0x14500] =	vst v63  }
0x139: {  	s17 =	simm.s32 $0x7800;
	s30 =	rddreg [dreg:$0x14]  }
0x13a: {  	[tilespmem:s17], [sflag:$0x1] =	stream.linear.gather [spmem:s16], $0x80, $0x38;
	[tilespmem:$0x14500] =	vst v63  }
0x13b: {  	s31 =	simm.s32 $0x6880;
	s12 =	sld [smem:$0x7F7]  }
0x13c: {  	[tilespmem:s31], [sflag:$0x1] =	stream.linear.gather [spmem:s30], $0x80, $0x38;
	[tilespmem:$0x14500] =	vst v63  }
0x13d: {  	s13 =	simm.s32 $0x6C80;
	s14 =	sld [smem:$0x7F8]  }
0x13e: {  	[tilespmem:s13], [sflag:$0x1] =	stream.linear.gather [spmem:s12], $0x80, $0x38;
	[tilespmem:$0x14500] =	vst v63  }
0x13f: {  	s15 =	simm.s32 $0x7080;
	s16 =	sld [smem:$0x7F9]  }
0x140: {  	[tilespmem:s15], [sflag:$0x1] =	stream.linear.gather [spmem:s14], $0x80, $0x38;
	[tilespmem:$0x14500] =	vst v63  }
0x141: {  	s17 =	simm.s32 $0x7480;
	s30 =	sld [smem:$0x7FA]  }
0x142: {  	[tilespmem:s17], [sflag:$0x1] =	stream.linear.gather [spmem:s16], $0x80, $0x38;
	[tilespmem:$0x14500] =	vst v63  }
0x143: {  	s31 =	simm.s32 $0x7880;
	s12 =	rddreg [dreg:$0x15]  }
0x144: {  	[tilespmem:s31], [sflag:$0x1] =	stream.linear.gather [spmem:s30], $0x80, $0x38;
	[tilespmem:$0x14500] =	vst v63  }
0x145: {  	s13 =	simm.s32 $0x6900;
	s14 =	sld [smem:$0x7FB]  }
0x146: {  	[tilespmem:s13], [sflag:$0x1] =	stream.linear.gather [spmem:s12], $0x80, $0x38;
	[tilespmem:$0x14500] =	vst v63  }
0x147: {  	s15 =	simm.s32 $0x6D00;
	s16 =	sld [smem:$0x7FC]  }
0x148: {  	[tilespmem:s15], [sflag:$0x1] =	stream.linear.gather [spmem:s14], $0x80, $0x38;
	[tilespmem:$0x14500] =	vst v63  }
0x149: {  	s17 =	simm.s32 $0x7100;
	s30 =	sld [smem:$0x7FD]  }
0x14a: {  	[tilespmem:s17], [sflag:$0x1] =	stream.linear.gather [spmem:s16], $0x80, $0x38;
	[tilespmem:$0x14500] =	vst v63  }
0x14b: {  	s31 =	simm.s32 $0x7500  }
0x14c: {  	[tilespmem:s31], [sflag:$0x1] =	stream.linear.gather [spmem:s30], $0x80, $0x38;
	[tilespmem:$0x14500] =	vst v63  }
0x14d: {  	s13 =	simm.s32 $0x7900  }
0x14e: {  	[tilespmem:s13], [sflag:$0x1] =	stream.linear.gather [spmem:s18], $0x80, $0x38;
	[tilespmem:$0x14500] =	vst v63  }
0x14f: {  	s14 =	rddreg [dreg:$0x16];
	s15 =	simm.s32 $0x6980  }
0x150: {  	[tilespmem:s15], [sflag:$0x1] =	stream.linear.gather [spmem:s14], $0x80, $0x38;
	[tilespmem:$0x14500] =	vst v63  }
0x151: {  	s16 =	simm.s32 $0x6D80  }
0x152: {  	[tilespmem:s16], [sflag:$0x1] =	stream.linear.gather [spmem:s19], $0x80, $0x38;
	[tilespmem:$0x14500] =	vst v63  }
0x153: {  	s17 =	simm.s32 $0x7180  }
0x154: {  	[tilespmem:s17], [sflag:$0x1] =	stream.linear.gather [spmem:s20], $0x80, $0x38;
	[tilespmem:$0x14500] =	vst v63  }
0x155: {  	s30 =	simm.s32 $0x7580  }
0x156: {  	[tilespmem:s30], [sflag:$0x1] =	stream.linear.gather [spmem:s21], $0x80, $0x38;
	[tilespmem:$0x14500] =	vst v63  }
0x157: {  	s31 =	simm.s32 $0x7980  }
0x158: {  	[tilespmem:s31], [sflag:$0x1] =	stream.linear.gather [spmem:s22], $0x80, $0x38;
	[tilespmem:$0x14500] =	vst v63  }
0x159: {  	s12 =	rddreg [dreg:$0x17];
	s13 =	simm.s32 $0x6A00  }
0x15a: {  	[tilespmem:s13], [sflag:$0x1] =	stream.linear.gather [spmem:s12], $0x80, $0x38;
	[tilespmem:$0x14500] =	vst v63  }
0x15b: {  	s14 =	simm.s32 $0x6E00  }
0x15c: {  	[tilespmem:s14], [sflag:$0x1] =	stream.linear.gather [spmem:s25], $0x80, $0x38;
	[tilespmem:$0x14500] =	vst v63  }
0x15d: {  	s15 =	simm.s32 $0x7200  }
0x15e: {  	[tilespmem:s15], [sflag:$0x1] =	stream.linear.gather [spmem:s26], $0x80, $0x38;
	[tilespmem:$0x14500] =	vst v63  }
0x15f: {  	s16 =	simm.s32 $0x7600  }
0x160: {  	[tilespmem:s16], [sflag:$0x1] =	stream.linear.gather [spmem:s28], $0x80, $0x38;
	[tilespmem:$0x14500] =	vst v63  }
0x161: {  	s17 =	simm.s32 $0x7A00  }
0x162: {  	[tilespmem:s17], [sflag:$0x1] =	stream.linear.gather [spmem:s29], $0x80, $0x38;
	[tilespmem:$0x14500] =	vst v63  }
0x163: {  	_ =	swait.ge [sflag:s0], $0x280  }
0x164: {  	[sflag:s0] =	ssyncset.done $0x0  }
0x165: {  	[sflag:s0] =	ssyncadd.s32 $0xFFFFFD80  }
0x166: {  	_ =	swait.ge [sflag:s0], $0x280  }
0x167: {  	[sflag:s0] =	ssyncset.done $0x0  }
0x168: {  	[sflag:s0] =	ssyncadd.s32 $0xFFFFFD80  }
0x169: {  	_ =	swait.ge [sflag:s0], $0x280  }
0x16a: {  	[sflag:s0] =	ssyncset.done $0x0  }
0x16b: {  	[sflag:s0] =	ssyncadd.s32 $0xFFFFFD80  }
0x16c: {  	_ =	swait.ge [sflag:s0], $0x280  }
0x16d: {  	[sflag:s0] =	ssyncset.done $0x0  }
0x16e: {  	[sflag:s0] =	ssyncadd.s32 $0xFFFFFD80  }
0x16f: {  	_ =	swait.ge [sflag:s0], $0x280  }
0x170: {  	[sflag:s0] =	ssyncset.done $0x0  }
0x171: {  	[sflag:s0] =	ssyncadd.s32 $0xFFFFFD80  }
0x172: {  	_ =	swait.ge [sflag:s0], $0x280  }
0x173: {  	[sflag:s0] =	ssyncset.done $0x0  }
0x174: {  	[sflag:s0] =	ssyncadd.s32 $0xFFFFFD80  }
0x175: {  	_ =	swait.ge [sflag:s0], $0x280  }
0x176: {  	[sflag:s0] =	ssyncset.done $0x0  }
0x177: {  	[sflag:s0] =	ssyncadd.s32 $0xFFFFFD80  }
0x178: {  	_ =	swait.ge [sflag:s0], $0x280  }
0x179: {  	[sflag:s0] =	ssyncset.done $0x0  }
0x17a: {  	[sflag:s0] =	ssyncadd.s32 $0xFFFFFD80  }
0x17b: {  	_ =	swait.ge [sflag:s0], $0x280  }
0x17c: {  	[sflag:s0] =	ssyncset.done $0x0  }
0x17d: {  	[sflag:s0] =	ssyncadd.s32 $0xFFFFFD80  }
0x17e: {  	_ =	swait.ge [sflag:s0], $0x280  }
0x17f: {  	[sflag:s0] =	ssyncset.done $0x0  }
0x180: {  	[sflag:s0] =	ssyncadd.s32 $0xFFFFFD80  }
0x181: {  	_ =	swait.ge [sflag:s0], $0x280  }
0x182: {  	[sflag:s0] =	ssyncset.done $0x0  }
0x183: {  	[sflag:s0] =	ssyncadd.s32 $0xFFFFFD80  }
0x184: {  	_ =	swait.ge [sflag:s0], $0x280  }
0x185: {  	[sflag:s0] =	ssyncset.done $0x0  }
0x186: {  	[sflag:s0] =	ssyncadd.s32 $0xFFFFFD80  }
0x187: {  	_ =	swait.ge [sflag:s0], $0x280  }
0x188: {  	[sflag:s0] =	ssyncset.done $0x0  }
0x189: {  	[sflag:s0] =	ssyncadd.s32 $0xFFFFFD80  }
0x18a: {  	_ =	swait.ge [sflag:s0], $0x280  }
0x18b: {  	[sflag:s0] =	ssyncset.done $0x0  }
0x18c: {  	[sflag:s0] =	ssyncadd.s32 $0xFFFFFD80  }
0x18d: {  	_ =	swait.ge [sflag:s0], $0x280  }
0x18e: {  	[sflag:s0] =	ssyncset.done $0x0  }
0x18f: {  	[sflag:s0] =	ssyncadd.s32 $0xFFFFFD80  }
0x190: {  	s30 =	simm.s32 $0x0;
	_ =	swait.ge [sflag:s0], $0x280  }
0x191: {  	s11 =	sand.u32 $0x1C00, s30;
	s31 =	sand.u32 $0x70, s30;
	[sflag:s0] =	ssyncset.done $0x0  }
0x192: {  	s11 =	sor.u32 s31, s11;
	[sflag:s0] =	ssyncadd.s32 $0xFFFFFD80  }
0x193: {  	v1 =	vld [tilespmem:s11+$0x5300]  }
0x194: {  	v2 =	vld [tilespmem:s11+$0x5280];
	_ =	sdelay $0x1  }
0x195: {  	v3 =	vld [tilespmem:s11+$0x5380];
	_ =	sdelay $0x1  }
0x196: {  	v4 =	vld [tilespmem:s11+$0x5400]  }
0x197: {  	v1 =	vadd.f32 v1, v2  }
0x198: {  	v2 =	vld [tilespmem:s11+$0x5480]  }
0x199: {  	v1 =	vadd.f32 v3, v1  }
0x19a: {  	v3 =	vld [tilespmem:s11+$0x5500]  }
0x19b: {  	v1 =	vadd.f32 v4, v1  }
0x19c: {  	v60 =	vld [tilespmem:s11+$0x5580]  }
0x19d: {  	v1 =	vadd.f32 v2, v1  }
0x19e: {  	v2 =	vld [tilespmem:s11+$0x5600]  }
0x19f: {  	v1 =	vadd.f32 v3, v1  }
0x1a0: {  	v3 =	vld [tilespmem:s11+$0x6680]  }
0x1a1: {  	v1 =	vadd.f32 v60, v1  }
0x1a2: {  	v61 =	vld [tilespmem:s11+$0x6700]  }
0x1a3: {  	v1 =	vadd.f32 v2, v1  }
0x1a4: {  	v2 =	vld [tilespmem:s11+$0x6780]  }
0x1a5: {  	v1 =	vadd.f32 v3, v1  }
0x1a6: {  	v3 =	vld [tilespmem:s11+$0x6800]  }
0x1a7: {  	v1 =	vadd.f32 v61, v1  }
0x1a8: {  	v62 =	vld [tilespmem:s11+$0x6880]  }
0x1a9: {  	v1 =	vadd.f32 v2, v1  }
0x1aa: {  	v2 =	vld [tilespmem:s11+$0x6900]  }
0x1ab: {  	v1 =	vadd.f32 v3, v1  }
0x1ac: {  	v3 =	vld [tilespmem:s11+$0x6980]  }
0x1ad: {  	v1 =	vadd.f32 v62, v1  }
0x1ae: {  	v63 =	vld [tilespmem:s11+$0x6A00]  }
0x1af: {  	v1 =	vadd.f32 v2, v1;
	_ =	sdelay $0x1  }
0x1b0: {  	v1 =	vadd.f32 v3, v1;
	_ =	sdelay $0x1  }
0x1b1: {  	v1 =	vadd.f32 v63, v1;
	_ =	sdelay $0x1  }
0x1b2: {  	v1 =	vadd.f32 $1.000000000e+00, v1;
	_ =	sdelay $0x1  }
0x1b3: {  	v2 =	vmul.f32 $5.000000000e-01, v1;
	v1 =	vshrl.u32 v1, $0x1  }
0x1b4: {  	v1 =	vsub.s32 $0x5F3759DF, v1  }
0x1b5: {  	v3 =	vmul.f32 v1, v2;
	_ =	sdelay $0x1  }
0x1b6: {  	v3 =	vmul.f32 v1, v3;
	_ =	sdelay $0x1  }
0x1b7: {  	v3 =	vsub.f32 $1.500000000e+00, v3;
	_ =	sdelay $0x1  }
0x1b8: {  	v1 =	vmul.f32 v1, v3;
	_ =	sdelay $0x1  }
0x1b9: {  	v3 =	vmul.f32 v1, v2;
	_ =	sdelay $0x1  }
0x1ba: {  	v3 =	vmul.f32 v3, v1;
	_ =	sdelay $0x1  }
0x1bb: {  	v3 =	vsub.f32 $1.500000000e+00, v3;
	_ =	sdelay $0x1  }
0x1bc: {  	v1 =	vmul.f32 v3, v1;
	_ =	sdelay $0x1  }
0x1bd: {  	v2 =	vmul.f32 v1, v2;
	_ =	sdelay $0x1  }
0x1be: {  	v2 =	vmul.f32 v2, v1;
	_ =	sdelay $0x1  }
0x1bf: {  	v2 =	vsub.f32 $1.500000000e+00, v2;
	_ =	sdelay $0x1  }
0x1c0: {  	s13 =	simm.s32 $0x10;
	s12 =	simm.s32 $0x80;
	v1 =	vmul.f32 v2, v1  }
0x1c1: {  	s13 =	sand.u32 $0x70, s13;
	s14 =	sand.u32 $0x1C00, s12;
	s11 =	simm.s32 $0x7A80  }
0x1c2: {  	s14 =	sor.u32 s13, s14;
	s13 =	simm.s32 $0x20;
	[tilespmem:s11+$0x0] =	vst v1  }
.LBB2_16:
0x1c3: {  	p1 =	sne.s32 s13, $0x270;
	v1 =	vld [tilespmem:s14+$0x5300]  }
0x1c4: {  	v2 =	vld [tilespmem:s14+$0x5280];
	_ =	sdelay $0x1  }
0x1c5: {  	v3 =	vld [tilespmem:s14+$0x5380];
	_ =	sdelay $0x1  }
0x1c6: {  	v4 =	vld [tilespmem:s14+$0x5400]  }
0x1c7: {  	v1 =	vadd.f32 v1, v2  }
0x1c8: {  	v2 =	vld [tilespmem:s14+$0x5480]  }
0x1c9: {  	v1 =	vadd.f32 v3, v1  }
0x1ca: {  	v3 =	vld [tilespmem:s14+$0x5500]  }
0x1cb: {  	v1 =	vadd.f32 v4, v1  }
0x1cc: {  	v4 =	vld [tilespmem:s14+$0x5580]  }
0x1cd: {  	v1 =	vadd.f32 v2, v1  }
0x1ce: {  	v2 =	vld [tilespmem:s14+$0x5600]  }
0x1cf: {  	v1 =	vadd.f32 v3, v1  }
0x1d0: {  	v3 =	vld [tilespmem:s14+$0x6680]  }
0x1d1: {  	v1 =	vadd.f32 v4, v1  }
0x1d2: {  	v4 =	vld [tilespmem:s14+$0x6700]  }
0x1d3: {  	v1 =	vadd.f32 v2, v1  }
0x1d4: {  	v2 =	vld [tilespmem:s14+$0x6780]  }
0x1d5: {  	v1 =	vadd.f32 v3, v1  }
0x1d6: {  	v3 =	vld [tilespmem:s14+$0x6800]  }
0x1d7: {  	v1 =	vadd.f32 v4, v1  }
0x1d8: {  	v4 =	vld [tilespmem:s14+$0x6880]  }
0x1d9: {  	v1 =	vadd.f32 v2, v1  }
0x1da: {  	v2 =	vld [tilespmem:s14+$0x6900]  }
0x1db: {  	v1 =	vadd.f32 v3, v1  }
0x1dc: {  	v3 =	vld [tilespmem:s14+$0x6980]  }
0x1dd: {  	v1 =	vadd.f32 v4, v1  }
0x1de: {  	v4 =	vld [tilespmem:s14+$0x6A00]  }
0x1df: {  	v1 =	vadd.f32 v2, v1;
	_ =	sdelay $0x1  }
0x1e0: {  	v1 =	vadd.f32 v3, v1;
	_ =	sdelay $0x1  }
0x1e1: {  	v1 =	vadd.f32 v4, v1;
	_ =	sdelay $0x1  }
0x1e2: {  	v1 =	vadd.f32 $1.000000000e+00, v1;
	_ =	sdelay $0x1  }
0x1e3: {  	v2 =	vmul.f32 $5.000000000e-01, v1;
	v1 =	vshrl.u32 v1, $0x1  }
0x1e4: {  	v1 =	vsub.s32 $0x5F3759DF, v1  }
0x1e5: {  	v3 =	vmul.f32 v1, v2;
	_ =	sdelay $0x1  }
0x1e6: {  	v3 =	vmul.f32 v1, v3;
	_ =	sdelay $0x1  }
0x1e7: {  	v3 =	vsub.f32 $1.500000000e+00, v3;
	_ =	sdelay $0x1  }
0x1e8: {  	v1 =	vmul.f32 v1, v3;
	_ =	sdelay $0x1  }
0x1e9: {  	v3 =	vmul.f32 v1, v2;
	_ =	sdelay $0x1  }
0x1ea: {  	v3 =	vmul.f32 v3, v1;
	_ =	sdelay $0x1  }
0x1eb: {  	v3 =	vsub.f32 $1.500000000e+00, v3;
	_ =	sdelay $0x1  }
0x1ec: {  	v1 =	vmul.f32 v3, v1;
	_ =	sdelay $0x1  }
0x1ed: {  	v2 =	vmul.f32 v1, v2;
	_ =	sdelay $0x1  }
0x1ee: {  	v2 =	vmul.f32 v2, v1;
	_ =	sdelay $0x1  }
.Ltmp7:
0x1ef: {  	v2 =	vsub.f32 $1.500000000e+00, v2;
	(pc) =	sbr.rel @p1 .LBB2_16-.Ltmp7, $4  }
0x1f0: {  	_ = 	snop  }
0x1f1: {  	s12 =	sadd.s32 $0x80, s12;
	v1 =	vmul.f32 v2, v1  }
0x1f2: {  	s11 =	sadd.s32 $0x10, s11;
	s15 =	sand.u32 $0x1C00, s12;
	s14 =	sand.u32 $0x70, s13  }
0x1f3: {  	s13 =	sadd.s32 $0x10, s13;
	s14 =	sor.u32 s14, s15;
	[tilespmem:s11+$0x0] =	vst v1  }
0x1f4: {  	v1 =	vld [tilespmem:s14+$0x5300]  }
0x1f5: {  	v2 =	vld [tilespmem:s14+$0x5280];
	_ =	sdelay $0x1  }
0x1f6: {  	v3 =	vld [tilespmem:s14+$0x5380];
	_ =	sdelay $0x1  }
0x1f7: {  	v4 =	vld [tilespmem:s14+$0x5400]  }
0x1f8: {  	v1 =	vadd.f32 v1, v2  }
0x1f9: {  	v2 =	vld [tilespmem:s14+$0x5480]  }
0x1fa: {  	v1 =	vadd.f32 v3, v1  }
0x1fb: {  	v3 =	vld [tilespmem:s14+$0x5500]  }
0x1fc: {  	v1 =	vadd.f32 v4, v1  }
0x1fd: {  	v60 =	vld [tilespmem:s14+$0x5580]  }
0x1fe: {  	v1 =	vadd.f32 v2, v1  }
0x1ff: {  	v2 =	vld [tilespmem:s14+$0x5600]  }
0x200: {  	v1 =	vadd.f32 v3, v1  }
0x201: {  	v3 =	vld [tilespmem:s14+$0x6680]  }
0x202: {  	v1 =	vadd.f32 v60, v1  }
0x203: {  	v61 =	vld [tilespmem:s14+$0x6700]  }
0x204: {  	v1 =	vadd.f32 v2, v1  }
0x205: {  	v2 =	vld [tilespmem:s14+$0x6780]  }
0x206: {  	v1 =	vadd.f32 v3, v1  }
0x207: {  	v3 =	vld [tilespmem:s14+$0x6800]  }
0x208: {  	v1 =	vadd.f32 v61, v1  }
0x209: {  	v62 =	vld [tilespmem:s14+$0x6880]  }
0x20a: {  	v1 =	vadd.f32 v2, v1  }
0x20b: {  	v2 =	vld [tilespmem:s14+$0x6900]  }
0x20c: {  	v1 =	vadd.f32 v3, v1  }
0x20d: {  	v3 =	vld [tilespmem:s14+$0x6980]  }
0x20e: {  	v1 =	vadd.f32 v62, v1  }
0x20f: {  	v63 =	vld [tilespmem:s14+$0x6A00]  }
0x210: {  	v1 =	vadd.f32 v2, v1;
	_ =	sdelay $0x1  }
0x211: {  	v1 =	vadd.f32 v3, v1;
	_ =	sdelay $0x1  }
0x212: {  	v1 =	vadd.f32 v63, v1;
	_ =	sdelay $0x1  }
0x213: {  	v1 =	vadd.f32 $1.000000000e+00, v1;
	_ =	sdelay $0x1  }
0x214: {  	v2 =	vmul.f32 $5.000000000e-01, v1;
	v1 =	vshrl.u32 v1, $0x1  }
0x215: {  	v1 =	vsub.s32 $0x5F3759DF, v1  }
0x216: {  	v3 =	vmul.f32 v1, v2;
	_ =	sdelay $0x1  }
0x217: {  	v3 =	vmul.f32 v1, v3;
	_ =	sdelay $0x1  }
0x218: {  	v3 =	vsub.f32 $1.500000000e+00, v3;
	_ =	sdelay $0x1  }
0x219: {  	v1 =	vmul.f32 v1, v3;
	_ =	sdelay $0x1  }
0x21a: {  	v3 =	vmul.f32 v1, v2;
	_ =	sdelay $0x1  }
0x21b: {  	v3 =	vmul.f32 v3, v1;
	_ =	sdelay $0x1  }
0x21c: {  	v3 =	vsub.f32 $1.500000000e+00, v3;
	_ =	sdelay $0x1  }
0x21d: {  	v1 =	vmul.f32 v3, v1;
	_ =	sdelay $0x1  }
0x21e: {  	v2 =	vmul.f32 v1, v2;
	_ =	sdelay $0x1  }
0x21f: {  	v2 =	vmul.f32 v2, v1;
	_ =	sdelay $0x1  }
0x220: {  	v2 =	vsub.f32 $1.500000000e+00, v2;
	_ =	sdelay $0x1  }
0x221: {  	v1 =	vmul.f32 v2, v1  }
0x222: {  	s11 =	sadd.s32 $0x10, s11  }
0x223: {  	s31 =	rddreg [dreg:$0x11];
	s12 =	simm.s32 $0x7A80;
	[tilespmem:s11+$0x0] =	vst v1  }
0x224: {  	[spmem:s31] =	stream.linear.scatter [tilespmem:s12], [sflag:$0x2], $0x280, $0x38;
	[tilespmem:$0x14500] =	vst v63  }
0x225: {  	_ =	swait.ge [sflag:s4], $0x280  }
0x226: {  	[sflag:s4] =	ssyncset.done $0x0  }
0x227: {  	[sflag:s4] =	ssyncadd.s32 $0xFFFFFD80  }
0x228: {  	[bflag:$0x0] =	sbarrier.arrive $0xFFFF  }
0x229: {  	s11 =	stileid.u32;
	s12 =	rddreg [dreg:$0x2]  }
0x22a: {  	[tilespmem:s2], [sflag:$0x2] =	stream.linear.gather [spmem:s12], $0x2800, $0x38;
	[tilespmem:$0x14500] =	vst v63  }
0x22b: {  	s11 =	sshll.u32 @!p0 s11, $0x6;
	_ =	swait.ge [sflag:s4], $0x2800  }
0x22c: {  	s11 =	sor.u32 @!p0 $0x1C02, s11;
	[sflag:s4] =	ssyncset.done $0x0  }
0x22d: {  	s12 =	sshrl.u32 @!p0 s12, $0x3;
	s13 =	rddreg [dreg:$0x4];
	[sflag:s4] =	ssyncadd.s32 $0xFFFFD800  }
0x22e: {  	[hbm:s13], [sflag:s11] =	dma.local @!p0 [spmem:s12], $0x500  }
0x22f: {  	s11 =	simm.s32 @!p0 $0x2  }
0x230: {  	_ =	swait.ge @!p0 [sflag:s11], $0x500  }
0x231: {  	s14 =	simm.s32 $0x0;
	s12 =	simm.s32 $0x0;
	[sflag:s11] =	ssyncset.done @!p0 $0x0  }
0x232: {  	s13 =	simm.s32 $0x7D00;
	[sflag:s11] =	ssyncadd.s32 @!p0 $0xFFFFFB00;
	s11 =	simm.s32 $0xFFFFFFFC  }
.LBB2_18:
0x233: {  	s15 =	sand.u32 $0x7F00, s14  }
0x234: {  	s30 =	sand.u32 $0x40, s12;
	s15 =	sor.u32 s23, s15  }
0x235: {  	v1 =	vld [tilespmem:s13+$0x0];
	s31 =	sor.u32 s30, s15  }
0x236: {  	v2 =	vld [tilespmem:s31+$0xA500];
	_ =	sdelay $0x6  }
0x237: {  	v1 =	vld.idx.msk [tilespmem:v1+s2+$0x0], $0xffff  }
0x238: {  	v2 =	vld.idx.msk [tilespmem:v2+s2+$0x0], $0xffff;
	_ =	sdelay $0x1  }
0x239: {  	v3 =	vld [tilespmem:s31+$0xF500];
	_ =	sdelay $0x2  }
0x23a: {  	v1 =	vmul.f32 v2, v1;
	_ =	sdelay $0x1  }
0x23b: {  	s16 =	sand.u32 $0x3F80, s12;
	v1 =	vmul.f32 v3, v1  }
0x23c: {  	s17 =	sor.u32 $0x10, s30;
	s16 =	sadd.s32 $0x7D00, s16  }
0x23d: {  	[tilespmem:s31+$0xF500] =	vst v1;
	s31 =	sor.u32 s17, s16  }
0x23e: {  	s17 =	sor.u32 s17, s15;
	v1 =	vld [tilespmem:s31+$0x0]  }
0x23f: {  	v2 =	vld [tilespmem:s17+$0xA500];
	_ =	sdelay $0x6  }
0x240: {  	v1 =	vld.idx.msk [tilespmem:v1+s2+$0x0], $0xffff  }
0x241: {  	v2 =	vld.idx.msk [tilespmem:v2+s2+$0x0], $0xffff;
	_ =	sdelay $0x1  }
0x242: {  	v3 =	vld [tilespmem:s17+$0xF500];
	_ =	sdelay $0x2  }
0x243: {  	v1 =	vmul.f32 v2, v1;
	_ =	sdelay $0x1  }
0x244: {  	v1 =	vmul.f32 v3, v1  }
0x245: {  	s31 =	sor.u32 $0x20, s30  }
0x246: {  	[tilespmem:s17+$0xF500] =	vst v1;
	s17 =	sor.u32 s31, s16  }
0x247: {  	s31 =	sor.u32 s31, s15;
	v1 =	vld [tilespmem:s17+$0x0]  }
0x248: {  	v2 =	vld [tilespmem:s31+$0xA500];
	_ =	sdelay $0x6  }
0x249: {  	v1 =	vld.idx.msk [tilespmem:v1+s2+$0x0], $0xffff  }
0x24a: {  	v2 =	vld.idx.msk [tilespmem:v2+s2+$0x0], $0xffff;
	_ =	sdelay $0x1  }
0x24b: {  	v3 =	vld [tilespmem:s31+$0xF500];
	_ =	sdelay $0x2  }
0x24c: {  	v1 =	vmul.f32 v2, v1;
	_ =	sdelay $0x1  }
0x24d: {  	v1 =	vmul.f32 v3, v1  }
0x24e: {  	s30 =	sor.u32 $0x30, s30  }
0x24f: {  	s16 =	sor.u32 s30, s16;
	[tilespmem:s31+$0xF500] =	vst v1  }
0x250: {  	s15 =	sor.u32 s30, s15;
	v1 =	vld [tilespmem:s16+$0x0]  }
0x251: {  	v2 =	vld [tilespmem:s15+$0xA500];
	_ =	sdelay $0x6  }
0x252: {  	v1 =	vld.idx.msk [tilespmem:v1+s2+$0x0], $0xffff  }
0x253: {  	v2 =	vld.idx.msk [tilespmem:v2+s2+$0x0], $0xffff;
	_ =	sdelay $0x1  }
0x254: {  	v3 =	vld [tilespmem:s15+$0xF500]  }
0x255: {  	s11 =	sadd.s32 $0x4, s11  }
0x256: {  	p1 =	slt.u32 s11, $0x27C  }
.Ltmp8:
0x257: {  	v1 =	vmul.f32 v2, v1;
	(pc) =	sbr.rel @p1 .LBB2_18-.Ltmp8, $3  }
0x258: {  	_ = 	snop  }
0x259: {  	v1 =	vmul.f32 v3, v1;
	_ =	sdelay $0x1  }
0x25a: {  	s14 =	sadd.s32 $0x80, s14;
	s12 =	sadd.s32 $0x40, s12;
	s13 =	sadd.s32 $0x40, s13;
	[tilespmem:s15+$0xF500] =	vst v1  }
0x25b: {  	s11 =	simm.s32 $0x80  }
0x25c: {  	s14 =	sadd.s32 $0x0, s24;
	s12 =	sadd.s32 $0x100, s1;
	s13 =	smov.u32 s1  }
.LBB2_20:
0x25d: {  	[hbm4b:s14+s3] =	stream.linear.scatter [tilespmem:s13], [sflag:$0x2], $0x80, $0x38;
	[tilespmem:$0x14500] =	vst v63  }
0x25e: {  	s14 =	smov.u32 s11;
	s13 =	smov.u32 s12;
	p1 =	sne.s32 s11, $0x2780  }
.Ltmp9:
0x25f: {  	s11 =	sadd.s32 $0x80, s11;
	(pc) =	sbr.rel @p1 .LBB2_20-.Ltmp9, $2  }
0x260: {  	_ =	sdelay $0x2  }
0x261: {  	s12 =	sadd.s32 $0x100, s12;
	s14 =	sadd.s32 s14, s24  }
0x262: {  	[hbm4b:s14+s3] =	stream.linear.scatter [tilespmem:s13], [sflag:$0x2], $0x80, $0x38;
	[tilespmem:$0x14500] =	vst v63  }
0x263: {  	_ =	swait.ge [sflag:s4], $0x2800  }
0x264: {  	s5 =	sadd.s32 $0x1, s5;
	s11 =	rddreg [dreg:$0x12]  }
0x265: {  	p1 =	sne.s32 s5, s11  }
.Ltmp10:
0x266: {  	_ = 	snop;
	(pc) =	sbr.rel @p1 .LBB2_1-.Ltmp10, $3  }
0x267: {  	_ =	sdelay $0x1  }
0x268: {  	[sflag:s4] =	ssyncset.done $0x0  }
0x269: {  	s16 =	simm.s32 $0x80;
	s17 =	simm.s32 $0x400;
	[sflag:s4] =	ssyncadd.s32 $0xFFFFD800  }
0x26a: {  	_ =	sfence.sel $0x180000  }
0x26b: {  	[bflag:$0x0] =	sbarrier.arrive $0xFFFF  }
0x26c: {  	_ =	strace $0x90000047  }
0x26d: {  	s0 =	stileid.u32;
	[bflag:$0x2] =	sbarrier.arrive $0xFFFF  }
0x26e: {  	p0 =	sne.s32 s0, $0x0;
	s0 =	rddreg [dreg:$0x3]  }
0x26f: {  	s0 =	sadd.s32 @!p0 $0x100000, s0  }
0x270: {  	[sflag:s0] =	ssyncadd.tile.s32 @!p0 $0x1;
	_ =	shalt  }
.Lfunc_end2:
_tile_overlayer_lowered:
.L_overlay_start_2:
0x271: {  	(tag) =	ssettag $0x2  }
0x272: {  	s0 =	rddreg [dreg:$0x0];
	s2 =	stileid.u32  }
0x273: {  	s1 =	rddreg [dreg:$0x1];
	p0 =	sne.s32 s2, $0x0  }
0x274: {  	s3 =	rddreg [dreg:$0x2];
	[bflag:$0x3] =	sbarrier.arrive $0xFFFF;
	s2 =	simm.s32 @!p0 $0x1C02  }
0x275: {  	[timem:s3], [sflag:s2] =	dma.local @!p0 [hbm:s0], s1  }
0x276: {  	s0 =	simm.s32 @!p0 $0x2  }
0x277: {  	_ =	swait.ge @!p0 [sflag:s0], s1  }
0x278: {  	s1 =	ssub.s32 @!p0 $0x0, s1;
	[sflag:s0] =	ssyncset.done @!p0 $0x0  }
0x279: {  	[sflag:s0] =	ssyncadd.s32 @!p0 s1  }
0x27a: {  	[bflag:$0x3] =	sbarrier.arrive $0xFFFF  }
0x27b: {  	_ =	shalt  }

</sc_bundles>
